<compile_context>
chip_gen: v7x
topology: tpu7x:2x2x1
jax: 0.10.2.dev20260603
libtpu: 0.0.44.dev20260713+nightly
codegen_flags: <defaults>
</compile_context>

<pallas_src>
import functools
import math

import jax
import jax.numpy as jnp
from jax import lax
from jax.experimental import pallas as pl
from jax.experimental.pallas import tpu as pltpu
from jax.experimental.pallas import tpu_sc as plsc

EMBED_DIM = 32
SCALE = math.sqrt(EMBED_DIM)

NUM_CORES = 2
NUM_SUBCORES = 16
NUM_WORKERS = NUM_CORES * NUM_SUBCORES

CHUNK = 128
PAIR = 2
NBUF = 4
GDEPTH = 3
LANES = 16


def _make_lookup(n_idx: int):
    group = PAIR * CHUNK
    assert n_idx % (NUM_WORKERS * group) == 0
    per_w = n_idx // NUM_WORKERS
    nch = per_w // CHUNK
    ngrp = per_w // group
    assert ngrp % NBUF == 0 and ngrp >= 2 * NBUF

    mesh = plsc.VectorSubcoreMesh(
        core_axis_name="c", subcore_axis_name="s",
        num_cores=NUM_CORES, num_subcores=NUM_SUBCORES)

    @functools.partial(
        pl.kernel,
        out_type=jax.ShapeDtypeStruct((n_idx, EMBED_DIM), jnp.float32),
        mesh=mesh,
        scratch_types=[
            pltpu.VMEM((per_w,), jnp.int32),
            pltpu.VMEM((NBUF, group, EMBED_DIM), jnp.float32),
        ] + [pltpu.SemaphoreType.DMA] * (2 * NBUF),
        compiler_params=pltpu.CompilerParams(use_tc_tiling_on_sc=False,
                                             needs_layout_passes=False),
    )
    def lookup(x_hbm, lut_hbm, out_hbm, idx_v, rows_v, *sems):
        gsem = sems[:NBUF]
        wsem = sems[NBUF:]
        wid = lax.axis_index("s") * NUM_CORES + lax.axis_index("c")
        grp0 = wid * ngrp

        pltpu.sync_copy(x_hbm.at[pl.ds(wid * per_w, per_w)], idx_v)

        def idx_slice(g):
            return idx_v.at[pl.ds(lax.mul(g, group), group)]

        def issue_gather(buf, g):
            pltpu.async_copy(lut_hbm.at[idx_slice(g)], rows_v.at[buf],
                             gsem[buf])

        def wait_gather(buf, g):
            pltpu.make_async_copy(lut_hbm.at[idx_slice(g)], rows_v.at[buf],
                                  gsem[buf]).wait()

        def scale(buf):
            def body(i, _):
                for j in range(EMBED_DIM // LANES):
                    sl = pl.ds(j * LANES, LANES)
                    rows_v[buf, i, sl] = rows_v[buf, i, sl] * SCALE
                return 0
            lax.fori_loop(0, group, body, 0, unroll=8)

        def out_slice(g):
            return out_hbm.at[pl.ds((grp0 + g) * group, group)]

        def issue_write(buf, g):
            pltpu.async_copy(rows_v.at[buf], out_slice(g), wsem[buf])

        def wait_write(buf, g):
            pltpu.make_async_copy(rows_v.at[buf], out_slice(g),
                                  wsem[buf]).wait()

        def step(g, b, first_block, last_block):
            wait_gather(b, g)
            scale(b)
            issue_write(b, g)
            if not (first_block and b < NBUF - GDEPTH):
                pb = (b + GDEPTH) % NBUF
                wait_write(pb, g + GDEPTH - NBUF)
            if not (last_block and b >= NBUF - GDEPTH):
                issue_gather((b + GDEPTH) % NBUF, g + GDEPTH)

        for b in range(GDEPTH):
            issue_gather(b, b)

        for b in range(NBUF):
            step(b, b, True, False)

        def outer(o, _):
            for b in range(NBUF):
                step(o * NBUF + b, b, False, False)
            return 0
        lax.fori_loop(1, ngrp // NBUF - 1, outer, 0)

        for b in range(NBUF):
            step(ngrp - NBUF + b, b, False, True)

        for g in range(ngrp - (NBUF - GDEPTH), ngrp):
            wait_write(g % NBUF, g)

    return lookup


def kernel(x, lut):
    b, s = x.shape
    n_idx = b * s
    x_flat = x.reshape(n_idx).astype(jnp.int32)
    out = _make_lookup(n_idx)(x_flat, lut)
    return out.reshape(b, s, EMBED_DIM)

# --- scband reference (transcript-rebuilt; emitter-appended) ---
"""Pipeline reference for scband-positional-embedding-18425409700553 (READ-ONLY COPY).

The authoritative reference and input builder live on the scoring server;
editing this copy changes nothing except your own understanding.
"""

import jax, jax.numpy as jnp
import numpy as np
import math

VOCAB = 1000000
EMBED_DIM = 32
BATCH = 4096
SEQ = 200

def setup_inputs(seed: int = 0) -> dict:
    key = jax.random.key(seed)
    k1, k2 = jax.random.split(key)
    x = jax.random.randint(k1, (BATCH, SEQ), 0, VOCAB, dtype=jnp.int64 if jax.config.jax_enable_x64 else jnp.int32)
    lut = jax.random.normal(k2, (VOCAB, EMBED_DIM), dtype=jnp.float32)
    return {"x": x, "lut": lut}

def reference(x, lut):
    # PositionalEmbedding.forward: lut(x) * sqrt(embed_dim); dropout is identity in eval mode
    emb = jnp.take(lut, x, axis=0)
    return emb * math.sqrt(EMBED_DIM)

if __name__ == "__main__":
    import jax
    _d = setup_inputs()
    print(jax.jit(kernel)(*tuple(_d.values())))

</pallas_src>

<mosaic_0001>
#map = affine_map<(d0, d1) -> (0)>
#map1 = affine_map<(d0, d1) -> (0, 0)>
module attributes {stable_mosaic.version = 14 : i64} {
  func.func @lookup(%arg0: i32, %arg1: i32, %arg2: memref<819200xi32, #tpu.memory_space<hbm>>, %arg3: memref<1000000x32xf32, #tpu.memory_space<hbm>>, %arg4: memref<819200x32xf32, #tpu.memory_space<hbm>>, %arg5: memref<25600xi32, #tpu.memory_space<vmem>>, %arg6: memref<4x256x32xf32, #tpu.memory_space<vmem>>, %arg7: memref<!tpu.dma_semaphore, #tpu.memory_space<semaphore_mem>>, %arg8: memref<!tpu.dma_semaphore, #tpu.memory_space<semaphore_mem>>, %arg9: memref<!tpu.dma_semaphore, #tpu.memory_space<semaphore_mem>>, %arg10: memref<!tpu.dma_semaphore, #tpu.memory_space<semaphore_mem>>, %arg11: memref<!tpu.dma_semaphore, #tpu.memory_space<semaphore_mem>>, %arg12: memref<!tpu.dma_semaphore, #tpu.memory_space<semaphore_mem>>, %arg13: memref<!tpu.dma_semaphore, #tpu.memory_space<semaphore_mem>>, %arg14: memref<!tpu.dma_semaphore, #tpu.memory_space<semaphore_mem>>) attributes {dimension_semantics = [#tpu.dimension_semantics<core_parallel>, #tpu.dimension_semantics<subcore_parallel>], iteration_bounds = array<i64: 2, 16>, scalar_prefetch = 0 : i64, scratch_operands = 10 : i64, tpu.core_type = #tpu.core_type<sc_vector_subcore>, window_params = [{transform_indices = #map}, {transform_indices = #map1}, {transform_indices = #map1}]} {
    %mul3A = arith.constant 2 : i32
    %mul3A_0 = arith.muli %arg1, %mul3A : i32
    %add3A = arith.addi %mul3A_0, %arg0 : i32
    %mul3A_1 = arith.constant 100 : i32
    %mul3A_2 = arith.muli %add3A, %mul3A_1 : i32
    %mul3A_3 = arith.constant 25600 : i32
    %mul3A_4 = arith.muli %add3A, %mul3A_3 : i32
    "tpu.region"() ({
      %run_scoped3A = tpu.sem_alloc : memref<!tpu.dma_semaphore, #tpu.memory_space<semaphore_mem>>
      %dma_start3A_529 = tpu.memref_slice %arg2[%mul3A_4] : memref<819200xi32, #tpu.memory_space<hbm>> -> memref<25600xi32, #tpu.memory_space<hbm>>
      %dma_start3A_530 = tpu.memref_slice %arg2[%mul3A_4] : memref<819200xi32, #tpu.memory_space<hbm>> -> memref<25600xi32, #tpu.memory_space<hbm>>
      tpu.enqueue_dma source(%dma_start3A_530 : memref<25600xi32, #tpu.memory_space<hbm>>) target(%arg5 : memref<25600xi32, #tpu.memory_space<vmem>>) target_semaphore(%run_scoped3A : memref<!tpu.dma_semaphore, #tpu.memory_space<semaphore_mem>>)
      %dma_wait3A_531 = tpu.memref_slice %arg2[%mul3A_4] : memref<819200xi32, #tpu.memory_space<hbm>> -> memref<25600xi32, #tpu.memory_space<hbm>>
      %dma_wait3A_532 = tpu.memref_slice %arg2[%mul3A_4] : memref<819200xi32, #tpu.memory_space<hbm>> -> memref<25600xi32, #tpu.memory_space<hbm>>
      tpu.wait_dma2 semaphore(%run_scoped3A : memref<!tpu.dma_semaphore, #tpu.memory_space<semaphore_mem>>) src(%dma_wait3A_532 : memref<25600xi32, #tpu.memory_space<hbm>>) dst(%arg5 : memref<25600xi32, #tpu.memory_space<vmem>>)
      tpu.yield
    }) : () -> ()
    %mul3A_5 = arith.constant 0 : i32
    %mul3A_6 = arith.constant 256 : i32
    %mul3A_7 = arith.muli %mul3A_5, %mul3A_6 : i32
    %dma_start3A = arith.constant 0 : i32
    %dma_start3A_8 = arith.constant 0 : i32
    %dma_start3A_9 = arith.constant 0 : i32
    %dma_start3A_10 = tpu.memref_slice %arg6[%dma_start3A, %dma_start3A_8, %dma_start3A_9] : memref<4x256x32xf32, #tpu.memory_space<vmem>> -> memref<1x256x32xf32, #tpu.memory_space<vmem>>
    %dma_start3A_11 = tpu.memref_squeeze %dma_start3A_10 : memref<1x256x32xf32, #tpu.memory_space<vmem>> -> memref<256x32xf32, #tpu.memory_space<vmem>>
    %dma_start3A_12 = tpu.memref_slice %arg5[%mul3A_7] : memref<25600xi32, #tpu.memory_space<vmem>> -> memref<256xi32, #tpu.memory_space<vmem>>
    %dma_start3A_13 = arith.constant 0 : i32
    %dma_start3A_14 = arith.constant 0 : i32
    %dma_start3A_15 = tpu.memref_slice %arg3[%dma_start3A_13, %dma_start3A_14] : memref<1000000x32xf32, #tpu.memory_space<hbm>> -> memref<1000000x32xf32, #tpu.memory_space<hbm>>
    tpu.enqueue_indirect_dma source(%dma_start3A_15 : memref<1000000x32xf32, #tpu.memory_space<hbm>>) target(%dma_start3A_11 : memref<256x32xf32, #tpu.memory_space<vmem>>) offsets(%dma_start3A_12 : memref<256xi32, #tpu.memory_space<vmem>>) semaphore(%arg7 : memref<!tpu.dma_semaphore, #tpu.memory_space<semaphore_mem>>)
    %mul3A_16 = arith.constant 1 : i32
    %mul3A_17 = arith.constant 256 : i32
    %mul3A_18 = arith.muli %mul3A_16, %mul3A_17 : i32
    %dma_start3A_19 = arith.constant 1 : i32
    %dma_start3A_20 = arith.constant 0 : i32
    %dma_start3A_21 = arith.constant 0 : i32
    %dma_start3A_22 = tpu.memref_slice %arg6[%dma_start3A_19, %dma_start3A_20, %dma_start3A_21] : memref<4x256x32xf32, #tpu.memory_space<vmem>> -> memref<1x256x32xf32, #tpu.memory_space<vmem>>
    %dma_start3A_23 = tpu.memref_squeeze %dma_start3A_22 : memref<1x256x32xf32, #tpu.memory_space<vmem>> -> memref<256x32xf32, #tpu.memory_space<vmem>>
    %dma_start3A_24 = tpu.memref_slice %arg5[%mul3A_18] : memref<25600xi32, #tpu.memory_space<vmem>> -> memref<256xi32, #tpu.memory_space<vmem>>
    %dma_start3A_25 = arith.constant 0 : i32
    %dma_start3A_26 = arith.constant 0 : i32
    %dma_start3A_27 = tpu.memref_slice %arg3[%dma_start3A_25, %dma_start3A_26] : memref<1000000x32xf32, #tpu.memory_space<hbm>> -> memref<1000000x32xf32, #tpu.memory_space<hbm>>
    tpu.enqueue_indirect_dma source(%dma_start3A_27 : memref<1000000x32xf32, #tpu.memory_space<hbm>>) target(%dma_start3A_23 : memref<256x32xf32, #tpu.memory_space<vmem>>) offsets(%dma_start3A_24 : memref<256xi32, #tpu.memory_space<vmem>>) semaphore(%arg8 : memref<!tpu.dma_semaphore, #tpu.memory_space<semaphore_mem>>)
    %mul3A_28 = arith.constant 2 : i32
    %mul3A_29 = arith.constant 256 : i32
    %mul3A_30 = arith.muli %mul3A_28, %mul3A_29 : i32
    %dma_start3A_31 = arith.constant 2 : i32
    %dma_start3A_32 = arith.constant 0 : i32
    %dma_start3A_33 = arith.constant 0 : i32
    %dma_start3A_34 = tpu.memref_slice %arg6[%dma_start3A_31, %dma_start3A_32, %dma_start3A_33] : memref<4x256x32xf32, #tpu.memory_space<vmem>> -> memref<1x256x32xf32, #tpu.memory_space<vmem>>
    %dma_start3A_35 = tpu.memref_squeeze %dma_start3A_34 : memref<1x256x32xf32, #tpu.memory_space<vmem>> -> memref<256x32xf32, #tpu.memory_space<vmem>>
    %dma_start3A_36 = tpu.memref_slice %arg5[%mul3A_30] : memref<25600xi32, #tpu.memory_space<vmem>> -> memref<256xi32, #tpu.memory_space<vmem>>
    %dma_start3A_37 = arith.constant 0 : i32
    %dma_start3A_38 = arith.constant 0 : i32
    %dma_start3A_39 = tpu.memref_slice %arg3[%dma_start3A_37, %dma_start3A_38] : memref<1000000x32xf32, #tpu.memory_space<hbm>> -> memref<1000000x32xf32, #tpu.memory_space<hbm>>
    tpu.enqueue_indirect_dma source(%dma_start3A_39 : memref<1000000x32xf32, #tpu.memory_space<hbm>>) target(%dma_start3A_35 : memref<256x32xf32, #tpu.memory_space<vmem>>) offsets(%dma_start3A_36 : memref<256xi32, #tpu.memory_space<vmem>>) semaphore(%arg9 : memref<!tpu.dma_semaphore, #tpu.memory_space<semaphore_mem>>)
    %mul3A_40 = arith.constant 0 : i32
    %mul3A_41 = arith.constant 256 : i32
    %mul3A_42 = arith.muli %mul3A_40, %mul3A_41 : i32
    %dma_wait3A = arith.constant 0 : i32
    %dma_wait3A_43 = arith.constant 0 : i32
    %dma_wait3A_44 = arith.constant 0 : i32
    %dma_wait3A_45 = tpu.memref_slice %arg6[%dma_wait3A, %dma_wait3A_43, %dma_wait3A_44] : memref<4x256x32xf32, #tpu.memory_space<vmem>> -> memref<1x256x32xf32, #tpu.memory_space<vmem>>
    %dma_wait3A_46 = tpu.memref_squeeze %dma_wait3A_45 : memref<1x256x32xf32, #tpu.memory_space<vmem>> -> memref<256x32xf32, #tpu.memory_space<vmem>>
    %dma_wait3A_47 = tpu.memref_slice %arg5[%mul3A_42] : memref<25600xi32, #tpu.memory_space<vmem>> -> memref<256xi32, #tpu.memory_space<vmem>>
    %dma_wait3A_48 = arith.constant 0 : i32
    %dma_wait3A_49 = arith.constant 0 : i32
    %dma_wait3A_50 = tpu.memref_slice %arg3[%dma_wait3A_48, %dma_wait3A_49] : memref<1000000x32xf32, #tpu.memory_space<hbm>> -> memref<1000000x32xf32, #tpu.memory_space<hbm>>
    tpu.wait_indirect_dma semaphore(%arg7 : memref<!tpu.dma_semaphore, #tpu.memory_space<semaphore_mem>>) src(%dma_wait3A_50 : memref<1000000x32xf32, #tpu.memory_space<hbm>>) dst(%dma_wait3A_46 : memref<256x32xf32, #tpu.memory_space<vmem>>)
    %scan3A = arith.constant 0 : i32
    %scan3A_51 = arith.constant 0 : i32
    %scan3A_52 = arith.constant 256 : i32
    %scan3A_53 = arith.addi %scan3A_51, %scan3A_52 : i32
    %scan3A_54 = arith.constant 8 : i32
    %scan3A_55 = scf.for %scan3A_529 = %scan3A_51 to %scan3A_53 step %scan3A_54 iter_args(%scan3A_530 = %scan3A) -> (i32)  : i32 {
      %get3A = arith.constant 0 : i32
      %get3A_531 = arith.index_cast %get3A : i32 to index
      %get3A_532 = arith.index_cast %scan3A_529 : i32 to index
      %get3A_533 = arith.constant 0 : index
      %get3A_534 = tpu.vector_load %arg6[%get3A_531, %get3A_532, %get3A_533] {strides = array<i32>} : memref<4x256x32xf32, #tpu.memory_space<vmem>>, vector<16xf32>,
      %mul3A_535 = arith.constant 5.65685415 : f32
      %mul3A_536 = vector.broadcast %mul3A_535 : f32 to vector<16xf32>
      %mul3A_537 = arith.mulf %get3A_534, %mul3A_536 : vector<16xf32>
      %swap3A = arith.constant 0 : i32
      %swap3A_538 = arith.index_cast %swap3A : i32 to index
      %swap3A_539 = arith.index_cast %scan3A_529 : i32 to index
      %swap3A_540 = arith.constant 0 : index
      %swap3A_541 = tpu.vector_load %arg6[%swap3A_538, %swap3A_539, %swap3A_540] {strides = array<i32>} : memref<4x256x32xf32, #tpu.memory_space<vmem>>, vector<16xf32>,
      tpu.vector_store %arg6[%swap3A_538, %swap3A_539, %swap3A_540], %mul3A_537 {strides = array<i32>} : memref<4x256x32xf32, #tpu.memory_space<vmem>>, vector<16xf32>,
      %get3A_542 = arith.constant 0 : i32
      %get3A_543 = arith.index_cast %get3A_542 : i32 to index
      %get3A_544 = arith.index_cast %scan3A_529 : i32 to index
      %get3A_545 = arith.constant 16 : index
      %get3A_546 = tpu.vector_load %arg6[%get3A_543, %get3A_544, %get3A_545] {strides = array<i32>} : memref<4x256x32xf32, #tpu.memory_space<vmem>>, vector<16xf32>,
      %mul3A_547 = arith.constant 5.65685415 : f32
      %mul3A_548 = vector.broadcast %mul3A_547 : f32 to vector<16xf32>
      %mul3A_549 = arith.mulf %get3A_546, %mul3A_548 : vector<16xf32>
      %swap3A_550 = arith.constant 0 : i32
      %swap3A_551 = arith.index_cast %swap3A_550 : i32 to index
      %swap3A_552 = arith.index_cast %scan3A_529 : i32 to index
      %swap3A_553 = arith.constant 16 : index
      %swap3A_554 = tpu.vector_load %arg6[%swap3A_551, %swap3A_552, %swap3A_553] {strides = array<i32>} : memref<4x256x32xf32, #tpu.memory_space<vmem>>, vector<16xf32>,
      tpu.vector_store %arg6[%swap3A_551, %swap3A_552, %swap3A_553], %mul3A_549 {strides = array<i32>} : memref<4x256x32xf32, #tpu.memory_space<vmem>>, vector<16xf32>,
      %scan3A_555 = arith.constant 0 : i32
      %scan3A_556 = arith.constant 1 : i32
      %scan3A_557 = arith.addi %scan3A_529, %scan3A_556 : i32
      %get3A_558 = arith.constant 0 : i32
      %get3A_559 = arith.index_cast %get3A_558 : i32 to index
      %get3A_560 = arith.index_cast %scan3A_557 : i32 to index
      %get3A_561 = arith.constant 0 : index
      %get3A_562 = tpu.vector_load %arg6[%get3A_559, %get3A_560, %get3A_561] {strides = array<i32>} : memref<4x256x32xf32, #tpu.memory_space<vmem>>, vector<16xf32>,
      %mul3A_563 = arith.constant 5.65685415 : f32
      %mul3A_564 = vector.broadcast %mul3A_563 : f32 to vector<16xf32>
      %mul3A_565 = arith.mulf %get3A_562, %mul3A_564 : vector<16xf32>
      %swap3A_566 = arith.constant 0 : i32
      %swap3A_567 = arith.index_cast %swap3A_566 : i32 to index
      %swap3A_568 = arith.index_cast %scan3A_557 : i32 to index
      %swap3A_569 = arith.constant 0 : index
      %swap3A_570 = tpu.vector_load %arg6[%swap3A_567, %swap3A_568, %swap3A_569] {strides = array<i32>} : memref<4x256x32xf32, #tpu.memory_space<vmem>>, vector<16xf32>,
      tpu.vector_store %arg6[%swap3A_567, %swap3A_568, %swap3A_569], %mul3A_565 {strides = array<i32>} : memref<4x256x32xf32, #tpu.memory_space<vmem>>, vector<16xf32>,
      %get3A_571 = arith.constant 0 : i32
      %get3A_572 = arith.index_cast %get3A_571 : i32 to index
      %get3A_573 = arith.index_cast %scan3A_557 : i32 to index
      %get3A_574 = arith.constant 16 : index
      %get3A_575 = tpu.vector_load %arg6[%get3A_572, %get3A_573, %get3A_574] {strides = array<i32>} : memref<4x256x32xf32, #tpu.memory_space<vmem>>, vector<16xf32>,
      %mul3A_576 = arith.constant 5.65685415 : f32
      %mul3A_577 = vector.broadcast %mul3A_576 : f32 to vector<16xf32>
      %mul3A_578 = arith.mulf %get3A_575, %mul3A_577 : vector<16xf32>
      %swap3A_579 = arith.constant 0 : i32
      %swap3A_580 = arith.index_cast %swap3A_579 : i32 to index
      %swap3A_581 = arith.index_cast %scan3A_557 : i32 to index
      %swap3A_582 = arith.constant 16 : index
      %swap3A_583 = tpu.vector_load %arg6[%swap3A_580, %swap3A_581, %swap3A_582] {strides = array<i32>} : memref<4x256x32xf32, #tpu.memory_space<vmem>>, vector<16xf32>,
      tpu.vector_store %arg6[%swap3A_580, %swap3A_581, %swap3A_582], %mul3A_578 {strides = array<i32>} : memref<4x256x32xf32, #tpu.memory_space<vmem>>, vector<16xf32>,
      %scan3A_584 = arith.constant 0 : i32
      %scan3A_585 = arith.constant 2 : i32
      %scan3A_586 = arith.addi %scan3A_529, %scan3A_585 : i32
      %get3A_587 = arith.constant 0 : i32
      %get3A_588 = arith.index_cast %get3A_587 : i32 to index
      %get3A_589 = arith.index_cast %scan3A_586 : i32 to index
      %get3A_590 = arith.constant 0 : index
      %get3A_591 = tpu.vector_load %arg6[%get3A_588, %get3A_589, %get3A_590] {strides = array<i32>} : memref<4x256x32xf32, #tpu.memory_space<vmem>>, vector<16xf32>,
      %mul3A_592 = arith.constant 5.65685415 : f32
      %mul3A_593 = vector.broadcast %mul3A_592 : f32 to vector<16xf32>
      %mul3A_594 = arith.mulf %get3A_591, %mul3A_593 : vector<16xf32>
      %swap3A_595 = arith.constant 0 : i32
      %swap3A_596 = arith.index_cast %swap3A_595 : i32 to index
      %swap3A_597 = arith.index_cast %scan3A_586 : i32 to index
      %swap3A_598 = arith.constant 0 : index
      %swap3A_599 = tpu.vector_load %arg6[%swap3A_596, %swap3A_597, %swap3A_598] {strides = array<i32>} : memref<4x256x32xf32, #tpu.memory_space<vmem>>, vector<16xf32>,
      tpu.vector_store %arg6[%swap3A_596, %swap3A_597, %swap3A_598], %mul3A_594 {strides = array<i32>} : memref<4x256x32xf32, #tpu.memory_space<vmem>>, vector<16xf32>,
      %get3A_600 = arith.constant 0 : i32
      %get3A_601 = arith.index_cast %get3A_600 : i32 to index
      %get3A_602 = arith.index_cast %scan3A_586 : i32 to index
      %get3A_603 = arith.constant 16 : index
      %get3A_604 = tpu.vector_load %arg6[%get3A_601, %get3A_602, %get3A_603] {strides = array<i32>} : memref<4x256x32xf32, #tpu.memory_space<vmem>>, vector<16xf32>,
      %mul3A_605 = arith.constant 5.65685415 : f32
      %mul3A_606 = vector.broadcast %mul3A_605 : f32 to vector<16xf32>
      %mul3A_607 = arith.mulf %get3A_604, %mul3A_606 : vector<16xf32>
      %swap3A_608 = arith.constant 0 : i32
      %swap3A_609 = arith.index_cast %swap3A_608 : i32 to index
      %swap3A_610 = arith.index_cast %scan3A_586 : i32 to index
      %swap3A_611 = arith.constant 16 : index
      %swap3A_612 = tpu.vector_load %arg6[%swap3A_609, %swap3A_610, %swap3A_611] {strides = array<i32>} : memref<4x256x32xf32, #tpu.memory_space<vmem>>, vector<16xf32>,
      tpu.vector_store %arg6[%swap3A_609, %swap3A_610, %swap3A_611], %mul3A_607 {strides = array<i32>} : memref<4x256x32xf32, #tpu.memory_space<vmem>>, vector<16xf32>,
      %scan3A_613 = arith.constant 0 : i32
      %scan3A_614 = arith.constant 3 : i32
      %scan3A_615 = arith.addi %scan3A_529, %scan3A_614 : i32
      %get3A_616 = arith.constant 0 : i32
      %get3A_617 = arith.index_cast %get3A_616 : i32 to index
      %get3A_618 = arith.index_cast %scan3A_615 : i32 to index
      %get3A_619 = arith.constant 0 : index
      %get3A_620 = tpu.vector_load %arg6[%get3A_617, %get3A_618, %get3A_619] {strides = array<i32>} : memref<4x256x32xf32, #tpu.memory_space<vmem>>, vector<16xf32>,
      %mul3A_621 = arith.constant 5.65685415 : f32
      %mul3A_622 = vector.broadcast %mul3A_621 : f32 to vector<16xf32>
      %mul3A_623 = arith.mulf %get3A_620, %mul3A_622 : vector<16xf32>
      %swap3A_624 = arith.constant 0 : i32
      %swap3A_625 = arith.index_cast %swap3A_624 : i32 to index
      %swap3A_626 = arith.index_cast %scan3A_615 : i32 to index
      %swap3A_627 = arith.constant 0 : index
      %swap3A_628 = tpu.vector_load %arg6[%swap3A_625, %swap3A_626, %swap3A_627] {strides = array<i32>} : memref<4x256x32xf32, #tpu.memory_space<vmem>>, vector<16xf32>,
      tpu.vector_store %arg6[%swap3A_625, %swap3A_626, %swap3A_627], %mul3A_623 {strides = array<i32>} : memref<4x256x32xf32, #tpu.memory_space<vmem>>, vector<16xf32>,
      %get3A_629 = arith.constant 0 : i32
      %get3A_630 = arith.index_cast %get3A_629 : i32 to index
      %get3A_631 = arith.index_cast %scan3A_615 : i32 to index
      %get3A_632 = arith.constant 16 : index
      %get3A_633 = tpu.vector_load %arg6[%get3A_630, %get3A_631, %get3A_632] {strides = array<i32>} : memref<4x256x32xf32, #tpu.memory_space<vmem>>, vector<16xf32>,
      %mul3A_634 = arith.constant 5.65685415 : f32
      %mul3A_635 = vector.broadcast %mul3A_634 : f32 to vector<16xf32>
      %mul3A_636 = arith.mulf %get3A_633, %mul3A_635 : vector<16xf32>
      %swap3A_637 = arith.constant 0 : i32
      %swap3A_638 = arith.index_cast %swap3A_637 : i32 to index
      %swap3A_639 = arith.index_cast %scan3A_615 : i32 to index
      %swap3A_640 = arith.constant 16 : index
      %swap3A_641 = tpu.vector_load %arg6[%swap3A_638, %swap3A_639, %swap3A_640] {strides = array<i32>} : memref<4x256x32xf32, #tpu.memory_space<vmem>>, vector<16xf32>,
      tpu.vector_store %arg6[%swap3A_638, %swap3A_639, %swap3A_640], %mul3A_636 {strides = array<i32>} : memref<4x256x32xf32, #tpu.memory_space<vmem>>, vector<16xf32>,
      %scan3A_642 = arith.constant 0 : i32
      %scan3A_643 = arith.constant 4 : i32
      %scan3A_644 = arith.addi %scan3A_529, %scan3A_643 : i32
      %get3A_645 = arith.constant 0 : i32
      %get3A_646 = arith.index_cast %get3A_645 : i32 to index
      %get3A_647 = arith.index_cast %scan3A_644 : i32 to index
      %get3A_648 = arith.constant 0 : index
      %get3A_649 = tpu.vector_load %arg6[%get3A_646, %get3A_647, %get3A_648] {strides = array<i32>} : memref<4x256x32xf32, #tpu.memory_space<vmem>>, vector<16xf32>,
      %mul3A_650 = arith.constant 5.65685415 : f32
      %mul3A_651 = vector.broadcast %mul3A_650 : f32 to vector<16xf32>
      %mul3A_652 = arith.mulf %get3A_649, %mul3A_651 : vector<16xf32>
      %swap3A_653 = arith.constant 0 : i32
      %swap3A_654 = arith.index_cast %swap3A_653 : i32 to index
      %swap3A_655 = arith.index_cast %scan3A_644 : i32 to index
      %swap3A_656 = arith.constant 0 : index
      %swap3A_657 = tpu.vector_load %arg6[%swap3A_654, %swap3A_655, %swap3A_656] {strides = array<i32>} : memref<4x256x32xf32, #tpu.memory_space<vmem>>, vector<16xf32>,
      tpu.vector_store %arg6[%swap3A_654, %swap3A_655, %swap3A_656], %mul3A_652 {strides = array<i32>} : memref<4x256x32xf32, #tpu.memory_space<vmem>>, vector<16xf32>,
      %get3A_658 = arith.constant 0 : i32
      %get3A_659 = arith.index_cast %get3A_658 : i32 to index
      %get3A_660 = arith.index_cast %scan3A_644 : i32 to index
      %get3A_661 = arith.constant 16 : index
      %get3A_662 = tpu.vector_load %arg6[%get3A_659, %get3A_660, %get3A_661] {strides = array<i32>} : memref<4x256x32xf32, #tpu.memory_space<vmem>>, vector<16xf32>,
      %mul3A_663 = arith.constant 5.65685415 : f32
      %mul3A_664 = vector.broadcast %mul3A_663 : f32 to vector<16xf32>
      %mul3A_665 = arith.mulf %get3A_662, %mul3A_664 : vector<16xf32>
      %swap3A_666 = arith.constant 0 : i32
      %swap3A_667 = arith.index_cast %swap3A_666 : i32 to index
      %swap3A_668 = arith.index_cast %scan3A_644 : i32 to index
      %swap3A_669 = arith.constant 16 : index
      %swap3A_670 = tpu.vector_load %arg6[%swap3A_667, %swap3A_668, %swap3A_669] {strides = array<i32>} : memref<4x256x32xf32, #tpu.memory_space<vmem>>, vector<16xf32>,
      tpu.vector_store %arg6[%swap3A_667, %swap3A_668, %swap3A_669], %mul3A_665 {strides = array<i32>} : memref<4x256x32xf32, #tpu.memory_space<vmem>>, vector<16xf32>,
      %scan3A_671 = arith.constant 0 : i32
      %scan3A_672 = arith.constant 5 : i32
      %scan3A_673 = arith.addi %scan3A_529, %scan3A_672 : i32
      %get3A_674 = arith.constant 0 : i32
      %get3A_675 = arith.index_cast %get3A_674 : i32 to index
      %get3A_676 = arith.index_cast %scan3A_673 : i32 to index
      %get3A_677 = arith.constant 0 : index
      %get3A_678 = tpu.vector_load %arg6[%get3A_675, %get3A_676, %get3A_677] {strides = array<i32>} : memref<4x256x32xf32, #tpu.memory_space<vmem>>, vector<16xf32>,
      %mul3A_679 = arith.constant 5.65685415 : f32
      %mul3A_680 = vector.broadcast %mul3A_679 : f32 to vector<16xf32>
      %mul3A_681 = arith.mulf %get3A_678, %mul3A_680 : vector<16xf32>
      %swap3A_682 = arith.constant 0 : i32
      %swap3A_683 = arith.index_cast %swap3A_682 : i32 to index
      %swap3A_684 = arith.index_cast %scan3A_673 : i32 to index
      %swap3A_685 = arith.constant 0 : index
      %swap3A_686 = tpu.vector_load %arg6[%swap3A_683, %swap3A_684, %swap3A_685] {strides = array<i32>} : memref<4x256x32xf32, #tpu.memory_space<vmem>>, vector<16xf32>,
      tpu.vector_store %arg6[%swap3A_683, %swap3A_684, %swap3A_685], %mul3A_681 {strides = array<i32>} : memref<4x256x32xf32, #tpu.memory_space<vmem>>, vector<16xf32>,
      %get3A_687 = arith.constant 0 : i32
      %get3A_688 = arith.index_cast %get3A_687 : i32 to index
      %get3A_689 = arith.index_cast %scan3A_673 : i32 to index
      %get3A_690 = arith.constant 16 : index
      %get3A_691 = tpu.vector_load %arg6[%get3A_688, %get3A_689, %get3A_690] {strides = array<i32>} : memref<4x256x32xf32, #tpu.memory_space<vmem>>, vector<16xf32>,
      %mul3A_692 = arith.constant 5.65685415 : f32
      %mul3A_693 = vector.broadcast %mul3A_692 : f32 to vector<16xf32>
      %mul3A_694 = arith.mulf %get3A_691, %mul3A_693 : vector<16xf32>
      %swap3A_695 = arith.constant 0 : i32
      %swap3A_696 = arith.index_cast %swap3A_695 : i32 to index
      %swap3A_697 = arith.index_cast %scan3A_673 : i32 to index
      %swap3A_698 = arith.constant 16 : index
      %swap3A_699 = tpu.vector_load %arg6[%swap3A_696, %swap3A_697, %swap3A_698] {strides = array<i32>} : memref<4x256x32xf32, #tpu.memory_space<vmem>>, vector<16xf32>,
      tpu.vector_store %arg6[%swap3A_696, %swap3A_697, %swap3A_698], %mul3A_694 {strides = array<i32>} : memref<4x256x32xf32, #tpu.memory_space<vmem>>, vector<16xf32>,
      %scan3A_700 = arith.constant 0 : i32
      %scan3A_701 = arith.constant 6 : i32
      %scan3A_702 = arith.addi %scan3A_529, %scan3A_701 : i32
      %get3A_703 = arith.constant 0 : i32
      %get3A_704 = arith.index_cast %get3A_703 : i32 to index
      %get3A_705 = arith.index_cast %scan3A_702 : i32 to index
      %get3A_706 = arith.constant 0 : index
      %get3A_707 = tpu.vector_load %arg6[%get3A_704, %get3A_705, %get3A_706] {strides = array<i32>} : memref<4x256x32xf32, #tpu.memory_space<vmem>>, vector<16xf32>,
      %mul3A_708 = arith.constant 5.65685415 : f32
      %mul3A_709 = vector.broadcast %mul3A_708 : f32 to vector<16xf32>
      %mul3A_710 = arith.mulf %get3A_707, %mul3A_709 : vector<16xf32>
      %swap3A_711 = arith.constant 0 : i32
      %swap3A_712 = arith.index_cast %swap3A_711 : i32 to index
      %swap3A_713 = arith.index_cast %scan3A_702 : i32 to index
      %swap3A_714 = arith.constant 0 : index
      %swap3A_715 = tpu.vector_load %arg6[%swap3A_712, %swap3A_713, %swap3A_714] {strides = array<i32>} : memref<4x256x32xf32, #tpu.memory_space<vmem>>, vector<16xf32>,
      tpu.vector_store %arg6[%swap3A_712, %swap3A_713, %swap3A_714], %mul3A_710 {strides = array<i32>} : memref<4x256x32xf32, #tpu.memory_space<vmem>>, vector<16xf32>,
      %get3A_716 = arith.constant 0 : i32
      %get3A_717 = arith.index_cast %get3A_716 : i32 to index
      %get3A_718 = arith.index_cast %scan3A_702 : i32 to index
      %get3A_719 = arith.constant 16 : index
      %get3A_720 = tpu.vector_load %arg6[%get3A_717, %get3A_718, %get3A_719] {strides = array<i32>} : memref<4x256x32xf32, #tpu.memory_space<vmem>>, vector<16xf32>,
      %mul3A_721 = arith.constant 5.65685415 : f32
      %mul3A_722 = vector.broadcast %mul3A_721 : f32 to vector<16xf32>
      %mul3A_723 = arith.mulf %get3A_720, %mul3A_722 : vector<16xf32>
      %swap3A_724 = arith.constant 0 : i32
      %swap3A_725 = arith.index_cast %swap3A_724 : i32 to index
      %swap3A_726 = arith.index_cast %scan3A_702 : i32 to index
      %swap3A_727 = arith.constant 16 : index
      %swap3A_728 = tpu.vector_load %arg6[%swap3A_725, %swap3A_726, %swap3A_727] {strides = array<i32>} : memref<4x256x32xf32, #tpu.memory_space<vmem>>, vector<16xf32>,
      tpu.vector_store %arg6[%swap3A_725, %swap3A_726, %swap3A_727], %mul3A_723 {strides = array<i32>} : memref<4x256x32xf32, #tpu.memory_space<vmem>>, vector<16xf32>,
      %scan3A_729 = arith.constant 0 : i32
      %scan3A_730 = arith.constant 7 : i32
      %scan3A_731 = arith.addi %scan3A_529, %scan3A_730 : i32
      %get3A_732 = arith.constant 0 : i32
      %get3A_733 = arith.index_cast %get3A_732 : i32 to index
      %get3A_734 = arith.index_cast %scan3A_731 : i32 to index
      %get3A_735 = arith.constant 0 : index
      %get3A_736 = tpu.vector_load %arg6[%get3A_733, %get3A_734, %get3A_735] {strides = array<i32>} : memref<4x256x32xf32, #tpu.memory_space<vmem>>, vector<16xf32>,
      %mul3A_737 = arith.constant 5.65685415 : f32
      %mul3A_738 = vector.broadcast %mul3A_737 : f32 to vector<16xf32>
      %mul3A_739 = arith.mulf %get3A_736, %mul3A_738 : vector<16xf32>
      %swap3A_740 = arith.constant 0 : i32
      %swap3A_741 = arith.index_cast %swap3A_740 : i32 to index
      %swap3A_742 = arith.index_cast %scan3A_731 : i32 to index
      %swap3A_743 = arith.constant 0 : index
      %swap3A_744 = tpu.vector_load %arg6[%swap3A_741, %swap3A_742, %swap3A_743] {strides = array<i32>} : memref<4x256x32xf32, #tpu.memory_space<vmem>>, vector<16xf32>,
      tpu.vector_store %arg6[%swap3A_741, %swap3A_742, %swap3A_743], %mul3A_739 {strides = array<i32>} : memref<4x256x32xf32, #tpu.memory_space<vmem>>, vector<16xf32>,
      %get3A_745 = arith.constant 0 : i32
      %get3A_746 = arith.index_cast %get3A_745 : i32 to index
      %get3A_747 = arith.index_cast %scan3A_731 : i32 to index
      %get3A_748 = arith.constant 16 : index
      %get3A_749 = tpu.vector_load %arg6[%get3A_746, %get3A_747, %get3A_748] {strides = array<i32>} : memref<4x256x32xf32, #tpu.memory_space<vmem>>, vector<16xf32>,
      %mul3A_750 = arith.constant 5.65685415 : f32
      %mul3A_751 = vector.broadcast %mul3A_750 : f32 to vector<16xf32>
      %mul3A_752 = arith.mulf %get3A_749, %mul3A_751 : vector<16xf32>
      %swap3A_753 = arith.constant 0 : i32
      %swap3A_754 = arith.index_cast %swap3A_753 : i32 to index
      %swap3A_755 = arith.index_cast %scan3A_731 : i32 to index
      %swap3A_756 = arith.constant 16 : index
      %swap3A_757 = tpu.vector_load %arg6[%swap3A_754, %swap3A_755, %swap3A_756] {strides = array<i32>} : memref<4x256x32xf32, #tpu.memory_space<vmem>>, vector<16xf32>,
      tpu.vector_store %arg6[%swap3A_754, %swap3A_755, %swap3A_756], %mul3A_752 {strides = array<i32>} : memref<4x256x32xf32, #tpu.memory_space<vmem>>, vector<16xf32>,
      %scan3A_758 = arith.constant 0 : i32
      scf.yield %scan3A_758 : i32
    }
    %scan3A_56 = arith.constant 256 : i32
    %add3A_57 = arith.constant 0 : i32
    %add3A_58 = arith.addi %mul3A_2, %add3A_57 : i32
    %mul3A_59 = arith.constant 256 : i32
    %mul3A_60 = arith.muli %add3A_58, %mul3A_59 : i32
    %dma_start3A_61 = arith.constant 0 : i32
    %dma_start3A_62 = arith.constant 0 : i32
    %dma_start3A_63 = arith.constant 0 : i32
    %dma_start3A_64 = tpu.memref_slice %arg6[%dma_start3A_61, %dma_start3A_62, %dma_start3A_63] : memref<4x256x32xf32, #tpu.memory_space<vmem>> -> memref<1x256x32xf32, #tpu.memory_space<vmem>>
    %dma_start3A_65 = tpu.memref_squeeze %dma_start3A_64 : memref<1x256x32xf32, #tpu.memory_space<vmem>> -> memref<256x32xf32, #tpu.memory_space<vmem>>
    %dma_start3A_66 = arith.constant 0 : i32
    %dma_start3A_67 = tpu.memref_slice %arg4[%mul3A_60, %dma_start3A_66] : memref<819200x32xf32, #tpu.memory_space<hbm>> -> memref<256x32xf32, #tpu.memory_space<hbm>>
    %dma_start3A_68 = arith.constant 0 : i32
    %dma_start3A_69 = tpu.memref_slice %arg4[%mul3A_60, %dma_start3A_68] : memref<819200x32xf32, #tpu.memory_space<hbm>> -> memref<256x32xf32, #tpu.memory_space<hbm>>
    %dma_start3A_70 = arith.constant 0 : i32
    %dma_start3A_71 = arith.constant 0 : i32
    %dma_start3A_72 = tpu.memref_slice %arg6[%dma_start3A_61, %dma_start3A_70, %dma_start3A_71] : memref<4x256x32xf32, #tpu.memory_space<vmem>> -> memref<1x256x32xf32, #tpu.memory_space<vmem>>
    %dma_start3A_73 = tpu.memref_squeeze %dma_start3A_72 : memref<1x256x32xf32, #tpu.memory_space<vmem>> -> memref<256x32xf32, #tpu.memory_space<vmem>>
    tpu.enqueue_dma source(%dma_start3A_73 : memref<256x32xf32, #tpu.memory_space<vmem>>) target(%dma_start3A_69 : memref<256x32xf32, #tpu.memory_space<hbm>>) target_semaphore(%arg11 : memref<!tpu.dma_semaphore, #tpu.memory_space<semaphore_mem>>)
    %mul3A_74 = arith.constant 3 : i32
    %mul3A_75 = arith.constant 256 : i32
    %mul3A_76 = arith.muli %mul3A_74, %mul3A_75 : i32
    %dma_start3A_77 = arith.constant 3 : i32
    %dma_start3A_78 = arith.constant 0 : i32
    %dma_start3A_79 = arith.constant 0 : i32
    %dma_start3A_80 = tpu.memref_slice %arg6[%dma_start3A_77, %dma_start3A_78, %dma_start3A_79] : memref<4x256x32xf32, #tpu.memory_space<vmem>> -> memref<1x256x32xf32, #tpu.memory_space<vmem>>
    %dma_start3A_81 = tpu.memref_squeeze %dma_start3A_80 : memref<1x256x32xf32, #tpu.memory_space<vmem>> -> memref<256x32xf32, #tpu.memory_space<vmem>>
    %dma_start3A_82 = tpu.memref_slice %arg5[%mul3A_76] : memref<25600xi32, #tpu.memory_space<vmem>> -> memref<256xi32, #tpu.memory_space<vmem>>
    %dma_start3A_83 = arith.constant 0 : i32
    %dma_start3A_84 = arith.constant 0 : i32
    %dma_start3A_85 = tpu.memref_slice %arg3[%dma_start3A_83, %dma_start3A_84] : memref<1000000x32xf32, #tpu.memory_space<hbm>> -> memref<1000000x32xf32, #tpu.memory_space<hbm>>
    tpu.enqueue_indirect_dma source(%dma_start3A_85 : memref<1000000x32xf32, #tpu.memory_space<hbm>>) target(%dma_start3A_81 : memref<256x32xf32, #tpu.memory_space<vmem>>) offsets(%dma_start3A_82 : memref<256xi32, #tpu.memory_space<vmem>>) semaphore(%arg10 : memref<!tpu.dma_semaphore, #tpu.memory_space<semaphore_mem>>)
    %mul3A_86 = arith.constant 1 : i32
    %mul3A_87 = arith.constant 256 : i32
    %mul3A_88 = arith.muli %mul3A_86, %mul3A_87 : i32
    %dma_wait3A_89 = arith.constant 1 : i32
    %dma_wait3A_90 = arith.constant 0 : i32
    %dma_wait3A_91 = arith.constant 0 : i32
    %dma_wait3A_92 = tpu.memref_slice %arg6[%dma_wait3A_89, %dma_wait3A_90, %dma_wait3A_91] : memref<4x256x32xf32, #tpu.memory_space<vmem>> -> memref<1x256x32xf32, #tpu.memory_space<vmem>>
    %dma_wait3A_93 = tpu.memref_squeeze %dma_wait3A_92 : memref<1x256x32xf32, #tpu.memory_space<vmem>> -> memref<256x32xf32, #tpu.memory_space<vmem>>
    %dma_wait3A_94 = tpu.memref_slice %arg5[%mul3A_88] : memref<25600xi32, #tpu.memory_space<vmem>> -> memref<256xi32, #tpu.memory_space<vmem>>
    %dma_wait3A_95 = arith.constant 0 : i32
    %dma_wait3A_96 = arith.constant 0 : i32
    %dma_wait3A_97 = tpu.memref_slice %arg3[%dma_wait3A_95, %dma_wait3A_96] : memref<1000000x32xf32, #tpu.memory_space<hbm>> -> memref<1000000x32xf32, #tpu.memory_space<hbm>>
    tpu.wait_indirect_dma semaphore(%arg8 : memref<!tpu.dma_semaphore, #tpu.memory_space<semaphore_mem>>) src(%dma_wait3A_97 : memref<1000000x32xf32, #tpu.memory_space<hbm>>) dst(%dma_wait3A_93 : memref<256x32xf32, #tpu.memory_space<vmem>>)
    %scan3A_98 = arith.constant 0 : i32
    %scan3A_99 = arith.constant 0 : i32
    %scan3A_100 = arith.constant 256 : i32
    %scan3A_101 = arith.addi %scan3A_99, %scan3A_100 : i32
    %scan3A_102 = arith.constant 8 : i32
    %scan3A_103 = scf.for %scan3A_529 = %scan3A_99 to %scan3A_101 step %scan3A_102 iter_args(%scan3A_530 = %scan3A_98) -> (i32)  : i32 {
      %get3A = arith.constant 1 : i32
      %get3A_531 = arith.index_cast %get3A : i32 to index
      %get3A_532 = arith.index_cast %scan3A_529 : i32 to index
      %get3A_533 = arith.constant 0 : index
      %get3A_534 = tpu.vector_load %arg6[%get3A_531, %get3A_532, %get3A_533] {strides = array<i32>} : memref<4x256x32xf32, #tpu.memory_space<vmem>>, vector<16xf32>,
      %mul3A_535 = arith.constant 5.65685415 : f32
      %mul3A_536 = vector.broadcast %mul3A_535 : f32 to vector<16xf32>
      %mul3A_537 = arith.mulf %get3A_534, %mul3A_536 : vector<16xf32>
      %swap3A = arith.constant 1 : i32
      %swap3A_538 = arith.index_cast %swap3A : i32 to index
      %swap3A_539 = arith.index_cast %scan3A_529 : i32 to index
      %swap3A_540 = arith.constant 0 : index
      %swap3A_541 = tpu.vector_load %arg6[%swap3A_538, %swap3A_539, %swap3A_540] {strides = array<i32>} : memref<4x256x32xf32, #tpu.memory_space<vmem>>, vector<16xf32>,
      tpu.vector_store %arg6[%swap3A_538, %swap3A_539, %swap3A_540], %mul3A_537 {strides = array<i32>} : memref<4x256x32xf32, #tpu.memory_space<vmem>>, vector<16xf32>,
      %get3A_542 = arith.constant 1 : i32
      %get3A_543 = arith.index_cast %get3A_542 : i32 to index
      %get3A_544 = arith.index_cast %scan3A_529 : i32 to index
      %get3A_545 = arith.constant 16 : index
      %get3A_546 = tpu.vector_load %arg6[%get3A_543, %get3A_544, %get3A_545] {strides = array<i32>} : memref<4x256x32xf32, #tpu.memory_space<vmem>>, vector<16xf32>,
      %mul3A_547 = arith.constant 5.65685415 : f32
      %mul3A_548 = vector.broadcast %mul3A_547 : f32 to vector<16xf32>
      %mul3A_549 = arith.mulf %get3A_546, %mul3A_548 : vector<16xf32>
      %swap3A_550 = arith.constant 1 : i32
      %swap3A_551 = arith.index_cast %swap3A_550 : i32 to index
      %swap3A_552 = arith.index_cast %scan3A_529 : i32 to index
      %swap3A_553 = arith.constant 16 : index
      %swap3A_554 = tpu.vector_load %arg6[%swap3A_551, %swap3A_552, %swap3A_553] {strides = array<i32>} : memref<4x256x32xf32, #tpu.memory_space<vmem>>, vector<16xf32>,
      tpu.vector_store %arg6[%swap3A_551, %swap3A_552, %swap3A_553], %mul3A_549 {strides = array<i32>} : memref<4x256x32xf32, #tpu.memory_space<vmem>>, vector<16xf32>,
      %scan3A_555 = arith.constant 0 : i32
      %scan3A_556 = arith.constant 1 : i32
      %scan3A_557 = arith.addi %scan3A_529, %scan3A_556 : i32
      %get3A_558 = arith.constant 1 : i32
      %get3A_559 = arith.index_cast %get3A_558 : i32 to index
      %get3A_560 = arith.index_cast %scan3A_557 : i32 to index
      %get3A_561 = arith.constant 0 : index
      %get3A_562 = tpu.vector_load %arg6[%get3A_559, %get3A_560, %get3A_561] {strides = array<i32>} : memref<4x256x32xf32, #tpu.memory_space<vmem>>, vector<16xf32>,
      %mul3A_563 = arith.constant 5.65685415 : f32
      %mul3A_564 = vector.broadcast %mul3A_563 : f32 to vector<16xf32>
      %mul3A_565 = arith.mulf %get3A_562, %mul3A_564 : vector<16xf32>
      %swap3A_566 = arith.constant 1 : i32
      %swap3A_567 = arith.index_cast %swap3A_566 : i32 to index
      %swap3A_568 = arith.index_cast %scan3A_557 : i32 to index
      %swap3A_569 = arith.constant 0 : index
      %swap3A_570 = tpu.vector_load %arg6[%swap3A_567, %swap3A_568, %swap3A_569] {strides = array<i32>} : memref<4x256x32xf32, #tpu.memory_space<vmem>>, vector<16xf32>,
      tpu.vector_store %arg6[%swap3A_567, %swap3A_568, %swap3A_569], %mul3A_565 {strides = array<i32>} : memref<4x256x32xf32, #tpu.memory_space<vmem>>, vector<16xf32>,
      %get3A_571 = arith.constant 1 : i32
      %get3A_572 = arith.index_cast %get3A_571 : i32 to index
      %get3A_573 = arith.index_cast %scan3A_557 : i32 to index
      %get3A_574 = arith.constant 16 : index
      %get3A_575 = tpu.vector_load %arg6[%get3A_572, %get3A_573, %get3A_574] {strides = array<i32>} : memref<4x256x32xf32, #tpu.memory_space<vmem>>, vector<16xf32>,
      %mul3A_576 = arith.constant 5.65685415 : f32
      %mul3A_577 = vector.broadcast %mul3A_576 : f32 to vector<16xf32>
      %mul3A_578 = arith.mulf %get3A_575, %mul3A_577 : vector<16xf32>
      %swap3A_579 = arith.constant 1 : i32
      %swap3A_580 = arith.index_cast %swap3A_579 : i32 to index
      %swap3A_581 = arith.index_cast %scan3A_557 : i32 to index
      %swap3A_582 = arith.constant 16 : index
      %swap3A_583 = tpu.vector_load %arg6[%swap3A_580, %swap3A_581, %swap3A_582] {strides = array<i32>} : memref<4x256x32xf32, #tpu.memory_space<vmem>>, vector<16xf32>,
      tpu.vector_store %arg6[%swap3A_580, %swap3A_581, %swap3A_582], %mul3A_578 {strides = array<i32>} : memref<4x256x32xf32, #tpu.memory_space<vmem>>, vector<16xf32>,
      %scan3A_584 = arith.constant 0 : i32
      %scan3A_585 = arith.constant 2 : i32
      %scan3A_586 = arith.addi %scan3A_529, %scan3A_585 : i32
      %get3A_587 = arith.constant 1 : i32
      %get3A_588 = arith.index_cast %get3A_587 : i32 to index
      %get3A_589 = arith.index_cast %scan3A_586 : i32 to index
      %get3A_590 = arith.constant 0 : index
      %get3A_591 = tpu.vector_load %arg6[%get3A_588, %get3A_589, %get3A_590] {strides = array<i32>} : memref<4x256x32xf32, #tpu.memory_space<vmem>>, vector<16xf32>,
      %mul3A_592 = arith.constant 5.65685415 : f32
      %mul3A_593 = vector.broadcast %mul3A_592 : f32 to vector<16xf32>
      %mul3A_594 = arith.mulf %get3A_591, %mul3A_593 : vector<16xf32>
      %swap3A_595 = arith.constant 1 : i32
      %swap3A_596 = arith.index_cast %swap3A_595 : i32 to index
      %swap3A_597 = arith.index_cast %scan3A_586 : i32 to index
      %swap3A_598 = arith.constant 0 : index
      %swap3A_599 = tpu.vector_load %arg6[%swap3A_596, %swap3A_597, %swap3A_598] {strides = array<i32>} : memref<4x256x32xf32, #tpu.memory_space<vmem>>, vector<16xf32>,
      tpu.vector_store %arg6[%swap3A_596, %swap3A_597, %swap3A_598], %mul3A_594 {strides = array<i32>} : memref<4x256x32xf32, #tpu.memory_space<vmem>>, vector<16xf32>,
      %get3A_600 = arith.constant 1 : i32
      %get3A_601 = arith.index_cast %get3A_600 : i32 to index
      %get3A_602 = arith.index_cast %scan3A_586 : i32 to index
      %get3A_603 = arith.constant 16 : index
      %get3A_604 = tpu.vector_load %arg6[%get3A_601, %get3A_602, %get3A_603] {strides = array<i32>} : memref<4x256x32xf32, #tpu.memory_space<vmem>>, vector<16xf32>,
      %mul3A_605 = arith.constant 5.65685415 : f32
      %mul3A_606 = vector.broadcast %mul3A_605 : f32 to vector<16xf32>
      %mul3A_607 = arith.mulf %get3A_604, %mul3A_606 : vector<16xf32>
      %swap3A_608 = arith.constant 1 : i32
      %swap3A_609 = arith.index_cast %swap3A_608 : i32 to index
      %swap3A_610 = arith.index_cast %scan3A_586 : i32 to index
      %swap3A_611 = arith.constant 16 : index
      %swap3A_612 = tpu.vector_load %arg6[%swap3A_609, %swap3A_610, %swap3A_611] {strides = array<i32>} : memref<4x256x32xf32, #tpu.memory_space<vmem>>, vector<16xf32>,
      tpu.vector_store %arg6[%swap3A_609, %swap3A_610, %swap3A_611], %mul3A_607 {strides = array<i32>} : memref<4x256x32xf32, #tpu.memory_space<vmem>>, vector<16xf32>,
      %scan3A_613 = arith.constant 0 : i32
      %scan3A_614 = arith.constant 3 : i32
      %scan3A_615 = arith.addi %scan3A_529, %scan3A_614 : i32
      %get3A_616 = arith.constant 1 : i32
      %get3A_617 = arith.index_cast %get3A_616 : i32 to index
      %get3A_618 = arith.index_cast %scan3A_615 : i32 to index
      %get3A_619 = arith.constant 0 : index
      %get3A_620 = tpu.vector_load %arg6[%get3A_617, %get3A_618, %get3A_619] {strides = array<i32>} : memref<4x256x32xf32, #tpu.memory_space<vmem>>, vector<16xf32>,
      %mul3A_621 = arith.constant 5.65685415 : f32
      %mul3A_622 = vector.broadcast %mul3A_621 : f32 to vector<16xf32>
      %mul3A_623 = arith.mulf %get3A_620, %mul3A_622 : vector<16xf32>
      %swap3A_624 = arith.constant 1 : i32
      %swap3A_625 = arith.index_cast %swap3A_624 : i32 to index
      %swap3A_626 = arith.index_cast %scan3A_615 : i32 to index
      %swap3A_627 = arith.constant 0 : index
      %swap3A_628 = tpu.vector_load %arg6[%swap3A_625, %swap3A_626, %swap3A_627] {strides = array<i32>} : memref<4x256x32xf32, #tpu.memory_space<vmem>>, vector<16xf32>,
      tpu.vector_store %arg6[%swap3A_625, %swap3A_626, %swap3A_627], %mul3A_623 {strides = array<i32>} : memref<4x256x32xf32, #tpu.memory_space<vmem>>, vector<16xf32>,
      %get3A_629 = arith.constant 1 : i32
      %get3A_630 = arith.index_cast %get3A_629 : i32 to index
      %get3A_631 = arith.index_cast %scan3A_615 : i32 to index
      %get3A_632 = arith.constant 16 : index
      %get3A_633 = tpu.vector_load %arg6[%get3A_630, %get3A_631, %get3A_632] {strides = array<i32>} : memref<4x256x32xf32, #tpu.memory_space<vmem>>, vector<16xf32>,
      %mul3A_634 = arith.constant 5.65685415 : f32
      %mul3A_635 = vector.broadcast %mul3A_634 : f32 to vector<16xf32>
      %mul3A_636 = arith.mulf %get3A_633, %mul3A_635 : vector<16xf32>
      %swap3A_637 = arith.constant 1 : i32
      %swap3A_638 = arith.index_cast %swap3A_637 : i32 to index
      %swap3A_639 = arith.index_cast %scan3A_615 : i32 to index
      %swap3A_640 = arith.constant 16 : index
      %swap3A_641 = tpu.vector_load %arg6[%swap3A_638, %swap3A_639, %swap3A_640] {strides = array<i32>} : memref<4x256x32xf32, #tpu.memory_space<vmem>>, vector<16xf32>,
      tpu.vector_store %arg6[%swap3A_638, %swap3A_639, %swap3A_640], %mul3A_636 {strides = array<i32>} : memref<4x256x32xf32, #tpu.memory_space<vmem>>, vector<16xf32>,
      %scan3A_642 = arith.constant 0 : i32
      %scan3A_643 = arith.constant 4 : i32
      %scan3A_644 = arith.addi %scan3A_529, %scan3A_643 : i32
      %get3A_645 = arith.constant 1 : i32
      %get3A_646 = arith.index_cast %get3A_645 : i32 to index
      %get3A_647 = arith.index_cast %scan3A_644 : i32 to index
      %get3A_648 = arith.constant 0 : index
      %get3A_649 = tpu.vector_load %arg6[%get3A_646, %get3A_647, %get3A_648] {strides = array<i32>} : memref<4x256x32xf32, #tpu.memory_space<vmem>>, vector<16xf32>,
      %mul3A_650 = arith.constant 5.65685415 : f32
      %mul3A_651 = vector.broadcast %mul3A_650 : f32 to vector<16xf32>
      %mul3A_652 = arith.mulf %get3A_649, %mul3A_651 : vector<16xf32>
      %swap3A_653 = arith.constant 1 : i32
      %swap3A_654 = arith.index_cast %swap3A_653 : i32 to index
      %swap3A_655 = arith.index_cast %scan3A_644 : i32 to index
      %swap3A_656 = arith.constant 0 : index
      %swap3A_657 = tpu.vector_load %arg6[%swap3A_654, %swap3A_655, %swap3A_656] {strides = array<i32>} : memref<4x256x32xf32, #tpu.memory_space<vmem>>, vector<16xf32>,
      tpu.vector_store %arg6[%swap3A_654, %swap3A_655, %swap3A_656], %mul3A_652 {strides = array<i32>} : memref<4x256x32xf32, #tpu.memory_space<vmem>>, vector<16xf32>,
      %get3A_658 = arith.constant 1 : i32
      %get3A_659 = arith.index_cast %get3A_658 : i32 to index
      %get3A_660 = arith.index_cast %scan3A_644 : i32 to index
      %get3A_661 = arith.constant 16 : index
      %get3A_662 = tpu.vector_load %arg6[%get3A_659, %get3A_660, %get3A_661] {strides = array<i32>} : memref<4x256x32xf32, #tpu.memory_space<vmem>>, vector<16xf32>,
      %mul3A_663 = arith.constant 5.65685415 : f32
      %mul3A_664 = vector.broadcast %mul3A_663 : f32 to vector<16xf32>
      %mul3A_665 = arith.mulf %get3A_662, %mul3A_664 : vector<16xf32>
      %swap3A_666 = arith.constant 1 : i32
      %swap3A_667 = arith.index_cast %swap3A_666 : i32 to index
      %swap3A_668 = arith.index_cast %scan3A_644 : i32 to index
      %swap3A_669 = arith.constant 16 : index
      %swap3A_670 = tpu.vector_load %arg6[%swap3A_667, %swap3A_668, %swap3A_669] {strides = array<i32>} : memref<4x256x32xf32, #tpu.memory_space<vmem>>, vector<16xf32>,
      tpu.vector_store %arg6[%swap3A_667, %swap3A_668, %swap3A_669], %mul3A_665 {strides = array<i32>} : memref<4x256x32xf32, #tpu.memory_space<vmem>>, vector<16xf32>,
      %scan3A_671 = arith.constant 0 : i32
      %scan3A_672 = arith.constant 5 : i32
      %scan3A_673 = arith.addi %scan3A_529, %scan3A_672 : i32
      %get3A_674 = arith.constant 1 : i32
      %get3A_675 = arith.index_cast %get3A_674 : i32 to index
      %get3A_676 = arith.index_cast %scan3A_673 : i32 to index
      %get3A_677 = arith.constant 0 : index
      %get3A_678 = tpu.vector_load %arg6[%get3A_675, %get3A_676, %get3A_677] {strides = array<i32>} : memref<4x256x32xf32, #tpu.memory_space<vmem>>, vector<16xf32>,
      %mul3A_679 = arith.constant 5.65685415 : f32
      %mul3A_680 = vector.broadcast %mul3A_679 : f32 to vector<16xf32>
      %mul3A_681 = arith.mulf %get3A_678, %mul3A_680 : vector<16xf32>
      %swap3A_682 = arith.constant 1 : i32
      %swap3A_683 = arith.index_cast %swap3A_682 : i32 to index
      %swap3A_684 = arith.index_cast %scan3A_673 : i32 to index
      %swap3A_685 = arith.constant 0 : index
      %swap3A_686 = tpu.vector_load %arg6[%swap3A_683, %swap3A_684, %swap3A_685] {strides = array<i32>} : memref<4x256x32xf32, #tpu.memory_space<vmem>>, vector<16xf32>,
      tpu.vector_store %arg6[%swap3A_683, %swap3A_684, %swap3A_685], %mul3A_681 {strides = array<i32>} : memref<4x256x32xf32, #tpu.memory_space<vmem>>, vector<16xf32>,
      %get3A_687 = arith.constant 1 : i32
      %get3A_688 = arith.index_cast %get3A_687 : i32 to index
      %get3A_689 = arith.index_cast %scan3A_673 : i32 to index
      %get3A_690 = arith.constant 16 : index
      %get3A_691 = tpu.vector_load %arg6[%get3A_688, %get3A_689, %get3A_690] {strides = array<i32>} : memref<4x256x32xf32, #tpu.memory_space<vmem>>, vector<16xf32>,
      %mul3A_692 = arith.constant 5.65685415 : f32
      %mul3A_693 = vector.broadcast %mul3A_692 : f32 to vector<16xf32>
      %mul3A_694 = arith.mulf %get3A_691, %mul3A_693 : vector<16xf32>
      %swap3A_695 = arith.constant 1 : i32
      %swap3A_696 = arith.index_cast %swap3A_695 : i32 to index
      %swap3A_697 = arith.index_cast %scan3A_673 : i32 to index
      %swap3A_698 = arith.constant 16 : index
      %swap3A_699 = tpu.vector_load %arg6[%swap3A_696, %swap3A_697, %swap3A_698] {strides = array<i32>} : memref<4x256x32xf32, #tpu.memory_space<vmem>>, vector<16xf32>,
      tpu.vector_store %arg6[%swap3A_696, %swap3A_697, %swap3A_698], %mul3A_694 {strides = array<i32>} : memref<4x256x32xf32, #tpu.memory_space<vmem>>, vector<16xf32>,
      %scan3A_700 = arith.constant 0 : i32
      %scan3A_701 = arith.constant 6 : i32
      %scan3A_702 = arith.addi %scan3A_529, %scan3A_701 : i32
      %get3A_703 = arith.constant 1 : i32
      %get3A_704 = arith.index_cast %get3A_703 : i32 to index
      %get3A_705 = arith.index_cast %scan3A_702 : i32 to index
      %get3A_706 = arith.constant 0 : index
      %get3A_707 = tpu.vector_load %arg6[%get3A_704, %get3A_705, %get3A_706] {strides = array<i32>} : memref<4x256x32xf32, #tpu.memory_space<vmem>>, vector<16xf32>,
      %mul3A_708 = arith.constant 5.65685415 : f32
      %mul3A_709 = vector.broadcast %mul3A_708 : f32 to vector<16xf32>
      %mul3A_710 = arith.mulf %get3A_707, %mul3A_709 : vector<16xf32>
      %swap3A_711 = arith.constant 1 : i32
      %swap3A_712 = arith.index_cast %swap3A_711 : i32 to index
      %swap3A_713 = arith.index_cast %scan3A_702 : i32 to index
      %swap3A_714 = arith.constant 0 : index
      %swap3A_715 = tpu.vector_load %arg6[%swap3A_712, %swap3A_713, %swap3A_714] {strides = array<i32>} : memref<4x256x32xf32, #tpu.memory_space<vmem>>, vector<16xf32>,
      tpu.vector_store %arg6[%swap3A_712, %swap3A_713, %swap3A_714], %mul3A_710 {strides = array<i32>} : memref<4x256x32xf32, #tpu.memory_space<vmem>>, vector<16xf32>,
      %get3A_716 = arith.constant 1 : i32
      %get3A_717 = arith.index_cast %get3A_716 : i32 to index
      %get3A_718 = arith.index_cast %scan3A_702 : i32 to index
      %get3A_719 = arith.constant 16 : index
      %get3A_720 = tpu.vector_load %arg6[%get3A_717, %get3A_718, %get3A_719] {strides = array<i32>} : memref<4x256x32xf32, #tpu.memory_space<vmem>>, vector<16xf32>,
      %mul3A_721 = arith.constant 5.65685415 : f32
      %mul3A_722 = vector.broadcast %mul3A_721 : f32 to vector<16xf32>
      %mul3A_723 = arith.mulf %get3A_720, %mul3A_722 : vector<16xf32>
      %swap3A_724 = arith.constant 1 : i32
      %swap3A_725 = arith.index_cast %swap3A_724 : i32 to index
      %swap3A_726 = arith.index_cast %scan3A_702 : i32 to index
      %swap3A_727 = arith.constant 16 : index
      %swap3A_728 = tpu.vector_load %arg6[%swap3A_725, %swap3A_726, %swap3A_727] {strides = array<i32>} : memref<4x256x32xf32, #tpu.memory_space<vmem>>, vector<16xf32>,
      tpu.vector_store %arg6[%swap3A_725, %swap3A_726, %swap3A_727], %mul3A_723 {strides = array<i32>} : memref<4x256x32xf32, #tpu.memory_space<vmem>>, vector<16xf32>,
      %scan3A_729 = arith.constant 0 : i32
      %scan3A_730 = arith.constant 7 : i32
      %scan3A_731 = arith.addi %scan3A_529, %scan3A_730 : i32
      %get3A_732 = arith.constant 1 : i32
      %get3A_733 = arith.index_cast %get3A_732 : i32 to index
      %get3A_734 = arith.index_cast %scan3A_731 : i32 to index
      %get3A_735 = arith.constant 0 : index
      %get3A_736 = tpu.vector_load %arg6[%get3A_733, %get3A_734, %get3A_735] {strides = array<i32>} : memref<4x256x32xf32, #tpu.memory_space<vmem>>, vector<16xf32>,
      %mul3A_737 = arith.constant 5.65685415 : f32
      %mul3A_738 = vector.broadcast %mul3A_737 : f32 to vector<16xf32>
      %mul3A_739 = arith.mulf %get3A_736, %mul3A_738 : vector<16xf32>
      %swap3A_740 = arith.constant 1 : i32
      %swap3A_741 = arith.index_cast %swap3A_740 : i32 to index
      %swap3A_742 = arith.index_cast %scan3A_731 : i32 to index
      %swap3A_743 = arith.constant 0 : index
      %swap3A_744 = tpu.vector_load %arg6[%swap3A_741, %swap3A_742, %swap3A_743] {strides = array<i32>} : memref<4x256x32xf32, #tpu.memory_space<vmem>>, vector<16xf32>,
      tpu.vector_store %arg6[%swap3A_741, %swap3A_742, %swap3A_743], %mul3A_739 {strides = array<i32>} : memref<4x256x32xf32, #tpu.memory_space<vmem>>, vector<16xf32>,
      %get3A_745 = arith.constant 1 : i32
      %get3A_746 = arith.index_cast %get3A_745 : i32 to index
      %get3A_747 = arith.index_cast %scan3A_731 : i32 to index
      %get3A_748 = arith.constant 16 : index
      %get3A_749 = tpu.vector_load %arg6[%get3A_746, %get3A_747, %get3A_748] {strides = array<i32>} : memref<4x256x32xf32, #tpu.memory_space<vmem>>, vector<16xf32>,
      %mul3A_750 = arith.constant 5.65685415 : f32
      %mul3A_751 = vector.broadcast %mul3A_750 : f32 to vector<16xf32>
      %mul3A_752 = arith.mulf %get3A_749, %mul3A_751 : vector<16xf32>
      %swap3A_753 = arith.constant 1 : i32
      %swap3A_754 = arith.index_cast %swap3A_753 : i32 to index
      %swap3A_755 = arith.index_cast %scan3A_731 : i32 to index
      %swap3A_756 = arith.constant 16 : index
      %swap3A_757 = tpu.vector_load %arg6[%swap3A_754, %swap3A_755, %swap3A_756] {strides = array<i32>} : memref<4x256x32xf32, #tpu.memory_space<vmem>>, vector<16xf32>,
      tpu.vector_store %arg6[%swap3A_754, %swap3A_755, %swap3A_756], %mul3A_752 {strides = array<i32>} : memref<4x256x32xf32, #tpu.memory_space<vmem>>, vector<16xf32>,
      %scan3A_758 = arith.constant 0 : i32
      scf.yield %scan3A_758 : i32
    }
    %scan3A_104 = arith.constant 256 : i32
    %add3A_105 = arith.constant 1 : i32
    %add3A_106 = arith.addi %mul3A_2, %add3A_105 : i32
    %mul3A_107 = arith.constant 256 : i32
    %mul3A_108 = arith.muli %add3A_106, %mul3A_107 : i32
    %dma_start3A_109 = arith.constant 1 : i32
    %dma_start3A_110 = arith.constant 0 : i32
    %dma_start3A_111 = arith.constant 0 : i32
    %dma_start3A_112 = tpu.memref_slice %arg6[%dma_start3A_109, %dma_start3A_110, %dma_start3A_111] : memref<4x256x32xf32, #tpu.memory_space<vmem>> -> memref<1x256x32xf32, #tpu.memory_space<vmem>>
    %dma_start3A_113 = tpu.memref_squeeze %dma_start3A_112 : memref<1x256x32xf32, #tpu.memory_space<vmem>> -> memref<256x32xf32, #tpu.memory_space<vmem>>
    %dma_start3A_114 = arith.constant 0 : i32
    %dma_start3A_115 = tpu.memref_slice %arg4[%mul3A_108, %dma_start3A_114] : memref<819200x32xf32, #tpu.memory_space<hbm>> -> memref<256x32xf32, #tpu.memory_space<hbm>>
    %dma_start3A_116 = arith.constant 0 : i32
    %dma_start3A_117 = tpu.memref_slice %arg4[%mul3A_108, %dma_start3A_116] : memref<819200x32xf32, #tpu.memory_space<hbm>> -> memref<256x32xf32, #tpu.memory_space<hbm>>
    %dma_start3A_118 = arith.constant 0 : i32
    %dma_start3A_119 = arith.constant 0 : i32
    %dma_start3A_120 = tpu.memref_slice %arg6[%dma_start3A_109, %dma_start3A_118, %dma_start3A_119] : memref<4x256x32xf32, #tpu.memory_space<vmem>> -> memref<1x256x32xf32, #tpu.memory_space<vmem>>
    %dma_start3A_121 = tpu.memref_squeeze %dma_start3A_120 : memref<1x256x32xf32, #tpu.memory_space<vmem>> -> memref<256x32xf32, #tpu.memory_space<vmem>>
    tpu.enqueue_dma source(%dma_start3A_121 : memref<256x32xf32, #tpu.memory_space<vmem>>) target(%dma_start3A_117 : memref<256x32xf32, #tpu.memory_space<hbm>>) target_semaphore(%arg12 : memref<!tpu.dma_semaphore, #tpu.memory_space<semaphore_mem>>)
    %add3A_122 = arith.constant 0 : i32
    %add3A_123 = arith.addi %mul3A_2, %add3A_122 : i32
    %mul3A_124 = arith.constant 256 : i32
    %mul3A_125 = arith.muli %add3A_123, %mul3A_124 : i32
    %dma_wait3A_126 = arith.constant 0 : i32
    %dma_wait3A_127 = arith.constant 0 : i32
    %dma_wait3A_128 = arith.constant 0 : i32
    %dma_wait3A_129 = tpu.memref_slice %arg6[%dma_wait3A_126, %dma_wait3A_127, %dma_wait3A_128] : memref<4x256x32xf32, #tpu.memory_space<vmem>> -> memref<1x256x32xf32, #tpu.memory_space<vmem>>
    %dma_wait3A_130 = tpu.memref_squeeze %dma_wait3A_129 : memref<1x256x32xf32, #tpu.memory_space<vmem>> -> memref<256x32xf32, #tpu.memory_space<vmem>>
    %dma_wait3A_131 = arith.constant 0 : i32
    %dma_wait3A_132 = tpu.memref_slice %arg4[%mul3A_125, %dma_wait3A_131] : memref<819200x32xf32, #tpu.memory_space<hbm>> -> memref<256x32xf32, #tpu.memory_space<hbm>>
    %dma_wait3A_133 = arith.constant 0 : i32
    %dma_wait3A_134 = tpu.memref_slice %arg4[%mul3A_125, %dma_wait3A_133] : memref<819200x32xf32, #tpu.memory_space<hbm>> -> memref<256x32xf32, #tpu.memory_space<hbm>>
    %dma_wait3A_135 = arith.constant 0 : i32
    %dma_wait3A_136 = arith.constant 0 : i32
    %dma_wait3A_137 = tpu.memref_slice %arg6[%dma_wait3A_126, %dma_wait3A_135, %dma_wait3A_136] : memref<4x256x32xf32, #tpu.memory_space<vmem>> -> memref<1x256x32xf32, #tpu.memory_space<vmem>>
    %dma_wait3A_138 = tpu.memref_squeeze %dma_wait3A_137 : memref<1x256x32xf32, #tpu.memory_space<vmem>> -> memref<256x32xf32, #tpu.memory_space<vmem>>
    tpu.wait_dma2 semaphore(%arg11 : memref<!tpu.dma_semaphore, #tpu.memory_space<semaphore_mem>>) src(%dma_wait3A_138 : memref<256x32xf32, #tpu.memory_space<vmem>>) dst(%dma_wait3A_134 : memref<256x32xf32, #tpu.memory_space<hbm>>)
    %mul3A_139 = arith.constant 4 : i32
    %mul3A_140 = arith.constant 256 : i32
    %mul3A_141 = arith.muli %mul3A_139, %mul3A_140 : i32
    %dma_start3A_142 = arith.constant 0 : i32
    %dma_start3A_143 = arith.constant 0 : i32
    %dma_start3A_144 = arith.constant 0 : i32
    %dma_start3A_145 = tpu.memref_slice %arg6[%dma_start3A_142, %dma_start3A_143, %dma_start3A_144] : memref<4x256x32xf32, #tpu.memory_space<vmem>> -> memref<1x256x32xf32, #tpu.memory_space<vmem>>
    %dma_start3A_146 = tpu.memref_squeeze %dma_start3A_145 : memref<1x256x32xf32, #tpu.memory_space<vmem>> -> memref<256x32xf32, #tpu.memory_space<vmem>>
    %dma_start3A_147 = tpu.memref_slice %arg5[%mul3A_141] : memref<25600xi32, #tpu.memory_space<vmem>> -> memref<256xi32, #tpu.memory_space<vmem>>
    %dma_start3A_148 = arith.constant 0 : i32
    %dma_start3A_149 = arith.constant 0 : i32
    %dma_start3A_150 = tpu.memref_slice %arg3[%dma_start3A_148, %dma_start3A_149] : memref<1000000x32xf32, #tpu.memory_space<hbm>> -> memref<1000000x32xf32, #tpu.memory_space<hbm>>
    tpu.enqueue_indirect_dma source(%dma_start3A_150 : memref<1000000x32xf32, #tpu.memory_space<hbm>>) target(%dma_start3A_146 : memref<256x32xf32, #tpu.memory_space<vmem>>) offsets(%dma_start3A_147 : memref<256xi32, #tpu.memory_space<vmem>>) semaphore(%arg7 : memref<!tpu.dma_semaphore, #tpu.memory_space<semaphore_mem>>)
    %mul3A_151 = arith.constant 2 : i32
    %mul3A_152 = arith.constant 256 : i32
    %mul3A_153 = arith.muli %mul3A_151, %mul3A_152 : i32
    %dma_wait3A_154 = arith.constant 2 : i32
    %dma_wait3A_155 = arith.constant 0 : i32
    %dma_wait3A_156 = arith.constant 0 : i32
    %dma_wait3A_157 = tpu.memref_slice %arg6[%dma_wait3A_154, %dma_wait3A_155, %dma_wait3A_156] : memref<4x256x32xf32, #tpu.memory_space<vmem>> -> memref<1x256x32xf32, #tpu.memory_space<vmem>>
    %dma_wait3A_158 = tpu.memref_squeeze %dma_wait3A_157 : memref<1x256x32xf32, #tpu.memory_space<vmem>> -> memref<256x32xf32, #tpu.memory_space<vmem>>
    %dma_wait3A_159 = tpu.memref_slice %arg5[%mul3A_153] : memref<25600xi32, #tpu.memory_space<vmem>> -> memref<256xi32, #tpu.memory_space<vmem>>
    %dma_wait3A_160 = arith.constant 0 : i32
    %dma_wait3A_161 = arith.constant 0 : i32
    %dma_wait3A_162 = tpu.memref_slice %arg3[%dma_wait3A_160, %dma_wait3A_161] : memref<1000000x32xf32, #tpu.memory_space<hbm>> -> memref<1000000x32xf32, #tpu.memory_space<hbm>>
    tpu.wait_indirect_dma semaphore(%arg9 : memref<!tpu.dma_semaphore, #tpu.memory_space<semaphore_mem>>) src(%dma_wait3A_162 : memref<1000000x32xf32, #tpu.memory_space<hbm>>) dst(%dma_wait3A_158 : memref<256x32xf32, #tpu.memory_space<vmem>>)
    %scan3A_163 = arith.constant 0 : i32
    %scan3A_164 = arith.constant 0 : i32
    %scan3A_165 = arith.constant 256 : i32
    %scan3A_166 = arith.addi %scan3A_164, %scan3A_165 : i32
    %scan3A_167 = arith.constant 8 : i32
    %scan3A_168 = scf.for %scan3A_529 = %scan3A_164 to %scan3A_166 step %scan3A_167 iter_args(%scan3A_530 = %scan3A_163) -> (i32)  : i32 {
      %get3A = arith.constant 2 : i32
      %get3A_531 = arith.index_cast %get3A : i32 to index
      %get3A_532 = arith.index_cast %scan3A_529 : i32 to index
      %get3A_533 = arith.constant 0 : index
      %get3A_534 = tpu.vector_load %arg6[%get3A_531, %get3A_532, %get3A_533] {strides = array<i32>} : memref<4x256x32xf32, #tpu.memory_space<vmem>>, vector<16xf32>,
      %mul3A_535 = arith.constant 5.65685415 : f32
      %mul3A_536 = vector.broadcast %mul3A_535 : f32 to vector<16xf32>
      %mul3A_537 = arith.mulf %get3A_534, %mul3A_536 : vector<16xf32>
      %swap3A = arith.constant 2 : i32
      %swap3A_538 = arith.index_cast %swap3A : i32 to index
      %swap3A_539 = arith.index_cast %scan3A_529 : i32 to index
      %swap3A_540 = arith.constant 0 : index
      %swap3A_541 = tpu.vector_load %arg6[%swap3A_538, %swap3A_539, %swap3A_540] {strides = array<i32>} : memref<4x256x32xf32, #tpu.memory_space<vmem>>, vector<16xf32>,
      tpu.vector_store %arg6[%swap3A_538, %swap3A_539, %swap3A_540], %mul3A_537 {strides = array<i32>} : memref<4x256x32xf32, #tpu.memory_space<vmem>>, vector<16xf32>,
      %get3A_542 = arith.constant 2 : i32
      %get3A_543 = arith.index_cast %get3A_542 : i32 to index
      %get3A_544 = arith.index_cast %scan3A_529 : i32 to index
      %get3A_545 = arith.constant 16 : index
      %get3A_546 = tpu.vector_load %arg6[%get3A_543, %get3A_544, %get3A_545] {strides = array<i32>} : memref<4x256x32xf32, #tpu.memory_space<vmem>>, vector<16xf32>,
      %mul3A_547 = arith.constant 5.65685415 : f32
      %mul3A_548 = vector.broadcast %mul3A_547 : f32 to vector<16xf32>
      %mul3A_549 = arith.mulf %get3A_546, %mul3A_548 : vector<16xf32>
      %swap3A_550 = arith.constant 2 : i32
      %swap3A_551 = arith.index_cast %swap3A_550 : i32 to index
      %swap3A_552 = arith.index_cast %scan3A_529 : i32 to index
      %swap3A_553 = arith.constant 16 : index
      %swap3A_554 = tpu.vector_load %arg6[%swap3A_551, %swap3A_552, %swap3A_553] {strides = array<i32>} : memref<4x256x32xf32, #tpu.memory_space<vmem>>, vector<16xf32>,
      tpu.vector_store %arg6[%swap3A_551, %swap3A_552, %swap3A_553], %mul3A_549 {strides = array<i32>} : memref<4x256x32xf32, #tpu.memory_space<vmem>>, vector<16xf32>,
      %scan3A_555 = arith.constant 0 : i32
      %scan3A_556 = arith.constant 1 : i32
      %scan3A_557 = arith.addi %scan3A_529, %scan3A_556 : i32
      %get3A_558 = arith.constant 2 : i32
      %get3A_559 = arith.index_cast %get3A_558 : i32 to index
      %get3A_560 = arith.index_cast %scan3A_557 : i32 to index
      %get3A_561 = arith.constant 0 : index
      %get3A_562 = tpu.vector_load %arg6[%get3A_559, %get3A_560, %get3A_561] {strides = array<i32>} : memref<4x256x32xf32, #tpu.memory_space<vmem>>, vector<16xf32>,
      %mul3A_563 = arith.constant 5.65685415 : f32
      %mul3A_564 = vector.broadcast %mul3A_563 : f32 to vector<16xf32>
      %mul3A_565 = arith.mulf %get3A_562, %mul3A_564 : vector<16xf32>
      %swap3A_566 = arith.constant 2 : i32
      %swap3A_567 = arith.index_cast %swap3A_566 : i32 to index
      %swap3A_568 = arith.index_cast %scan3A_557 : i32 to index
      %swap3A_569 = arith.constant 0 : index
      %swap3A_570 = tpu.vector_load %arg6[%swap3A_567, %swap3A_568, %swap3A_569] {strides = array<i32>} : memref<4x256x32xf32, #tpu.memory_space<vmem>>, vector<16xf32>,
      tpu.vector_store %arg6[%swap3A_567, %swap3A_568, %swap3A_569], %mul3A_565 {strides = array<i32>} : memref<4x256x32xf32, #tpu.memory_space<vmem>>, vector<16xf32>,
      %get3A_571 = arith.constant 2 : i32
      %get3A_572 = arith.index_cast %get3A_571 : i32 to index
      %get3A_573 = arith.index_cast %scan3A_557 : i32 to index
      %get3A_574 = arith.constant 16 : index
      %get3A_575 = tpu.vector_load %arg6[%get3A_572, %get3A_573, %get3A_574] {strides = array<i32>} : memref<4x256x32xf32, #tpu.memory_space<vmem>>, vector<16xf32>,
      %mul3A_576 = arith.constant 5.65685415 : f32
      %mul3A_577 = vector.broadcast %mul3A_576 : f32 to vector<16xf32>
      %mul3A_578 = arith.mulf %get3A_575, %mul3A_577 : vector<16xf32>
      %swap3A_579 = arith.constant 2 : i32
      %swap3A_580 = arith.index_cast %swap3A_579 : i32 to index
      %swap3A_581 = arith.index_cast %scan3A_557 : i32 to index
      %swap3A_582 = arith.constant 16 : index
      %swap3A_583 = tpu.vector_load %arg6[%swap3A_580, %swap3A_581, %swap3A_582] {strides = array<i32>} : memref<4x256x32xf32, #tpu.memory_space<vmem>>, vector<16xf32>,
      tpu.vector_store %arg6[%swap3A_580, %swap3A_581, %swap3A_582], %mul3A_578 {strides = array<i32>} : memref<4x256x32xf32, #tpu.memory_space<vmem>>, vector<16xf32>,
      %scan3A_584 = arith.constant 0 : i32
      %scan3A_585 = arith.constant 2 : i32
      %scan3A_586 = arith.addi %scan3A_529, %scan3A_585 : i32
      %get3A_587 = arith.constant 2 : i32
      %get3A_588 = arith.index_cast %get3A_587 : i32 to index
      %get3A_589 = arith.index_cast %scan3A_586 : i32 to index
      %get3A_590 = arith.constant 0 : index
      %get3A_591 = tpu.vector_load %arg6[%get3A_588, %get3A_589, %get3A_590] {strides = array<i32>} : memref<4x256x32xf32, #tpu.memory_space<vmem>>, vector<16xf32>,
      %mul3A_592 = arith.constant 5.65685415 : f32
      %mul3A_593 = vector.broadcast %mul3A_592 : f32 to vector<16xf32>
      %mul3A_594 = arith.mulf %get3A_591, %mul3A_593 : vector<16xf32>
      %swap3A_595 = arith.constant 2 : i32
      %swap3A_596 = arith.index_cast %swap3A_595 : i32 to index
      %swap3A_597 = arith.index_cast %scan3A_586 : i32 to index
      %swap3A_598 = arith.constant 0 : index
      %swap3A_599 = tpu.vector_load %arg6[%swap3A_596, %swap3A_597, %swap3A_598] {strides = array<i32>} : memref<4x256x32xf32, #tpu.memory_space<vmem>>, vector<16xf32>,
      tpu.vector_store %arg6[%swap3A_596, %swap3A_597, %swap3A_598], %mul3A_594 {strides = array<i32>} : memref<4x256x32xf32, #tpu.memory_space<vmem>>, vector<16xf32>,
      %get3A_600 = arith.constant 2 : i32
      %get3A_601 = arith.index_cast %get3A_600 : i32 to index
      %get3A_602 = arith.index_cast %scan3A_586 : i32 to index
      %get3A_603 = arith.constant 16 : index
      %get3A_604 = tpu.vector_load %arg6[%get3A_601, %get3A_602, %get3A_603] {strides = array<i32>} : memref<4x256x32xf32, #tpu.memory_space<vmem>>, vector<16xf32>,
      %mul3A_605 = arith.constant 5.65685415 : f32
      %mul3A_606 = vector.broadcast %mul3A_605 : f32 to vector<16xf32>
      %mul3A_607 = arith.mulf %get3A_604, %mul3A_606 : vector<16xf32>
      %swap3A_608 = arith.constant 2 : i32
      %swap3A_609 = arith.index_cast %swap3A_608 : i32 to index
      %swap3A_610 = arith.index_cast %scan3A_586 : i32 to index
      %swap3A_611 = arith.constant 16 : index
      %swap3A_612 = tpu.vector_load %arg6[%swap3A_609, %swap3A_610, %swap3A_611] {strides = array<i32>} : memref<4x256x32xf32, #tpu.memory_space<vmem>>, vector<16xf32>,
      tpu.vector_store %arg6[%swap3A_609, %swap3A_610, %swap3A_611], %mul3A_607 {strides = array<i32>} : memref<4x256x32xf32, #tpu.memory_space<vmem>>, vector<16xf32>,
      %scan3A_613 = arith.constant 0 : i32
      %scan3A_614 = arith.constant 3 : i32
      %scan3A_615 = arith.addi %scan3A_529, %scan3A_614 : i32
      %get3A_616 = arith.constant 2 : i32
      %get3A_617 = arith.index_cast %get3A_616 : i32 to index
      %get3A_618 = arith.index_cast %scan3A_615 : i32 to index
      %get3A_619 = arith.constant 0 : index
      %get3A_620 = tpu.vector_load %arg6[%get3A_617, %get3A_618, %get3A_619] {strides = array<i32>} : memref<4x256x32xf32, #tpu.memory_space<vmem>>, vector<16xf32>,
      %mul3A_621 = arith.constant 5.65685415 : f32
      %mul3A_622 = vector.broadcast %mul3A_621 : f32 to vector<16xf32>
      %mul3A_623 = arith.mulf %get3A_620, %mul3A_622 : vector<16xf32>
      %swap3A_624 = arith.constant 2 : i32
      %swap3A_625 = arith.index_cast %swap3A_624 : i32 to index
      %swap3A_626 = arith.index_cast %scan3A_615 : i32 to index
      %swap3A_627 = arith.constant 0 : index
      %swap3A_628 = tpu.vector_load %arg6[%swap3A_625, %swap3A_626, %swap3A_627] {strides = array<i32>} : memref<4x256x32xf32, #tpu.memory_space<vmem>>, vector<16xf32>,
      tpu.vector_store %arg6[%swap3A_625, %swap3A_626, %swap3A_627], %mul3A_623 {strides = array<i32>} : memref<4x256x32xf32, #tpu.memory_space<vmem>>, vector<16xf32>,
      %get3A_629 = arith.constant 2 : i32
      %get3A_630 = arith.index_cast %get3A_629 : i32 to index
      %get3A_631 = arith.index_cast %scan3A_615 : i32 to index
      %get3A_632 = arith.constant 16 : index
      %get3A_633 = tpu.vector_load %arg6[%get3A_630, %get3A_631, %get3A_632] {strides = array<i32>} : memref<4x256x32xf32, #tpu.memory_space<vmem>>, vector<16xf32>,
      %mul3A_634 = arith.constant 5.65685415 : f32
      %mul3A_635 = vector.broadcast %mul3A_634 : f32 to vector<16xf32>
      %mul3A_636 = arith.mulf %get3A_633, %mul3A_635 : vector<16xf32>
      %swap3A_637 = arith.constant 2 : i32
      %swap3A_638 = arith.index_cast %swap3A_637 : i32 to index
      %swap3A_639 = arith.index_cast %scan3A_615 : i32 to index
      %swap3A_640 = arith.constant 16 : index
      %swap3A_641 = tpu.vector_load %arg6[%swap3A_638, %swap3A_639, %swap3A_640] {strides = array<i32>} : memref<4x256x32xf32, #tpu.memory_space<vmem>>, vector<16xf32>,
      tpu.vector_store %arg6[%swap3A_638, %swap3A_639, %swap3A_640], %mul3A_636 {strides = array<i32>} : memref<4x256x32xf32, #tpu.memory_space<vmem>>, vector<16xf32>,
      %scan3A_642 = arith.constant 0 : i32
      %scan3A_643 = arith.constant 4 : i32
      %scan3A_644 = arith.addi %scan3A_529, %scan3A_643 : i32
      %get3A_645 = arith.constant 2 : i32
      %get3A_646 = arith.index_cast %get3A_645 : i32 to index
      %get3A_647 = arith.index_cast %scan3A_644 : i32 to index
      %get3A_648 = arith.constant 0 : index
      %get3A_649 = tpu.vector_load %arg6[%get3A_646, %get3A_647, %get3A_648] {strides = array<i32>} : memref<4x256x32xf32, #tpu.memory_space<vmem>>, vector<16xf32>,
      %mul3A_650 = arith.constant 5.65685415 : f32
      %mul3A_651 = vector.broadcast %mul3A_650 : f32 to vector<16xf32>
      %mul3A_652 = arith.mulf %get3A_649, %mul3A_651 : vector<16xf32>
      %swap3A_653 = arith.constant 2 : i32
      %swap3A_654 = arith.index_cast %swap3A_653 : i32 to index
      %swap3A_655 = arith.index_cast %scan3A_644 : i32 to index
      %swap3A_656 = arith.constant 0 : index
      %swap3A_657 = tpu.vector_load %arg6[%swap3A_654, %swap3A_655, %swap3A_656] {strides = array<i32>} : memref<4x256x32xf32, #tpu.memory_space<vmem>>, vector<16xf32>,
      tpu.vector_store %arg6[%swap3A_654, %swap3A_655, %swap3A_656], %mul3A_652 {strides = array<i32>} : memref<4x256x32xf32, #tpu.memory_space<vmem>>, vector<16xf32>,
      %get3A_658 = arith.constant 2 : i32
      %get3A_659 = arith.index_cast %get3A_658 : i32 to index
      %get3A_660 = arith.index_cast %scan3A_644 : i32 to index
      %get3A_661 = arith.constant 16 : index
      %get3A_662 = tpu.vector_load %arg6[%get3A_659, %get3A_660, %get3A_661] {strides = array<i32>} : memref<4x256x32xf32, #tpu.memory_space<vmem>>, vector<16xf32>,
      %mul3A_663 = arith.constant 5.65685415 : f32
      %mul3A_664 = vector.broadcast %mul3A_663 : f32 to vector<16xf32>
      %mul3A_665 = arith.mulf %get3A_662, %mul3A_664 : vector<16xf32>
      %swap3A_666 = arith.constant 2 : i32
      %swap3A_667 = arith.index_cast %swap3A_666 : i32 to index
      %swap3A_668 = arith.index_cast %scan3A_644 : i32 to index
      %swap3A_669 = arith.constant 16 : index
      %swap3A_670 = tpu.vector_load %arg6[%swap3A_667, %swap3A_668, %swap3A_669] {strides = array<i32>} : memref<4x256x32xf32, #tpu.memory_space<vmem>>, vector<16xf32>,
      tpu.vector_store %arg6[%swap3A_667, %swap3A_668, %swap3A_669], %mul3A_665 {strides = array<i32>} : memref<4x256x32xf32, #tpu.memory_space<vmem>>, vector<16xf32>,
      %scan3A_671 = arith.constant 0 : i32
      %scan3A_672 = arith.constant 5 : i32
      %scan3A_673 = arith.addi %scan3A_529, %scan3A_672 : i32
      %get3A_674 = arith.constant 2 : i32
      %get3A_675 = arith.index_cast %get3A_674 : i32 to index
      %get3A_676 = arith.index_cast %scan3A_673 : i32 to index
      %get3A_677 = arith.constant 0 : index
      %get3A_678 = tpu.vector_load %arg6[%get3A_675, %get3A_676, %get3A_677] {strides = array<i32>} : memref<4x256x32xf32, #tpu.memory_space<vmem>>, vector<16xf32>,
      %mul3A_679 = arith.constant 5.65685415 : f32
      %mul3A_680 = vector.broadcast %mul3A_679 : f32 to vector<16xf32>
      %mul3A_681 = arith.mulf %get3A_678, %mul3A_680 : vector<16xf32>
      %swap3A_682 = arith.constant 2 : i32
      %swap3A_683 = arith.index_cast %swap3A_682 : i32 to index
      %swap3A_684 = arith.index_cast %scan3A_673 : i32 to index
      %swap3A_685 = arith.constant 0 : index
      %swap3A_686 = tpu.vector_load %arg6[%swap3A_683, %swap3A_684, %swap3A_685] {strides = array<i32>} : memref<4x256x32xf32, #tpu.memory_space<vmem>>, vector<16xf32>,
      tpu.vector_store %arg6[%swap3A_683, %swap3A_684, %swap3A_685], %mul3A_681 {strides = array<i32>} : memref<4x256x32xf32, #tpu.memory_space<vmem>>, vector<16xf32>,
      %get3A_687 = arith.constant 2 : i32
      %get3A_688 = arith.index_cast %get3A_687 : i32 to index
      %get3A_689 = arith.index_cast %scan3A_673 : i32 to index
      %get3A_690 = arith.constant 16 : index
      %get3A_691 = tpu.vector_load %arg6[%get3A_688, %get3A_689, %get3A_690] {strides = array<i32>} : memref<4x256x32xf32, #tpu.memory_space<vmem>>, vector<16xf32>,
      %mul3A_692 = arith.constant 5.65685415 : f32
      %mul3A_693 = vector.broadcast %mul3A_692 : f32 to vector<16xf32>
      %mul3A_694 = arith.mulf %get3A_691, %mul3A_693 : vector<16xf32>
      %swap3A_695 = arith.constant 2 : i32
      %swap3A_696 = arith.index_cast %swap3A_695 : i32 to index
      %swap3A_697 = arith.index_cast %scan3A_673 : i32 to index
      %swap3A_698 = arith.constant 16 : index
      %swap3A_699 = tpu.vector_load %arg6[%swap3A_696, %swap3A_697, %swap3A_698] {strides = array<i32>} : memref<4x256x32xf32, #tpu.memory_space<vmem>>, vector<16xf32>,
      tpu.vector_store %arg6[%swap3A_696, %swap3A_697, %swap3A_698], %mul3A_694 {strides = array<i32>} : memref<4x256x32xf32, #tpu.memory_space<vmem>>, vector<16xf32>,
      %scan3A_700 = arith.constant 0 : i32
      %scan3A_701 = arith.constant 6 : i32
      %scan3A_702 = arith.addi %scan3A_529, %scan3A_701 : i32
      %get3A_703 = arith.constant 2 : i32
      %get3A_704 = arith.index_cast %get3A_703 : i32 to index
      %get3A_705 = arith.index_cast %scan3A_702 : i32 to index
      %get3A_706 = arith.constant 0 : index
      %get3A_707 = tpu.vector_load %arg6[%get3A_704, %get3A_705, %get3A_706] {strides = array<i32>} : memref<4x256x32xf32, #tpu.memory_space<vmem>>, vector<16xf32>,
      %mul3A_708 = arith.constant 5.65685415 : f32
      %mul3A_709 = vector.broadcast %mul3A_708 : f32 to vector<16xf32>
      %mul3A_710 = arith.mulf %get3A_707, %mul3A_709 : vector<16xf32>
      %swap3A_711 = arith.constant 2 : i32
      %swap3A_712 = arith.index_cast %swap3A_711 : i32 to index
      %swap3A_713 = arith.index_cast %scan3A_702 : i32 to index
      %swap3A_714 = arith.constant 0 : index
      %swap3A_715 = tpu.vector_load %arg6[%swap3A_712, %swap3A_713, %swap3A_714] {strides = array<i32>} : memref<4x256x32xf32, #tpu.memory_space<vmem>>, vector<16xf32>,
      tpu.vector_store %arg6[%swap3A_712, %swap3A_713, %swap3A_714], %mul3A_710 {strides = array<i32>} : memref<4x256x32xf32, #tpu.memory_space<vmem>>, vector<16xf32>,
      %get3A_716 = arith.constant 2 : i32
      %get3A_717 = arith.index_cast %get3A_716 : i32 to index
      %get3A_718 = arith.index_cast %scan3A_702 : i32 to index
      %get3A_719 = arith.constant 16 : index
      %get3A_720 = tpu.vector_load %arg6[%get3A_717, %get3A_718, %get3A_719] {strides = array<i32>} : memref<4x256x32xf32, #tpu.memory_space<vmem>>, vector<16xf32>,
      %mul3A_721 = arith.constant 5.65685415 : f32
      %mul3A_722 = vector.broadcast %mul3A_721 : f32 to vector<16xf32>
      %mul3A_723 = arith.mulf %get3A_720, %mul3A_722 : vector<16xf32>
      %swap3A_724 = arith.constant 2 : i32
      %swap3A_725 = arith.index_cast %swap3A_724 : i32 to index
      %swap3A_726 = arith.index_cast %scan3A_702 : i32 to index
      %swap3A_727 = arith.constant 16 : index
      %swap3A_728 = tpu.vector_load %arg6[%swap3A_725, %swap3A_726, %swap3A_727] {strides = array<i32>} : memref<4x256x32xf32, #tpu.memory_space<vmem>>, vector<16xf32>,
      tpu.vector_store %arg6[%swap3A_725, %swap3A_726, %swap3A_727], %mul3A_723 {strides = array<i32>} : memref<4x256x32xf32, #tpu.memory_space<vmem>>, vector<16xf32>,
      %scan3A_729 = arith.constant 0 : i32
      %scan3A_730 = arith.constant 7 : i32
      %scan3A_731 = arith.addi %scan3A_529, %scan3A_730 : i32
      %get3A_732 = arith.constant 2 : i32
      %get3A_733 = arith.index_cast %get3A_732 : i32 to index
      %get3A_734 = arith.index_cast %scan3A_731 : i32 to index
      %get3A_735 = arith.constant 0 : index
      %get3A_736 = tpu.vector_load %arg6[%get3A_733, %get3A_734, %get3A_735] {strides = array<i32>} : memref<4x256x32xf32, #tpu.memory_space<vmem>>, vector<16xf32>,
      %mul3A_737 = arith.constant 5.65685415 : f32
      %mul3A_738 = vector.broadcast %mul3A_737 : f32 to vector<16xf32>
      %mul3A_739 = arith.mulf %get3A_736, %mul3A_738 : vector<16xf32>
      %swap3A_740 = arith.constant 2 : i32
      %swap3A_741 = arith.index_cast %swap3A_740 : i32 to index
      %swap3A_742 = arith.index_cast %scan3A_731 : i32 to index
      %swap3A_743 = arith.constant 0 : index
      %swap3A_744 = tpu.vector_load %arg6[%swap3A_741, %swap3A_742, %swap3A_743] {strides = array<i32>} : memref<4x256x32xf32, #tpu.memory_space<vmem>>, vector<16xf32>,
      tpu.vector_store %arg6[%swap3A_741, %swap3A_742, %swap3A_743], %mul3A_739 {strides = array<i32>} : memref<4x256x32xf32, #tpu.memory_space<vmem>>, vector<16xf32>,
      %get3A_745 = arith.constant 2 : i32
      %get3A_746 = arith.index_cast %get3A_745 : i32 to index
      %get3A_747 = arith.index_cast %scan3A_731 : i32 to index
      %get3A_748 = arith.constant 16 : index
      %get3A_749 = tpu.vector_load %arg6[%get3A_746, %get3A_747, %get3A_748] {strides = array<i32>} : memref<4x256x32xf32, #tpu.memory_space<vmem>>, vector<16xf32>,
      %mul3A_750 = arith.constant 5.65685415 : f32
      %mul3A_751 = vector.broadcast %mul3A_750 : f32 to vector<16xf32>
      %mul3A_752 = arith.mulf %get3A_749, %mul3A_751 : vector<16xf32>
      %swap3A_753 = arith.constant 2 : i32
      %swap3A_754 = arith.index_cast %swap3A_753 : i32 to index
      %swap3A_755 = arith.index_cast %scan3A_731 : i32 to index
      %swap3A_756 = arith.constant 16 : index
      %swap3A_757 = tpu.vector_load %arg6[%swap3A_754, %swap3A_755, %swap3A_756] {strides = array<i32>} : memref<4x256x32xf32, #tpu.memory_space<vmem>>, vector<16xf32>,
      tpu.vector_store %arg6[%swap3A_754, %swap3A_755, %swap3A_756], %mul3A_752 {strides = array<i32>} : memref<4x256x32xf32, #tpu.memory_space<vmem>>, vector<16xf32>,
      %scan3A_758 = arith.constant 0 : i32
      scf.yield %scan3A_758 : i32
    }
    %scan3A_169 = arith.constant 256 : i32
    %add3A_170 = arith.constant 2 : i32
    %add3A_171 = arith.addi %mul3A_2, %add3A_170 : i32
    %mul3A_172 = arith.constant 256 : i32
    %mul3A_173 = arith.muli %add3A_171, %mul3A_172 : i32
    %dma_start3A_174 = arith.constant 2 : i32
    %dma_start3A_175 = arith.constant 0 : i32
    %dma_start3A_176 = arith.constant 0 : i32
    %dma_start3A_177 = tpu.memref_slice %arg6[%dma_start3A_174, %dma_start3A_175, %dma_start3A_176] : memref<4x256x32xf32, #tpu.memory_space<vmem>> -> memref<1x256x32xf32, #tpu.memory_space<vmem>>
    %dma_start3A_178 = tpu.memref_squeeze %dma_start3A_177 : memref<1x256x32xf32, #tpu.memory_space<vmem>> -> memref<256x32xf32, #tpu.memory_space<vmem>>
    %dma_start3A_179 = arith.constant 0 : i32
    %dma_start3A_180 = tpu.memref_slice %arg4[%mul3A_173, %dma_start3A_179] : memref<819200x32xf32, #tpu.memory_space<hbm>> -> memref<256x32xf32, #tpu.memory_space<hbm>>
    %dma_start3A_181 = arith.constant 0 : i32
    %dma_start3A_182 = tpu.memref_slice %arg4[%mul3A_173, %dma_start3A_181] : memref<819200x32xf32, #tpu.memory_space<hbm>> -> memref<256x32xf32, #tpu.memory_space<hbm>>
    %dma_start3A_183 = arith.constant 0 : i32
    %dma_start3A_184 = arith.constant 0 : i32
    %dma_start3A_185 = tpu.memref_slice %arg6[%dma_start3A_174, %dma_start3A_183, %dma_start3A_184] : memref<4x256x32xf32, #tpu.memory_space<vmem>> -> memref<1x256x32xf32, #tpu.memory_space<vmem>>
    %dma_start3A_186 = tpu.memref_squeeze %dma_start3A_185 : memref<1x256x32xf32, #tpu.memory_space<vmem>> -> memref<256x32xf32, #tpu.memory_space<vmem>>
    tpu.enqueue_dma source(%dma_start3A_186 : memref<256x32xf32, #tpu.memory_space<vmem>>) target(%dma_start3A_182 : memref<256x32xf32, #tpu.memory_space<hbm>>) target_semaphore(%arg13 : memref<!tpu.dma_semaphore, #tpu.memory_space<semaphore_mem>>)
    %add3A_187 = arith.constant 1 : i32
    %add3A_188 = arith.addi %mul3A_2, %add3A_187 : i32
    %mul3A_189 = arith.constant 256 : i32
    %mul3A_190 = arith.muli %add3A_188, %mul3A_189 : i32
    %dma_wait3A_191 = arith.constant 1 : i32
    %dma_wait3A_192 = arith.constant 0 : i32
    %dma_wait3A_193 = arith.constant 0 : i32
    %dma_wait3A_194 = tpu.memref_slice %arg6[%dma_wait3A_191, %dma_wait3A_192, %dma_wait3A_193] : memref<4x256x32xf32, #tpu.memory_space<vmem>> -> memref<1x256x32xf32, #tpu.memory_space<vmem>>
    %dma_wait3A_195 = tpu.memref_squeeze %dma_wait3A_194 : memref<1x256x32xf32, #tpu.memory_space<vmem>> -> memref<256x32xf32, #tpu.memory_space<vmem>>
    %dma_wait3A_196 = arith.constant 0 : i32
    %dma_wait3A_197 = tpu.memref_slice %arg4[%mul3A_190, %dma_wait3A_196] : memref<819200x32xf32, #tpu.memory_space<hbm>> -> memref<256x32xf32, #tpu.memory_space<hbm>>
    %dma_wait3A_198 = arith.constant 0 : i32
    %dma_wait3A_199 = tpu.memref_slice %arg4[%mul3A_190, %dma_wait3A_198] : memref<819200x32xf32, #tpu.memory_space<hbm>> -> memref<256x32xf32, #tpu.memory_space<hbm>>
    %dma_wait3A_200 = arith.constant 0 : i32
    %dma_wait3A_201 = arith.constant 0 : i32
    %dma_wait3A_202 = tpu.memref_slice %arg6[%dma_wait3A_191, %dma_wait3A_200, %dma_wait3A_201] : memref<4x256x32xf32, #tpu.memory_space<vmem>> -> memref<1x256x32xf32, #tpu.memory_space<vmem>>
    %dma_wait3A_203 = tpu.memref_squeeze %dma_wait3A_202 : memref<1x256x32xf32, #tpu.memory_space<vmem>> -> memref<256x32xf32, #tpu.memory_space<vmem>>
    tpu.wait_dma2 semaphore(%arg12 : memref<!tpu.dma_semaphore, #tpu.memory_space<semaphore_mem>>) src(%dma_wait3A_203 : memref<256x32xf32, #tpu.memory_space<vmem>>) dst(%dma_wait3A_199 : memref<256x32xf32, #tpu.memory_space<hbm>>)
    %mul3A_204 = arith.constant 5 : i32
    %mul3A_205 = arith.constant 256 : i32
    %mul3A_206 = arith.muli %mul3A_204, %mul3A_205 : i32
    %dma_start3A_207 = arith.constant 1 : i32
    %dma_start3A_208 = arith.constant 0 : i32
    %dma_start3A_209 = arith.constant 0 : i32
    %dma_start3A_210 = tpu.memref_slice %arg6[%dma_start3A_207, %dma_start3A_208, %dma_start3A_209] : memref<4x256x32xf32, #tpu.memory_space<vmem>> -> memref<1x256x32xf32, #tpu.memory_space<vmem>>
    %dma_start3A_211 = tpu.memref_squeeze %dma_start3A_210 : memref<1x256x32xf32, #tpu.memory_space<vmem>> -> memref<256x32xf32, #tpu.memory_space<vmem>>
    %dma_start3A_212 = tpu.memref_slice %arg5[%mul3A_206] : memref<25600xi32, #tpu.memory_space<vmem>> -> memref<256xi32, #tpu.memory_space<vmem>>
    %dma_start3A_213 = arith.constant 0 : i32
    %dma_start3A_214 = arith.constant 0 : i32
    %dma_start3A_215 = tpu.memref_slice %arg3[%dma_start3A_213, %dma_start3A_214] : memref<1000000x32xf32, #tpu.memory_space<hbm>> -> memref<1000000x32xf32, #tpu.memory_space<hbm>>
    tpu.enqueue_indirect_dma source(%dma_start3A_215 : memref<1000000x32xf32, #tpu.memory_space<hbm>>) target(%dma_start3A_211 : memref<256x32xf32, #tpu.memory_space<vmem>>) offsets(%dma_start3A_212 : memref<256xi32, #tpu.memory_space<vmem>>) semaphore(%arg8 : memref<!tpu.dma_semaphore, #tpu.memory_space<semaphore_mem>>)
    %mul3A_216 = arith.constant 3 : i32
    %mul3A_217 = arith.constant 256 : i32
    %mul3A_218 = arith.muli %mul3A_216, %mul3A_217 : i32
    %dma_wait3A_219 = arith.constant 3 : i32
    %dma_wait3A_220 = arith.constant 0 : i32
    %dma_wait3A_221 = arith.constant 0 : i32
    %dma_wait3A_222 = tpu.memref_slice %arg6[%dma_wait3A_219, %dma_wait3A_220, %dma_wait3A_221] : memref<4x256x32xf32, #tpu.memory_space<vmem>> -> memref<1x256x32xf32, #tpu.memory_space<vmem>>
    %dma_wait3A_223 = tpu.memref_squeeze %dma_wait3A_222 : memref<1x256x32xf32, #tpu.memory_space<vmem>> -> memref<256x32xf32, #tpu.memory_space<vmem>>
    %dma_wait3A_224 = tpu.memref_slice %arg5[%mul3A_218] : memref<25600xi32, #tpu.memory_space<vmem>> -> memref<256xi32, #tpu.memory_space<vmem>>
    %dma_wait3A_225 = arith.constant 0 : i32
    %dma_wait3A_226 = arith.constant 0 : i32
    %dma_wait3A_227 = tpu.memref_slice %arg3[%dma_wait3A_225, %dma_wait3A_226] : memref<1000000x32xf32, #tpu.memory_space<hbm>> -> memref<1000000x32xf32, #tpu.memory_space<hbm>>
    tpu.wait_indirect_dma semaphore(%arg10 : memref<!tpu.dma_semaphore, #tpu.memory_space<semaphore_mem>>) src(%dma_wait3A_227 : memref<1000000x32xf32, #tpu.memory_space<hbm>>) dst(%dma_wait3A_223 : memref<256x32xf32, #tpu.memory_space<vmem>>)
    %scan3A_228 = arith.constant 0 : i32
    %scan3A_229 = arith.constant 0 : i32
    %scan3A_230 = arith.constant 256 : i32
    %scan3A_231 = arith.addi %scan3A_229, %scan3A_230 : i32
    %scan3A_232 = arith.constant 8 : i32
    %scan3A_233 = scf.for %scan3A_529 = %scan3A_229 to %scan3A_231 step %scan3A_232 iter_args(%scan3A_530 = %scan3A_228) -> (i32)  : i32 {
      %get3A = arith.constant 3 : i32
      %get3A_531 = arith.index_cast %get3A : i32 to index
      %get3A_532 = arith.index_cast %scan3A_529 : i32 to index
      %get3A_533 = arith.constant 0 : index
      %get3A_534 = tpu.vector_load %arg6[%get3A_531, %get3A_532, %get3A_533] {strides = array<i32>} : memref<4x256x32xf32, #tpu.memory_space<vmem>>, vector<16xf32>,
      %mul3A_535 = arith.constant 5.65685415 : f32
      %mul3A_536 = vector.broadcast %mul3A_535 : f32 to vector<16xf32>
      %mul3A_537 = arith.mulf %get3A_534, %mul3A_536 : vector<16xf32>
      %swap3A = arith.constant 3 : i32
      %swap3A_538 = arith.index_cast %swap3A : i32 to index
      %swap3A_539 = arith.index_cast %scan3A_529 : i32 to index
      %swap3A_540 = arith.constant 0 : index
      %swap3A_541 = tpu.vector_load %arg6[%swap3A_538, %swap3A_539, %swap3A_540] {strides = array<i32>} : memref<4x256x32xf32, #tpu.memory_space<vmem>>, vector<16xf32>,
      tpu.vector_store %arg6[%swap3A_538, %swap3A_539, %swap3A_540], %mul3A_537 {strides = array<i32>} : memref<4x256x32xf32, #tpu.memory_space<vmem>>, vector<16xf32>,
      %get3A_542 = arith.constant 3 : i32
      %get3A_543 = arith.index_cast %get3A_542 : i32 to index
      %get3A_544 = arith.index_cast %scan3A_529 : i32 to index
      %get3A_545 = arith.constant 16 : index
      %get3A_546 = tpu.vector_load %arg6[%get3A_543, %get3A_544, %get3A_545] {strides = array<i32>} : memref<4x256x32xf32, #tpu.memory_space<vmem>>, vector<16xf32>,
      %mul3A_547 = arith.constant 5.65685415 : f32
      %mul3A_548 = vector.broadcast %mul3A_547 : f32 to vector<16xf32>
      %mul3A_549 = arith.mulf %get3A_546, %mul3A_548 : vector<16xf32>
      %swap3A_550 = arith.constant 3 : i32
      %swap3A_551 = arith.index_cast %swap3A_550 : i32 to index
      %swap3A_552 = arith.index_cast %scan3A_529 : i32 to index
      %swap3A_553 = arith.constant 16 : index
      %swap3A_554 = tpu.vector_load %arg6[%swap3A_551, %swap3A_552, %swap3A_553] {strides = array<i32>} : memref<4x256x32xf32, #tpu.memory_space<vmem>>, vector<16xf32>,
      tpu.vector_store %arg6[%swap3A_551, %swap3A_552, %swap3A_553], %mul3A_549 {strides = array<i32>} : memref<4x256x32xf32, #tpu.memory_space<vmem>>, vector<16xf32>,
      %scan3A_555 = arith.constant 0 : i32
      %scan3A_556 = arith.constant 1 : i32
      %scan3A_557 = arith.addi %scan3A_529, %scan3A_556 : i32
      %get3A_558 = arith.constant 3 : i32
      %get3A_559 = arith.index_cast %get3A_558 : i32 to index
      %get3A_560 = arith.index_cast %scan3A_557 : i32 to index
      %get3A_561 = arith.constant 0 : index
      %get3A_562 = tpu.vector_load %arg6[%get3A_559, %get3A_560, %get3A_561] {strides = array<i32>} : memref<4x256x32xf32, #tpu.memory_space<vmem>>, vector<16xf32>,
      %mul3A_563 = arith.constant 5.65685415 : f32
      %mul3A_564 = vector.broadcast %mul3A_563 : f32 to vector<16xf32>
      %mul3A_565 = arith.mulf %get3A_562, %mul3A_564 : vector<16xf32>
      %swap3A_566 = arith.constant 3 : i32
      %swap3A_567 = arith.index_cast %swap3A_566 : i32 to index
      %swap3A_568 = arith.index_cast %scan3A_557 : i32 to index
      %swap3A_569 = arith.constant 0 : index
      %swap3A_570 = tpu.vector_load %arg6[%swap3A_567, %swap3A_568, %swap3A_569] {strides = array<i32>} : memref<4x256x32xf32, #tpu.memory_space<vmem>>, vector<16xf32>,
      tpu.vector_store %arg6[%swap3A_567, %swap3A_568, %swap3A_569], %mul3A_565 {strides = array<i32>} : memref<4x256x32xf32, #tpu.memory_space<vmem>>, vector<16xf32>,
      %get3A_571 = arith.constant 3 : i32
      %get3A_572 = arith.index_cast %get3A_571 : i32 to index
      %get3A_573 = arith.index_cast %scan3A_557 : i32 to index
      %get3A_574 = arith.constant 16 : index
      %get3A_575 = tpu.vector_load %arg6[%get3A_572, %get3A_573, %get3A_574] {strides = array<i32>} : memref<4x256x32xf32, #tpu.memory_space<vmem>>, vector<16xf32>,
      %mul3A_576 = arith.constant 5.65685415 : f32
      %mul3A_577 = vector.broadcast %mul3A_576 : f32 to vector<16xf32>
      %mul3A_578 = arith.mulf %get3A_575, %mul3A_577 : vector<16xf32>
      %swap3A_579 = arith.constant 3 : i32
      %swap3A_580 = arith.index_cast %swap3A_579 : i32 to index
      %swap3A_581 = arith.index_cast %scan3A_557 : i32 to index
      %swap3A_582 = arith.constant 16 : index
      %swap3A_583 = tpu.vector_load %arg6[%swap3A_580, %swap3A_581, %swap3A_582] {strides = array<i32>} : memref<4x256x32xf32, #tpu.memory_space<vmem>>, vector<16xf32>,
      tpu.vector_store %arg6[%swap3A_580, %swap3A_581, %swap3A_582], %mul3A_578 {strides = array<i32>} : memref<4x256x32xf32, #tpu.memory_space<vmem>>, vector<16xf32>,
      %scan3A_584 = arith.constant 0 : i32
      %scan3A_585 = arith.constant 2 : i32
      %scan3A_586 = arith.addi %scan3A_529, %scan3A_585 : i32
      %get3A_587 = arith.constant 3 : i32
      %get3A_588 = arith.index_cast %get3A_587 : i32 to index
      %get3A_589 = arith.index_cast %scan3A_586 : i32 to index
      %get3A_590 = arith.constant 0 : index
      %get3A_591 = tpu.vector_load %arg6[%get3A_588, %get3A_589, %get3A_590] {strides = array<i32>} : memref<4x256x32xf32, #tpu.memory_space<vmem>>, vector<16xf32>,
      %mul3A_592 = arith.constant 5.65685415 : f32
      %mul3A_593 = vector.broadcast %mul3A_592 : f32 to vector<16xf32>
      %mul3A_594 = arith.mulf %get3A_591, %mul3A_593 : vector<16xf32>
      %swap3A_595 = arith.constant 3 : i32
      %swap3A_596 = arith.index_cast %swap3A_595 : i32 to index
      %swap3A_597 = arith.index_cast %scan3A_586 : i32 to index
      %swap3A_598 = arith.constant 0 : index
      %swap3A_599 = tpu.vector_load %arg6[%swap3A_596, %swap3A_597, %swap3A_598] {strides = array<i32>} : memref<4x256x32xf32, #tpu.memory_space<vmem>>, vector<16xf32>,
      tpu.vector_store %arg6[%swap3A_596, %swap3A_597, %swap3A_598], %mul3A_594 {strides = array<i32>} : memref<4x256x32xf32, #tpu.memory_space<vmem>>, vector<16xf32>,
      %get3A_600 = arith.constant 3 : i32
      %get3A_601 = arith.index_cast %get3A_600 : i32 to index
      %get3A_602 = arith.index_cast %scan3A_586 : i32 to index
      %get3A_603 = arith.constant 16 : index
      %get3A_604 = tpu.vector_load %arg6[%get3A_601, %get3A_602, %get3A_603] {strides = array<i32>} : memref<4x256x32xf32, #tpu.memory_space<vmem>>, vector<16xf32>,
      %mul3A_605 = arith.constant 5.65685415 : f32
      %mul3A_606 = vector.broadcast %mul3A_605 : f32 to vector<16xf32>
      %mul3A_607 = arith.mulf %get3A_604, %mul3A_606 : vector<16xf32>
      %swap3A_608 = arith.constant 3 : i32
      %swap3A_609 = arith.index_cast %swap3A_608 : i32 to index
      %swap3A_610 = arith.index_cast %scan3A_586 : i32 to index
      %swap3A_611 = arith.constant 16 : index
      %swap3A_612 = tpu.vector_load %arg6[%swap3A_609, %swap3A_610, %swap3A_611] {strides = array<i32>} : memref<4x256x32xf32, #tpu.memory_space<vmem>>, vector<16xf32>,
      tpu.vector_store %arg6[%swap3A_609, %swap3A_610, %swap3A_611], %mul3A_607 {strides = array<i32>} : memref<4x256x32xf32, #tpu.memory_space<vmem>>, vector<16xf32>,
      %scan3A_613 = arith.constant 0 : i32
      %scan3A_614 = arith.constant 3 : i32
      %scan3A_615 = arith.addi %scan3A_529, %scan3A_614 : i32
      %get3A_616 = arith.constant 3 : i32
      %get3A_617 = arith.index_cast %get3A_616 : i32 to index
      %get3A_618 = arith.index_cast %scan3A_615 : i32 to index
      %get3A_619 = arith.constant 0 : index
      %get3A_620 = tpu.vector_load %arg6[%get3A_617, %get3A_618, %get3A_619] {strides = array<i32>} : memref<4x256x32xf32, #tpu.memory_space<vmem>>, vector<16xf32>,
      %mul3A_621 = arith.constant 5.65685415 : f32
      %mul3A_622 = vector.broadcast %mul3A_621 : f32 to vector<16xf32>
      %mul3A_623 = arith.mulf %get3A_620, %mul3A_622 : vector<16xf32>
      %swap3A_624 = arith.constant 3 : i32
      %swap3A_625 = arith.index_cast %swap3A_624 : i32 to index
      %swap3A_626 = arith.index_cast %scan3A_615 : i32 to index
      %swap3A_627 = arith.constant 0 : index
      %swap3A_628 = tpu.vector_load %arg6[%swap3A_625, %swap3A_626, %swap3A_627] {strides = array<i32>} : memref<4x256x32xf32, #tpu.memory_space<vmem>>, vector<16xf32>,
      tpu.vector_store %arg6[%swap3A_625, %swap3A_626, %swap3A_627], %mul3A_623 {strides = array<i32>} : memref<4x256x32xf32, #tpu.memory_space<vmem>>, vector<16xf32>,
      %get3A_629 = arith.constant 3 : i32
      %get3A_630 = arith.index_cast %get3A_629 : i32 to index
      %get3A_631 = arith.index_cast %scan3A_615 : i32 to index
      %get3A_632 = arith.constant 16 : index
      %get3A_633 = tpu.vector_load %arg6[%get3A_630, %get3A_631, %get3A_632] {strides = array<i32>} : memref<4x256x32xf32, #tpu.memory_space<vmem>>, vector<16xf32>,
      %mul3A_634 = arith.constant 5.65685415 : f32
      %mul3A_635 = vector.broadcast %mul3A_634 : f32 to vector<16xf32>
      %mul3A_636 = arith.mulf %get3A_633, %mul3A_635 : vector<16xf32>
      %swap3A_637 = arith.constant 3 : i32
      %swap3A_638 = arith.index_cast %swap3A_637 : i32 to index
      %swap3A_639 = arith.index_cast %scan3A_615 : i32 to index
      %swap3A_640 = arith.constant 16 : index
      %swap3A_641 = tpu.vector_load %arg6[%swap3A_638, %swap3A_639, %swap3A_640] {strides = array<i32>} : memref<4x256x32xf32, #tpu.memory_space<vmem>>, vector<16xf32>,
      tpu.vector_store %arg6[%swap3A_638, %swap3A_639, %swap3A_640], %mul3A_636 {strides = array<i32>} : memref<4x256x32xf32, #tpu.memory_space<vmem>>, vector<16xf32>,
      %scan3A_642 = arith.constant 0 : i32
      %scan3A_643 = arith.constant 4 : i32
      %scan3A_644 = arith.addi %scan3A_529, %scan3A_643 : i32
      %get3A_645 = arith.constant 3 : i32
      %get3A_646 = arith.index_cast %get3A_645 : i32 to index
      %get3A_647 = arith.index_cast %scan3A_644 : i32 to index
      %get3A_648 = arith.constant 0 : index
      %get3A_649 = tpu.vector_load %arg6[%get3A_646, %get3A_647, %get3A_648] {strides = array<i32>} : memref<4x256x32xf32, #tpu.memory_space<vmem>>, vector<16xf32>,
      %mul3A_650 = arith.constant 5.65685415 : f32
      %mul3A_651 = vector.broadcast %mul3A_650 : f32 to vector<16xf32>
      %mul3A_652 = arith.mulf %get3A_649, %mul3A_651 : vector<16xf32>
      %swap3A_653 = arith.constant 3 : i32
      %swap3A_654 = arith.index_cast %swap3A_653 : i32 to index
      %swap3A_655 = arith.index_cast %scan3A_644 : i32 to index
      %swap3A_656 = arith.constant 0 : index
      %swap3A_657 = tpu.vector_load %arg6[%swap3A_654, %swap3A_655, %swap3A_656] {strides = array<i32>} : memref<4x256x32xf32, #tpu.memory_space<vmem>>, vector<16xf32>,
      tpu.vector_store %arg6[%swap3A_654, %swap3A_655, %swap3A_656], %mul3A_652 {strides = array<i32>} : memref<4x256x32xf32, #tpu.memory_space<vmem>>, vector<16xf32>,
      %get3A_658 = arith.constant 3 : i32
      %get3A_659 = arith.index_cast %get3A_658 : i32 to index
      %get3A_660 = arith.index_cast %scan3A_644 : i32 to index
      %get3A_661 = arith.constant 16 : index
      %get3A_662 = tpu.vector_load %arg6[%get3A_659, %get3A_660, %get3A_661] {strides = array<i32>} : memref<4x256x32xf32, #tpu.memory_space<vmem>>, vector<16xf32>,
      %mul3A_663 = arith.constant 5.65685415 : f32
      %mul3A_664 = vector.broadcast %mul3A_663 : f32 to vector<16xf32>
      %mul3A_665 = arith.mulf %get3A_662, %mul3A_664 : vector<16xf32>
      %swap3A_666 = arith.constant 3 : i32
      %swap3A_667 = arith.index_cast %swap3A_666 : i32 to index
      %swap3A_668 = arith.index_cast %scan3A_644 : i32 to index
      %swap3A_669 = arith.constant 16 : index
      %swap3A_670 = tpu.vector_load %arg6[%swap3A_667, %swap3A_668, %swap3A_669] {strides = array<i32>} : memref<4x256x32xf32, #tpu.memory_space<vmem>>, vector<16xf32>,
      tpu.vector_store %arg6[%swap3A_667, %swap3A_668, %swap3A_669], %mul3A_665 {strides = array<i32>} : memref<4x256x32xf32, #tpu.memory_space<vmem>>, vector<16xf32>,
      %scan3A_671 = arith.constant 0 : i32
      %scan3A_672 = arith.constant 5 : i32
      %scan3A_673 = arith.addi %scan3A_529, %scan3A_672 : i32
      %get3A_674 = arith.constant 3 : i32
      %get3A_675 = arith.index_cast %get3A_674 : i32 to index
      %get3A_676 = arith.index_cast %scan3A_673 : i32 to index
      %get3A_677 = arith.constant 0 : index
      %get3A_678 = tpu.vector_load %arg6[%get3A_675, %get3A_676, %get3A_677] {strides = array<i32>} : memref<4x256x32xf32, #tpu.memory_space<vmem>>, vector<16xf32>,
      %mul3A_679 = arith.constant 5.65685415 : f32
      %mul3A_680 = vector.broadcast %mul3A_679 : f32 to vector<16xf32>
      %mul3A_681 = arith.mulf %get3A_678, %mul3A_680 : vector<16xf32>
      %swap3A_682 = arith.constant 3 : i32
      %swap3A_683 = arith.index_cast %swap3A_682 : i32 to index
      %swap3A_684 = arith.index_cast %scan3A_673 : i32 to index
      %swap3A_685 = arith.constant 0 : index
      %swap3A_686 = tpu.vector_load %arg6[%swap3A_683, %swap3A_684, %swap3A_685] {strides = array<i32>} : memref<4x256x32xf32, #tpu.memory_space<vmem>>, vector<16xf32>,
      tpu.vector_store %arg6[%swap3A_683, %swap3A_684, %swap3A_685], %mul3A_681 {strides = array<i32>} : memref<4x256x32xf32, #tpu.memory_space<vmem>>, vector<16xf32>,
      %get3A_687 = arith.constant 3 : i32
      %get3A_688 = arith.index_cast %get3A_687 : i32 to index
      %get3A_689 = arith.index_cast %scan3A_673 : i32 to index
      %get3A_690 = arith.constant 16 : index
      %get3A_691 = tpu.vector_load %arg6[%get3A_688, %get3A_689, %get3A_690] {strides = array<i32>} : memref<4x256x32xf32, #tpu.memory_space<vmem>>, vector<16xf32>,
      %mul3A_692 = arith.constant 5.65685415 : f32
      %mul3A_693 = vector.broadcast %mul3A_692 : f32 to vector<16xf32>
      %mul3A_694 = arith.mulf %get3A_691, %mul3A_693 : vector<16xf32>
      %swap3A_695 = arith.constant 3 : i32
      %swap3A_696 = arith.index_cast %swap3A_695 : i32 to index
      %swap3A_697 = arith.index_cast %scan3A_673 : i32 to index
      %swap3A_698 = arith.constant 16 : index
      %swap3A_699 = tpu.vector_load %arg6[%swap3A_696, %swap3A_697, %swap3A_698] {strides = array<i32>} : memref<4x256x32xf32, #tpu.memory_space<vmem>>, vector<16xf32>,
      tpu.vector_store %arg6[%swap3A_696, %swap3A_697, %swap3A_698], %mul3A_694 {strides = array<i32>} : memref<4x256x32xf32, #tpu.memory_space<vmem>>, vector<16xf32>,
      %scan3A_700 = arith.constant 0 : i32
      %scan3A_701 = arith.constant 6 : i32
      %scan3A_702 = arith.addi %scan3A_529, %scan3A_701 : i32
      %get3A_703 = arith.constant 3 : i32
      %get3A_704 = arith.index_cast %get3A_703 : i32 to index
      %get3A_705 = arith.index_cast %scan3A_702 : i32 to index
      %get3A_706 = arith.constant 0 : index
      %get3A_707 = tpu.vector_load %arg6[%get3A_704, %get3A_705, %get3A_706] {strides = array<i32>} : memref<4x256x32xf32, #tpu.memory_space<vmem>>, vector<16xf32>,
      %mul3A_708 = arith.constant 5.65685415 : f32
      %mul3A_709 = vector.broadcast %mul3A_708 : f32 to vector<16xf32>
      %mul3A_710 = arith.mulf %get3A_707, %mul3A_709 : vector<16xf32>
      %swap3A_711 = arith.constant 3 : i32
      %swap3A_712 = arith.index_cast %swap3A_711 : i32 to index
      %swap3A_713 = arith.index_cast %scan3A_702 : i32 to index
      %swap3A_714 = arith.constant 0 : index
      %swap3A_715 = tpu.vector_load %arg6[%swap3A_712, %swap3A_713, %swap3A_714] {strides = array<i32>} : memref<4x256x32xf32, #tpu.memory_space<vmem>>, vector<16xf32>,
      tpu.vector_store %arg6[%swap3A_712, %swap3A_713, %swap3A_714], %mul3A_710 {strides = array<i32>} : memref<4x256x32xf32, #tpu.memory_space<vmem>>, vector<16xf32>,
      %get3A_716 = arith.constant 3 : i32
      %get3A_717 = arith.index_cast %get3A_716 : i32 to index
      %get3A_718 = arith.index_cast %scan3A_702 : i32 to index
      %get3A_719 = arith.constant 16 : index
      %get3A_720 = tpu.vector_load %arg6[%get3A_717, %get3A_718, %get3A_719] {strides = array<i32>} : memref<4x256x32xf32, #tpu.memory_space<vmem>>, vector<16xf32>,
      %mul3A_721 = arith.constant 5.65685415 : f32
      %mul3A_722 = vector.broadcast %mul3A_721 : f32 to vector<16xf32>
      %mul3A_723 = arith.mulf %get3A_720, %mul3A_722 : vector<16xf32>
      %swap3A_724 = arith.constant 3 : i32
      %swap3A_725 = arith.index_cast %swap3A_724 : i32 to index
      %swap3A_726 = arith.index_cast %scan3A_702 : i32 to index
      %swap3A_727 = arith.constant 16 : index
      %swap3A_728 = tpu.vector_load %arg6[%swap3A_725, %swap3A_726, %swap3A_727] {strides = array<i32>} : memref<4x256x32xf32, #tpu.memory_space<vmem>>, vector<16xf32>,
      tpu.vector_store %arg6[%swap3A_725, %swap3A_726, %swap3A_727], %mul3A_723 {strides = array<i32>} : memref<4x256x32xf32, #tpu.memory_space<vmem>>, vector<16xf32>,
      %scan3A_729 = arith.constant 0 : i32
      %scan3A_730 = arith.constant 7 : i32
      %scan3A_731 = arith.addi %scan3A_529, %scan3A_730 : i32
      %get3A_732 = arith.constant 3 : i32
      %get3A_733 = arith.index_cast %get3A_732 : i32 to index
      %get3A_734 = arith.index_cast %scan3A_731 : i32 to index
      %get3A_735 = arith.constant 0 : index
      %get3A_736 = tpu.vector_load %arg6[%get3A_733, %get3A_734, %get3A_735] {strides = array<i32>} : memref<4x256x32xf32, #tpu.memory_space<vmem>>, vector<16xf32>,
      %mul3A_737 = arith.constant 5.65685415 : f32
      %mul3A_738 = vector.broadcast %mul3A_737 : f32 to vector<16xf32>
      %mul3A_739 = arith.mulf %get3A_736, %mul3A_738 : vector<16xf32>
      %swap3A_740 = arith.constant 3 : i32
      %swap3A_741 = arith.index_cast %swap3A_740 : i32 to index
      %swap3A_742 = arith.index_cast %scan3A_731 : i32 to index
      %swap3A_743 = arith.constant 0 : index
      %swap3A_744 = tpu.vector_load %arg6[%swap3A_741, %swap3A_742, %swap3A_743] {strides = array<i32>} : memref<4x256x32xf32, #tpu.memory_space<vmem>>, vector<16xf32>,
      tpu.vector_store %arg6[%swap3A_741, %swap3A_742, %swap3A_743], %mul3A_739 {strides = array<i32>} : memref<4x256x32xf32, #tpu.memory_space<vmem>>, vector<16xf32>,
      %get3A_745 = arith.constant 3 : i32
      %get3A_746 = arith.index_cast %get3A_745 : i32 to index
      %get3A_747 = arith.index_cast %scan3A_731 : i32 to index
      %get3A_748 = arith.constant 16 : index
      %get3A_749 = tpu.vector_load %arg6[%get3A_746, %get3A_747, %get3A_748] {strides = array<i32>} : memref<4x256x32xf32, #tpu.memory_space<vmem>>, vector<16xf32>,
      %mul3A_750 = arith.constant 5.65685415 : f32
      %mul3A_751 = vector.broadcast %mul3A_750 : f32 to vector<16xf32>
      %mul3A_752 = arith.mulf %get3A_749, %mul3A_751 : vector<16xf32>
      %swap3A_753 = arith.constant 3 : i32
      %swap3A_754 = arith.index_cast %swap3A_753 : i32 to index
      %swap3A_755 = arith.index_cast %scan3A_731 : i32 to index
      %swap3A_756 = arith.constant 16 : index
      %swap3A_757 = tpu.vector_load %arg6[%swap3A_754, %swap3A_755, %swap3A_756] {strides = array<i32>} : memref<4x256x32xf32, #tpu.memory_space<vmem>>, vector<16xf32>,
      tpu.vector_store %arg6[%swap3A_754, %swap3A_755, %swap3A_756], %mul3A_752 {strides = array<i32>} : memref<4x256x32xf32, #tpu.memory_space<vmem>>, vector<16xf32>,
      %scan3A_758 = arith.constant 0 : i32
      scf.yield %scan3A_758 : i32
    }
    %scan3A_234 = arith.constant 256 : i32
    %add3A_235 = arith.constant 3 : i32
    %add3A_236 = arith.addi %mul3A_2, %add3A_235 : i32
    %mul3A_237 = arith.constant 256 : i32
    %mul3A_238 = arith.muli %add3A_236, %mul3A_237 : i32
    %dma_start3A_239 = arith.constant 3 : i32
    %dma_start3A_240 = arith.constant 0 : i32
    %dma_start3A_241 = arith.constant 0 : i32
    %dma_start3A_242 = tpu.memref_slice %arg6[%dma_start3A_239, %dma_start3A_240, %dma_start3A_241] : memref<4x256x32xf32, #tpu.memory_space<vmem>> -> memref<1x256x32xf32, #tpu.memory_space<vmem>>
    %dma_start3A_243 = tpu.memref_squeeze %dma_start3A_242 : memref<1x256x32xf32, #tpu.memory_space<vmem>> -> memref<256x32xf32, #tpu.memory_space<vmem>>
    %dma_start3A_244 = arith.constant 0 : i32
    %dma_start3A_245 = tpu.memref_slice %arg4[%mul3A_238, %dma_start3A_244] : memref<819200x32xf32, #tpu.memory_space<hbm>> -> memref<256x32xf32, #tpu.memory_space<hbm>>
    %dma_start3A_246 = arith.constant 0 : i32
    %dma_start3A_247 = tpu.memref_slice %arg4[%mul3A_238, %dma_start3A_246] : memref<819200x32xf32, #tpu.memory_space<hbm>> -> memref<256x32xf32, #tpu.memory_space<hbm>>
    %dma_start3A_248 = arith.constant 0 : i32
    %dma_start3A_249 = arith.constant 0 : i32
    %dma_start3A_250 = tpu.memref_slice %arg6[%dma_start3A_239, %dma_start3A_248, %dma_start3A_249] : memref<4x256x32xf32, #tpu.memory_space<vmem>> -> memref<1x256x32xf32, #tpu.memory_space<vmem>>
    %dma_start3A_251 = tpu.memref_squeeze %dma_start3A_250 : memref<1x256x32xf32, #tpu.memory_space<vmem>> -> memref<256x32xf32, #tpu.memory_space<vmem>>
    tpu.enqueue_dma source(%dma_start3A_251 : memref<256x32xf32, #tpu.memory_space<vmem>>) target(%dma_start3A_247 : memref<256x32xf32, #tpu.memory_space<hbm>>) target_semaphore(%arg14 : memref<!tpu.dma_semaphore, #tpu.memory_space<semaphore_mem>>)
    %add3A_252 = arith.constant 2 : i32
    %add3A_253 = arith.addi %mul3A_2, %add3A_252 : i32
    %mul3A_254 = arith.constant 256 : i32
    %mul3A_255 = arith.muli %add3A_253, %mul3A_254 : i32
    %dma_wait3A_256 = arith.constant 2 : i32
    %dma_wait3A_257 = arith.constant 0 : i32
    %dma_wait3A_258 = arith.constant 0 : i32
    %dma_wait3A_259 = tpu.memref_slice %arg6[%dma_wait3A_256, %dma_wait3A_257, %dma_wait3A_258] : memref<4x256x32xf32, #tpu.memory_space<vmem>> -> memref<1x256x32xf32, #tpu.memory_space<vmem>>
    %dma_wait3A_260 = tpu.memref_squeeze %dma_wait3A_259 : memref<1x256x32xf32, #tpu.memory_space<vmem>> -> memref<256x32xf32, #tpu.memory_space<vmem>>
    %dma_wait3A_261 = arith.constant 0 : i32
    %dma_wait3A_262 = tpu.memref_slice %arg4[%mul3A_255, %dma_wait3A_261] : memref<819200x32xf32, #tpu.memory_space<hbm>> -> memref<256x32xf32, #tpu.memory_space<hbm>>
    %dma_wait3A_263 = arith.constant 0 : i32
    %dma_wait3A_264 = tpu.memref_slice %arg4[%mul3A_255, %dma_wait3A_263] : memref<819200x32xf32, #tpu.memory_space<hbm>> -> memref<256x32xf32, #tpu.memory_space<hbm>>
    %dma_wait3A_265 = arith.constant 0 : i32
    %dma_wait3A_266 = arith.constant 0 : i32
    %dma_wait3A_267 = tpu.memref_slice %arg6[%dma_wait3A_256, %dma_wait3A_265, %dma_wait3A_266] : memref<4x256x32xf32, #tpu.memory_space<vmem>> -> memref<1x256x32xf32, #tpu.memory_space<vmem>>
    %dma_wait3A_268 = tpu.memref_squeeze %dma_wait3A_267 : memref<1x256x32xf32, #tpu.memory_space<vmem>> -> memref<256x32xf32, #tpu.memory_space<vmem>>
    tpu.wait_dma2 semaphore(%arg13 : memref<!tpu.dma_semaphore, #tpu.memory_space<semaphore_mem>>) src(%dma_wait3A_268 : memref<256x32xf32, #tpu.memory_space<vmem>>) dst(%dma_wait3A_264 : memref<256x32xf32, #tpu.memory_space<hbm>>)
    %mul3A_269 = arith.constant 6 : i32
    %mul3A_270 = arith.constant 256 : i32
    %mul3A_271 = arith.muli %mul3A_269, %mul3A_270 : i32
    %dma_start3A_272 = arith.constant 2 : i32
    %dma_start3A_273 = arith.constant 0 : i32
    %dma_start3A_274 = arith.constant 0 : i32
    %dma_start3A_275 = tpu.memref_slice %arg6[%dma_start3A_272, %dma_start3A_273, %dma_start3A_274] : memref<4x256x32xf32, #tpu.memory_space<vmem>> -> memref<1x256x32xf32, #tpu.memory_space<vmem>>
    %dma_start3A_276 = tpu.memref_squeeze %dma_start3A_275 : memref<1x256x32xf32, #tpu.memory_space<vmem>> -> memref<256x32xf32, #tpu.memory_space<vmem>>
    %dma_start3A_277 = tpu.memref_slice %arg5[%mul3A_271] : memref<25600xi32, #tpu.memory_space<vmem>> -> memref<256xi32, #tpu.memory_space<vmem>>
    %dma_start3A_278 = arith.constant 0 : i32
    %dma_start3A_279 = arith.constant 0 : i32
    %dma_start3A_280 = tpu.memref_slice %arg3[%dma_start3A_278, %dma_start3A_279] : memref<1000000x32xf32, #tpu.memory_space<hbm>> -> memref<1000000x32xf32, #tpu.memory_space<hbm>>
    tpu.enqueue_indirect_dma source(%dma_start3A_280 : memref<1000000x32xf32, #tpu.memory_space<hbm>>) target(%dma_start3A_276 : memref<256x32xf32, #tpu.memory_space<vmem>>) offsets(%dma_start3A_277 : memref<256xi32, #tpu.memory_space<vmem>>) semaphore(%arg9 : memref<!tpu.dma_semaphore, #tpu.memory_space<semaphore_mem>>)
    %scan3A_281 = arith.constant 0 : i32
    %scan3A_282 = arith.constant 1 : i32
    %scan3A_283 = arith.constant 23 : i32
    %scan3A_284 = arith.addi %scan3A_282, %scan3A_283 : i32
    %scan3A_285 = arith.constant 1 : i32
    %scan3A_286 = scf.for %scan3A_529 = %scan3A_282 to %scan3A_284 step %scan3A_285 iter_args(%scan3A_530 = %scan3A_281) -> (i32)  : i32 {
      %mul3A_531 = arith.constant 4 : i32
      %mul3A_532 = arith.muli %scan3A_529, %mul3A_531 : i32
      %add3A_533 = arith.constant 0 : i32
      %add3A_534 = arith.addi %mul3A_532, %add3A_533 : i32
      %mul3A_535 = arith.constant 256 : i32
      %mul3A_536 = arith.muli %add3A_534, %mul3A_535 : i32
      %dma_wait3A_537 = arith.constant 0 : i32
      %dma_wait3A_538 = arith.constant 0 : i32
      %dma_wait3A_539 = arith.constant 0 : i32
      %dma_wait3A_540 = tpu.memref_slice %arg6[%dma_wait3A_537, %dma_wait3A_538, %dma_wait3A_539] : memref<4x256x32xf32, #tpu.memory_space<vmem>> -> memref<1x256x32xf32, #tpu.memory_space<vmem>>
      %dma_wait3A_541 = tpu.memref_squeeze %dma_wait3A_540 : memref<1x256x32xf32, #tpu.memory_space<vmem>> -> memref<256x32xf32, #tpu.memory_space<vmem>>
      %dma_wait3A_542 = tpu.memref_slice %arg5[%mul3A_536] : memref<25600xi32, #tpu.memory_space<vmem>> -> memref<256xi32, #tpu.memory_space<vmem>>
      %dma_wait3A_543 = arith.constant 0 : i32
      %dma_wait3A_544 = arith.constant 0 : i32
      %dma_wait3A_545 = tpu.memref_slice %arg3[%dma_wait3A_543, %dma_wait3A_544] : memref<1000000x32xf32, #tpu.memory_space<hbm>> -> memref<1000000x32xf32, #tpu.memory_space<hbm>>
      tpu.wait_indirect_dma semaphore(%arg7 : memref<!tpu.dma_semaphore, #tpu.memory_space<semaphore_mem>>) src(%dma_wait3A_545 : memref<1000000x32xf32, #tpu.memory_space<hbm>>) dst(%dma_wait3A_541 : memref<256x32xf32, #tpu.memory_space<vmem>>)
      %scan3A_546 = arith.constant 0 : i32
      %scan3A_547 = arith.constant 0 : i32
      %scan3A_548 = arith.constant 256 : i32
      %scan3A_549 = arith.addi %scan3A_547, %scan3A_548 : i32
      %scan3A_550 = arith.constant 8 : i32
      %scan3A_551 = scf.for %scan3A_815 = %scan3A_547 to %scan3A_549 step %scan3A_550 iter_args(%scan3A_816 = %scan3A_546) -> (i32)  : i32 {
        %get3A = arith.constant 0 : i32
        %get3A_817 = arith.index_cast %get3A : i32 to index
        %get3A_818 = arith.index_cast %scan3A_815 : i32 to index
        %get3A_819 = arith.constant 0 : index
        %get3A_820 = tpu.vector_load %arg6[%get3A_817, %get3A_818, %get3A_819] {strides = array<i32>} : memref<4x256x32xf32, #tpu.memory_space<vmem>>, vector<16xf32>,
        %mul3A_821 = arith.constant 5.65685415 : f32
        %mul3A_822 = vector.broadcast %mul3A_821 : f32 to vector<16xf32>
        %mul3A_823 = arith.mulf %get3A_820, %mul3A_822 : vector<16xf32>
        %swap3A = arith.constant 0 : i32
        %swap3A_824 = arith.index_cast %swap3A : i32 to index
        %swap3A_825 = arith.index_cast %scan3A_815 : i32 to index
        %swap3A_826 = arith.constant 0 : index
        %swap3A_827 = tpu.vector_load %arg6[%swap3A_824, %swap3A_825, %swap3A_826] {strides = array<i32>} : memref<4x256x32xf32, #tpu.memory_space<vmem>>, vector<16xf32>,
        tpu.vector_store %arg6[%swap3A_824, %swap3A_825, %swap3A_826], %mul3A_823 {strides = array<i32>} : memref<4x256x32xf32, #tpu.memory_space<vmem>>, vector<16xf32>,
        %get3A_828 = arith.constant 0 : i32
        %get3A_829 = arith.index_cast %get3A_828 : i32 to index
        %get3A_830 = arith.index_cast %scan3A_815 : i32 to index
        %get3A_831 = arith.constant 16 : index
        %get3A_832 = tpu.vector_load %arg6[%get3A_829, %get3A_830, %get3A_831] {strides = array<i32>} : memref<4x256x32xf32, #tpu.memory_space<vmem>>, vector<16xf32>,
        %mul3A_833 = arith.constant 5.65685415 : f32
        %mul3A_834 = vector.broadcast %mul3A_833 : f32 to vector<16xf32>
        %mul3A_835 = arith.mulf %get3A_832, %mul3A_834 : vector<16xf32>
        %swap3A_836 = arith.constant 0 : i32
        %swap3A_837 = arith.index_cast %swap3A_836 : i32 to index
        %swap3A_838 = arith.index_cast %scan3A_815 : i32 to index
        %swap3A_839 = arith.constant 16 : index
        %swap3A_840 = tpu.vector_load %arg6[%swap3A_837, %swap3A_838, %swap3A_839] {strides = array<i32>} : memref<4x256x32xf32, #tpu.memory_space<vmem>>, vector<16xf32>,
        tpu.vector_store %arg6[%swap3A_837, %swap3A_838, %swap3A_839], %mul3A_835 {strides = array<i32>} : memref<4x256x32xf32, #tpu.memory_space<vmem>>, vector<16xf32>,
        %scan3A_841 = arith.constant 0 : i32
        %scan3A_842 = arith.constant 1 : i32
        %scan3A_843 = arith.addi %scan3A_815, %scan3A_842 : i32
        %get3A_844 = arith.constant 0 : i32
        %get3A_845 = arith.index_cast %get3A_844 : i32 to index
        %get3A_846 = arith.index_cast %scan3A_843 : i32 to index
        %get3A_847 = arith.constant 0 : index
        %get3A_848 = tpu.vector_load %arg6[%get3A_845, %get3A_846, %get3A_847] {strides = array<i32>} : memref<4x256x32xf32, #tpu.memory_space<vmem>>, vector<16xf32>,
        %mul3A_849 = arith.constant 5.65685415 : f32
        %mul3A_850 = vector.broadcast %mul3A_849 : f32 to vector<16xf32>
        %mul3A_851 = arith.mulf %get3A_848, %mul3A_850 : vector<16xf32>
        %swap3A_852 = arith.constant 0 : i32
        %swap3A_853 = arith.index_cast %swap3A_852 : i32 to index
        %swap3A_854 = arith.index_cast %scan3A_843 : i32 to index
        %swap3A_855 = arith.constant 0 : index
        %swap3A_856 = tpu.vector_load %arg6[%swap3A_853, %swap3A_854, %swap3A_855] {strides = array<i32>} : memref<4x256x32xf32, #tpu.memory_space<vmem>>, vector<16xf32>,
        tpu.vector_store %arg6[%swap3A_853, %swap3A_854, %swap3A_855], %mul3A_851 {strides = array<i32>} : memref<4x256x32xf32, #tpu.memory_space<vmem>>, vector<16xf32>,
        %get3A_857 = arith.constant 0 : i32
        %get3A_858 = arith.index_cast %get3A_857 : i32 to index
        %get3A_859 = arith.index_cast %scan3A_843 : i32 to index
        %get3A_860 = arith.constant 16 : index
        %get3A_861 = tpu.vector_load %arg6[%get3A_858, %get3A_859, %get3A_860] {strides = array<i32>} : memref<4x256x32xf32, #tpu.memory_space<vmem>>, vector<16xf32>,
        %mul3A_862 = arith.constant 5.65685415 : f32
        %mul3A_863 = vector.broadcast %mul3A_862 : f32 to vector<16xf32>
        %mul3A_864 = arith.mulf %get3A_861, %mul3A_863 : vector<16xf32>
        %swap3A_865 = arith.constant 0 : i32
        %swap3A_866 = arith.index_cast %swap3A_865 : i32 to index
        %swap3A_867 = arith.index_cast %scan3A_843 : i32 to index
        %swap3A_868 = arith.constant 16 : index
        %swap3A_869 = tpu.vector_load %arg6[%swap3A_866, %swap3A_867, %swap3A_868] {strides = array<i32>} : memref<4x256x32xf32, #tpu.memory_space<vmem>>, vector<16xf32>,
        tpu.vector_store %arg6[%swap3A_866, %swap3A_867, %swap3A_868], %mul3A_864 {strides = array<i32>} : memref<4x256x32xf32, #tpu.memory_space<vmem>>, vector<16xf32>,
        %scan3A_870 = arith.constant 0 : i32
        %scan3A_871 = arith.constant 2 : i32
        %scan3A_872 = arith.addi %scan3A_815, %scan3A_871 : i32
        %get3A_873 = arith.constant 0 : i32
        %get3A_874 = arith.index_cast %get3A_873 : i32 to index
        %get3A_875 = arith.index_cast %scan3A_872 : i32 to index
        %get3A_876 = arith.constant 0 : index
        %get3A_877 = tpu.vector_load %arg6[%get3A_874, %get3A_875, %get3A_876] {strides = array<i32>} : memref<4x256x32xf32, #tpu.memory_space<vmem>>, vector<16xf32>,
        %mul3A_878 = arith.constant 5.65685415 : f32
        %mul3A_879 = vector.broadcast %mul3A_878 : f32 to vector<16xf32>
        %mul3A_880 = arith.mulf %get3A_877, %mul3A_879 : vector<16xf32>
        %swap3A_881 = arith.constant 0 : i32
        %swap3A_882 = arith.index_cast %swap3A_881 : i32 to index
        %swap3A_883 = arith.index_cast %scan3A_872 : i32 to index
        %swap3A_884 = arith.constant 0 : index
        %swap3A_885 = tpu.vector_load %arg6[%swap3A_882, %swap3A_883, %swap3A_884] {strides = array<i32>} : memref<4x256x32xf32, #tpu.memory_space<vmem>>, vector<16xf32>,
        tpu.vector_store %arg6[%swap3A_882, %swap3A_883, %swap3A_884], %mul3A_880 {strides = array<i32>} : memref<4x256x32xf32, #tpu.memory_space<vmem>>, vector<16xf32>,
        %get3A_886 = arith.constant 0 : i32
        %get3A_887 = arith.index_cast %get3A_886 : i32 to index
        %get3A_888 = arith.index_cast %scan3A_872 : i32 to index
        %get3A_889 = arith.constant 16 : index
        %get3A_890 = tpu.vector_load %arg6[%get3A_887, %get3A_888, %get3A_889] {strides = array<i32>} : memref<4x256x32xf32, #tpu.memory_space<vmem>>, vector<16xf32>,
        %mul3A_891 = arith.constant 5.65685415 : f32
        %mul3A_892 = vector.broadcast %mul3A_891 : f32 to vector<16xf32>
        %mul3A_893 = arith.mulf %get3A_890, %mul3A_892 : vector<16xf32>
        %swap3A_894 = arith.constant 0 : i32
        %swap3A_895 = arith.index_cast %swap3A_894 : i32 to index
        %swap3A_896 = arith.index_cast %scan3A_872 : i32 to index
        %swap3A_897 = arith.constant 16 : index
        %swap3A_898 = tpu.vector_load %arg6[%swap3A_895, %swap3A_896, %swap3A_897] {strides = array<i32>} : memref<4x256x32xf32, #tpu.memory_space<vmem>>, vector<16xf32>,
        tpu.vector_store %arg6[%swap3A_895, %swap3A_896, %swap3A_897], %mul3A_893 {strides = array<i32>} : memref<4x256x32xf32, #tpu.memory_space<vmem>>, vector<16xf32>,
        %scan3A_899 = arith.constant 0 : i32
        %scan3A_900 = arith.constant 3 : i32
        %scan3A_901 = arith.addi %scan3A_815, %scan3A_900 : i32
        %get3A_902 = arith.constant 0 : i32
        %get3A_903 = arith.index_cast %get3A_902 : i32 to index
        %get3A_904 = arith.index_cast %scan3A_901 : i32 to index
        %get3A_905 = arith.constant 0 : index
        %get3A_906 = tpu.vector_load %arg6[%get3A_903, %get3A_904, %get3A_905] {strides = array<i32>} : memref<4x256x32xf32, #tpu.memory_space<vmem>>, vector<16xf32>,
        %mul3A_907 = arith.constant 5.65685415 : f32
        %mul3A_908 = vector.broadcast %mul3A_907 : f32 to vector<16xf32>
        %mul3A_909 = arith.mulf %get3A_906, %mul3A_908 : vector<16xf32>
        %swap3A_910 = arith.constant 0 : i32
        %swap3A_911 = arith.index_cast %swap3A_910 : i32 to index
        %swap3A_912 = arith.index_cast %scan3A_901 : i32 to index
        %swap3A_913 = arith.constant 0 : index
        %swap3A_914 = tpu.vector_load %arg6[%swap3A_911, %swap3A_912, %swap3A_913] {strides = array<i32>} : memref<4x256x32xf32, #tpu.memory_space<vmem>>, vector<16xf32>,
        tpu.vector_store %arg6[%swap3A_911, %swap3A_912, %swap3A_913], %mul3A_909 {strides = array<i32>} : memref<4x256x32xf32, #tpu.memory_space<vmem>>, vector<16xf32>,
        %get3A_915 = arith.constant 0 : i32
        %get3A_916 = arith.index_cast %get3A_915 : i32 to index
        %get3A_917 = arith.index_cast %scan3A_901 : i32 to index
        %get3A_918 = arith.constant 16 : index
        %get3A_919 = tpu.vector_load %arg6[%get3A_916, %get3A_917, %get3A_918] {strides = array<i32>} : memref<4x256x32xf32, #tpu.memory_space<vmem>>, vector<16xf32>,
        %mul3A_920 = arith.constant 5.65685415 : f32
        %mul3A_921 = vector.broadcast %mul3A_920 : f32 to vector<16xf32>
        %mul3A_922 = arith.mulf %get3A_919, %mul3A_921 : vector<16xf32>
        %swap3A_923 = arith.constant 0 : i32
        %swap3A_924 = arith.index_cast %swap3A_923 : i32 to index
        %swap3A_925 = arith.index_cast %scan3A_901 : i32 to index
        %swap3A_926 = arith.constant 16 : index
        %swap3A_927 = tpu.vector_load %arg6[%swap3A_924, %swap3A_925, %swap3A_926] {strides = array<i32>} : memref<4x256x32xf32, #tpu.memory_space<vmem>>, vector<16xf32>,
        tpu.vector_store %arg6[%swap3A_924, %swap3A_925, %swap3A_926], %mul3A_922 {strides = array<i32>} : memref<4x256x32xf32, #tpu.memory_space<vmem>>, vector<16xf32>,
        %scan3A_928 = arith.constant 0 : i32
        %scan3A_929 = arith.constant 4 : i32
        %scan3A_930 = arith.addi %scan3A_815, %scan3A_929 : i32
        %get3A_931 = arith.constant 0 : i32
        %get3A_932 = arith.index_cast %get3A_931 : i32 to index
        %get3A_933 = arith.index_cast %scan3A_930 : i32 to index
        %get3A_934 = arith.constant 0 : index
        %get3A_935 = tpu.vector_load %arg6[%get3A_932, %get3A_933, %get3A_934] {strides = array<i32>} : memref<4x256x32xf32, #tpu.memory_space<vmem>>, vector<16xf32>,
        %mul3A_936 = arith.constant 5.65685415 : f32
        %mul3A_937 = vector.broadcast %mul3A_936 : f32 to vector<16xf32>
        %mul3A_938 = arith.mulf %get3A_935, %mul3A_937 : vector<16xf32>
        %swap3A_939 = arith.constant 0 : i32
        %swap3A_940 = arith.index_cast %swap3A_939 : i32 to index
        %swap3A_941 = arith.index_cast %scan3A_930 : i32 to index
        %swap3A_942 = arith.constant 0 : index
        %swap3A_943 = tpu.vector_load %arg6[%swap3A_940, %swap3A_941, %swap3A_942] {strides = array<i32>} : memref<4x256x32xf32, #tpu.memory_space<vmem>>, vector<16xf32>,
        tpu.vector_store %arg6[%swap3A_940, %swap3A_941, %swap3A_942], %mul3A_938 {strides = array<i32>} : memref<4x256x32xf32, #tpu.memory_space<vmem>>, vector<16xf32>,
        %get3A_944 = arith.constant 0 : i32
        %get3A_945 = arith.index_cast %get3A_944 : i32 to index
        %get3A_946 = arith.index_cast %scan3A_930 : i32 to index
        %get3A_947 = arith.constant 16 : index
        %get3A_948 = tpu.vector_load %arg6[%get3A_945, %get3A_946, %get3A_947] {strides = array<i32>} : memref<4x256x32xf32, #tpu.memory_space<vmem>>, vector<16xf32>,
        %mul3A_949 = arith.constant 5.65685415 : f32
        %mul3A_950 = vector.broadcast %mul3A_949 : f32 to vector<16xf32>
        %mul3A_951 = arith.mulf %get3A_948, %mul3A_950 : vector<16xf32>
        %swap3A_952 = arith.constant 0 : i32
        %swap3A_953 = arith.index_cast %swap3A_952 : i32 to index
        %swap3A_954 = arith.index_cast %scan3A_930 : i32 to index
        %swap3A_955 = arith.constant 16 : index
        %swap3A_956 = tpu.vector_load %arg6[%swap3A_953, %swap3A_954, %swap3A_955] {strides = array<i32>} : memref<4x256x32xf32, #tpu.memory_space<vmem>>, vector<16xf32>,
        tpu.vector_store %arg6[%swap3A_953, %swap3A_954, %swap3A_955], %mul3A_951 {strides = array<i32>} : memref<4x256x32xf32, #tpu.memory_space<vmem>>, vector<16xf32>,
        %scan3A_957 = arith.constant 0 : i32
        %scan3A_958 = arith.constant 5 : i32
        %scan3A_959 = arith.addi %scan3A_815, %scan3A_958 : i32
        %get3A_960 = arith.constant 0 : i32
        %get3A_961 = arith.index_cast %get3A_960 : i32 to index
        %get3A_962 = arith.index_cast %scan3A_959 : i32 to index
        %get3A_963 = arith.constant 0 : index
        %get3A_964 = tpu.vector_load %arg6[%get3A_961, %get3A_962, %get3A_963] {strides = array<i32>} : memref<4x256x32xf32, #tpu.memory_space<vmem>>, vector<16xf32>,
        %mul3A_965 = arith.constant 5.65685415 : f32
        %mul3A_966 = vector.broadcast %mul3A_965 : f32 to vector<16xf32>
        %mul3A_967 = arith.mulf %get3A_964, %mul3A_966 : vector<16xf32>
        %swap3A_968 = arith.constant 0 : i32
        %swap3A_969 = arith.index_cast %swap3A_968 : i32 to index
        %swap3A_970 = arith.index_cast %scan3A_959 : i32 to index
        %swap3A_971 = arith.constant 0 : index
        %swap3A_972 = tpu.vector_load %arg6[%swap3A_969, %swap3A_970, %swap3A_971] {strides = array<i32>} : memref<4x256x32xf32, #tpu.memory_space<vmem>>, vector<16xf32>,
        tpu.vector_store %arg6[%swap3A_969, %swap3A_970, %swap3A_971], %mul3A_967 {strides = array<i32>} : memref<4x256x32xf32, #tpu.memory_space<vmem>>, vector<16xf32>,
        %get3A_973 = arith.constant 0 : i32
        %get3A_974 = arith.index_cast %get3A_973 : i32 to index
        %get3A_975 = arith.index_cast %scan3A_959 : i32 to index
        %get3A_976 = arith.constant 16 : index
        %get3A_977 = tpu.vector_load %arg6[%get3A_974, %get3A_975, %get3A_976] {strides = array<i32>} : memref<4x256x32xf32, #tpu.memory_space<vmem>>, vector<16xf32>,
        %mul3A_978 = arith.constant 5.65685415 : f32
        %mul3A_979 = vector.broadcast %mul3A_978 : f32 to vector<16xf32>
        %mul3A_980 = arith.mulf %get3A_977, %mul3A_979 : vector<16xf32>
        %swap3A_981 = arith.constant 0 : i32
        %swap3A_982 = arith.index_cast %swap3A_981 : i32 to index
        %swap3A_983 = arith.index_cast %scan3A_959 : i32 to index
        %swap3A_984 = arith.constant 16 : index
        %swap3A_985 = tpu.vector_load %arg6[%swap3A_982, %swap3A_983, %swap3A_984] {strides = array<i32>} : memref<4x256x32xf32, #tpu.memory_space<vmem>>, vector<16xf32>,
        tpu.vector_store %arg6[%swap3A_982, %swap3A_983, %swap3A_984], %mul3A_980 {strides = array<i32>} : memref<4x256x32xf32, #tpu.memory_space<vmem>>, vector<16xf32>,
        %scan3A_986 = arith.constant 0 : i32
        %scan3A_987 = arith.constant 6 : i32
        %scan3A_988 = arith.addi %scan3A_815, %scan3A_987 : i32
        %get3A_989 = arith.constant 0 : i32
        %get3A_990 = arith.index_cast %get3A_989 : i32 to index
        %get3A_991 = arith.index_cast %scan3A_988 : i32 to index
        %get3A_992 = arith.constant 0 : index
        %get3A_993 = tpu.vector_load %arg6[%get3A_990, %get3A_991, %get3A_992] {strides = array<i32>} : memref<4x256x32xf32, #tpu.memory_space<vmem>>, vector<16xf32>,
        %mul3A_994 = arith.constant 5.65685415 : f32
        %mul3A_995 = vector.broadcast %mul3A_994 : f32 to vector<16xf32>
        %mul3A_996 = arith.mulf %get3A_993, %mul3A_995 : vector<16xf32>
        %swap3A_997 = arith.constant 0 : i32
        %swap3A_998 = arith.index_cast %swap3A_997 : i32 to index
        %swap3A_999 = arith.index_cast %scan3A_988 : i32 to index
        %swap3A_1000 = arith.constant 0 : index
        %swap3A_1001 = tpu.vector_load %arg6[%swap3A_998, %swap3A_999, %swap3A_1000] {strides = array<i32>} : memref<4x256x32xf32, #tpu.memory_space<vmem>>, vector<16xf32>,
        tpu.vector_store %arg6[%swap3A_998, %swap3A_999, %swap3A_1000], %mul3A_996 {strides = array<i32>} : memref<4x256x32xf32, #tpu.memory_space<vmem>>, vector<16xf32>,
        %get3A_1002 = arith.constant 0 : i32
        %get3A_1003 = arith.index_cast %get3A_1002 : i32 to index
        %get3A_1004 = arith.index_cast %scan3A_988 : i32 to index
        %get3A_1005 = arith.constant 16 : index
        %get3A_1006 = tpu.vector_load %arg6[%get3A_1003, %get3A_1004, %get3A_1005] {strides = array<i32>} : memref<4x256x32xf32, #tpu.memory_space<vmem>>, vector<16xf32>,
        %mul3A_1007 = arith.constant 5.65685415 : f32
        %mul3A_1008 = vector.broadcast %mul3A_1007 : f32 to vector<16xf32>
        %mul3A_1009 = arith.mulf %get3A_1006, %mul3A_1008 : vector<16xf32>
        %swap3A_1010 = arith.constant 0 : i32
        %swap3A_1011 = arith.index_cast %swap3A_1010 : i32 to index
        %swap3A_1012 = arith.index_cast %scan3A_988 : i32 to index
        %swap3A_1013 = arith.constant 16 : index
        %swap3A_1014 = tpu.vector_load %arg6[%swap3A_1011, %swap3A_1012, %swap3A_1013] {strides = array<i32>} : memref<4x256x32xf32, #tpu.memory_space<vmem>>, vector<16xf32>,
        tpu.vector_store %arg6[%swap3A_1011, %swap3A_1012, %swap3A_1013], %mul3A_1009 {strides = array<i32>} : memref<4x256x32xf32, #tpu.memory_space<vmem>>, vector<16xf32>,
        %scan3A_1015 = arith.constant 0 : i32
        %scan3A_1016 = arith.constant 7 : i32
        %scan3A_1017 = arith.addi %scan3A_815, %scan3A_1016 : i32
        %get3A_1018 = arith.constant 0 : i32
        %get3A_1019 = arith.index_cast %get3A_1018 : i32 to index
        %get3A_1020 = arith.index_cast %scan3A_1017 : i32 to index
        %get3A_1021 = arith.constant 0 : index
        %get3A_1022 = tpu.vector_load %arg6[%get3A_1019, %get3A_1020, %get3A_1021] {strides = array<i32>} : memref<4x256x32xf32, #tpu.memory_space<vmem>>, vector<16xf32>,
        %mul3A_1023 = arith.constant 5.65685415 : f32
        %mul3A_1024 = vector.broadcast %mul3A_1023 : f32 to vector<16xf32>
        %mul3A_1025 = arith.mulf %get3A_1022, %mul3A_1024 : vector<16xf32>
        %swap3A_1026 = arith.constant 0 : i32
        %swap3A_1027 = arith.index_cast %swap3A_1026 : i32 to index
        %swap3A_1028 = arith.index_cast %scan3A_1017 : i32 to index
        %swap3A_1029 = arith.constant 0 : index
        %swap3A_1030 = tpu.vector_load %arg6[%swap3A_1027, %swap3A_1028, %swap3A_1029] {strides = array<i32>} : memref<4x256x32xf32, #tpu.memory_space<vmem>>, vector<16xf32>,
        tpu.vector_store %arg6[%swap3A_1027, %swap3A_1028, %swap3A_1029], %mul3A_1025 {strides = array<i32>} : memref<4x256x32xf32, #tpu.memory_space<vmem>>, vector<16xf32>,
        %get3A_1031 = arith.constant 0 : i32
        %get3A_1032 = arith.index_cast %get3A_1031 : i32 to index
        %get3A_1033 = arith.index_cast %scan3A_1017 : i32 to index
        %get3A_1034 = arith.constant 16 : index
        %get3A_1035 = tpu.vector_load %arg6[%get3A_1032, %get3A_1033, %get3A_1034] {strides = array<i32>} : memref<4x256x32xf32, #tpu.memory_space<vmem>>, vector<16xf32>,
        %mul3A_1036 = arith.constant 5.65685415 : f32
        %mul3A_1037 = vector.broadcast %mul3A_1036 : f32 to vector<16xf32>
        %mul3A_1038 = arith.mulf %get3A_1035, %mul3A_1037 : vector<16xf32>
        %swap3A_1039 = arith.constant 0 : i32
        %swap3A_1040 = arith.index_cast %swap3A_1039 : i32 to index
        %swap3A_1041 = arith.index_cast %scan3A_1017 : i32 to index
        %swap3A_1042 = arith.constant 16 : index
        %swap3A_1043 = tpu.vector_load %arg6[%swap3A_1040, %swap3A_1041, %swap3A_1042] {strides = array<i32>} : memref<4x256x32xf32, #tpu.memory_space<vmem>>, vector<16xf32>,
        tpu.vector_store %arg6[%swap3A_1040, %swap3A_1041, %swap3A_1042], %mul3A_1038 {strides = array<i32>} : memref<4x256x32xf32, #tpu.memory_space<vmem>>, vector<16xf32>,
        %scan3A_1044 = arith.constant 0 : i32
        scf.yield %scan3A_1044 : i32
      }
      %scan3A_552 = arith.constant 256 : i32
      %add3A_553 = arith.addi %mul3A_2, %add3A_534 : i32
      %mul3A_554 = arith.constant 256 : i32
      %mul3A_555 = arith.muli %add3A_553, %mul3A_554 : i32
      %dma_start3A_556 = arith.constant 0 : i32
      %dma_start3A_557 = arith.constant 0 : i32
      %dma_start3A_558 = arith.constant 0 : i32
      %dma_start3A_559 = tpu.memref_slice %arg6[%dma_start3A_556, %dma_start3A_557, %dma_start3A_558] : memref<4x256x32xf32, #tpu.memory_space<vmem>> -> memref<1x256x32xf32, #tpu.memory_space<vmem>>
      %dma_start3A_560 = tpu.memref_squeeze %dma_start3A_559 : memref<1x256x32xf32, #tpu.memory_space<vmem>> -> memref<256x32xf32, #tpu.memory_space<vmem>>
      %dma_start3A_561 = arith.constant 0 : i32
      %dma_start3A_562 = tpu.memref_slice %arg4[%mul3A_555, %dma_start3A_561] : memref<819200x32xf32, #tpu.memory_space<hbm>> -> memref<256x32xf32, #tpu.memory_space<hbm>>
      %dma_start3A_563 = arith.constant 0 : i32
      %dma_start3A_564 = tpu.memref_slice %arg4[%mul3A_555, %dma_start3A_563] : memref<819200x32xf32, #tpu.memory_space<hbm>> -> memref<256x32xf32, #tpu.memory_space<hbm>>
      %dma_start3A_565 = arith.constant 0 : i32
      %dma_start3A_566 = arith.constant 0 : i32
      %dma_start3A_567 = tpu.memref_slice %arg6[%dma_start3A_556, %dma_start3A_565, %dma_start3A_566] : memref<4x256x32xf32, #tpu.memory_space<vmem>> -> memref<1x256x32xf32, #tpu.memory_space<vmem>>
      %dma_start3A_568 = tpu.memref_squeeze %dma_start3A_567 : memref<1x256x32xf32, #tpu.memory_space<vmem>> -> memref<256x32xf32, #tpu.memory_space<vmem>>
      tpu.enqueue_dma source(%dma_start3A_568 : memref<256x32xf32, #tpu.memory_space<vmem>>) target(%dma_start3A_564 : memref<256x32xf32, #tpu.memory_space<hbm>>) target_semaphore(%arg11 : memref<!tpu.dma_semaphore, #tpu.memory_space<semaphore_mem>>)
      %add3A_569 = arith.constant 3 : i32
      %add3A_570 = arith.addi %add3A_534, %add3A_569 : i32
      %sub3A = arith.constant 4 : i32
      %sub3A_571 = arith.subi %add3A_570, %sub3A : i32
      %add3A_572 = arith.addi %mul3A_2, %sub3A_571 : i32
      %mul3A_573 = arith.constant 256 : i32
      %mul3A_574 = arith.muli %add3A_572, %mul3A_573 : i32
      %dma_wait3A_575 = arith.constant 3 : i32
      %dma_wait3A_576 = arith.constant 0 : i32
      %dma_wait3A_577 = arith.constant 0 : i32
      %dma_wait3A_578 = tpu.memref_slice %arg6[%dma_wait3A_575, %dma_wait3A_576, %dma_wait3A_577] : memref<4x256x32xf32, #tpu.memory_space<vmem>> -> memref<1x256x32xf32, #tpu.memory_space<vmem>>
      %dma_wait3A_579 = tpu.memref_squeeze %dma_wait3A_578 : memref<1x256x32xf32, #tpu.memory_space<vmem>> -> memref<256x32xf32, #tpu.memory_space<vmem>>
      %dma_wait3A_580 = arith.constant 0 : i32
      %dma_wait3A_581 = tpu.memref_slice %arg4[%mul3A_574, %dma_wait3A_580] : memref<819200x32xf32, #tpu.memory_space<hbm>> -> memref<256x32xf32, #tpu.memory_space<hbm>>
      %dma_wait3A_582 = arith.constant 0 : i32
      %dma_wait3A_583 = tpu.memref_slice %arg4[%mul3A_574, %dma_wait3A_582] : memref<819200x32xf32, #tpu.memory_space<hbm>> -> memref<256x32xf32, #tpu.memory_space<hbm>>
      %dma_wait3A_584 = arith.constant 0 : i32
      %dma_wait3A_585 = arith.constant 0 : i32
      %dma_wait3A_586 = tpu.memref_slice %arg6[%dma_wait3A_575, %dma_wait3A_584, %dma_wait3A_585] : memref<4x256x32xf32, #tpu.memory_space<vmem>> -> memref<1x256x32xf32, #tpu.memory_space<vmem>>
      %dma_wait3A_587 = tpu.memref_squeeze %dma_wait3A_586 : memref<1x256x32xf32, #tpu.memory_space<vmem>> -> memref<256x32xf32, #tpu.memory_space<vmem>>
      tpu.wait_dma2 semaphore(%arg14 : memref<!tpu.dma_semaphore, #tpu.memory_space<semaphore_mem>>) src(%dma_wait3A_587 : memref<256x32xf32, #tpu.memory_space<vmem>>) dst(%dma_wait3A_583 : memref<256x32xf32, #tpu.memory_space<hbm>>)
      %add3A_588 = arith.constant 3 : i32
      %add3A_589 = arith.addi %add3A_534, %add3A_588 : i32
      %mul3A_590 = arith.constant 256 : i32
      %mul3A_591 = arith.muli %add3A_589, %mul3A_590 : i32
      %dma_start3A_592 = arith.constant 3 : i32
      %dma_start3A_593 = arith.constant 0 : i32
      %dma_start3A_594 = arith.constant 0 : i32
      %dma_start3A_595 = tpu.memref_slice %arg6[%dma_start3A_592, %dma_start3A_593, %dma_start3A_594] : memref<4x256x32xf32, #tpu.memory_space<vmem>> -> memref<1x256x32xf32, #tpu.memory_space<vmem>>
      %dma_start3A_596 = tpu.memref_squeeze %dma_start3A_595 : memref<1x256x32xf32, #tpu.memory_space<vmem>> -> memref<256x32xf32, #tpu.memory_space<vmem>>
      %dma_start3A_597 = tpu.memref_slice %arg5[%mul3A_591] : memref<25600xi32, #tpu.memory_space<vmem>> -> memref<256xi32, #tpu.memory_space<vmem>>
      %dma_start3A_598 = arith.constant 0 : i32
      %dma_start3A_599 = arith.constant 0 : i32
      %dma_start3A_600 = tpu.memref_slice %arg3[%dma_start3A_598, %dma_start3A_599] : memref<1000000x32xf32, #tpu.memory_space<hbm>> -> memref<1000000x32xf32, #tpu.memory_space<hbm>>
      tpu.enqueue_indirect_dma source(%dma_start3A_600 : memref<1000000x32xf32, #tpu.memory_space<hbm>>) target(%dma_start3A_596 : memref<256x32xf32, #tpu.memory_space<vmem>>) offsets(%dma_start3A_597 : memref<256xi32, #tpu.memory_space<vmem>>) semaphore(%arg10 : memref<!tpu.dma_semaphore, #tpu.memory_space<semaphore_mem>>)
      %mul3A_601 = arith.constant 4 : i32
      %mul3A_602 = arith.muli %scan3A_529, %mul3A_601 : i32
      %add3A_603 = arith.constant 1 : i32
      %add3A_604 = arith.addi %mul3A_602, %add3A_603 : i32
      %mul3A_605 = arith.constant 256 : i32
      %mul3A_606 = arith.muli %add3A_604, %mul3A_605 : i32
      %dma_wait3A_607 = arith.constant 1 : i32
      %dma_wait3A_608 = arith.constant 0 : i32
      %dma_wait3A_609 = arith.constant 0 : i32
      %dma_wait3A_610 = tpu.memref_slice %arg6[%dma_wait3A_607, %dma_wait3A_608, %dma_wait3A_609] : memref<4x256x32xf32, #tpu.memory_space<vmem>> -> memref<1x256x32xf32, #tpu.memory_space<vmem>>
      %dma_wait3A_611 = tpu.memref_squeeze %dma_wait3A_610 : memref<1x256x32xf32, #tpu.memory_space<vmem>> -> memref<256x32xf32, #tpu.memory_space<vmem>>
      %dma_wait3A_612 = tpu.memref_slice %arg5[%mul3A_606] : memref<25600xi32, #tpu.memory_space<vmem>> -> memref<256xi32, #tpu.memory_space<vmem>>
      %dma_wait3A_613 = arith.constant 0 : i32
      %dma_wait3A_614 = arith.constant 0 : i32
      %dma_wait3A_615 = tpu.memref_slice %arg3[%dma_wait3A_613, %dma_wait3A_614] : memref<1000000x32xf32, #tpu.memory_space<hbm>> -> memref<1000000x32xf32, #tpu.memory_space<hbm>>
      tpu.wait_indirect_dma semaphore(%arg8 : memref<!tpu.dma_semaphore, #tpu.memory_space<semaphore_mem>>) src(%dma_wait3A_615 : memref<1000000x32xf32, #tpu.memory_space<hbm>>) dst(%dma_wait3A_611 : memref<256x32xf32, #tpu.memory_space<vmem>>)
      %scan3A_616 = arith.constant 0 : i32
      %scan3A_617 = arith.constant 0 : i32
      %scan3A_618 = arith.constant 256 : i32
      %scan3A_619 = arith.addi %scan3A_617, %scan3A_618 : i32
      %scan3A_620 = arith.constant 8 : i32
      %scan3A_621 = scf.for %scan3A_815 = %scan3A_617 to %scan3A_619 step %scan3A_620 iter_args(%scan3A_816 = %scan3A_616) -> (i32)  : i32 {
        %get3A = arith.constant 1 : i32
        %get3A_817 = arith.index_cast %get3A : i32 to index
        %get3A_818 = arith.index_cast %scan3A_815 : i32 to index
        %get3A_819 = arith.constant 0 : index
        %get3A_820 = tpu.vector_load %arg6[%get3A_817, %get3A_818, %get3A_819] {strides = array<i32>} : memref<4x256x32xf32, #tpu.memory_space<vmem>>, vector<16xf32>,
        %mul3A_821 = arith.constant 5.65685415 : f32
        %mul3A_822 = vector.broadcast %mul3A_821 : f32 to vector<16xf32>
        %mul3A_823 = arith.mulf %get3A_820, %mul3A_822 : vector<16xf32>
        %swap3A = arith.constant 1 : i32
        %swap3A_824 = arith.index_cast %swap3A : i32 to index
        %swap3A_825 = arith.index_cast %scan3A_815 : i32 to index
        %swap3A_826 = arith.constant 0 : index
        %swap3A_827 = tpu.vector_load %arg6[%swap3A_824, %swap3A_825, %swap3A_826] {strides = array<i32>} : memref<4x256x32xf32, #tpu.memory_space<vmem>>, vector<16xf32>,
        tpu.vector_store %arg6[%swap3A_824, %swap3A_825, %swap3A_826], %mul3A_823 {strides = array<i32>} : memref<4x256x32xf32, #tpu.memory_space<vmem>>, vector<16xf32>,
        %get3A_828 = arith.constant 1 : i32
        %get3A_829 = arith.index_cast %get3A_828 : i32 to index
        %get3A_830 = arith.index_cast %scan3A_815 : i32 to index
        %get3A_831 = arith.constant 16 : index
        %get3A_832 = tpu.vector_load %arg6[%get3A_829, %get3A_830, %get3A_831] {strides = array<i32>} : memref<4x256x32xf32, #tpu.memory_space<vmem>>, vector<16xf32>,
        %mul3A_833 = arith.constant 5.65685415 : f32
        %mul3A_834 = vector.broadcast %mul3A_833 : f32 to vector<16xf32>
        %mul3A_835 = arith.mulf %get3A_832, %mul3A_834 : vector<16xf32>
        %swap3A_836 = arith.constant 1 : i32
        %swap3A_837 = arith.index_cast %swap3A_836 : i32 to index
        %swap3A_838 = arith.index_cast %scan3A_815 : i32 to index
        %swap3A_839 = arith.constant 16 : index
        %swap3A_840 = tpu.vector_load %arg6[%swap3A_837, %swap3A_838, %swap3A_839] {strides = array<i32>} : memref<4x256x32xf32, #tpu.memory_space<vmem>>, vector<16xf32>,
        tpu.vector_store %arg6[%swap3A_837, %swap3A_838, %swap3A_839], %mul3A_835 {strides = array<i32>} : memref<4x256x32xf32, #tpu.memory_space<vmem>>, vector<16xf32>,
        %scan3A_841 = arith.constant 0 : i32
        %scan3A_842 = arith.constant 1 : i32
        %scan3A_843 = arith.addi %scan3A_815, %scan3A_842 : i32
        %get3A_844 = arith.constant 1 : i32
        %get3A_845 = arith.index_cast %get3A_844 : i32 to index
        %get3A_846 = arith.index_cast %scan3A_843 : i32 to index
        %get3A_847 = arith.constant 0 : index
        %get3A_848 = tpu.vector_load %arg6[%get3A_845, %get3A_846, %get3A_847] {strides = array<i32>} : memref<4x256x32xf32, #tpu.memory_space<vmem>>, vector<16xf32>,
        %mul3A_849 = arith.constant 5.65685415 : f32
        %mul3A_850 = vector.broadcast %mul3A_849 : f32 to vector<16xf32>
        %mul3A_851 = arith.mulf %get3A_848, %mul3A_850 : vector<16xf32>
        %swap3A_852 = arith.constant 1 : i32
        %swap3A_853 = arith.index_cast %swap3A_852 : i32 to index
        %swap3A_854 = arith.index_cast %scan3A_843 : i32 to index
        %swap3A_855 = arith.constant 0 : index
        %swap3A_856 = tpu.vector_load %arg6[%swap3A_853, %swap3A_854, %swap3A_855] {strides = array<i32>} : memref<4x256x32xf32, #tpu.memory_space<vmem>>, vector<16xf32>,
        tpu.vector_store %arg6[%swap3A_853, %swap3A_854, %swap3A_855], %mul3A_851 {strides = array<i32>} : memref<4x256x32xf32, #tpu.memory_space<vmem>>, vector<16xf32>,
        %get3A_857 = arith.constant 1 : i32
        %get3A_858 = arith.index_cast %get3A_857 : i32 to index
        %get3A_859 = arith.index_cast %scan3A_843 : i32 to index
        %get3A_860 = arith.constant 16 : index
        %get3A_861 = tpu.vector_load %arg6[%get3A_858, %get3A_859, %get3A_860] {strides = array<i32>} : memref<4x256x32xf32, #tpu.memory_space<vmem>>, vector<16xf32>,
        %mul3A_862 = arith.constant 5.65685415 : f32
        %mul3A_863 = vector.broadcast %mul3A_862 : f32 to vector<16xf32>
        %mul3A_864 = arith.mulf %get3A_861, %mul3A_863 : vector<16xf32>
        %swap3A_865 = arith.constant 1 : i32
        %swap3A_866 = arith.index_cast %swap3A_865 : i32 to index
        %swap3A_867 = arith.index_cast %scan3A_843 : i32 to index
        %swap3A_868 = arith.constant 16 : index
        %swap3A_869 = tpu.vector_load %arg6[%swap3A_866, %swap3A_867, %swap3A_868] {strides = array<i32>} : memref<4x256x32xf32, #tpu.memory_space<vmem>>, vector<16xf32>,
        tpu.vector_store %arg6[%swap3A_866, %swap3A_867, %swap3A_868], %mul3A_864 {strides = array<i32>} : memref<4x256x32xf32, #tpu.memory_space<vmem>>, vector<16xf32>,
        %scan3A_870 = arith.constant 0 : i32
        %scan3A_871 = arith.constant 2 : i32
        %scan3A_872 = arith.addi %scan3A_815, %scan3A_871 : i32
        %get3A_873 = arith.constant 1 : i32
        %get3A_874 = arith.index_cast %get3A_873 : i32 to index
        %get3A_875 = arith.index_cast %scan3A_872 : i32 to index
        %get3A_876 = arith.constant 0 : index
        %get3A_877 = tpu.vector_load %arg6[%get3A_874, %get3A_875, %get3A_876] {strides = array<i32>} : memref<4x256x32xf32, #tpu.memory_space<vmem>>, vector<16xf32>,
        %mul3A_878 = arith.constant 5.65685415 : f32
        %mul3A_879 = vector.broadcast %mul3A_878 : f32 to vector<16xf32>
        %mul3A_880 = arith.mulf %get3A_877, %mul3A_879 : vector<16xf32>
        %swap3A_881 = arith.constant 1 : i32
        %swap3A_882 = arith.index_cast %swap3A_881 : i32 to index
        %swap3A_883 = arith.index_cast %scan3A_872 : i32 to index
        %swap3A_884 = arith.constant 0 : index
        %swap3A_885 = tpu.vector_load %arg6[%swap3A_882, %swap3A_883, %swap3A_884] {strides = array<i32>} : memref<4x256x32xf32, #tpu.memory_space<vmem>>, vector<16xf32>,
        tpu.vector_store %arg6[%swap3A_882, %swap3A_883, %swap3A_884], %mul3A_880 {strides = array<i32>} : memref<4x256x32xf32, #tpu.memory_space<vmem>>, vector<16xf32>,
        %get3A_886 = arith.constant 1 : i32
        %get3A_887 = arith.index_cast %get3A_886 : i32 to index
        %get3A_888 = arith.index_cast %scan3A_872 : i32 to index
        %get3A_889 = arith.constant 16 : index
        %get3A_890 = tpu.vector_load %arg6[%get3A_887, %get3A_888, %get3A_889] {strides = array<i32>} : memref<4x256x32xf32, #tpu.memory_space<vmem>>, vector<16xf32>,
        %mul3A_891 = arith.constant 5.65685415 : f32
        %mul3A_892 = vector.broadcast %mul3A_891 : f32 to vector<16xf32>
        %mul3A_893 = arith.mulf %get3A_890, %mul3A_892 : vector<16xf32>
        %swap3A_894 = arith.constant 1 : i32
        %swap3A_895 = arith.index_cast %swap3A_894 : i32 to index
        %swap3A_896 = arith.index_cast %scan3A_872 : i32 to index
        %swap3A_897 = arith.constant 16 : index
        %swap3A_898 = tpu.vector_load %arg6[%swap3A_895, %swap3A_896, %swap3A_897] {strides = array<i32>} : memref<4x256x32xf32, #tpu.memory_space<vmem>>, vector<16xf32>,
        tpu.vector_store %arg6[%swap3A_895, %swap3A_896, %swap3A_897], %mul3A_893 {strides = array<i32>} : memref<4x256x32xf32, #tpu.memory_space<vmem>>, vector<16xf32>,
        %scan3A_899 = arith.constant 0 : i32
        %scan3A_900 = arith.constant 3 : i32
        %scan3A_901 = arith.addi %scan3A_815, %scan3A_900 : i32
        %get3A_902 = arith.constant 1 : i32
        %get3A_903 = arith.index_cast %get3A_902 : i32 to index
        %get3A_904 = arith.index_cast %scan3A_901 : i32 to index
        %get3A_905 = arith.constant 0 : index
        %get3A_906 = tpu.vector_load %arg6[%get3A_903, %get3A_904, %get3A_905] {strides = array<i32>} : memref<4x256x32xf32, #tpu.memory_space<vmem>>, vector<16xf32>,
        %mul3A_907 = arith.constant 5.65685415 : f32
        %mul3A_908 = vector.broadcast %mul3A_907 : f32 to vector<16xf32>
        %mul3A_909 = arith.mulf %get3A_906, %mul3A_908 : vector<16xf32>
        %swap3A_910 = arith.constant 1 : i32
        %swap3A_911 = arith.index_cast %swap3A_910 : i32 to index
        %swap3A_912 = arith.index_cast %scan3A_901 : i32 to index
        %swap3A_913 = arith.constant 0 : index
        %swap3A_914 = tpu.vector_load %arg6[%swap3A_911, %swap3A_912, %swap3A_913] {strides = array<i32>} : memref<4x256x32xf32, #tpu.memory_space<vmem>>, vector<16xf32>,
        tpu.vector_store %arg6[%swap3A_911, %swap3A_912, %swap3A_913], %mul3A_909 {strides = array<i32>} : memref<4x256x32xf32, #tpu.memory_space<vmem>>, vector<16xf32>,
        %get3A_915 = arith.constant 1 : i32
        %get3A_916 = arith.index_cast %get3A_915 : i32 to index
        %get3A_917 = arith.index_cast %scan3A_901 : i32 to index
        %get3A_918 = arith.constant 16 : index
        %get3A_919 = tpu.vector_load %arg6[%get3A_916, %get3A_917, %get3A_918] {strides = array<i32>} : memref<4x256x32xf32, #tpu.memory_space<vmem>>, vector<16xf32>,
        %mul3A_920 = arith.constant 5.65685415 : f32
        %mul3A_921 = vector.broadcast %mul3A_920 : f32 to vector<16xf32>
        %mul3A_922 = arith.mulf %get3A_919, %mul3A_921 : vector<16xf32>
        %swap3A_923 = arith.constant 1 : i32
        %swap3A_924 = arith.index_cast %swap3A_923 : i32 to index
        %swap3A_925 = arith.index_cast %scan3A_901 : i32 to index
        %swap3A_926 = arith.constant 16 : index
        %swap3A_927 = tpu.vector_load %arg6[%swap3A_924, %swap3A_925, %swap3A_926] {strides = array<i32>} : memref<4x256x32xf32, #tpu.memory_space<vmem>>, vector<16xf32>,
        tpu.vector_store %arg6[%swap3A_924, %swap3A_925, %swap3A_926], %mul3A_922 {strides = array<i32>} : memref<4x256x32xf32, #tpu.memory_space<vmem>>, vector<16xf32>,
        %scan3A_928 = arith.constant 0 : i32
        %scan3A_929 = arith.constant 4 : i32
        %scan3A_930 = arith.addi %scan3A_815, %scan3A_929 : i32
        %get3A_931 = arith.constant 1 : i32
        %get3A_932 = arith.index_cast %get3A_931 : i32 to index
        %get3A_933 = arith.index_cast %scan3A_930 : i32 to index
        %get3A_934 = arith.constant 0 : index
        %get3A_935 = tpu.vector_load %arg6[%get3A_932, %get3A_933, %get3A_934] {strides = array<i32>} : memref<4x256x32xf32, #tpu.memory_space<vmem>>, vector<16xf32>,
        %mul3A_936 = arith.constant 5.65685415 : f32
        %mul3A_937 = vector.broadcast %mul3A_936 : f32 to vector<16xf32>
        %mul3A_938 = arith.mulf %get3A_935, %mul3A_937 : vector<16xf32>
        %swap3A_939 = arith.constant 1 : i32
        %swap3A_940 = arith.index_cast %swap3A_939 : i32 to index
        %swap3A_941 = arith.index_cast %scan3A_930 : i32 to index
        %swap3A_942 = arith.constant 0 : index
        %swap3A_943 = tpu.vector_load %arg6[%swap3A_940, %swap3A_941, %swap3A_942] {strides = array<i32>} : memref<4x256x32xf32, #tpu.memory_space<vmem>>, vector<16xf32>,
        tpu.vector_store %arg6[%swap3A_940, %swap3A_941, %swap3A_942], %mul3A_938 {strides = array<i32>} : memref<4x256x32xf32, #tpu.memory_space<vmem>>, vector<16xf32>,
        %get3A_944 = arith.constant 1 : i32
        %get3A_945 = arith.index_cast %get3A_944 : i32 to index
        %get3A_946 = arith.index_cast %scan3A_930 : i32 to index
        %get3A_947 = arith.constant 16 : index
        %get3A_948 = tpu.vector_load %arg6[%get3A_945, %get3A_946, %get3A_947] {strides = array<i32>} : memref<4x256x32xf32, #tpu.memory_space<vmem>>, vector<16xf32>,
        %mul3A_949 = arith.constant 5.65685415 : f32
        %mul3A_950 = vector.broadcast %mul3A_949 : f32 to vector<16xf32>
        %mul3A_951 = arith.mulf %get3A_948, %mul3A_950 : vector<16xf32>
        %swap3A_952 = arith.constant 1 : i32
        %swap3A_953 = arith.index_cast %swap3A_952 : i32 to index
        %swap3A_954 = arith.index_cast %scan3A_930 : i32 to index
        %swap3A_955 = arith.constant 16 : index
        %swap3A_956 = tpu.vector_load %arg6[%swap3A_953, %swap3A_954, %swap3A_955] {strides = array<i32>} : memref<4x256x32xf32, #tpu.memory_space<vmem>>, vector<16xf32>,
        tpu.vector_store %arg6[%swap3A_953, %swap3A_954, %swap3A_955], %mul3A_951 {strides = array<i32>} : memref<4x256x32xf32, #tpu.memory_space<vmem>>, vector<16xf32>,
        %scan3A_957 = arith.constant 0 : i32
        %scan3A_958 = arith.constant 5 : i32
        %scan3A_959 = arith.addi %scan3A_815, %scan3A_958 : i32
        %get3A_960 = arith.constant 1 : i32
        %get3A_961 = arith.index_cast %get3A_960 : i32 to index
        %get3A_962 = arith.index_cast %scan3A_959 : i32 to index
        %get3A_963 = arith.constant 0 : index
        %get3A_964 = tpu.vector_load %arg6[%get3A_961, %get3A_962, %get3A_963] {strides = array<i32>} : memref<4x256x32xf32, #tpu.memory_space<vmem>>, vector<16xf32>,
        %mul3A_965 = arith.constant 5.65685415 : f32
        %mul3A_966 = vector.broadcast %mul3A_965 : f32 to vector<16xf32>
        %mul3A_967 = arith.mulf %get3A_964, %mul3A_966 : vector<16xf32>
        %swap3A_968 = arith.constant 1 : i32
        %swap3A_969 = arith.index_cast %swap3A_968 : i32 to index
        %swap3A_970 = arith.index_cast %scan3A_959 : i32 to index
        %swap3A_971 = arith.constant 0 : index
        %swap3A_972 = tpu.vector_load %arg6[%swap3A_969, %swap3A_970, %swap3A_971] {strides = array<i32>} : memref<4x256x32xf32, #tpu.memory_space<vmem>>, vector<16xf32>,
        tpu.vector_store %arg6[%swap3A_969, %swap3A_970, %swap3A_971], %mul3A_967 {strides = array<i32>} : memref<4x256x32xf32, #tpu.memory_space<vmem>>, vector<16xf32>,
        %get3A_973 = arith.constant 1 : i32
        %get3A_974 = arith.index_cast %get3A_973 : i32 to index
        %get3A_975 = arith.index_cast %scan3A_959 : i32 to index
        %get3A_976 = arith.constant 16 : index
        %get3A_977 = tpu.vector_load %arg6[%get3A_974, %get3A_975, %get3A_976] {strides = array<i32>} : memref<4x256x32xf32, #tpu.memory_space<vmem>>, vector<16xf32>,
        %mul3A_978 = arith.constant 5.65685415 : f32
        %mul3A_979 = vector.broadcast %mul3A_978 : f32 to vector<16xf32>
        %mul3A_980 = arith.mulf %get3A_977, %mul3A_979 : vector<16xf32>
        %swap3A_981 = arith.constant 1 : i32
        %swap3A_982 = arith.index_cast %swap3A_981 : i32 to index
        %swap3A_983 = arith.index_cast %scan3A_959 : i32 to index
        %swap3A_984 = arith.constant 16 : index
        %swap3A_985 = tpu.vector_load %arg6[%swap3A_982, %swap3A_983, %swap3A_984] {strides = array<i32>} : memref<4x256x32xf32, #tpu.memory_space<vmem>>, vector<16xf32>,
        tpu.vector_store %arg6[%swap3A_982, %swap3A_983, %swap3A_984], %mul3A_980 {strides = array<i32>} : memref<4x256x32xf32, #tpu.memory_space<vmem>>, vector<16xf32>,
        %scan3A_986 = arith.constant 0 : i32
        %scan3A_987 = arith.constant 6 : i32
        %scan3A_988 = arith.addi %scan3A_815, %scan3A_987 : i32
        %get3A_989 = arith.constant 1 : i32
        %get3A_990 = arith.index_cast %get3A_989 : i32 to index
        %get3A_991 = arith.index_cast %scan3A_988 : i32 to index
        %get3A_992 = arith.constant 0 : index
        %get3A_993 = tpu.vector_load %arg6[%get3A_990, %get3A_991, %get3A_992] {strides = array<i32>} : memref<4x256x32xf32, #tpu.memory_space<vmem>>, vector<16xf32>,
        %mul3A_994 = arith.constant 5.65685415 : f32
        %mul3A_995 = vector.broadcast %mul3A_994 : f32 to vector<16xf32>
        %mul3A_996 = arith.mulf %get3A_993, %mul3A_995 : vector<16xf32>
        %swap3A_997 = arith.constant 1 : i32
        %swap3A_998 = arith.index_cast %swap3A_997 : i32 to index
        %swap3A_999 = arith.index_cast %scan3A_988 : i32 to index
        %swap3A_1000 = arith.constant 0 : index
        %swap3A_1001 = tpu.vector_load %arg6[%swap3A_998, %swap3A_999, %swap3A_1000] {strides = array<i32>} : memref<4x256x32xf32, #tpu.memory_space<vmem>>, vector<16xf32>,
        tpu.vector_store %arg6[%swap3A_998, %swap3A_999, %swap3A_1000], %mul3A_996 {strides = array<i32>} : memref<4x256x32xf32, #tpu.memory_space<vmem>>, vector<16xf32>,
        %get3A_1002 = arith.constant 1 : i32
        %get3A_1003 = arith.index_cast %get3A_1002 : i32 to index
        %get3A_1004 = arith.index_cast %scan3A_988 : i32 to index
        %get3A_1005 = arith.constant 16 : index
        %get3A_1006 = tpu.vector_load %arg6[%get3A_1003, %get3A_1004, %get3A_1005] {strides = array<i32>} : memref<4x256x32xf32, #tpu.memory_space<vmem>>, vector<16xf32>,
        %mul3A_1007 = arith.constant 5.65685415 : f32
        %mul3A_1008 = vector.broadcast %mul3A_1007 : f32 to vector<16xf32>
        %mul3A_1009 = arith.mulf %get3A_1006, %mul3A_1008 : vector<16xf32>
        %swap3A_1010 = arith.constant 1 : i32
        %swap3A_1011 = arith.index_cast %swap3A_1010 : i32 to index
        %swap3A_1012 = arith.index_cast %scan3A_988 : i32 to index
        %swap3A_1013 = arith.constant 16 : index
        %swap3A_1014 = tpu.vector_load %arg6[%swap3A_1011, %swap3A_1012, %swap3A_1013] {strides = array<i32>} : memref<4x256x32xf32, #tpu.memory_space<vmem>>, vector<16xf32>,
        tpu.vector_store %arg6[%swap3A_1011, %swap3A_1012, %swap3A_1013], %mul3A_1009 {strides = array<i32>} : memref<4x256x32xf32, #tpu.memory_space<vmem>>, vector<16xf32>,
        %scan3A_1015 = arith.constant 0 : i32
        %scan3A_1016 = arith.constant 7 : i32
        %scan3A_1017 = arith.addi %scan3A_815, %scan3A_1016 : i32
        %get3A_1018 = arith.constant 1 : i32
        %get3A_1019 = arith.index_cast %get3A_1018 : i32 to index
        %get3A_1020 = arith.index_cast %scan3A_1017 : i32 to index
        %get3A_1021 = arith.constant 0 : index
        %get3A_1022 = tpu.vector_load %arg6[%get3A_1019, %get3A_1020, %get3A_1021] {strides = array<i32>} : memref<4x256x32xf32, #tpu.memory_space<vmem>>, vector<16xf32>,
        %mul3A_1023 = arith.constant 5.65685415 : f32
        %mul3A_1024 = vector.broadcast %mul3A_1023 : f32 to vector<16xf32>
        %mul3A_1025 = arith.mulf %get3A_1022, %mul3A_1024 : vector<16xf32>
        %swap3A_1026 = arith.constant 1 : i32
        %swap3A_1027 = arith.index_cast %swap3A_1026 : i32 to index
        %swap3A_1028 = arith.index_cast %scan3A_1017 : i32 to index
        %swap3A_1029 = arith.constant 0 : index
        %swap3A_1030 = tpu.vector_load %arg6[%swap3A_1027, %swap3A_1028, %swap3A_1029] {strides = array<i32>} : memref<4x256x32xf32, #tpu.memory_space<vmem>>, vector<16xf32>,
        tpu.vector_store %arg6[%swap3A_1027, %swap3A_1028, %swap3A_1029], %mul3A_1025 {strides = array<i32>} : memref<4x256x32xf32, #tpu.memory_space<vmem>>, vector<16xf32>,
        %get3A_1031 = arith.constant 1 : i32
        %get3A_1032 = arith.index_cast %get3A_1031 : i32 to index
        %get3A_1033 = arith.index_cast %scan3A_1017 : i32 to index
        %get3A_1034 = arith.constant 16 : index
        %get3A_1035 = tpu.vector_load %arg6[%get3A_1032, %get3A_1033, %get3A_1034] {strides = array<i32>} : memref<4x256x32xf32, #tpu.memory_space<vmem>>, vector<16xf32>,
        %mul3A_1036 = arith.constant 5.65685415 : f32
        %mul3A_1037 = vector.broadcast %mul3A_1036 : f32 to vector<16xf32>
        %mul3A_1038 = arith.mulf %get3A_1035, %mul3A_1037 : vector<16xf32>
        %swap3A_1039 = arith.constant 1 : i32
        %swap3A_1040 = arith.index_cast %swap3A_1039 : i32 to index
        %swap3A_1041 = arith.index_cast %scan3A_1017 : i32 to index
        %swap3A_1042 = arith.constant 16 : index
        %swap3A_1043 = tpu.vector_load %arg6[%swap3A_1040, %swap3A_1041, %swap3A_1042] {strides = array<i32>} : memref<4x256x32xf32, #tpu.memory_space<vmem>>, vector<16xf32>,
        tpu.vector_store %arg6[%swap3A_1040, %swap3A_1041, %swap3A_1042], %mul3A_1038 {strides = array<i32>} : memref<4x256x32xf32, #tpu.memory_space<vmem>>, vector<16xf32>,
        %scan3A_1044 = arith.constant 0 : i32
        scf.yield %scan3A_1044 : i32
      }
      %scan3A_622 = arith.constant 256 : i32
      %add3A_623 = arith.addi %mul3A_2, %add3A_604 : i32
      %mul3A_624 = arith.constant 256 : i32
      %mul3A_625 = arith.muli %add3A_623, %mul3A_624 : i32
      %dma_start3A_626 = arith.constant 1 : i32
      %dma_start3A_627 = arith.constant 0 : i32
      %dma_start3A_628 = arith.constant 0 : i32
      %dma_start3A_629 = tpu.memref_slice %arg6[%dma_start3A_626, %dma_start3A_627, %dma_start3A_628] : memref<4x256x32xf32, #tpu.memory_space<vmem>> -> memref<1x256x32xf32, #tpu.memory_space<vmem>>
      %dma_start3A_630 = tpu.memref_squeeze %dma_start3A_629 : memref<1x256x32xf32, #tpu.memory_space<vmem>> -> memref<256x32xf32, #tpu.memory_space<vmem>>
      %dma_start3A_631 = arith.constant 0 : i32
      %dma_start3A_632 = tpu.memref_slice %arg4[%mul3A_625, %dma_start3A_631] : memref<819200x32xf32, #tpu.memory_space<hbm>> -> memref<256x32xf32, #tpu.memory_space<hbm>>
      %dma_start3A_633 = arith.constant 0 : i32
      %dma_start3A_634 = tpu.memref_slice %arg4[%mul3A_625, %dma_start3A_633] : memref<819200x32xf32, #tpu.memory_space<hbm>> -> memref<256x32xf32, #tpu.memory_space<hbm>>
      %dma_start3A_635 = arith.constant 0 : i32
      %dma_start3A_636 = arith.constant 0 : i32
      %dma_start3A_637 = tpu.memref_slice %arg6[%dma_start3A_626, %dma_start3A_635, %dma_start3A_636] : memref<4x256x32xf32, #tpu.memory_space<vmem>> -> memref<1x256x32xf32, #tpu.memory_space<vmem>>
      %dma_start3A_638 = tpu.memref_squeeze %dma_start3A_637 : memref<1x256x32xf32, #tpu.memory_space<vmem>> -> memref<256x32xf32, #tpu.memory_space<vmem>>
      tpu.enqueue_dma source(%dma_start3A_638 : memref<256x32xf32, #tpu.memory_space<vmem>>) target(%dma_start3A_634 : memref<256x32xf32, #tpu.memory_space<hbm>>) target_semaphore(%arg12 : memref<!tpu.dma_semaphore, #tpu.memory_space<semaphore_mem>>)
      %add3A_639 = arith.constant 3 : i32
      %add3A_640 = arith.addi %add3A_604, %add3A_639 : i32
      %sub3A_641 = arith.constant 4 : i32
      %sub3A_642 = arith.subi %add3A_640, %sub3A_641 : i32
      %add3A_643 = arith.addi %mul3A_2, %sub3A_642 : i32
      %mul3A_644 = arith.constant 256 : i32
      %mul3A_645 = arith.muli %add3A_643, %mul3A_644 : i32
      %dma_wait3A_646 = arith.constant 0 : i32
      %dma_wait3A_647 = arith.constant 0 : i32
      %dma_wait3A_648 = arith.constant 0 : i32
      %dma_wait3A_649 = tpu.memref_slice %arg6[%dma_wait3A_646, %dma_wait3A_647, %dma_wait3A_648] : memref<4x256x32xf32, #tpu.memory_space<vmem>> -> memref<1x256x32xf32, #tpu.memory_space<vmem>>
      %dma_wait3A_650 = tpu.memref_squeeze %dma_wait3A_649 : memref<1x256x32xf32, #tpu.memory_space<vmem>> -> memref<256x32xf32, #tpu.memory_space<vmem>>
      %dma_wait3A_651 = arith.constant 0 : i32
      %dma_wait3A_652 = tpu.memref_slice %arg4[%mul3A_645, %dma_wait3A_651] : memref<819200x32xf32, #tpu.memory_space<hbm>> -> memref<256x32xf32, #tpu.memory_space<hbm>>
      %dma_wait3A_653 = arith.constant 0 : i32
      %dma_wait3A_654 = tpu.memref_slice %arg4[%mul3A_645, %dma_wait3A_653] : memref<819200x32xf32, #tpu.memory_space<hbm>> -> memref<256x32xf32, #tpu.memory_space<hbm>>
      %dma_wait3A_655 = arith.constant 0 : i32
      %dma_wait3A_656 = arith.constant 0 : i32
      %dma_wait3A_657 = tpu.memref_slice %arg6[%dma_wait3A_646, %dma_wait3A_655, %dma_wait3A_656] : memref<4x256x32xf32, #tpu.memory_space<vmem>> -> memref<1x256x32xf32, #tpu.memory_space<vmem>>
      %dma_wait3A_658 = tpu.memref_squeeze %dma_wait3A_657 : memref<1x256x32xf32, #tpu.memory_space<vmem>> -> memref<256x32xf32, #tpu.memory_space<vmem>>
      tpu.wait_dma2 semaphore(%arg11 : memref<!tpu.dma_semaphore, #tpu.memory_space<semaphore_mem>>) src(%dma_wait3A_658 : memref<256x32xf32, #tpu.memory_space<vmem>>) dst(%dma_wait3A_654 : memref<256x32xf32, #tpu.memory_space<hbm>>)
      %add3A_659 = arith.constant 3 : i32
      %add3A_660 = arith.addi %add3A_604, %add3A_659 : i32
      %mul3A_661 = arith.constant 256 : i32
      %mul3A_662 = arith.muli %add3A_660, %mul3A_661 : i32
      %dma_start3A_663 = arith.constant 0 : i32
      %dma_start3A_664 = arith.constant 0 : i32
      %dma_start3A_665 = arith.constant 0 : i32
      %dma_start3A_666 = tpu.memref_slice %arg6[%dma_start3A_663, %dma_start3A_664, %dma_start3A_665] : memref<4x256x32xf32, #tpu.memory_space<vmem>> -> memref<1x256x32xf32, #tpu.memory_space<vmem>>
      %dma_start3A_667 = tpu.memref_squeeze %dma_start3A_666 : memref<1x256x32xf32, #tpu.memory_space<vmem>> -> memref<256x32xf32, #tpu.memory_space<vmem>>
      %dma_start3A_668 = tpu.memref_slice %arg5[%mul3A_662] : memref<25600xi32, #tpu.memory_space<vmem>> -> memref<256xi32, #tpu.memory_space<vmem>>
      %dma_start3A_669 = arith.constant 0 : i32
      %dma_start3A_670 = arith.constant 0 : i32
      %dma_start3A_671 = tpu.memref_slice %arg3[%dma_start3A_669, %dma_start3A_670] : memref<1000000x32xf32, #tpu.memory_space<hbm>> -> memref<1000000x32xf32, #tpu.memory_space<hbm>>
      tpu.enqueue_indirect_dma source(%dma_start3A_671 : memref<1000000x32xf32, #tpu.memory_space<hbm>>) target(%dma_start3A_667 : memref<256x32xf32, #tpu.memory_space<vmem>>) offsets(%dma_start3A_668 : memref<256xi32, #tpu.memory_space<vmem>>) semaphore(%arg7 : memref<!tpu.dma_semaphore, #tpu.memory_space<semaphore_mem>>)
      %mul3A_672 = arith.constant 4 : i32
      %mul3A_673 = arith.muli %scan3A_529, %mul3A_672 : i32
      %add3A_674 = arith.constant 2 : i32
      %add3A_675 = arith.addi %mul3A_673, %add3A_674 : i32
      %mul3A_676 = arith.constant 256 : i32
      %mul3A_677 = arith.muli %add3A_675, %mul3A_676 : i32
      %dma_wait3A_678 = arith.constant 2 : i32
      %dma_wait3A_679 = arith.constant 0 : i32
      %dma_wait3A_680 = arith.constant 0 : i32
      %dma_wait3A_681 = tpu.memref_slice %arg6[%dma_wait3A_678, %dma_wait3A_679, %dma_wait3A_680] : memref<4x256x32xf32, #tpu.memory_space<vmem>> -> memref<1x256x32xf32, #tpu.memory_space<vmem>>
      %dma_wait3A_682 = tpu.memref_squeeze %dma_wait3A_681 : memref<1x256x32xf32, #tpu.memory_space<vmem>> -> memref<256x32xf32, #tpu.memory_space<vmem>>
      %dma_wait3A_683 = tpu.memref_slice %arg5[%mul3A_677] : memref<25600xi32, #tpu.memory_space<vmem>> -> memref<256xi32, #tpu.memory_space<vmem>>
      %dma_wait3A_684 = arith.constant 0 : i32
      %dma_wait3A_685 = arith.constant 0 : i32
      %dma_wait3A_686 = tpu.memref_slice %arg3[%dma_wait3A_684, %dma_wait3A_685] : memref<1000000x32xf32, #tpu.memory_space<hbm>> -> memref<1000000x32xf32, #tpu.memory_space<hbm>>
      tpu.wait_indirect_dma semaphore(%arg9 : memref<!tpu.dma_semaphore, #tpu.memory_space<semaphore_mem>>) src(%dma_wait3A_686 : memref<1000000x32xf32, #tpu.memory_space<hbm>>) dst(%dma_wait3A_682 : memref<256x32xf32, #tpu.memory_space<vmem>>)
      %scan3A_687 = arith.constant 0 : i32
      %scan3A_688 = arith.constant 0 : i32
      %scan3A_689 = arith.constant 256 : i32
      %scan3A_690 = arith.addi %scan3A_688, %scan3A_689 : i32
      %scan3A_691 = arith.constant 8 : i32
      %scan3A_692 = scf.for %scan3A_815 = %scan3A_688 to %scan3A_690 step %scan3A_691 iter_args(%scan3A_816 = %scan3A_687) -> (i32)  : i32 {
        %get3A = arith.constant 2 : i32
        %get3A_817 = arith.index_cast %get3A : i32 to index
        %get3A_818 = arith.index_cast %scan3A_815 : i32 to index
        %get3A_819 = arith.constant 0 : index
        %get3A_820 = tpu.vector_load %arg6[%get3A_817, %get3A_818, %get3A_819] {strides = array<i32>} : memref<4x256x32xf32, #tpu.memory_space<vmem>>, vector<16xf32>,
        %mul3A_821 = arith.constant 5.65685415 : f32
        %mul3A_822 = vector.broadcast %mul3A_821 : f32 to vector<16xf32>
        %mul3A_823 = arith.mulf %get3A_820, %mul3A_822 : vector<16xf32>
        %swap3A = arith.constant 2 : i32
        %swap3A_824 = arith.index_cast %swap3A : i32 to index
        %swap3A_825 = arith.index_cast %scan3A_815 : i32 to index
        %swap3A_826 = arith.constant 0 : index
        %swap3A_827 = tpu.vector_load %arg6[%swap3A_824, %swap3A_825, %swap3A_826] {strides = array<i32>} : memref<4x256x32xf32, #tpu.memory_space<vmem>>, vector<16xf32>,
        tpu.vector_store %arg6[%swap3A_824, %swap3A_825, %swap3A_826], %mul3A_823 {strides = array<i32>} : memref<4x256x32xf32, #tpu.memory_space<vmem>>, vector<16xf32>,
        %get3A_828 = arith.constant 2 : i32
        %get3A_829 = arith.index_cast %get3A_828 : i32 to index
        %get3A_830 = arith.index_cast %scan3A_815 : i32 to index
        %get3A_831 = arith.constant 16 : index
        %get3A_832 = tpu.vector_load %arg6[%get3A_829, %get3A_830, %get3A_831] {strides = array<i32>} : memref<4x256x32xf32, #tpu.memory_space<vmem>>, vector<16xf32>,
        %mul3A_833 = arith.constant 5.65685415 : f32
        %mul3A_834 = vector.broadcast %mul3A_833 : f32 to vector<16xf32>
        %mul3A_835 = arith.mulf %get3A_832, %mul3A_834 : vector<16xf32>
        %swap3A_836 = arith.constant 2 : i32
        %swap3A_837 = arith.index_cast %swap3A_836 : i32 to index
        %swap3A_838 = arith.index_cast %scan3A_815 : i32 to index
        %swap3A_839 = arith.constant 16 : index
        %swap3A_840 = tpu.vector_load %arg6[%swap3A_837, %swap3A_838, %swap3A_839] {strides = array<i32>} : memref<4x256x32xf32, #tpu.memory_space<vmem>>, vector<16xf32>,
        tpu.vector_store %arg6[%swap3A_837, %swap3A_838, %swap3A_839], %mul3A_835 {strides = array<i32>} : memref<4x256x32xf32, #tpu.memory_space<vmem>>, vector<16xf32>,
        %scan3A_841 = arith.constant 0 : i32
        %scan3A_842 = arith.constant 1 : i32
        %scan3A_843 = arith.addi %scan3A_815, %scan3A_842 : i32
        %get3A_844 = arith.constant 2 : i32
        %get3A_845 = arith.index_cast %get3A_844 : i32 to index
        %get3A_846 = arith.index_cast %scan3A_843 : i32 to index
        %get3A_847 = arith.constant 0 : index
        %get3A_848 = tpu.vector_load %arg6[%get3A_845, %get3A_846, %get3A_847] {strides = array<i32>} : memref<4x256x32xf32, #tpu.memory_space<vmem>>, vector<16xf32>,
        %mul3A_849 = arith.constant 5.65685415 : f32
        %mul3A_850 = vector.broadcast %mul3A_849 : f32 to vector<16xf32>
        %mul3A_851 = arith.mulf %get3A_848, %mul3A_850 : vector<16xf32>
        %swap3A_852 = arith.constant 2 : i32
        %swap3A_853 = arith.index_cast %swap3A_852 : i32 to index
        %swap3A_854 = arith.index_cast %scan3A_843 : i32 to index
        %swap3A_855 = arith.constant 0 : index
        %swap3A_856 = tpu.vector_load %arg6[%swap3A_853, %swap3A_854, %swap3A_855] {strides = array<i32>} : memref<4x256x32xf32, #tpu.memory_space<vmem>>, vector<16xf32>,
        tpu.vector_store %arg6[%swap3A_853, %swap3A_854, %swap3A_855], %mul3A_851 {strides = array<i32>} : memref<4x256x32xf32, #tpu.memory_space<vmem>>, vector<16xf32>,
        %get3A_857 = arith.constant 2 : i32
        %get3A_858 = arith.index_cast %get3A_857 : i32 to index
        %get3A_859 = arith.index_cast %scan3A_843 : i32 to index
        %get3A_860 = arith.constant 16 : index
        %get3A_861 = tpu.vector_load %arg6[%get3A_858, %get3A_859, %get3A_860] {strides = array<i32>} : memref<4x256x32xf32, #tpu.memory_space<vmem>>, vector<16xf32>,
        %mul3A_862 = arith.constant 5.65685415 : f32
        %mul3A_863 = vector.broadcast %mul3A_862 : f32 to vector<16xf32>
        %mul3A_864 = arith.mulf %get3A_861, %mul3A_863 : vector<16xf32>
        %swap3A_865 = arith.constant 2 : i32
        %swap3A_866 = arith.index_cast %swap3A_865 : i32 to index
        %swap3A_867 = arith.index_cast %scan3A_843 : i32 to index
        %swap3A_868 = arith.constant 16 : index
        %swap3A_869 = tpu.vector_load %arg6[%swap3A_866, %swap3A_867, %swap3A_868] {strides = array<i32>} : memref<4x256x32xf32, #tpu.memory_space<vmem>>, vector<16xf32>,
        tpu.vector_store %arg6[%swap3A_866, %swap3A_867, %swap3A_868], %mul3A_864 {strides = array<i32>} : memref<4x256x32xf32, #tpu.memory_space<vmem>>, vector<16xf32>,
        %scan3A_870 = arith.constant 0 : i32
        %scan3A_871 = arith.constant 2 : i32
        %scan3A_872 = arith.addi %scan3A_815, %scan3A_871 : i32
        %get3A_873 = arith.constant 2 : i32
        %get3A_874 = arith.index_cast %get3A_873 : i32 to index
        %get3A_875 = arith.index_cast %scan3A_872 : i32 to index
        %get3A_876 = arith.constant 0 : index
        %get3A_877 = tpu.vector_load %arg6[%get3A_874, %get3A_875, %get3A_876] {strides = array<i32>} : memref<4x256x32xf32, #tpu.memory_space<vmem>>, vector<16xf32>,
        %mul3A_878 = arith.constant 5.65685415 : f32
        %mul3A_879 = vector.broadcast %mul3A_878 : f32 to vector<16xf32>
        %mul3A_880 = arith.mulf %get3A_877, %mul3A_879 : vector<16xf32>
        %swap3A_881 = arith.constant 2 : i32
        %swap3A_882 = arith.index_cast %swap3A_881 : i32 to index
        %swap3A_883 = arith.index_cast %scan3A_872 : i32 to index
        %swap3A_884 = arith.constant 0 : index
        %swap3A_885 = tpu.vector_load %arg6[%swap3A_882, %swap3A_883, %swap3A_884] {strides = array<i32>} : memref<4x256x32xf32, #tpu.memory_space<vmem>>, vector<16xf32>,
        tpu.vector_store %arg6[%swap3A_882, %swap3A_883, %swap3A_884], %mul3A_880 {strides = array<i32>} : memref<4x256x32xf32, #tpu.memory_space<vmem>>, vector<16xf32>,
        %get3A_886 = arith.constant 2 : i32
        %get3A_887 = arith.index_cast %get3A_886 : i32 to index
        %get3A_888 = arith.index_cast %scan3A_872 : i32 to index
        %get3A_889 = arith.constant 16 : index
        %get3A_890 = tpu.vector_load %arg6[%get3A_887, %get3A_888, %get3A_889] {strides = array<i32>} : memref<4x256x32xf32, #tpu.memory_space<vmem>>, vector<16xf32>,
        %mul3A_891 = arith.constant 5.65685415 : f32
        %mul3A_892 = vector.broadcast %mul3A_891 : f32 to vector<16xf32>
        %mul3A_893 = arith.mulf %get3A_890, %mul3A_892 : vector<16xf32>
        %swap3A_894 = arith.constant 2 : i32
        %swap3A_895 = arith.index_cast %swap3A_894 : i32 to index
        %swap3A_896 = arith.index_cast %scan3A_872 : i32 to index
        %swap3A_897 = arith.constant 16 : index
        %swap3A_898 = tpu.vector_load %arg6[%swap3A_895, %swap3A_896, %swap3A_897] {strides = array<i32>} : memref<4x256x32xf32, #tpu.memory_space<vmem>>, vector<16xf32>,
        tpu.vector_store %arg6[%swap3A_895, %swap3A_896, %swap3A_897], %mul3A_893 {strides = array<i32>} : memref<4x256x32xf32, #tpu.memory_space<vmem>>, vector<16xf32>,
        %scan3A_899 = arith.constant 0 : i32
        %scan3A_900 = arith.constant 3 : i32
        %scan3A_901 = arith.addi %scan3A_815, %scan3A_900 : i32
        %get3A_902 = arith.constant 2 : i32
        %get3A_903 = arith.index_cast %get3A_902 : i32 to index
        %get3A_904 = arith.index_cast %scan3A_901 : i32 to index
        %get3A_905 = arith.constant 0 : index
        %get3A_906 = tpu.vector_load %arg6[%get3A_903, %get3A_904, %get3A_905] {strides = array<i32>} : memref<4x256x32xf32, #tpu.memory_space<vmem>>, vector<16xf32>,
        %mul3A_907 = arith.constant 5.65685415 : f32
        %mul3A_908 = vector.broadcast %mul3A_907 : f32 to vector<16xf32>
        %mul3A_909 = arith.mulf %get3A_906, %mul3A_908 : vector<16xf32>
        %swap3A_910 = arith.constant 2 : i32
        %swap3A_911 = arith.index_cast %swap3A_910 : i32 to index
        %swap3A_912 = arith.index_cast %scan3A_901 : i32 to index
        %swap3A_913 = arith.constant 0 : index
        %swap3A_914 = tpu.vector_load %arg6[%swap3A_911, %swap3A_912, %swap3A_913] {strides = array<i32>} : memref<4x256x32xf32, #tpu.memory_space<vmem>>, vector<16xf32>,
        tpu.vector_store %arg6[%swap3A_911, %swap3A_912, %swap3A_913], %mul3A_909 {strides = array<i32>} : memref<4x256x32xf32, #tpu.memory_space<vmem>>, vector<16xf32>,
        %get3A_915 = arith.constant 2 : i32
        %get3A_916 = arith.index_cast %get3A_915 : i32 to index
        %get3A_917 = arith.index_cast %scan3A_901 : i32 to index
        %get3A_918 = arith.constant 16 : index
        %get3A_919 = tpu.vector_load %arg6[%get3A_916, %get3A_917, %get3A_918] {strides = array<i32>} : memref<4x256x32xf32, #tpu.memory_space<vmem>>, vector<16xf32>,
        %mul3A_920 = arith.constant 5.65685415 : f32
        %mul3A_921 = vector.broadcast %mul3A_920 : f32 to vector<16xf32>
        %mul3A_922 = arith.mulf %get3A_919, %mul3A_921 : vector<16xf32>
        %swap3A_923 = arith.constant 2 : i32
        %swap3A_924 = arith.index_cast %swap3A_923 : i32 to index
        %swap3A_925 = arith.index_cast %scan3A_901 : i32 to index
        %swap3A_926 = arith.constant 16 : index
        %swap3A_927 = tpu.vector_load %arg6[%swap3A_924, %swap3A_925, %swap3A_926] {strides = array<i32>} : memref<4x256x32xf32, #tpu.memory_space<vmem>>, vector<16xf32>,
        tpu.vector_store %arg6[%swap3A_924, %swap3A_925, %swap3A_926], %mul3A_922 {strides = array<i32>} : memref<4x256x32xf32, #tpu.memory_space<vmem>>, vector<16xf32>,
        %scan3A_928 = arith.constant 0 : i32
        %scan3A_929 = arith.constant 4 : i32
        %scan3A_930 = arith.addi %scan3A_815, %scan3A_929 : i32
        %get3A_931 = arith.constant 2 : i32
        %get3A_932 = arith.index_cast %get3A_931 : i32 to index
        %get3A_933 = arith.index_cast %scan3A_930 : i32 to index
        %get3A_934 = arith.constant 0 : index
        %get3A_935 = tpu.vector_load %arg6[%get3A_932, %get3A_933, %get3A_934] {strides = array<i32>} : memref<4x256x32xf32, #tpu.memory_space<vmem>>, vector<16xf32>,
        %mul3A_936 = arith.constant 5.65685415 : f32
        %mul3A_937 = vector.broadcast %mul3A_936 : f32 to vector<16xf32>
        %mul3A_938 = arith.mulf %get3A_935, %mul3A_937 : vector<16xf32>
        %swap3A_939 = arith.constant 2 : i32
        %swap3A_940 = arith.index_cast %swap3A_939 : i32 to index
        %swap3A_941 = arith.index_cast %scan3A_930 : i32 to index
        %swap3A_942 = arith.constant 0 : index
        %swap3A_943 = tpu.vector_load %arg6[%swap3A_940, %swap3A_941, %swap3A_942] {strides = array<i32>} : memref<4x256x32xf32, #tpu.memory_space<vmem>>, vector<16xf32>,
        tpu.vector_store %arg6[%swap3A_940, %swap3A_941, %swap3A_942], %mul3A_938 {strides = array<i32>} : memref<4x256x32xf32, #tpu.memory_space<vmem>>, vector<16xf32>,
        %get3A_944 = arith.constant 2 : i32
        %get3A_945 = arith.index_cast %get3A_944 : i32 to index
        %get3A_946 = arith.index_cast %scan3A_930 : i32 to index
        %get3A_947 = arith.constant 16 : index
        %get3A_948 = tpu.vector_load %arg6[%get3A_945, %get3A_946, %get3A_947] {strides = array<i32>} : memref<4x256x32xf32, #tpu.memory_space<vmem>>, vector<16xf32>,
        %mul3A_949 = arith.constant 5.65685415 : f32
        %mul3A_950 = vector.broadcast %mul3A_949 : f32 to vector<16xf32>
        %mul3A_951 = arith.mulf %get3A_948, %mul3A_950 : vector<16xf32>
        %swap3A_952 = arith.constant 2 : i32
        %swap3A_953 = arith.index_cast %swap3A_952 : i32 to index
        %swap3A_954 = arith.index_cast %scan3A_930 : i32 to index
        %swap3A_955 = arith.constant 16 : index
        %swap3A_956 = tpu.vector_load %arg6[%swap3A_953, %swap3A_954, %swap3A_955] {strides = array<i32>} : memref<4x256x32xf32, #tpu.memory_space<vmem>>, vector<16xf32>,
        tpu.vector_store %arg6[%swap3A_953, %swap3A_954, %swap3A_955], %mul3A_951 {strides = array<i32>} : memref<4x256x32xf32, #tpu.memory_space<vmem>>, vector<16xf32>,
        %scan3A_957 = arith.constant 0 : i32
        %scan3A_958 = arith.constant 5 : i32
        %scan3A_959 = arith.addi %scan3A_815, %scan3A_958 : i32
        %get3A_960 = arith.constant 2 : i32
        %get3A_961 = arith.index_cast %get3A_960 : i32 to index
        %get3A_962 = arith.index_cast %scan3A_959 : i32 to index
        %get3A_963 = arith.constant 0 : index
        %get3A_964 = tpu.vector_load %arg6[%get3A_961, %get3A_962, %get3A_963] {strides = array<i32>} : memref<4x256x32xf32, #tpu.memory_space<vmem>>, vector<16xf32>,
        %mul3A_965 = arith.constant 5.65685415 : f32
        %mul3A_966 = vector.broadcast %mul3A_965 : f32 to vector<16xf32>
        %mul3A_967 = arith.mulf %get3A_964, %mul3A_966 : vector<16xf32>
        %swap3A_968 = arith.constant 2 : i32
        %swap3A_969 = arith.index_cast %swap3A_968 : i32 to index
        %swap3A_970 = arith.index_cast %scan3A_959 : i32 to index
        %swap3A_971 = arith.constant 0 : index
        %swap3A_972 = tpu.vector_load %arg6[%swap3A_969, %swap3A_970, %swap3A_971] {strides = array<i32>} : memref<4x256x32xf32, #tpu.memory_space<vmem>>, vector<16xf32>,
        tpu.vector_store %arg6[%swap3A_969, %swap3A_970, %swap3A_971], %mul3A_967 {strides = array<i32>} : memref<4x256x32xf32, #tpu.memory_space<vmem>>, vector<16xf32>,
        %get3A_973 = arith.constant 2 : i32
        %get3A_974 = arith.index_cast %get3A_973 : i32 to index
        %get3A_975 = arith.index_cast %scan3A_959 : i32 to index
        %get3A_976 = arith.constant 16 : index
        %get3A_977 = tpu.vector_load %arg6[%get3A_974, %get3A_975, %get3A_976] {strides = array<i32>} : memref<4x256x32xf32, #tpu.memory_space<vmem>>, vector<16xf32>,
        %mul3A_978 = arith.constant 5.65685415 : f32
        %mul3A_979 = vector.broadcast %mul3A_978 : f32 to vector<16xf32>
        %mul3A_980 = arith.mulf %get3A_977, %mul3A_979 : vector<16xf32>
        %swap3A_981 = arith.constant 2 : i32
        %swap3A_982 = arith.index_cast %swap3A_981 : i32 to index
        %swap3A_983 = arith.index_cast %scan3A_959 : i32 to index
        %swap3A_984 = arith.constant 16 : index
        %swap3A_985 = tpu.vector_load %arg6[%swap3A_982, %swap3A_983, %swap3A_984] {strides = array<i32>} : memref<4x256x32xf32, #tpu.memory_space<vmem>>, vector<16xf32>,
        tpu.vector_store %arg6[%swap3A_982, %swap3A_983, %swap3A_984], %mul3A_980 {strides = array<i32>} : memref<4x256x32xf32, #tpu.memory_space<vmem>>, vector<16xf32>,
        %scan3A_986 = arith.constant 0 : i32
        %scan3A_987 = arith.constant 6 : i32
        %scan3A_988 = arith.addi %scan3A_815, %scan3A_987 : i32
        %get3A_989 = arith.constant 2 : i32
        %get3A_990 = arith.index_cast %get3A_989 : i32 to index
        %get3A_991 = arith.index_cast %scan3A_988 : i32 to index
        %get3A_992 = arith.constant 0 : index
        %get3A_993 = tpu.vector_load %arg6[%get3A_990, %get3A_991, %get3A_992] {strides = array<i32>} : memref<4x256x32xf32, #tpu.memory_space<vmem>>, vector<16xf32>,
        %mul3A_994 = arith.constant 5.65685415 : f32
        %mul3A_995 = vector.broadcast %mul3A_994 : f32 to vector<16xf32>
        %mul3A_996 = arith.mulf %get3A_993, %mul3A_995 : vector<16xf32>
        %swap3A_997 = arith.constant 2 : i32
        %swap3A_998 = arith.index_cast %swap3A_997 : i32 to index
        %swap3A_999 = arith.index_cast %scan3A_988 : i32 to index
        %swap3A_1000 = arith.constant 0 : index
        %swap3A_1001 = tpu.vector_load %arg6[%swap3A_998, %swap3A_999, %swap3A_1000] {strides = array<i32>} : memref<4x256x32xf32, #tpu.memory_space<vmem>>, vector<16xf32>,
        tpu.vector_store %arg6[%swap3A_998, %swap3A_999, %swap3A_1000], %mul3A_996 {strides = array<i32>} : memref<4x256x32xf32, #tpu.memory_space<vmem>>, vector<16xf32>,
        %get3A_1002 = arith.constant 2 : i32
        %get3A_1003 = arith.index_cast %get3A_1002 : i32 to index
        %get3A_1004 = arith.index_cast %scan3A_988 : i32 to index
        %get3A_1005 = arith.constant 16 : index
        %get3A_1006 = tpu.vector_load %arg6[%get3A_1003, %get3A_1004, %get3A_1005] {strides = array<i32>} : memref<4x256x32xf32, #tpu.memory_space<vmem>>, vector<16xf32>,
        %mul3A_1007 = arith.constant 5.65685415 : f32
        %mul3A_1008 = vector.broadcast %mul3A_1007 : f32 to vector<16xf32>
        %mul3A_1009 = arith.mulf %get3A_1006, %mul3A_1008 : vector<16xf32>
        %swap3A_1010 = arith.constant 2 : i32
        %swap3A_1011 = arith.index_cast %swap3A_1010 : i32 to index
        %swap3A_1012 = arith.index_cast %scan3A_988 : i32 to index
        %swap3A_1013 = arith.constant 16 : index
        %swap3A_1014 = tpu.vector_load %arg6[%swap3A_1011, %swap3A_1012, %swap3A_1013] {strides = array<i32>} : memref<4x256x32xf32, #tpu.memory_space<vmem>>, vector<16xf32>,
        tpu.vector_store %arg6[%swap3A_1011, %swap3A_1012, %swap3A_1013], %mul3A_1009 {strides = array<i32>} : memref<4x256x32xf32, #tpu.memory_space<vmem>>, vector<16xf32>,
        %scan3A_1015 = arith.constant 0 : i32
        %scan3A_1016 = arith.constant 7 : i32
        %scan3A_1017 = arith.addi %scan3A_815, %scan3A_1016 : i32
        %get3A_1018 = arith.constant 2 : i32
        %get3A_1019 = arith.index_cast %get3A_1018 : i32 to index
        %get3A_1020 = arith.index_cast %scan3A_1017 : i32 to index
        %get3A_1021 = arith.constant 0 : index
        %get3A_1022 = tpu.vector_load %arg6[%get3A_1019, %get3A_1020, %get3A_1021] {strides = array<i32>} : memref<4x256x32xf32, #tpu.memory_space<vmem>>, vector<16xf32>,
        %mul3A_1023 = arith.constant 5.65685415 : f32
        %mul3A_1024 = vector.broadcast %mul3A_1023 : f32 to vector<16xf32>
        %mul3A_1025 = arith.mulf %get3A_1022, %mul3A_1024 : vector<16xf32>
        %swap3A_1026 = arith.constant 2 : i32
        %swap3A_1027 = arith.index_cast %swap3A_1026 : i32 to index
        %swap3A_1028 = arith.index_cast %scan3A_1017 : i32 to index
        %swap3A_1029 = arith.constant 0 : index
        %swap3A_1030 = tpu.vector_load %arg6[%swap3A_1027, %swap3A_1028, %swap3A_1029] {strides = array<i32>} : memref<4x256x32xf32, #tpu.memory_space<vmem>>, vector<16xf32>,
        tpu.vector_store %arg6[%swap3A_1027, %swap3A_1028, %swap3A_1029], %mul3A_1025 {strides = array<i32>} : memref<4x256x32xf32, #tpu.memory_space<vmem>>, vector<16xf32>,
        %get3A_1031 = arith.constant 2 : i32
        %get3A_1032 = arith.index_cast %get3A_1031 : i32 to index
        %get3A_1033 = arith.index_cast %scan3A_1017 : i32 to index
        %get3A_1034 = arith.constant 16 : index
        %get3A_1035 = tpu.vector_load %arg6[%get3A_1032, %get3A_1033, %get3A_1034] {strides = array<i32>} : memref<4x256x32xf32, #tpu.memory_space<vmem>>, vector<16xf32>,
        %mul3A_1036 = arith.constant 5.65685415 : f32
        %mul3A_1037 = vector.broadcast %mul3A_1036 : f32 to vector<16xf32>
        %mul3A_1038 = arith.mulf %get3A_1035, %mul3A_1037 : vector<16xf32>
        %swap3A_1039 = arith.constant 2 : i32
        %swap3A_1040 = arith.index_cast %swap3A_1039 : i32 to index
        %swap3A_1041 = arith.index_cast %scan3A_1017 : i32 to index
        %swap3A_1042 = arith.constant 16 : index
        %swap3A_1043 = tpu.vector_load %arg6[%swap3A_1040, %swap3A_1041, %swap3A_1042] {strides = array<i32>} : memref<4x256x32xf32, #tpu.memory_space<vmem>>, vector<16xf32>,
        tpu.vector_store %arg6[%swap3A_1040, %swap3A_1041, %swap3A_1042], %mul3A_1038 {strides = array<i32>} : memref<4x256x32xf32, #tpu.memory_space<vmem>>, vector<16xf32>,
        %scan3A_1044 = arith.constant 0 : i32
        scf.yield %scan3A_1044 : i32
      }
      %scan3A_693 = arith.constant 256 : i32
      %add3A_694 = arith.addi %mul3A_2, %add3A_675 : i32
      %mul3A_695 = arith.constant 256 : i32
      %mul3A_696 = arith.muli %add3A_694, %mul3A_695 : i32
      %dma_start3A_697 = arith.constant 2 : i32
      %dma_start3A_698 = arith.constant 0 : i32
      %dma_start3A_699 = arith.constant 0 : i32
      %dma_start3A_700 = tpu.memref_slice %arg6[%dma_start3A_697, %dma_start3A_698, %dma_start3A_699] : memref<4x256x32xf32, #tpu.memory_space<vmem>> -> memref<1x256x32xf32, #tpu.memory_space<vmem>>
      %dma_start3A_701 = tpu.memref_squeeze %dma_start3A_700 : memref<1x256x32xf32, #tpu.memory_space<vmem>> -> memref<256x32xf32, #tpu.memory_space<vmem>>
      %dma_start3A_702 = arith.constant 0 : i32
      %dma_start3A_703 = tpu.memref_slice %arg4[%mul3A_696, %dma_start3A_702] : memref<819200x32xf32, #tpu.memory_space<hbm>> -> memref<256x32xf32, #tpu.memory_space<hbm>>
      %dma_start3A_704 = arith.constant 0 : i32
      %dma_start3A_705 = tpu.memref_slice %arg4[%mul3A_696, %dma_start3A_704] : memref<819200x32xf32, #tpu.memory_space<hbm>> -> memref<256x32xf32, #tpu.memory_space<hbm>>
      %dma_start3A_706 = arith.constant 0 : i32
      %dma_start3A_707 = arith.constant 0 : i32
      %dma_start3A_708 = tpu.memref_slice %arg6[%dma_start3A_697, %dma_start3A_706, %dma_start3A_707] : memref<4x256x32xf32, #tpu.memory_space<vmem>> -> memref<1x256x32xf32, #tpu.memory_space<vmem>>
      %dma_start3A_709 = tpu.memref_squeeze %dma_start3A_708 : memref<1x256x32xf32, #tpu.memory_space<vmem>> -> memref<256x32xf32, #tpu.memory_space<vmem>>
      tpu.enqueue_dma source(%dma_start3A_709 : memref<256x32xf32, #tpu.memory_space<vmem>>) target(%dma_start3A_705 : memref<256x32xf32, #tpu.memory_space<hbm>>) target_semaphore(%arg13 : memref<!tpu.dma_semaphore, #tpu.memory_space<semaphore_mem>>)
      %add3A_710 = arith.constant 3 : i32
      %add3A_711 = arith.addi %add3A_675, %add3A_710 : i32
      %sub3A_712 = arith.constant 4 : i32
      %sub3A_713 = arith.subi %add3A_711, %sub3A_712 : i32
      %add3A_714 = arith.addi %mul3A_2, %sub3A_713 : i32
      %mul3A_715 = arith.constant 256 : i32
      %mul3A_716 = arith.muli %add3A_714, %mul3A_715 : i32
      %dma_wait3A_717 = arith.constant 1 : i32
      %dma_wait3A_718 = arith.constant 0 : i32
      %dma_wait3A_719 = arith.constant 0 : i32
      %dma_wait3A_720 = tpu.memref_slice %arg6[%dma_wait3A_717, %dma_wait3A_718, %dma_wait3A_719] : memref<4x256x32xf32, #tpu.memory_space<vmem>> -> memref<1x256x32xf32, #tpu.memory_space<vmem>>
      %dma_wait3A_721 = tpu.memref_squeeze %dma_wait3A_720 : memref<1x256x32xf32, #tpu.memory_space<vmem>> -> memref<256x32xf32, #tpu.memory_space<vmem>>
      %dma_wait3A_722 = arith.constant 0 : i32
      %dma_wait3A_723 = tpu.memref_slice %arg4[%mul3A_716, %dma_wait3A_722] : memref<819200x32xf32, #tpu.memory_space<hbm>> -> memref<256x32xf32, #tpu.memory_space<hbm>>
      %dma_wait3A_724 = arith.constant 0 : i32
      %dma_wait3A_725 = tpu.memref_slice %arg4[%mul3A_716, %dma_wait3A_724] : memref<819200x32xf32, #tpu.memory_space<hbm>> -> memref<256x32xf32, #tpu.memory_space<hbm>>
      %dma_wait3A_726 = arith.constant 0 : i32
      %dma_wait3A_727 = arith.constant 0 : i32
      %dma_wait3A_728 = tpu.memref_slice %arg6[%dma_wait3A_717, %dma_wait3A_726, %dma_wait3A_727] : memref<4x256x32xf32, #tpu.memory_space<vmem>> -> memref<1x256x32xf32, #tpu.memory_space<vmem>>
      %dma_wait3A_729 = tpu.memref_squeeze %dma_wait3A_728 : memref<1x256x32xf32, #tpu.memory_space<vmem>> -> memref<256x32xf32, #tpu.memory_space<vmem>>
      tpu.wait_dma2 semaphore(%arg12 : memref<!tpu.dma_semaphore, #tpu.memory_space<semaphore_mem>>) src(%dma_wait3A_729 : memref<256x32xf32, #tpu.memory_space<vmem>>) dst(%dma_wait3A_725 : memref<256x32xf32, #tpu.memory_space<hbm>>)
      %add3A_730 = arith.constant 3 : i32
      %add3A_731 = arith.addi %add3A_675, %add3A_730 : i32
      %mul3A_732 = arith.constant 256 : i32
      %mul3A_733 = arith.muli %add3A_731, %mul3A_732 : i32
      %dma_start3A_734 = arith.constant 1 : i32
      %dma_start3A_735 = arith.constant 0 : i32
      %dma_start3A_736 = arith.constant 0 : i32
      %dma_start3A_737 = tpu.memref_slice %arg6[%dma_start3A_734, %dma_start3A_735, %dma_start3A_736] : memref<4x256x32xf32, #tpu.memory_space<vmem>> -> memref<1x256x32xf32, #tpu.memory_space<vmem>>
      %dma_start3A_738 = tpu.memref_squeeze %dma_start3A_737 : memref<1x256x32xf32, #tpu.memory_space<vmem>> -> memref<256x32xf32, #tpu.memory_space<vmem>>
      %dma_start3A_739 = tpu.memref_slice %arg5[%mul3A_733] : memref<25600xi32, #tpu.memory_space<vmem>> -> memref<256xi32, #tpu.memory_space<vmem>>
      %dma_start3A_740 = arith.constant 0 : i32
      %dma_start3A_741 = arith.constant 0 : i32
      %dma_start3A_742 = tpu.memref_slice %arg3[%dma_start3A_740, %dma_start3A_741] : memref<1000000x32xf32, #tpu.memory_space<hbm>> -> memref<1000000x32xf32, #tpu.memory_space<hbm>>
      tpu.enqueue_indirect_dma source(%dma_start3A_742 : memref<1000000x32xf32, #tpu.memory_space<hbm>>) target(%dma_start3A_738 : memref<256x32xf32, #tpu.memory_space<vmem>>) offsets(%dma_start3A_739 : memref<256xi32, #tpu.memory_space<vmem>>) semaphore(%arg8 : memref<!tpu.dma_semaphore, #tpu.memory_space<semaphore_mem>>)
      %mul3A_743 = arith.constant 4 : i32
      %mul3A_744 = arith.muli %scan3A_529, %mul3A_743 : i32
      %add3A_745 = arith.constant 3 : i32
      %add3A_746 = arith.addi %mul3A_744, %add3A_745 : i32
      %mul3A_747 = arith.constant 256 : i32
      %mul3A_748 = arith.muli %add3A_746, %mul3A_747 : i32
      %dma_wait3A_749 = arith.constant 3 : i32
      %dma_wait3A_750 = arith.constant 0 : i32
      %dma_wait3A_751 = arith.constant 0 : i32
      %dma_wait3A_752 = tpu.memref_slice %arg6[%dma_wait3A_749, %dma_wait3A_750, %dma_wait3A_751] : memref<4x256x32xf32, #tpu.memory_space<vmem>> -> memref<1x256x32xf32, #tpu.memory_space<vmem>>
      %dma_wait3A_753 = tpu.memref_squeeze %dma_wait3A_752 : memref<1x256x32xf32, #tpu.memory_space<vmem>> -> memref<256x32xf32, #tpu.memory_space<vmem>>
      %dma_wait3A_754 = tpu.memref_slice %arg5[%mul3A_748] : memref<25600xi32, #tpu.memory_space<vmem>> -> memref<256xi32, #tpu.memory_space<vmem>>
      %dma_wait3A_755 = arith.constant 0 : i32
      %dma_wait3A_756 = arith.constant 0 : i32
      %dma_wait3A_757 = tpu.memref_slice %arg3[%dma_wait3A_755, %dma_wait3A_756] : memref<1000000x32xf32, #tpu.memory_space<hbm>> -> memref<1000000x32xf32, #tpu.memory_space<hbm>>
      tpu.wait_indirect_dma semaphore(%arg10 : memref<!tpu.dma_semaphore, #tpu.memory_space<semaphore_mem>>) src(%dma_wait3A_757 : memref<1000000x32xf32, #tpu.memory_space<hbm>>) dst(%dma_wait3A_753 : memref<256x32xf32, #tpu.memory_space<vmem>>)
      %scan3A_758 = arith.constant 0 : i32
      %scan3A_759 = arith.constant 0 : i32
      %scan3A_760 = arith.constant 256 : i32
      %scan3A_761 = arith.addi %scan3A_759, %scan3A_760 : i32
      %scan3A_762 = arith.constant 8 : i32
      %scan3A_763 = scf.for %scan3A_815 = %scan3A_759 to %scan3A_761 step %scan3A_762 iter_args(%scan3A_816 = %scan3A_758) -> (i32)  : i32 {
        %get3A = arith.constant 3 : i32
        %get3A_817 = arith.index_cast %get3A : i32 to index
        %get3A_818 = arith.index_cast %scan3A_815 : i32 to index
        %get3A_819 = arith.constant 0 : index
        %get3A_820 = tpu.vector_load %arg6[%get3A_817, %get3A_818, %get3A_819] {strides = array<i32>} : memref<4x256x32xf32, #tpu.memory_space<vmem>>, vector<16xf32>,
        %mul3A_821 = arith.constant 5.65685415 : f32
        %mul3A_822 = vector.broadcast %mul3A_821 : f32 to vector<16xf32>
        %mul3A_823 = arith.mulf %get3A_820, %mul3A_822 : vector<16xf32>
        %swap3A = arith.constant 3 : i32
        %swap3A_824 = arith.index_cast %swap3A : i32 to index
        %swap3A_825 = arith.index_cast %scan3A_815 : i32 to index
        %swap3A_826 = arith.constant 0 : index
        %swap3A_827 = tpu.vector_load %arg6[%swap3A_824, %swap3A_825, %swap3A_826] {strides = array<i32>} : memref<4x256x32xf32, #tpu.memory_space<vmem>>, vector<16xf32>,
        tpu.vector_store %arg6[%swap3A_824, %swap3A_825, %swap3A_826], %mul3A_823 {strides = array<i32>} : memref<4x256x32xf32, #tpu.memory_space<vmem>>, vector<16xf32>,
        %get3A_828 = arith.constant 3 : i32
        %get3A_829 = arith.index_cast %get3A_828 : i32 to index
        %get3A_830 = arith.index_cast %scan3A_815 : i32 to index
        %get3A_831 = arith.constant 16 : index
        %get3A_832 = tpu.vector_load %arg6[%get3A_829, %get3A_830, %get3A_831] {strides = array<i32>} : memref<4x256x32xf32, #tpu.memory_space<vmem>>, vector<16xf32>,
        %mul3A_833 = arith.constant 5.65685415 : f32
        %mul3A_834 = vector.broadcast %mul3A_833 : f32 to vector<16xf32>
        %mul3A_835 = arith.mulf %get3A_832, %mul3A_834 : vector<16xf32>
        %swap3A_836 = arith.constant 3 : i32
        %swap3A_837 = arith.index_cast %swap3A_836 : i32 to index
        %swap3A_838 = arith.index_cast %scan3A_815 : i32 to index
        %swap3A_839 = arith.constant 16 : index
        %swap3A_840 = tpu.vector_load %arg6[%swap3A_837, %swap3A_838, %swap3A_839] {strides = array<i32>} : memref<4x256x32xf32, #tpu.memory_space<vmem>>, vector<16xf32>,
        tpu.vector_store %arg6[%swap3A_837, %swap3A_838, %swap3A_839], %mul3A_835 {strides = array<i32>} : memref<4x256x32xf32, #tpu.memory_space<vmem>>, vector<16xf32>,
        %scan3A_841 = arith.constant 0 : i32
        %scan3A_842 = arith.constant 1 : i32
        %scan3A_843 = arith.addi %scan3A_815, %scan3A_842 : i32
        %get3A_844 = arith.constant 3 : i32
        %get3A_845 = arith.index_cast %get3A_844 : i32 to index
        %get3A_846 = arith.index_cast %scan3A_843 : i32 to index
        %get3A_847 = arith.constant 0 : index
        %get3A_848 = tpu.vector_load %arg6[%get3A_845, %get3A_846, %get3A_847] {strides = array<i32>} : memref<4x256x32xf32, #tpu.memory_space<vmem>>, vector<16xf32>,
        %mul3A_849 = arith.constant 5.65685415 : f32
        %mul3A_850 = vector.broadcast %mul3A_849 : f32 to vector<16xf32>
        %mul3A_851 = arith.mulf %get3A_848, %mul3A_850 : vector<16xf32>
        %swap3A_852 = arith.constant 3 : i32
        %swap3A_853 = arith.index_cast %swap3A_852 : i32 to index
        %swap3A_854 = arith.index_cast %scan3A_843 : i32 to index
        %swap3A_855 = arith.constant 0 : index
        %swap3A_856 = tpu.vector_load %arg6[%swap3A_853, %swap3A_854, %swap3A_855] {strides = array<i32>} : memref<4x256x32xf32, #tpu.memory_space<vmem>>, vector<16xf32>,
        tpu.vector_store %arg6[%swap3A_853, %swap3A_854, %swap3A_855], %mul3A_851 {strides = array<i32>} : memref<4x256x32xf32, #tpu.memory_space<vmem>>, vector<16xf32>,
        %get3A_857 = arith.constant 3 : i32
        %get3A_858 = arith.index_cast %get3A_857 : i32 to index
        %get3A_859 = arith.index_cast %scan3A_843 : i32 to index
        %get3A_860 = arith.constant 16 : index
        %get3A_861 = tpu.vector_load %arg6[%get3A_858, %get3A_859, %get3A_860] {strides = array<i32>} : memref<4x256x32xf32, #tpu.memory_space<vmem>>, vector<16xf32>,
        %mul3A_862 = arith.constant 5.65685415 : f32
        %mul3A_863 = vector.broadcast %mul3A_862 : f32 to vector<16xf32>
        %mul3A_864 = arith.mulf %get3A_861, %mul3A_863 : vector<16xf32>
        %swap3A_865 = arith.constant 3 : i32
        %swap3A_866 = arith.index_cast %swap3A_865 : i32 to index
        %swap3A_867 = arith.index_cast %scan3A_843 : i32 to index
        %swap3A_868 = arith.constant 16 : index
        %swap3A_869 = tpu.vector_load %arg6[%swap3A_866, %swap3A_867, %swap3A_868] {strides = array<i32>} : memref<4x256x32xf32, #tpu.memory_space<vmem>>, vector<16xf32>,
        tpu.vector_store %arg6[%swap3A_866, %swap3A_867, %swap3A_868], %mul3A_864 {strides = array<i32>} : memref<4x256x32xf32, #tpu.memory_space<vmem>>, vector<16xf32>,
        %scan3A_870 = arith.constant 0 : i32
        %scan3A_871 = arith.constant 2 : i32
        %scan3A_872 = arith.addi %scan3A_815, %scan3A_871 : i32
        %get3A_873 = arith.constant 3 : i32
        %get3A_874 = arith.index_cast %get3A_873 : i32 to index
        %get3A_875 = arith.index_cast %scan3A_872 : i32 to index
        %get3A_876 = arith.constant 0 : index
        %get3A_877 = tpu.vector_load %arg6[%get3A_874, %get3A_875, %get3A_876] {strides = array<i32>} : memref<4x256x32xf32, #tpu.memory_space<vmem>>, vector<16xf32>,
        %mul3A_878 = arith.constant 5.65685415 : f32
        %mul3A_879 = vector.broadcast %mul3A_878 : f32 to vector<16xf32>
        %mul3A_880 = arith.mulf %get3A_877, %mul3A_879 : vector<16xf32>
        %swap3A_881 = arith.constant 3 : i32
        %swap3A_882 = arith.index_cast %swap3A_881 : i32 to index
        %swap3A_883 = arith.index_cast %scan3A_872 : i32 to index
        %swap3A_884 = arith.constant 0 : index
        %swap3A_885 = tpu.vector_load %arg6[%swap3A_882, %swap3A_883, %swap3A_884] {strides = array<i32>} : memref<4x256x32xf32, #tpu.memory_space<vmem>>, vector<16xf32>,
        tpu.vector_store %arg6[%swap3A_882, %swap3A_883, %swap3A_884], %mul3A_880 {strides = array<i32>} : memref<4x256x32xf32, #tpu.memory_space<vmem>>, vector<16xf32>,
        %get3A_886 = arith.constant 3 : i32
        %get3A_887 = arith.index_cast %get3A_886 : i32 to index
        %get3A_888 = arith.index_cast %scan3A_872 : i32 to index
        %get3A_889 = arith.constant 16 : index
        %get3A_890 = tpu.vector_load %arg6[%get3A_887, %get3A_888, %get3A_889] {strides = array<i32>} : memref<4x256x32xf32, #tpu.memory_space<vmem>>, vector<16xf32>,
        %mul3A_891 = arith.constant 5.65685415 : f32
        %mul3A_892 = vector.broadcast %mul3A_891 : f32 to vector<16xf32>
        %mul3A_893 = arith.mulf %get3A_890, %mul3A_892 : vector<16xf32>
        %swap3A_894 = arith.constant 3 : i32
        %swap3A_895 = arith.index_cast %swap3A_894 : i32 to index
        %swap3A_896 = arith.index_cast %scan3A_872 : i32 to index
        %swap3A_897 = arith.constant 16 : index
        %swap3A_898 = tpu.vector_load %arg6[%swap3A_895, %swap3A_896, %swap3A_897] {strides = array<i32>} : memref<4x256x32xf32, #tpu.memory_space<vmem>>, vector<16xf32>,
        tpu.vector_store %arg6[%swap3A_895, %swap3A_896, %swap3A_897], %mul3A_893 {strides = array<i32>} : memref<4x256x32xf32, #tpu.memory_space<vmem>>, vector<16xf32>,
        %scan3A_899 = arith.constant 0 : i32
        %scan3A_900 = arith.constant 3 : i32
        %scan3A_901 = arith.addi %scan3A_815, %scan3A_900 : i32
        %get3A_902 = arith.constant 3 : i32
        %get3A_903 = arith.index_cast %get3A_902 : i32 to index
        %get3A_904 = arith.index_cast %scan3A_901 : i32 to index
        %get3A_905 = arith.constant 0 : index
        %get3A_906 = tpu.vector_load %arg6[%get3A_903, %get3A_904, %get3A_905] {strides = array<i32>} : memref<4x256x32xf32, #tpu.memory_space<vmem>>, vector<16xf32>,
        %mul3A_907 = arith.constant 5.65685415 : f32
        %mul3A_908 = vector.broadcast %mul3A_907 : f32 to vector<16xf32>
        %mul3A_909 = arith.mulf %get3A_906, %mul3A_908 : vector<16xf32>
        %swap3A_910 = arith.constant 3 : i32
        %swap3A_911 = arith.index_cast %swap3A_910 : i32 to index
        %swap3A_912 = arith.index_cast %scan3A_901 : i32 to index
        %swap3A_913 = arith.constant 0 : index
        %swap3A_914 = tpu.vector_load %arg6[%swap3A_911, %swap3A_912, %swap3A_913] {strides = array<i32>} : memref<4x256x32xf32, #tpu.memory_space<vmem>>, vector<16xf32>,
        tpu.vector_store %arg6[%swap3A_911, %swap3A_912, %swap3A_913], %mul3A_909 {strides = array<i32>} : memref<4x256x32xf32, #tpu.memory_space<vmem>>, vector<16xf32>,
        %get3A_915 = arith.constant 3 : i32
        %get3A_916 = arith.index_cast %get3A_915 : i32 to index
        %get3A_917 = arith.index_cast %scan3A_901 : i32 to index
        %get3A_918 = arith.constant 16 : index
        %get3A_919 = tpu.vector_load %arg6[%get3A_916, %get3A_917, %get3A_918] {strides = array<i32>} : memref<4x256x32xf32, #tpu.memory_space<vmem>>, vector<16xf32>,
        %mul3A_920 = arith.constant 5.65685415 : f32
        %mul3A_921 = vector.broadcast %mul3A_920 : f32 to vector<16xf32>
        %mul3A_922 = arith.mulf %get3A_919, %mul3A_921 : vector<16xf32>
        %swap3A_923 = arith.constant 3 : i32
        %swap3A_924 = arith.index_cast %swap3A_923 : i32 to index
        %swap3A_925 = arith.index_cast %scan3A_901 : i32 to index
        %swap3A_926 = arith.constant 16 : index
        %swap3A_927 = tpu.vector_load %arg6[%swap3A_924, %swap3A_925, %swap3A_926] {strides = array<i32>} : memref<4x256x32xf32, #tpu.memory_space<vmem>>, vector<16xf32>,
        tpu.vector_store %arg6[%swap3A_924, %swap3A_925, %swap3A_926], %mul3A_922 {strides = array<i32>} : memref<4x256x32xf32, #tpu.memory_space<vmem>>, vector<16xf32>,
        %scan3A_928 = arith.constant 0 : i32
        %scan3A_929 = arith.constant 4 : i32
        %scan3A_930 = arith.addi %scan3A_815, %scan3A_929 : i32
        %get3A_931 = arith.constant 3 : i32
        %get3A_932 = arith.index_cast %get3A_931 : i32 to index
        %get3A_933 = arith.index_cast %scan3A_930 : i32 to index
        %get3A_934 = arith.constant 0 : index
        %get3A_935 = tpu.vector_load %arg6[%get3A_932, %get3A_933, %get3A_934] {strides = array<i32>} : memref<4x256x32xf32, #tpu.memory_space<vmem>>, vector<16xf32>,
        %mul3A_936 = arith.constant 5.65685415 : f32
        %mul3A_937 = vector.broadcast %mul3A_936 : f32 to vector<16xf32>
        %mul3A_938 = arith.mulf %get3A_935, %mul3A_937 : vector<16xf32>
        %swap3A_939 = arith.constant 3 : i32
        %swap3A_940 = arith.index_cast %swap3A_939 : i32 to index
        %swap3A_941 = arith.index_cast %scan3A_930 : i32 to index
        %swap3A_942 = arith.constant 0 : index
        %swap3A_943 = tpu.vector_load %arg6[%swap3A_940, %swap3A_941, %swap3A_942] {strides = array<i32>} : memref<4x256x32xf32, #tpu.memory_space<vmem>>, vector<16xf32>,
        tpu.vector_store %arg6[%swap3A_940, %swap3A_941, %swap3A_942], %mul3A_938 {strides = array<i32>} : memref<4x256x32xf32, #tpu.memory_space<vmem>>, vector<16xf32>,
        %get3A_944 = arith.constant 3 : i32
        %get3A_945 = arith.index_cast %get3A_944 : i32 to index
        %get3A_946 = arith.index_cast %scan3A_930 : i32 to index
        %get3A_947 = arith.constant 16 : index
        %get3A_948 = tpu.vector_load %arg6[%get3A_945, %get3A_946, %get3A_947] {strides = array<i32>} : memref<4x256x32xf32, #tpu.memory_space<vmem>>, vector<16xf32>,
        %mul3A_949 = arith.constant 5.65685415 : f32
        %mul3A_950 = vector.broadcast %mul3A_949 : f32 to vector<16xf32>
        %mul3A_951 = arith.mulf %get3A_948, %mul3A_950 : vector<16xf32>
        %swap3A_952 = arith.constant 3 : i32
        %swap3A_953 = arith.index_cast %swap3A_952 : i32 to index
        %swap3A_954 = arith.index_cast %scan3A_930 : i32 to index
        %swap3A_955 = arith.constant 16 : index
        %swap3A_956 = tpu.vector_load %arg6[%swap3A_953, %swap3A_954, %swap3A_955] {strides = array<i32>} : memref<4x256x32xf32, #tpu.memory_space<vmem>>, vector<16xf32>,
        tpu.vector_store %arg6[%swap3A_953, %swap3A_954, %swap3A_955], %mul3A_951 {strides = array<i32>} : memref<4x256x32xf32, #tpu.memory_space<vmem>>, vector<16xf32>,
        %scan3A_957 = arith.constant 0 : i32
        %scan3A_958 = arith.constant 5 : i32
        %scan3A_959 = arith.addi %scan3A_815, %scan3A_958 : i32
        %get3A_960 = arith.constant 3 : i32
        %get3A_961 = arith.index_cast %get3A_960 : i32 to index
        %get3A_962 = arith.index_cast %scan3A_959 : i32 to index
        %get3A_963 = arith.constant 0 : index
        %get3A_964 = tpu.vector_load %arg6[%get3A_961, %get3A_962, %get3A_963] {strides = array<i32>} : memref<4x256x32xf32, #tpu.memory_space<vmem>>, vector<16xf32>,
        %mul3A_965 = arith.constant 5.65685415 : f32
        %mul3A_966 = vector.broadcast %mul3A_965 : f32 to vector<16xf32>
        %mul3A_967 = arith.mulf %get3A_964, %mul3A_966 : vector<16xf32>
        %swap3A_968 = arith.constant 3 : i32
        %swap3A_969 = arith.index_cast %swap3A_968 : i32 to index
        %swap3A_970 = arith.index_cast %scan3A_959 : i32 to index
        %swap3A_971 = arith.constant 0 : index
        %swap3A_972 = tpu.vector_load %arg6[%swap3A_969, %swap3A_970, %swap3A_971] {strides = array<i32>} : memref<4x256x32xf32, #tpu.memory_space<vmem>>, vector<16xf32>,
        tpu.vector_store %arg6[%swap3A_969, %swap3A_970, %swap3A_971], %mul3A_967 {strides = array<i32>} : memref<4x256x32xf32, #tpu.memory_space<vmem>>, vector<16xf32>,
        %get3A_973 = arith.constant 3 : i32
        %get3A_974 = arith.index_cast %get3A_973 : i32 to index
        %get3A_975 = arith.index_cast %scan3A_959 : i32 to index
        %get3A_976 = arith.constant 16 : index
        %get3A_977 = tpu.vector_load %arg6[%get3A_974, %get3A_975, %get3A_976] {strides = array<i32>} : memref<4x256x32xf32, #tpu.memory_space<vmem>>, vector<16xf32>,
        %mul3A_978 = arith.constant 5.65685415 : f32
        %mul3A_979 = vector.broadcast %mul3A_978 : f32 to vector<16xf32>
        %mul3A_980 = arith.mulf %get3A_977, %mul3A_979 : vector<16xf32>
        %swap3A_981 = arith.constant 3 : i32
        %swap3A_982 = arith.index_cast %swap3A_981 : i32 to index
        %swap3A_983 = arith.index_cast %scan3A_959 : i32 to index
        %swap3A_984 = arith.constant 16 : index
        %swap3A_985 = tpu.vector_load %arg6[%swap3A_982, %swap3A_983, %swap3A_984] {strides = array<i32>} : memref<4x256x32xf32, #tpu.memory_space<vmem>>, vector<16xf32>,
        tpu.vector_store %arg6[%swap3A_982, %swap3A_983, %swap3A_984], %mul3A_980 {strides = array<i32>} : memref<4x256x32xf32, #tpu.memory_space<vmem>>, vector<16xf32>,
        %scan3A_986 = arith.constant 0 : i32
        %scan3A_987 = arith.constant 6 : i32
        %scan3A_988 = arith.addi %scan3A_815, %scan3A_987 : i32
        %get3A_989 = arith.constant 3 : i32
        %get3A_990 = arith.index_cast %get3A_989 : i32 to index
        %get3A_991 = arith.index_cast %scan3A_988 : i32 to index
        %get3A_992 = arith.constant 0 : index
        %get3A_993 = tpu.vector_load %arg6[%get3A_990, %get3A_991, %get3A_992] {strides = array<i32>} : memref<4x256x32xf32, #tpu.memory_space<vmem>>, vector<16xf32>,
        %mul3A_994 = arith.constant 5.65685415 : f32
        %mul3A_995 = vector.broadcast %mul3A_994 : f32 to vector<16xf32>
        %mul3A_996 = arith.mulf %get3A_993, %mul3A_995 : vector<16xf32>
        %swap3A_997 = arith.constant 3 : i32
        %swap3A_998 = arith.index_cast %swap3A_997 : i32 to index
        %swap3A_999 = arith.index_cast %scan3A_988 : i32 to index
        %swap3A_1000 = arith.constant 0 : index
        %swap3A_1001 = tpu.vector_load %arg6[%swap3A_998, %swap3A_999, %swap3A_1000] {strides = array<i32>} : memref<4x256x32xf32, #tpu.memory_space<vmem>>, vector<16xf32>,
        tpu.vector_store %arg6[%swap3A_998, %swap3A_999, %swap3A_1000], %mul3A_996 {strides = array<i32>} : memref<4x256x32xf32, #tpu.memory_space<vmem>>, vector<16xf32>,
        %get3A_1002 = arith.constant 3 : i32
        %get3A_1003 = arith.index_cast %get3A_1002 : i32 to index
        %get3A_1004 = arith.index_cast %scan3A_988 : i32 to index
        %get3A_1005 = arith.constant 16 : index
        %get3A_1006 = tpu.vector_load %arg6[%get3A_1003, %get3A_1004, %get3A_1005] {strides = array<i32>} : memref<4x256x32xf32, #tpu.memory_space<vmem>>, vector<16xf32>,
        %mul3A_1007 = arith.constant 5.65685415 : f32
        %mul3A_1008 = vector.broadcast %mul3A_1007 : f32 to vector<16xf32>
        %mul3A_1009 = arith.mulf %get3A_1006, %mul3A_1008 : vector<16xf32>
        %swap3A_1010 = arith.constant 3 : i32
        %swap3A_1011 = arith.index_cast %swap3A_1010 : i32 to index
        %swap3A_1012 = arith.index_cast %scan3A_988 : i32 to index
        %swap3A_1013 = arith.constant 16 : index
        %swap3A_1014 = tpu.vector_load %arg6[%swap3A_1011, %swap3A_1012, %swap3A_1013] {strides = array<i32>} : memref<4x256x32xf32, #tpu.memory_space<vmem>>, vector<16xf32>,
        tpu.vector_store %arg6[%swap3A_1011, %swap3A_1012, %swap3A_1013], %mul3A_1009 {strides = array<i32>} : memref<4x256x32xf32, #tpu.memory_space<vmem>>, vector<16xf32>,
        %scan3A_1015 = arith.constant 0 : i32
        %scan3A_1016 = arith.constant 7 : i32
        %scan3A_1017 = arith.addi %scan3A_815, %scan3A_1016 : i32
        %get3A_1018 = arith.constant 3 : i32
        %get3A_1019 = arith.index_cast %get3A_1018 : i32 to index
        %get3A_1020 = arith.index_cast %scan3A_1017 : i32 to index
        %get3A_1021 = arith.constant 0 : index
        %get3A_1022 = tpu.vector_load %arg6[%get3A_1019, %get3A_1020, %get3A_1021] {strides = array<i32>} : memref<4x256x32xf32, #tpu.memory_space<vmem>>, vector<16xf32>,
        %mul3A_1023 = arith.constant 5.65685415 : f32
        %mul3A_1024 = vector.broadcast %mul3A_1023 : f32 to vector<16xf32>
        %mul3A_1025 = arith.mulf %get3A_1022, %mul3A_1024 : vector<16xf32>
        %swap3A_1026 = arith.constant 3 : i32
        %swap3A_1027 = arith.index_cast %swap3A_1026 : i32 to index
        %swap3A_1028 = arith.index_cast %scan3A_1017 : i32 to index
        %swap3A_1029 = arith.constant 0 : index
        %swap3A_1030 = tpu.vector_load %arg6[%swap3A_1027, %swap3A_1028, %swap3A_1029] {strides = array<i32>} : memref<4x256x32xf32, #tpu.memory_space<vmem>>, vector<16xf32>,
        tpu.vector_store %arg6[%swap3A_1027, %swap3A_1028, %swap3A_1029], %mul3A_1025 {strides = array<i32>} : memref<4x256x32xf32, #tpu.memory_space<vmem>>, vector<16xf32>,
        %get3A_1031 = arith.constant 3 : i32
        %get3A_1032 = arith.index_cast %get3A_1031 : i32 to index
        %get3A_1033 = arith.index_cast %scan3A_1017 : i32 to index
        %get3A_1034 = arith.constant 16 : index
        %get3A_1035 = tpu.vector_load %arg6[%get3A_1032, %get3A_1033, %get3A_1034] {strides = array<i32>} : memref<4x256x32xf32, #tpu.memory_space<vmem>>, vector<16xf32>,
        %mul3A_1036 = arith.constant 5.65685415 : f32
        %mul3A_1037 = vector.broadcast %mul3A_1036 : f32 to vector<16xf32>
        %mul3A_1038 = arith.mulf %get3A_1035, %mul3A_1037 : vector<16xf32>
        %swap3A_1039 = arith.constant 3 : i32
        %swap3A_1040 = arith.index_cast %swap3A_1039 : i32 to index
        %swap3A_1041 = arith.index_cast %scan3A_1017 : i32 to index
        %swap3A_1042 = arith.constant 16 : index
        %swap3A_1043 = tpu.vector_load %arg6[%swap3A_1040, %swap3A_1041, %swap3A_1042] {strides = array<i32>} : memref<4x256x32xf32, #tpu.memory_space<vmem>>, vector<16xf32>,
        tpu.vector_store %arg6[%swap3A_1040, %swap3A_1041, %swap3A_1042], %mul3A_1038 {strides = array<i32>} : memref<4x256x32xf32, #tpu.memory_space<vmem>>, vector<16xf32>,
        %scan3A_1044 = arith.constant 0 : i32
        scf.yield %scan3A_1044 : i32
      }
      %scan3A_764 = arith.constant 256 : i32
      %add3A_765 = arith.addi %mul3A_2, %add3A_746 : i32
      %mul3A_766 = arith.constant 256 : i32
      %mul3A_767 = arith.muli %add3A_765, %mul3A_766 : i32
      %dma_start3A_768 = arith.constant 3 : i32
      %dma_start3A_769 = arith.constant 0 : i32
      %dma_start3A_770 = arith.constant 0 : i32
      %dma_start3A_771 = tpu.memref_slice %arg6[%dma_start3A_768, %dma_start3A_769, %dma_start3A_770] : memref<4x256x32xf32, #tpu.memory_space<vmem>> -> memref<1x256x32xf32, #tpu.memory_space<vmem>>
      %dma_start3A_772 = tpu.memref_squeeze %dma_start3A_771 : memref<1x256x32xf32, #tpu.memory_space<vmem>> -> memref<256x32xf32, #tpu.memory_space<vmem>>
      %dma_start3A_773 = arith.constant 0 : i32
      %dma_start3A_774 = tpu.memref_slice %arg4[%mul3A_767, %dma_start3A_773] : memref<819200x32xf32, #tpu.memory_space<hbm>> -> memref<256x32xf32, #tpu.memory_space<hbm>>
      %dma_start3A_775 = arith.constant 0 : i32
      %dma_start3A_776 = tpu.memref_slice %arg4[%mul3A_767, %dma_start3A_775] : memref<819200x32xf32, #tpu.memory_space<hbm>> -> memref<256x32xf32, #tpu.memory_space<hbm>>
      %dma_start3A_777 = arith.constant 0 : i32
      %dma_start3A_778 = arith.constant 0 : i32
      %dma_start3A_779 = tpu.memref_slice %arg6[%dma_start3A_768, %dma_start3A_777, %dma_start3A_778] : memref<4x256x32xf32, #tpu.memory_space<vmem>> -> memref<1x256x32xf32, #tpu.memory_space<vmem>>
      %dma_start3A_780 = tpu.memref_squeeze %dma_start3A_779 : memref<1x256x32xf32, #tpu.memory_space<vmem>> -> memref<256x32xf32, #tpu.memory_space<vmem>>
      tpu.enqueue_dma source(%dma_start3A_780 : memref<256x32xf32, #tpu.memory_space<vmem>>) target(%dma_start3A_776 : memref<256x32xf32, #tpu.memory_space<hbm>>) target_semaphore(%arg14 : memref<!tpu.dma_semaphore, #tpu.memory_space<semaphore_mem>>)
      %add3A_781 = arith.constant 3 : i32
      %add3A_782 = arith.addi %add3A_746, %add3A_781 : i32
      %sub3A_783 = arith.constant 4 : i32
      %sub3A_784 = arith.subi %add3A_782, %sub3A_783 : i32
      %add3A_785 = arith.addi %mul3A_2, %sub3A_784 : i32
      %mul3A_786 = arith.constant 256 : i32
      %mul3A_787 = arith.muli %add3A_785, %mul3A_786 : i32
      %dma_wait3A_788 = arith.constant 2 : i32
      %dma_wait3A_789 = arith.constant 0 : i32
      %dma_wait3A_790 = arith.constant 0 : i32
      %dma_wait3A_791 = tpu.memref_slice %arg6[%dma_wait3A_788, %dma_wait3A_789, %dma_wait3A_790] : memref<4x256x32xf32, #tpu.memory_space<vmem>> -> memref<1x256x32xf32, #tpu.memory_space<vmem>>
      %dma_wait3A_792 = tpu.memref_squeeze %dma_wait3A_791 : memref<1x256x32xf32, #tpu.memory_space<vmem>> -> memref<256x32xf32, #tpu.memory_space<vmem>>
      %dma_wait3A_793 = arith.constant 0 : i32
      %dma_wait3A_794 = tpu.memref_slice %arg4[%mul3A_787, %dma_wait3A_793] : memref<819200x32xf32, #tpu.memory_space<hbm>> -> memref<256x32xf32, #tpu.memory_space<hbm>>
      %dma_wait3A_795 = arith.constant 0 : i32
      %dma_wait3A_796 = tpu.memref_slice %arg4[%mul3A_787, %dma_wait3A_795] : memref<819200x32xf32, #tpu.memory_space<hbm>> -> memref<256x32xf32, #tpu.memory_space<hbm>>
      %dma_wait3A_797 = arith.constant 0 : i32
      %dma_wait3A_798 = arith.constant 0 : i32
      %dma_wait3A_799 = tpu.memref_slice %arg6[%dma_wait3A_788, %dma_wait3A_797, %dma_wait3A_798] : memref<4x256x32xf32, #tpu.memory_space<vmem>> -> memref<1x256x32xf32, #tpu.memory_space<vmem>>
      %dma_wait3A_800 = tpu.memref_squeeze %dma_wait3A_799 : memref<1x256x32xf32, #tpu.memory_space<vmem>> -> memref<256x32xf32, #tpu.memory_space<vmem>>
      tpu.wait_dma2 semaphore(%arg13 : memref<!tpu.dma_semaphore, #tpu.memory_space<semaphore_mem>>) src(%dma_wait3A_800 : memref<256x32xf32, #tpu.memory_space<vmem>>) dst(%dma_wait3A_796 : memref<256x32xf32, #tpu.memory_space<hbm>>)
      %add3A_801 = arith.constant 3 : i32
      %add3A_802 = arith.addi %add3A_746, %add3A_801 : i32
      %mul3A_803 = arith.constant 256 : i32
      %mul3A_804 = arith.muli %add3A_802, %mul3A_803 : i32
      %dma_start3A_805 = arith.constant 2 : i32
      %dma_start3A_806 = arith.constant 0 : i32
      %dma_start3A_807 = arith.constant 0 : i32
      %dma_start3A_808 = tpu.memref_slice %arg6[%dma_start3A_805, %dma_start3A_806, %dma_start3A_807] : memref<4x256x32xf32, #tpu.memory_space<vmem>> -> memref<1x256x32xf32, #tpu.memory_space<vmem>>
      %dma_start3A_809 = tpu.memref_squeeze %dma_start3A_808 : memref<1x256x32xf32, #tpu.memory_space<vmem>> -> memref<256x32xf32, #tpu.memory_space<vmem>>
      %dma_start3A_810 = tpu.memref_slice %arg5[%mul3A_804] : memref<25600xi32, #tpu.memory_space<vmem>> -> memref<256xi32, #tpu.memory_space<vmem>>
      %dma_start3A_811 = arith.constant 0 : i32
      %dma_start3A_812 = arith.constant 0 : i32
      %dma_start3A_813 = tpu.memref_slice %arg3[%dma_start3A_811, %dma_start3A_812] : memref<1000000x32xf32, #tpu.memory_space<hbm>> -> memref<1000000x32xf32, #tpu.memory_space<hbm>>
      tpu.enqueue_indirect_dma source(%dma_start3A_813 : memref<1000000x32xf32, #tpu.memory_space<hbm>>) target(%dma_start3A_809 : memref<256x32xf32, #tpu.memory_space<vmem>>) offsets(%dma_start3A_810 : memref<256xi32, #tpu.memory_space<vmem>>) semaphore(%arg9 : memref<!tpu.dma_semaphore, #tpu.memory_space<semaphore_mem>>)
      %scan3A_814 = arith.constant 0 : i32
      scf.yield %scan3A_814 : i32
    }
    %scan3A_287 = arith.constant 23 : i32
    %mul3A_288 = arith.constant 96 : i32
    %mul3A_289 = arith.constant 256 : i32
    %mul3A_290 = arith.muli %mul3A_288, %mul3A_289 : i32
    %dma_wait3A_291 = arith.constant 0 : i32
    %dma_wait3A_292 = arith.constant 0 : i32
    %dma_wait3A_293 = arith.constant 0 : i32
    %dma_wait3A_294 = tpu.memref_slice %arg6[%dma_wait3A_291, %dma_wait3A_292, %dma_wait3A_293] : memref<4x256x32xf32, #tpu.memory_space<vmem>> -> memref<1x256x32xf32, #tpu.memory_space<vmem>>
    %dma_wait3A_295 = tpu.memref_squeeze %dma_wait3A_294 : memref<1x256x32xf32, #tpu.memory_space<vmem>> -> memref<256x32xf32, #tpu.memory_space<vmem>>
    %dma_wait3A_296 = tpu.memref_slice %arg5[%mul3A_290] : memref<25600xi32, #tpu.memory_space<vmem>> -> memref<256xi32, #tpu.memory_space<vmem>>
    %dma_wait3A_297 = arith.constant 0 : i32
    %dma_wait3A_298 = arith.constant 0 : i32
    %dma_wait3A_299 = tpu.memref_slice %arg3[%dma_wait3A_297, %dma_wait3A_298] : memref<1000000x32xf32, #tpu.memory_space<hbm>> -> memref<1000000x32xf32, #tpu.memory_space<hbm>>
    tpu.wait_indirect_dma semaphore(%arg7 : memref<!tpu.dma_semaphore, #tpu.memory_space<semaphore_mem>>) src(%dma_wait3A_299 : memref<1000000x32xf32, #tpu.memory_space<hbm>>) dst(%dma_wait3A_295 : memref<256x32xf32, #tpu.memory_space<vmem>>)
    %scan3A_300 = arith.constant 0 : i32
    %scan3A_301 = arith.constant 0 : i32
    %scan3A_302 = arith.constant 256 : i32
    %scan3A_303 = arith.addi %scan3A_301, %scan3A_302 : i32
    %scan3A_304 = arith.constant 8 : i32
    %scan3A_305 = scf.for %scan3A_529 = %scan3A_301 to %scan3A_303 step %scan3A_304 iter_args(%scan3A_530 = %scan3A_300) -> (i32)  : i32 {
      %get3A = arith.constant 0 : i32
      %get3A_531 = arith.index_cast %get3A : i32 to index
      %get3A_532 = arith.index_cast %scan3A_529 : i32 to index
      %get3A_533 = arith.constant 0 : index
      %get3A_534 = tpu.vector_load %arg6[%get3A_531, %get3A_532, %get3A_533] {strides = array<i32>} : memref<4x256x32xf32, #tpu.memory_space<vmem>>, vector<16xf32>,
      %mul3A_535 = arith.constant 5.65685415 : f32
      %mul3A_536 = vector.broadcast %mul3A_535 : f32 to vector<16xf32>
      %mul3A_537 = arith.mulf %get3A_534, %mul3A_536 : vector<16xf32>
      %swap3A = arith.constant 0 : i32
      %swap3A_538 = arith.index_cast %swap3A : i32 to index
      %swap3A_539 = arith.index_cast %scan3A_529 : i32 to index
      %swap3A_540 = arith.constant 0 : index
      %swap3A_541 = tpu.vector_load %arg6[%swap3A_538, %swap3A_539, %swap3A_540] {strides = array<i32>} : memref<4x256x32xf32, #tpu.memory_space<vmem>>, vector<16xf32>,
      tpu.vector_store %arg6[%swap3A_538, %swap3A_539, %swap3A_540], %mul3A_537 {strides = array<i32>} : memref<4x256x32xf32, #tpu.memory_space<vmem>>, vector<16xf32>,
      %get3A_542 = arith.constant 0 : i32
      %get3A_543 = arith.index_cast %get3A_542 : i32 to index
      %get3A_544 = arith.index_cast %scan3A_529 : i32 to index
      %get3A_545 = arith.constant 16 : index
      %get3A_546 = tpu.vector_load %arg6[%get3A_543, %get3A_544, %get3A_545] {strides = array<i32>} : memref<4x256x32xf32, #tpu.memory_space<vmem>>, vector<16xf32>,
      %mul3A_547 = arith.constant 5.65685415 : f32
      %mul3A_548 = vector.broadcast %mul3A_547 : f32 to vector<16xf32>
      %mul3A_549 = arith.mulf %get3A_546, %mul3A_548 : vector<16xf32>
      %swap3A_550 = arith.constant 0 : i32
      %swap3A_551 = arith.index_cast %swap3A_550 : i32 to index
      %swap3A_552 = arith.index_cast %scan3A_529 : i32 to index
      %swap3A_553 = arith.constant 16 : index
      %swap3A_554 = tpu.vector_load %arg6[%swap3A_551, %swap3A_552, %swap3A_553] {strides = array<i32>} : memref<4x256x32xf32, #tpu.memory_space<vmem>>, vector<16xf32>,
      tpu.vector_store %arg6[%swap3A_551, %swap3A_552, %swap3A_553], %mul3A_549 {strides = array<i32>} : memref<4x256x32xf32, #tpu.memory_space<vmem>>, vector<16xf32>,
      %scan3A_555 = arith.constant 0 : i32
      %scan3A_556 = arith.constant 1 : i32
      %scan3A_557 = arith.addi %scan3A_529, %scan3A_556 : i32
      %get3A_558 = arith.constant 0 : i32
      %get3A_559 = arith.index_cast %get3A_558 : i32 to index
      %get3A_560 = arith.index_cast %scan3A_557 : i32 to index
      %get3A_561 = arith.constant 0 : index
      %get3A_562 = tpu.vector_load %arg6[%get3A_559, %get3A_560, %get3A_561] {strides = array<i32>} : memref<4x256x32xf32, #tpu.memory_space<vmem>>, vector<16xf32>,
      %mul3A_563 = arith.constant 5.65685415 : f32
      %mul3A_564 = vector.broadcast %mul3A_563 : f32 to vector<16xf32>
      %mul3A_565 = arith.mulf %get3A_562, %mul3A_564 : vector<16xf32>
      %swap3A_566 = arith.constant 0 : i32
      %swap3A_567 = arith.index_cast %swap3A_566 : i32 to index
      %swap3A_568 = arith.index_cast %scan3A_557 : i32 to index
      %swap3A_569 = arith.constant 0 : index
      %swap3A_570 = tpu.vector_load %arg6[%swap3A_567, %swap3A_568, %swap3A_569] {strides = array<i32>} : memref<4x256x32xf32, #tpu.memory_space<vmem>>, vector<16xf32>,
      tpu.vector_store %arg6[%swap3A_567, %swap3A_568, %swap3A_569], %mul3A_565 {strides = array<i32>} : memref<4x256x32xf32, #tpu.memory_space<vmem>>, vector<16xf32>,
      %get3A_571 = arith.constant 0 : i32
      %get3A_572 = arith.index_cast %get3A_571 : i32 to index
      %get3A_573 = arith.index_cast %scan3A_557 : i32 to index
      %get3A_574 = arith.constant 16 : index
      %get3A_575 = tpu.vector_load %arg6[%get3A_572, %get3A_573, %get3A_574] {strides = array<i32>} : memref<4x256x32xf32, #tpu.memory_space<vmem>>, vector<16xf32>,
      %mul3A_576 = arith.constant 5.65685415 : f32
      %mul3A_577 = vector.broadcast %mul3A_576 : f32 to vector<16xf32>
      %mul3A_578 = arith.mulf %get3A_575, %mul3A_577 : vector<16xf32>
      %swap3A_579 = arith.constant 0 : i32
      %swap3A_580 = arith.index_cast %swap3A_579 : i32 to index
      %swap3A_581 = arith.index_cast %scan3A_557 : i32 to index
      %swap3A_582 = arith.constant 16 : index
      %swap3A_583 = tpu.vector_load %arg6[%swap3A_580, %swap3A_581, %swap3A_582] {strides = array<i32>} : memref<4x256x32xf32, #tpu.memory_space<vmem>>, vector<16xf32>,
      tpu.vector_store %arg6[%swap3A_580, %swap3A_581, %swap3A_582], %mul3A_578 {strides = array<i32>} : memref<4x256x32xf32, #tpu.memory_space<vmem>>, vector<16xf32>,
      %scan3A_584 = arith.constant 0 : i32
      %scan3A_585 = arith.constant 2 : i32
      %scan3A_586 = arith.addi %scan3A_529, %scan3A_585 : i32
      %get3A_587 = arith.constant 0 : i32
      %get3A_588 = arith.index_cast %get3A_587 : i32 to index
      %get3A_589 = arith.index_cast %scan3A_586 : i32 to index
      %get3A_590 = arith.constant 0 : index
      %get3A_591 = tpu.vector_load %arg6[%get3A_588, %get3A_589, %get3A_590] {strides = array<i32>} : memref<4x256x32xf32, #tpu.memory_space<vmem>>, vector<16xf32>,
      %mul3A_592 = arith.constant 5.65685415 : f32
      %mul3A_593 = vector.broadcast %mul3A_592 : f32 to vector<16xf32>
      %mul3A_594 = arith.mulf %get3A_591, %mul3A_593 : vector<16xf32>
      %swap3A_595 = arith.constant 0 : i32
      %swap3A_596 = arith.index_cast %swap3A_595 : i32 to index
      %swap3A_597 = arith.index_cast %scan3A_586 : i32 to index
      %swap3A_598 = arith.constant 0 : index
      %swap3A_599 = tpu.vector_load %arg6[%swap3A_596, %swap3A_597, %swap3A_598] {strides = array<i32>} : memref<4x256x32xf32, #tpu.memory_space<vmem>>, vector<16xf32>,
      tpu.vector_store %arg6[%swap3A_596, %swap3A_597, %swap3A_598], %mul3A_594 {strides = array<i32>} : memref<4x256x32xf32, #tpu.memory_space<vmem>>, vector<16xf32>,
      %get3A_600 = arith.constant 0 : i32
      %get3A_601 = arith.index_cast %get3A_600 : i32 to index
      %get3A_602 = arith.index_cast %scan3A_586 : i32 to index
      %get3A_603 = arith.constant 16 : index
      %get3A_604 = tpu.vector_load %arg6[%get3A_601, %get3A_602, %get3A_603] {strides = array<i32>} : memref<4x256x32xf32, #tpu.memory_space<vmem>>, vector<16xf32>,
      %mul3A_605 = arith.constant 5.65685415 : f32
      %mul3A_606 = vector.broadcast %mul3A_605 : f32 to vector<16xf32>
      %mul3A_607 = arith.mulf %get3A_604, %mul3A_606 : vector<16xf32>
      %swap3A_608 = arith.constant 0 : i32
      %swap3A_609 = arith.index_cast %swap3A_608 : i32 to index
      %swap3A_610 = arith.index_cast %scan3A_586 : i32 to index
      %swap3A_611 = arith.constant 16 : index
      %swap3A_612 = tpu.vector_load %arg6[%swap3A_609, %swap3A_610, %swap3A_611] {strides = array<i32>} : memref<4x256x32xf32, #tpu.memory_space<vmem>>, vector<16xf32>,
      tpu.vector_store %arg6[%swap3A_609, %swap3A_610, %swap3A_611], %mul3A_607 {strides = array<i32>} : memref<4x256x32xf32, #tpu.memory_space<vmem>>, vector<16xf32>,
      %scan3A_613 = arith.constant 0 : i32
      %scan3A_614 = arith.constant 3 : i32
      %scan3A_615 = arith.addi %scan3A_529, %scan3A_614 : i32
      %get3A_616 = arith.constant 0 : i32
      %get3A_617 = arith.index_cast %get3A_616 : i32 to index
      %get3A_618 = arith.index_cast %scan3A_615 : i32 to index
      %get3A_619 = arith.constant 0 : index
      %get3A_620 = tpu.vector_load %arg6[%get3A_617, %get3A_618, %get3A_619] {strides = array<i32>} : memref<4x256x32xf32, #tpu.memory_space<vmem>>, vector<16xf32>,
      %mul3A_621 = arith.constant 5.65685415 : f32
      %mul3A_622 = vector.broadcast %mul3A_621 : f32 to vector<16xf32>
      %mul3A_623 = arith.mulf %get3A_620, %mul3A_622 : vector<16xf32>
      %swap3A_624 = arith.constant 0 : i32
      %swap3A_625 = arith.index_cast %swap3A_624 : i32 to index
      %swap3A_626 = arith.index_cast %scan3A_615 : i32 to index
      %swap3A_627 = arith.constant 0 : index
      %swap3A_628 = tpu.vector_load %arg6[%swap3A_625, %swap3A_626, %swap3A_627] {strides = array<i32>} : memref<4x256x32xf32, #tpu.memory_space<vmem>>, vector<16xf32>,
      tpu.vector_store %arg6[%swap3A_625, %swap3A_626, %swap3A_627], %mul3A_623 {strides = array<i32>} : memref<4x256x32xf32, #tpu.memory_space<vmem>>, vector<16xf32>,
      %get3A_629 = arith.constant 0 : i32
      %get3A_630 = arith.index_cast %get3A_629 : i32 to index
      %get3A_631 = arith.index_cast %scan3A_615 : i32 to index
      %get3A_632 = arith.constant 16 : index
      %get3A_633 = tpu.vector_load %arg6[%get3A_630, %get3A_631, %get3A_632] {strides = array<i32>} : memref<4x256x32xf32, #tpu.memory_space<vmem>>, vector<16xf32>,
      %mul3A_634 = arith.constant 5.65685415 : f32
      %mul3A_635 = vector.broadcast %mul3A_634 : f32 to vector<16xf32>
      %mul3A_636 = arith.mulf %get3A_633, %mul3A_635 : vector<16xf32>
      %swap3A_637 = arith.constant 0 : i32
      %swap3A_638 = arith.index_cast %swap3A_637 : i32 to index
      %swap3A_639 = arith.index_cast %scan3A_615 : i32 to index
      %swap3A_640 = arith.constant 16 : index
      %swap3A_641 = tpu.vector_load %arg6[%swap3A_638, %swap3A_639, %swap3A_640] {strides = array<i32>} : memref<4x256x32xf32, #tpu.memory_space<vmem>>, vector<16xf32>,
      tpu.vector_store %arg6[%swap3A_638, %swap3A_639, %swap3A_640], %mul3A_636 {strides = array<i32>} : memref<4x256x32xf32, #tpu.memory_space<vmem>>, vector<16xf32>,
      %scan3A_642 = arith.constant 0 : i32
      %scan3A_643 = arith.constant 4 : i32
      %scan3A_644 = arith.addi %scan3A_529, %scan3A_643 : i32
      %get3A_645 = arith.constant 0 : i32
      %get3A_646 = arith.index_cast %get3A_645 : i32 to index
      %get3A_647 = arith.index_cast %scan3A_644 : i32 to index
      %get3A_648 = arith.constant 0 : index
      %get3A_649 = tpu.vector_load %arg6[%get3A_646, %get3A_647, %get3A_648] {strides = array<i32>} : memref<4x256x32xf32, #tpu.memory_space<vmem>>, vector<16xf32>,
      %mul3A_650 = arith.constant 5.65685415 : f32
      %mul3A_651 = vector.broadcast %mul3A_650 : f32 to vector<16xf32>
      %mul3A_652 = arith.mulf %get3A_649, %mul3A_651 : vector<16xf32>
      %swap3A_653 = arith.constant 0 : i32
      %swap3A_654 = arith.index_cast %swap3A_653 : i32 to index
      %swap3A_655 = arith.index_cast %scan3A_644 : i32 to index
      %swap3A_656 = arith.constant 0 : index
      %swap3A_657 = tpu.vector_load %arg6[%swap3A_654, %swap3A_655, %swap3A_656] {strides = array<i32>} : memref<4x256x32xf32, #tpu.memory_space<vmem>>, vector<16xf32>,
      tpu.vector_store %arg6[%swap3A_654, %swap3A_655, %swap3A_656], %mul3A_652 {strides = array<i32>} : memref<4x256x32xf32, #tpu.memory_space<vmem>>, vector<16xf32>,
      %get3A_658 = arith.constant 0 : i32
      %get3A_659 = arith.index_cast %get3A_658 : i32 to index
      %get3A_660 = arith.index_cast %scan3A_644 : i32 to index
      %get3A_661 = arith.constant 16 : index
      %get3A_662 = tpu.vector_load %arg6[%get3A_659, %get3A_660, %get3A_661] {strides = array<i32>} : memref<4x256x32xf32, #tpu.memory_space<vmem>>, vector<16xf32>,
      %mul3A_663 = arith.constant 5.65685415 : f32
      %mul3A_664 = vector.broadcast %mul3A_663 : f32 to vector<16xf32>
      %mul3A_665 = arith.mulf %get3A_662, %mul3A_664 : vector<16xf32>
      %swap3A_666 = arith.constant 0 : i32
      %swap3A_667 = arith.index_cast %swap3A_666 : i32 to index
      %swap3A_668 = arith.index_cast %scan3A_644 : i32 to index
      %swap3A_669 = arith.constant 16 : index
      %swap3A_670 = tpu.vector_load %arg6[%swap3A_667, %swap3A_668, %swap3A_669] {strides = array<i32>} : memref<4x256x32xf32, #tpu.memory_space<vmem>>, vector<16xf32>,
      tpu.vector_store %arg6[%swap3A_667, %swap3A_668, %swap3A_669], %mul3A_665 {strides = array<i32>} : memref<4x256x32xf32, #tpu.memory_space<vmem>>, vector<16xf32>,
      %scan3A_671 = arith.constant 0 : i32
      %scan3A_672 = arith.constant 5 : i32
      %scan3A_673 = arith.addi %scan3A_529, %scan3A_672 : i32
      %get3A_674 = arith.constant 0 : i32
      %get3A_675 = arith.index_cast %get3A_674 : i32 to index
      %get3A_676 = arith.index_cast %scan3A_673 : i32 to index
      %get3A_677 = arith.constant 0 : index
      %get3A_678 = tpu.vector_load %arg6[%get3A_675, %get3A_676, %get3A_677] {strides = array<i32>} : memref<4x256x32xf32, #tpu.memory_space<vmem>>, vector<16xf32>,
      %mul3A_679 = arith.constant 5.65685415 : f32
      %mul3A_680 = vector.broadcast %mul3A_679 : f32 to vector<16xf32>
      %mul3A_681 = arith.mulf %get3A_678, %mul3A_680 : vector<16xf32>
      %swap3A_682 = arith.constant 0 : i32
      %swap3A_683 = arith.index_cast %swap3A_682 : i32 to index
      %swap3A_684 = arith.index_cast %scan3A_673 : i32 to index
      %swap3A_685 = arith.constant 0 : index
      %swap3A_686 = tpu.vector_load %arg6[%swap3A_683, %swap3A_684, %swap3A_685] {strides = array<i32>} : memref<4x256x32xf32, #tpu.memory_space<vmem>>, vector<16xf32>,
      tpu.vector_store %arg6[%swap3A_683, %swap3A_684, %swap3A_685], %mul3A_681 {strides = array<i32>} : memref<4x256x32xf32, #tpu.memory_space<vmem>>, vector<16xf32>,
      %get3A_687 = arith.constant 0 : i32
      %get3A_688 = arith.index_cast %get3A_687 : i32 to index
      %get3A_689 = arith.index_cast %scan3A_673 : i32 to index
      %get3A_690 = arith.constant 16 : index
      %get3A_691 = tpu.vector_load %arg6[%get3A_688, %get3A_689, %get3A_690] {strides = array<i32>} : memref<4x256x32xf32, #tpu.memory_space<vmem>>, vector<16xf32>,
      %mul3A_692 = arith.constant 5.65685415 : f32
      %mul3A_693 = vector.broadcast %mul3A_692 : f32 to vector<16xf32>
      %mul3A_694 = arith.mulf %get3A_691, %mul3A_693 : vector<16xf32>
      %swap3A_695 = arith.constant 0 : i32
      %swap3A_696 = arith.index_cast %swap3A_695 : i32 to index
      %swap3A_697 = arith.index_cast %scan3A_673 : i32 to index
      %swap3A_698 = arith.constant 16 : index
      %swap3A_699 = tpu.vector_load %arg6[%swap3A_696, %swap3A_697, %swap3A_698] {strides = array<i32>} : memref<4x256x32xf32, #tpu.memory_space<vmem>>, vector<16xf32>,
      tpu.vector_store %arg6[%swap3A_696, %swap3A_697, %swap3A_698], %mul3A_694 {strides = array<i32>} : memref<4x256x32xf32, #tpu.memory_space<vmem>>, vector<16xf32>,
      %scan3A_700 = arith.constant 0 : i32
      %scan3A_701 = arith.constant 6 : i32
      %scan3A_702 = arith.addi %scan3A_529, %scan3A_701 : i32
      %get3A_703 = arith.constant 0 : i32
      %get3A_704 = arith.index_cast %get3A_703 : i32 to index
      %get3A_705 = arith.index_cast %scan3A_702 : i32 to index
      %get3A_706 = arith.constant 0 : index
      %get3A_707 = tpu.vector_load %arg6[%get3A_704, %get3A_705, %get3A_706] {strides = array<i32>} : memref<4x256x32xf32, #tpu.memory_space<vmem>>, vector<16xf32>,
      %mul3A_708 = arith.constant 5.65685415 : f32
      %mul3A_709 = vector.broadcast %mul3A_708 : f32 to vector<16xf32>
      %mul3A_710 = arith.mulf %get3A_707, %mul3A_709 : vector<16xf32>
      %swap3A_711 = arith.constant 0 : i32
      %swap3A_712 = arith.index_cast %swap3A_711 : i32 to index
      %swap3A_713 = arith.index_cast %scan3A_702 : i32 to index
      %swap3A_714 = arith.constant 0 : index
      %swap3A_715 = tpu.vector_load %arg6[%swap3A_712, %swap3A_713, %swap3A_714] {strides = array<i32>} : memref<4x256x32xf32, #tpu.memory_space<vmem>>, vector<16xf32>,
      tpu.vector_store %arg6[%swap3A_712, %swap3A_713, %swap3A_714], %mul3A_710 {strides = array<i32>} : memref<4x256x32xf32, #tpu.memory_space<vmem>>, vector<16xf32>,
      %get3A_716 = arith.constant 0 : i32
      %get3A_717 = arith.index_cast %get3A_716 : i32 to index
      %get3A_718 = arith.index_cast %scan3A_702 : i32 to index
      %get3A_719 = arith.constant 16 : index
      %get3A_720 = tpu.vector_load %arg6[%get3A_717, %get3A_718, %get3A_719] {strides = array<i32>} : memref<4x256x32xf32, #tpu.memory_space<vmem>>, vector<16xf32>,
      %mul3A_721 = arith.constant 5.65685415 : f32
      %mul3A_722 = vector.broadcast %mul3A_721 : f32 to vector<16xf32>
      %mul3A_723 = arith.mulf %get3A_720, %mul3A_722 : vector<16xf32>
      %swap3A_724 = arith.constant 0 : i32
      %swap3A_725 = arith.index_cast %swap3A_724 : i32 to index
      %swap3A_726 = arith.index_cast %scan3A_702 : i32 to index
      %swap3A_727 = arith.constant 16 : index
      %swap3A_728 = tpu.vector_load %arg6[%swap3A_725, %swap3A_726, %swap3A_727] {strides = array<i32>} : memref<4x256x32xf32, #tpu.memory_space<vmem>>, vector<16xf32>,
      tpu.vector_store %arg6[%swap3A_725, %swap3A_726, %swap3A_727], %mul3A_723 {strides = array<i32>} : memref<4x256x32xf32, #tpu.memory_space<vmem>>, vector<16xf32>,
      %scan3A_729 = arith.constant 0 : i32
      %scan3A_730 = arith.constant 7 : i32
      %scan3A_731 = arith.addi %scan3A_529, %scan3A_730 : i32
      %get3A_732 = arith.constant 0 : i32
      %get3A_733 = arith.index_cast %get3A_732 : i32 to index
      %get3A_734 = arith.index_cast %scan3A_731 : i32 to index
      %get3A_735 = arith.constant 0 : index
      %get3A_736 = tpu.vector_load %arg6[%get3A_733, %get3A_734, %get3A_735] {strides = array<i32>} : memref<4x256x32xf32, #tpu.memory_space<vmem>>, vector<16xf32>,
      %mul3A_737 = arith.constant 5.65685415 : f32
      %mul3A_738 = vector.broadcast %mul3A_737 : f32 to vector<16xf32>
      %mul3A_739 = arith.mulf %get3A_736, %mul3A_738 : vector<16xf32>
      %swap3A_740 = arith.constant 0 : i32
      %swap3A_741 = arith.index_cast %swap3A_740 : i32 to index
      %swap3A_742 = arith.index_cast %scan3A_731 : i32 to index
      %swap3A_743 = arith.constant 0 : index
      %swap3A_744 = tpu.vector_load %arg6[%swap3A_741, %swap3A_742, %swap3A_743] {strides = array<i32>} : memref<4x256x32xf32, #tpu.memory_space<vmem>>, vector<16xf32>,
      tpu.vector_store %arg6[%swap3A_741, %swap3A_742, %swap3A_743], %mul3A_739 {strides = array<i32>} : memref<4x256x32xf32, #tpu.memory_space<vmem>>, vector<16xf32>,
      %get3A_745 = arith.constant 0 : i32
      %get3A_746 = arith.index_cast %get3A_745 : i32 to index
      %get3A_747 = arith.index_cast %scan3A_731 : i32 to index
      %get3A_748 = arith.constant 16 : index
      %get3A_749 = tpu.vector_load %arg6[%get3A_746, %get3A_747, %get3A_748] {strides = array<i32>} : memref<4x256x32xf32, #tpu.memory_space<vmem>>, vector<16xf32>,
      %mul3A_750 = arith.constant 5.65685415 : f32
      %mul3A_751 = vector.broadcast %mul3A_750 : f32 to vector<16xf32>
      %mul3A_752 = arith.mulf %get3A_749, %mul3A_751 : vector<16xf32>
      %swap3A_753 = arith.constant 0 : i32
      %swap3A_754 = arith.index_cast %swap3A_753 : i32 to index
      %swap3A_755 = arith.index_cast %scan3A_731 : i32 to index
      %swap3A_756 = arith.constant 16 : index
      %swap3A_757 = tpu.vector_load %arg6[%swap3A_754, %swap3A_755, %swap3A_756] {strides = array<i32>} : memref<4x256x32xf32, #tpu.memory_space<vmem>>, vector<16xf32>,
      tpu.vector_store %arg6[%swap3A_754, %swap3A_755, %swap3A_756], %mul3A_752 {strides = array<i32>} : memref<4x256x32xf32, #tpu.memory_space<vmem>>, vector<16xf32>,
      %scan3A_758 = arith.constant 0 : i32
      scf.yield %scan3A_758 : i32
    }
    %scan3A_306 = arith.constant 256 : i32
    %add3A_307 = arith.constant 96 : i32
    %add3A_308 = arith.addi %mul3A_2, %add3A_307 : i32
    %mul3A_309 = arith.constant 256 : i32
    %mul3A_310 = arith.muli %add3A_308, %mul3A_309 : i32
    %dma_start3A_311 = arith.constant 0 : i32
    %dma_start3A_312 = arith.constant 0 : i32
    %dma_start3A_313 = arith.constant 0 : i32
    %dma_start3A_314 = tpu.memref_slice %arg6[%dma_start3A_311, %dma_start3A_312, %dma_start3A_313] : memref<4x256x32xf32, #tpu.memory_space<vmem>> -> memref<1x256x32xf32, #tpu.memory_space<vmem>>
    %dma_start3A_315 = tpu.memref_squeeze %dma_start3A_314 : memref<1x256x32xf32, #tpu.memory_space<vmem>> -> memref<256x32xf32, #tpu.memory_space<vmem>>
    %dma_start3A_316 = arith.constant 0 : i32
    %dma_start3A_317 = tpu.memref_slice %arg4[%mul3A_310, %dma_start3A_316] : memref<819200x32xf32, #tpu.memory_space<hbm>> -> memref<256x32xf32, #tpu.memory_space<hbm>>
    %dma_start3A_318 = arith.constant 0 : i32
    %dma_start3A_319 = tpu.memref_slice %arg4[%mul3A_310, %dma_start3A_318] : memref<819200x32xf32, #tpu.memory_space<hbm>> -> memref<256x32xf32, #tpu.memory_space<hbm>>
    %dma_start3A_320 = arith.constant 0 : i32
    %dma_start3A_321 = arith.constant 0 : i32
    %dma_start3A_322 = tpu.memref_slice %arg6[%dma_start3A_311, %dma_start3A_320, %dma_start3A_321] : memref<4x256x32xf32, #tpu.memory_space<vmem>> -> memref<1x256x32xf32, #tpu.memory_space<vmem>>
    %dma_start3A_323 = tpu.memref_squeeze %dma_start3A_322 : memref<1x256x32xf32, #tpu.memory_space<vmem>> -> memref<256x32xf32, #tpu.memory_space<vmem>>
    tpu.enqueue_dma source(%dma_start3A_323 : memref<256x32xf32, #tpu.memory_space<vmem>>) target(%dma_start3A_319 : memref<256x32xf32, #tpu.memory_space<hbm>>) target_semaphore(%arg11 : memref<!tpu.dma_semaphore, #tpu.memory_space<semaphore_mem>>)
    %add3A_324 = arith.constant 95 : i32
    %add3A_325 = arith.addi %mul3A_2, %add3A_324 : i32
    %mul3A_326 = arith.constant 256 : i32
    %mul3A_327 = arith.muli %add3A_325, %mul3A_326 : i32
    %dma_wait3A_328 = arith.constant 3 : i32
    %dma_wait3A_329 = arith.constant 0 : i32
    %dma_wait3A_330 = arith.constant 0 : i32
    %dma_wait3A_331 = tpu.memref_slice %arg6[%dma_wait3A_328, %dma_wait3A_329, %dma_wait3A_330] : memref<4x256x32xf32, #tpu.memory_space<vmem>> -> memref<1x256x32xf32, #tpu.memory_space<vmem>>
    %dma_wait3A_332 = tpu.memref_squeeze %dma_wait3A_331 : memref<1x256x32xf32, #tpu.memory_space<vmem>> -> memref<256x32xf32, #tpu.memory_space<vmem>>
    %dma_wait3A_333 = arith.constant 0 : i32
    %dma_wait3A_334 = tpu.memref_slice %arg4[%mul3A_327, %dma_wait3A_333] : memref<819200x32xf32, #tpu.memory_space<hbm>> -> memref<256x32xf32, #tpu.memory_space<hbm>>
    %dma_wait3A_335 = arith.constant 0 : i32
    %dma_wait3A_336 = tpu.memref_slice %arg4[%mul3A_327, %dma_wait3A_335] : memref<819200x32xf32, #tpu.memory_space<hbm>> -> memref<256x32xf32, #tpu.memory_space<hbm>>
    %dma_wait3A_337 = arith.constant 0 : i32
    %dma_wait3A_338 = arith.constant 0 : i32
    %dma_wait3A_339 = tpu.memref_slice %arg6[%dma_wait3A_328, %dma_wait3A_337, %dma_wait3A_338] : memref<4x256x32xf32, #tpu.memory_space<vmem>> -> memref<1x256x32xf32, #tpu.memory_space<vmem>>
    %dma_wait3A_340 = tpu.memref_squeeze %dma_wait3A_339 : memref<1x256x32xf32, #tpu.memory_space<vmem>> -> memref<256x32xf32, #tpu.memory_space<vmem>>
    tpu.wait_dma2 semaphore(%arg14 : memref<!tpu.dma_semaphore, #tpu.memory_space<semaphore_mem>>) src(%dma_wait3A_340 : memref<256x32xf32, #tpu.memory_space<vmem>>) dst(%dma_wait3A_336 : memref<256x32xf32, #tpu.memory_space<hbm>>)
    %mul3A_341 = arith.constant 99 : i32
    %mul3A_342 = arith.constant 256 : i32
    %mul3A_343 = arith.muli %mul3A_341, %mul3A_342 : i32
    %dma_start3A_344 = arith.constant 3 : i32
    %dma_start3A_345 = arith.constant 0 : i32
    %dma_start3A_346 = arith.constant 0 : i32
    %dma_start3A_347 = tpu.memref_slice %arg6[%dma_start3A_344, %dma_start3A_345, %dma_start3A_346] : memref<4x256x32xf32, #tpu.memory_space<vmem>> -> memref<1x256x32xf32, #tpu.memory_space<vmem>>
    %dma_start3A_348 = tpu.memref_squeeze %dma_start3A_347 : memref<1x256x32xf32, #tpu.memory_space<vmem>> -> memref<256x32xf32, #tpu.memory_space<vmem>>
    %dma_start3A_349 = tpu.memref_slice %arg5[%mul3A_343] : memref<25600xi32, #tpu.memory_space<vmem>> -> memref<256xi32, #tpu.memory_space<vmem>>
    %dma_start3A_350 = arith.constant 0 : i32
    %dma_start3A_351 = arith.constant 0 : i32
    %dma_start3A_352 = tpu.memref_slice %arg3[%dma_start3A_350, %dma_start3A_351] : memref<1000000x32xf32, #tpu.memory_space<hbm>> -> memref<1000000x32xf32, #tpu.memory_space<hbm>>
    tpu.enqueue_indirect_dma source(%dma_start3A_352 : memref<1000000x32xf32, #tpu.memory_space<hbm>>) target(%dma_start3A_348 : memref<256x32xf32, #tpu.memory_space<vmem>>) offsets(%dma_start3A_349 : memref<256xi32, #tpu.memory_space<vmem>>) semaphore(%arg10 : memref<!tpu.dma_semaphore, #tpu.memory_space<semaphore_mem>>)
    %mul3A_353 = arith.constant 97 : i32
    %mul3A_354 = arith.constant 256 : i32
    %mul3A_355 = arith.muli %mul3A_353, %mul3A_354 : i32
    %dma_wait3A_356 = arith.constant 1 : i32
    %dma_wait3A_357 = arith.constant 0 : i32
    %dma_wait3A_358 = arith.constant 0 : i32
    %dma_wait3A_359 = tpu.memref_slice %arg6[%dma_wait3A_356, %dma_wait3A_357, %dma_wait3A_358] : memref<4x256x32xf32, #tpu.memory_space<vmem>> -> memref<1x256x32xf32, #tpu.memory_space<vmem>>
    %dma_wait3A_360 = tpu.memref_squeeze %dma_wait3A_359 : memref<1x256x32xf32, #tpu.memory_space<vmem>> -> memref<256x32xf32, #tpu.memory_space<vmem>>
    %dma_wait3A_361 = tpu.memref_slice %arg5[%mul3A_355] : memref<25600xi32, #tpu.memory_space<vmem>> -> memref<256xi32, #tpu.memory_space<vmem>>
    %dma_wait3A_362 = arith.constant 0 : i32
    %dma_wait3A_363 = arith.constant 0 : i32
    %dma_wait3A_364 = tpu.memref_slice %arg3[%dma_wait3A_362, %dma_wait3A_363] : memref<1000000x32xf32, #tpu.memory_space<hbm>> -> memref<1000000x32xf32, #tpu.memory_space<hbm>>
    tpu.wait_indirect_dma semaphore(%arg8 : memref<!tpu.dma_semaphore, #tpu.memory_space<semaphore_mem>>) src(%dma_wait3A_364 : memref<1000000x32xf32, #tpu.memory_space<hbm>>) dst(%dma_wait3A_360 : memref<256x32xf32, #tpu.memory_space<vmem>>)
    %scan3A_365 = arith.constant 0 : i32
    %scan3A_366 = arith.constant 0 : i32
    %scan3A_367 = arith.constant 256 : i32
    %scan3A_368 = arith.addi %scan3A_366, %scan3A_367 : i32
    %scan3A_369 = arith.constant 8 : i32
    %scan3A_370 = scf.for %scan3A_529 = %scan3A_366 to %scan3A_368 step %scan3A_369 iter_args(%scan3A_530 = %scan3A_365) -> (i32)  : i32 {
      %get3A = arith.constant 1 : i32
      %get3A_531 = arith.index_cast %get3A : i32 to index
      %get3A_532 = arith.index_cast %scan3A_529 : i32 to index
      %get3A_533 = arith.constant 0 : index
      %get3A_534 = tpu.vector_load %arg6[%get3A_531, %get3A_532, %get3A_533] {strides = array<i32>} : memref<4x256x32xf32, #tpu.memory_space<vmem>>, vector<16xf32>,
      %mul3A_535 = arith.constant 5.65685415 : f32
      %mul3A_536 = vector.broadcast %mul3A_535 : f32 to vector<16xf32>
      %mul3A_537 = arith.mulf %get3A_534, %mul3A_536 : vector<16xf32>
      %swap3A = arith.constant 1 : i32
      %swap3A_538 = arith.index_cast %swap3A : i32 to index
      %swap3A_539 = arith.index_cast %scan3A_529 : i32 to index
      %swap3A_540 = arith.constant 0 : index
      %swap3A_541 = tpu.vector_load %arg6[%swap3A_538, %swap3A_539, %swap3A_540] {strides = array<i32>} : memref<4x256x32xf32, #tpu.memory_space<vmem>>, vector<16xf32>,
      tpu.vector_store %arg6[%swap3A_538, %swap3A_539, %swap3A_540], %mul3A_537 {strides = array<i32>} : memref<4x256x32xf32, #tpu.memory_space<vmem>>, vector<16xf32>,
      %get3A_542 = arith.constant 1 : i32
      %get3A_543 = arith.index_cast %get3A_542 : i32 to index
      %get3A_544 = arith.index_cast %scan3A_529 : i32 to index
      %get3A_545 = arith.constant 16 : index
      %get3A_546 = tpu.vector_load %arg6[%get3A_543, %get3A_544, %get3A_545] {strides = array<i32>} : memref<4x256x32xf32, #tpu.memory_space<vmem>>, vector<16xf32>,
      %mul3A_547 = arith.constant 5.65685415 : f32
      %mul3A_548 = vector.broadcast %mul3A_547 : f32 to vector<16xf32>
      %mul3A_549 = arith.mulf %get3A_546, %mul3A_548 : vector<16xf32>
      %swap3A_550 = arith.constant 1 : i32
      %swap3A_551 = arith.index_cast %swap3A_550 : i32 to index
      %swap3A_552 = arith.index_cast %scan3A_529 : i32 to index
      %swap3A_553 = arith.constant 16 : index
      %swap3A_554 = tpu.vector_load %arg6[%swap3A_551, %swap3A_552, %swap3A_553] {strides = array<i32>} : memref<4x256x32xf32, #tpu.memory_space<vmem>>, vector<16xf32>,
      tpu.vector_store %arg6[%swap3A_551, %swap3A_552, %swap3A_553], %mul3A_549 {strides = array<i32>} : memref<4x256x32xf32, #tpu.memory_space<vmem>>, vector<16xf32>,
      %scan3A_555 = arith.constant 0 : i32
      %scan3A_556 = arith.constant 1 : i32
      %scan3A_557 = arith.addi %scan3A_529, %scan3A_556 : i32
      %get3A_558 = arith.constant 1 : i32
      %get3A_559 = arith.index_cast %get3A_558 : i32 to index
      %get3A_560 = arith.index_cast %scan3A_557 : i32 to index
      %get3A_561 = arith.constant 0 : index
      %get3A_562 = tpu.vector_load %arg6[%get3A_559, %get3A_560, %get3A_561] {strides = array<i32>} : memref<4x256x32xf32, #tpu.memory_space<vmem>>, vector<16xf32>,
      %mul3A_563 = arith.constant 5.65685415 : f32
      %mul3A_564 = vector.broadcast %mul3A_563 : f32 to vector<16xf32>
      %mul3A_565 = arith.mulf %get3A_562, %mul3A_564 : vector<16xf32>
      %swap3A_566 = arith.constant 1 : i32
      %swap3A_567 = arith.index_cast %swap3A_566 : i32 to index
      %swap3A_568 = arith.index_cast %scan3A_557 : i32 to index
      %swap3A_569 = arith.constant 0 : index
      %swap3A_570 = tpu.vector_load %arg6[%swap3A_567, %swap3A_568, %swap3A_569] {strides = array<i32>} : memref<4x256x32xf32, #tpu.memory_space<vmem>>, vector<16xf32>,
      tpu.vector_store %arg6[%swap3A_567, %swap3A_568, %swap3A_569], %mul3A_565 {strides = array<i32>} : memref<4x256x32xf32, #tpu.memory_space<vmem>>, vector<16xf32>,
      %get3A_571 = arith.constant 1 : i32
      %get3A_572 = arith.index_cast %get3A_571 : i32 to index
      %get3A_573 = arith.index_cast %scan3A_557 : i32 to index
      %get3A_574 = arith.constant 16 : index
      %get3A_575 = tpu.vector_load %arg6[%get3A_572, %get3A_573, %get3A_574] {strides = array<i32>} : memref<4x256x32xf32, #tpu.memory_space<vmem>>, vector<16xf32>,
      %mul3A_576 = arith.constant 5.65685415 : f32
      %mul3A_577 = vector.broadcast %mul3A_576 : f32 to vector<16xf32>
      %mul3A_578 = arith.mulf %get3A_575, %mul3A_577 : vector<16xf32>
      %swap3A_579 = arith.constant 1 : i32
      %swap3A_580 = arith.index_cast %swap3A_579 : i32 to index
      %swap3A_581 = arith.index_cast %scan3A_557 : i32 to index
      %swap3A_582 = arith.constant 16 : index
      %swap3A_583 = tpu.vector_load %arg6[%swap3A_580, %swap3A_581, %swap3A_582] {strides = array<i32>} : memref<4x256x32xf32, #tpu.memory_space<vmem>>, vector<16xf32>,
      tpu.vector_store %arg6[%swap3A_580, %swap3A_581, %swap3A_582], %mul3A_578 {strides = array<i32>} : memref<4x256x32xf32, #tpu.memory_space<vmem>>, vector<16xf32>,
      %scan3A_584 = arith.constant 0 : i32
      %scan3A_585 = arith.constant 2 : i32
      %scan3A_586 = arith.addi %scan3A_529, %scan3A_585 : i32
      %get3A_587 = arith.constant 1 : i32
      %get3A_588 = arith.index_cast %get3A_587 : i32 to index
      %get3A_589 = arith.index_cast %scan3A_586 : i32 to index
      %get3A_590 = arith.constant 0 : index
      %get3A_591 = tpu.vector_load %arg6[%get3A_588, %get3A_589, %get3A_590] {strides = array<i32>} : memref<4x256x32xf32, #tpu.memory_space<vmem>>, vector<16xf32>,
      %mul3A_592 = arith.constant 5.65685415 : f32
      %mul3A_593 = vector.broadcast %mul3A_592 : f32 to vector<16xf32>
      %mul3A_594 = arith.mulf %get3A_591, %mul3A_593 : vector<16xf32>
      %swap3A_595 = arith.constant 1 : i32
      %swap3A_596 = arith.index_cast %swap3A_595 : i32 to index
      %swap3A_597 = arith.index_cast %scan3A_586 : i32 to index
      %swap3A_598 = arith.constant 0 : index
      %swap3A_599 = tpu.vector_load %arg6[%swap3A_596, %swap3A_597, %swap3A_598] {strides = array<i32>} : memref<4x256x32xf32, #tpu.memory_space<vmem>>, vector<16xf32>,
      tpu.vector_store %arg6[%swap3A_596, %swap3A_597, %swap3A_598], %mul3A_594 {strides = array<i32>} : memref<4x256x32xf32, #tpu.memory_space<vmem>>, vector<16xf32>,
      %get3A_600 = arith.constant 1 : i32
      %get3A_601 = arith.index_cast %get3A_600 : i32 to index
      %get3A_602 = arith.index_cast %scan3A_586 : i32 to index
      %get3A_603 = arith.constant 16 : index
      %get3A_604 = tpu.vector_load %arg6[%get3A_601, %get3A_602, %get3A_603] {strides = array<i32>} : memref<4x256x32xf32, #tpu.memory_space<vmem>>, vector<16xf32>,
      %mul3A_605 = arith.constant 5.65685415 : f32
      %mul3A_606 = vector.broadcast %mul3A_605 : f32 to vector<16xf32>
      %mul3A_607 = arith.mulf %get3A_604, %mul3A_606 : vector<16xf32>
      %swap3A_608 = arith.constant 1 : i32
      %swap3A_609 = arith.index_cast %swap3A_608 : i32 to index
      %swap3A_610 = arith.index_cast %scan3A_586 : i32 to index
      %swap3A_611 = arith.constant 16 : index
      %swap3A_612 = tpu.vector_load %arg6[%swap3A_609, %swap3A_610, %swap3A_611] {strides = array<i32>} : memref<4x256x32xf32, #tpu.memory_space<vmem>>, vector<16xf32>,
      tpu.vector_store %arg6[%swap3A_609, %swap3A_610, %swap3A_611], %mul3A_607 {strides = array<i32>} : memref<4x256x32xf32, #tpu.memory_space<vmem>>, vector<16xf32>,
      %scan3A_613 = arith.constant 0 : i32
      %scan3A_614 = arith.constant 3 : i32
      %scan3A_615 = arith.addi %scan3A_529, %scan3A_614 : i32
      %get3A_616 = arith.constant 1 : i32
      %get3A_617 = arith.index_cast %get3A_616 : i32 to index
      %get3A_618 = arith.index_cast %scan3A_615 : i32 to index
      %get3A_619 = arith.constant 0 : index
      %get3A_620 = tpu.vector_load %arg6[%get3A_617, %get3A_618, %get3A_619] {strides = array<i32>} : memref<4x256x32xf32, #tpu.memory_space<vmem>>, vector<16xf32>,
      %mul3A_621 = arith.constant 5.65685415 : f32
      %mul3A_622 = vector.broadcast %mul3A_621 : f32 to vector<16xf32>
      %mul3A_623 = arith.mulf %get3A_620, %mul3A_622 : vector<16xf32>
      %swap3A_624 = arith.constant 1 : i32
      %swap3A_625 = arith.index_cast %swap3A_624 : i32 to index
      %swap3A_626 = arith.index_cast %scan3A_615 : i32 to index
      %swap3A_627 = arith.constant 0 : index
      %swap3A_628 = tpu.vector_load %arg6[%swap3A_625, %swap3A_626, %swap3A_627] {strides = array<i32>} : memref<4x256x32xf32, #tpu.memory_space<vmem>>, vector<16xf32>,
      tpu.vector_store %arg6[%swap3A_625, %swap3A_626, %swap3A_627], %mul3A_623 {strides = array<i32>} : memref<4x256x32xf32, #tpu.memory_space<vmem>>, vector<16xf32>,
      %get3A_629 = arith.constant 1 : i32
      %get3A_630 = arith.index_cast %get3A_629 : i32 to index
      %get3A_631 = arith.index_cast %scan3A_615 : i32 to index
      %get3A_632 = arith.constant 16 : index
      %get3A_633 = tpu.vector_load %arg6[%get3A_630, %get3A_631, %get3A_632] {strides = array<i32>} : memref<4x256x32xf32, #tpu.memory_space<vmem>>, vector<16xf32>,
      %mul3A_634 = arith.constant 5.65685415 : f32
      %mul3A_635 = vector.broadcast %mul3A_634 : f32 to vector<16xf32>
      %mul3A_636 = arith.mulf %get3A_633, %mul3A_635 : vector<16xf32>
      %swap3A_637 = arith.constant 1 : i32
      %swap3A_638 = arith.index_cast %swap3A_637 : i32 to index
      %swap3A_639 = arith.index_cast %scan3A_615 : i32 to index
      %swap3A_640 = arith.constant 16 : index
      %swap3A_641 = tpu.vector_load %arg6[%swap3A_638, %swap3A_639, %swap3A_640] {strides = array<i32>} : memref<4x256x32xf32, #tpu.memory_space<vmem>>, vector<16xf32>,
      tpu.vector_store %arg6[%swap3A_638, %swap3A_639, %swap3A_640], %mul3A_636 {strides = array<i32>} : memref<4x256x32xf32, #tpu.memory_space<vmem>>, vector<16xf32>,
      %scan3A_642 = arith.constant 0 : i32
      %scan3A_643 = arith.constant 4 : i32
      %scan3A_644 = arith.addi %scan3A_529, %scan3A_643 : i32
      %get3A_645 = arith.constant 1 : i32
      %get3A_646 = arith.index_cast %get3A_645 : i32 to index
      %get3A_647 = arith.index_cast %scan3A_644 : i32 to index
      %get3A_648 = arith.constant 0 : index
      %get3A_649 = tpu.vector_load %arg6[%get3A_646, %get3A_647, %get3A_648] {strides = array<i32>} : memref<4x256x32xf32, #tpu.memory_space<vmem>>, vector<16xf32>,
      %mul3A_650 = arith.constant 5.65685415 : f32
      %mul3A_651 = vector.broadcast %mul3A_650 : f32 to vector<16xf32>
      %mul3A_652 = arith.mulf %get3A_649, %mul3A_651 : vector<16xf32>
      %swap3A_653 = arith.constant 1 : i32
      %swap3A_654 = arith.index_cast %swap3A_653 : i32 to index
      %swap3A_655 = arith.index_cast %scan3A_644 : i32 to index
      %swap3A_656 = arith.constant 0 : index
      %swap3A_657 = tpu.vector_load %arg6[%swap3A_654, %swap3A_655, %swap3A_656] {strides = array<i32>} : memref<4x256x32xf32, #tpu.memory_space<vmem>>, vector<16xf32>,
      tpu.vector_store %arg6[%swap3A_654, %swap3A_655, %swap3A_656], %mul3A_652 {strides = array<i32>} : memref<4x256x32xf32, #tpu.memory_space<vmem>>, vector<16xf32>,
      %get3A_658 = arith.constant 1 : i32
      %get3A_659 = arith.index_cast %get3A_658 : i32 to index
      %get3A_660 = arith.index_cast %scan3A_644 : i32 to index
      %get3A_661 = arith.constant 16 : index
      %get3A_662 = tpu.vector_load %arg6[%get3A_659, %get3A_660, %get3A_661] {strides = array<i32>} : memref<4x256x32xf32, #tpu.memory_space<vmem>>, vector<16xf32>,
      %mul3A_663 = arith.constant 5.65685415 : f32
      %mul3A_664 = vector.broadcast %mul3A_663 : f32 to vector<16xf32>
      %mul3A_665 = arith.mulf %get3A_662, %mul3A_664 : vector<16xf32>
      %swap3A_666 = arith.constant 1 : i32
      %swap3A_667 = arith.index_cast %swap3A_666 : i32 to index
      %swap3A_668 = arith.index_cast %scan3A_644 : i32 to index
      %swap3A_669 = arith.constant 16 : index
      %swap3A_670 = tpu.vector_load %arg6[%swap3A_667, %swap3A_668, %swap3A_669] {strides = array<i32>} : memref<4x256x32xf32, #tpu.memory_space<vmem>>, vector<16xf32>,
      tpu.vector_store %arg6[%swap3A_667, %swap3A_668, %swap3A_669], %mul3A_665 {strides = array<i32>} : memref<4x256x32xf32, #tpu.memory_space<vmem>>, vector<16xf32>,
      %scan3A_671 = arith.constant 0 : i32
      %scan3A_672 = arith.constant 5 : i32
      %scan3A_673 = arith.addi %scan3A_529, %scan3A_672 : i32
      %get3A_674 = arith.constant 1 : i32
      %get3A_675 = arith.index_cast %get3A_674 : i32 to index
      %get3A_676 = arith.index_cast %scan3A_673 : i32 to index
      %get3A_677 = arith.constant 0 : index
      %get3A_678 = tpu.vector_load %arg6[%get3A_675, %get3A_676, %get3A_677] {strides = array<i32>} : memref<4x256x32xf32, #tpu.memory_space<vmem>>, vector<16xf32>,
      %mul3A_679 = arith.constant 5.65685415 : f32
      %mul3A_680 = vector.broadcast %mul3A_679 : f32 to vector<16xf32>
      %mul3A_681 = arith.mulf %get3A_678, %mul3A_680 : vector<16xf32>
      %swap3A_682 = arith.constant 1 : i32
      %swap3A_683 = arith.index_cast %swap3A_682 : i32 to index
      %swap3A_684 = arith.index_cast %scan3A_673 : i32 to index
      %swap3A_685 = arith.constant 0 : index
      %swap3A_686 = tpu.vector_load %arg6[%swap3A_683, %swap3A_684, %swap3A_685] {strides = array<i32>} : memref<4x256x32xf32, #tpu.memory_space<vmem>>, vector<16xf32>,
      tpu.vector_store %arg6[%swap3A_683, %swap3A_684, %swap3A_685], %mul3A_681 {strides = array<i32>} : memref<4x256x32xf32, #tpu.memory_space<vmem>>, vector<16xf32>,
      %get3A_687 = arith.constant 1 : i32
      %get3A_688 = arith.index_cast %get3A_687 : i32 to index
      %get3A_689 = arith.index_cast %scan3A_673 : i32 to index
      %get3A_690 = arith.constant 16 : index
      %get3A_691 = tpu.vector_load %arg6[%get3A_688, %get3A_689, %get3A_690] {strides = array<i32>} : memref<4x256x32xf32, #tpu.memory_space<vmem>>, vector<16xf32>,
      %mul3A_692 = arith.constant 5.65685415 : f32
      %mul3A_693 = vector.broadcast %mul3A_692 : f32 to vector<16xf32>
      %mul3A_694 = arith.mulf %get3A_691, %mul3A_693 : vector<16xf32>
      %swap3A_695 = arith.constant 1 : i32
      %swap3A_696 = arith.index_cast %swap3A_695 : i32 to index
      %swap3A_697 = arith.index_cast %scan3A_673 : i32 to index
      %swap3A_698 = arith.constant 16 : index
      %swap3A_699 = tpu.vector_load %arg6[%swap3A_696, %swap3A_697, %swap3A_698] {strides = array<i32>} : memref<4x256x32xf32, #tpu.memory_space<vmem>>, vector<16xf32>,
      tpu.vector_store %arg6[%swap3A_696, %swap3A_697, %swap3A_698], %mul3A_694 {strides = array<i32>} : memref<4x256x32xf32, #tpu.memory_space<vmem>>, vector<16xf32>,
      %scan3A_700 = arith.constant 0 : i32
      %scan3A_701 = arith.constant 6 : i32
      %scan3A_702 = arith.addi %scan3A_529, %scan3A_701 : i32
      %get3A_703 = arith.constant 1 : i32
      %get3A_704 = arith.index_cast %get3A_703 : i32 to index
      %get3A_705 = arith.index_cast %scan3A_702 : i32 to index
      %get3A_706 = arith.constant 0 : index
      %get3A_707 = tpu.vector_load %arg6[%get3A_704, %get3A_705, %get3A_706] {strides = array<i32>} : memref<4x256x32xf32, #tpu.memory_space<vmem>>, vector<16xf32>,
      %mul3A_708 = arith.constant 5.65685415 : f32
      %mul3A_709 = vector.broadcast %mul3A_708 : f32 to vector<16xf32>
      %mul3A_710 = arith.mulf %get3A_707, %mul3A_709 : vector<16xf32>
      %swap3A_711 = arith.constant 1 : i32
      %swap3A_712 = arith.index_cast %swap3A_711 : i32 to index
      %swap3A_713 = arith.index_cast %scan3A_702 : i32 to index
      %swap3A_714 = arith.constant 0 : index
      %swap3A_715 = tpu.vector_load %arg6[%swap3A_712, %swap3A_713, %swap3A_714] {strides = array<i32>} : memref<4x256x32xf32, #tpu.memory_space<vmem>>, vector<16xf32>,
      tpu.vector_store %arg6[%swap3A_712, %swap3A_713, %swap3A_714], %mul3A_710 {strides = array<i32>} : memref<4x256x32xf32, #tpu.memory_space<vmem>>, vector<16xf32>,
      %get3A_716 = arith.constant 1 : i32
      %get3A_717 = arith.index_cast %get3A_716 : i32 to index
      %get3A_718 = arith.index_cast %scan3A_702 : i32 to index
      %get3A_719 = arith.constant 16 : index
      %get3A_720 = tpu.vector_load %arg6[%get3A_717, %get3A_718, %get3A_719] {strides = array<i32>} : memref<4x256x32xf32, #tpu.memory_space<vmem>>, vector<16xf32>,
      %mul3A_721 = arith.constant 5.65685415 : f32
      %mul3A_722 = vector.broadcast %mul3A_721 : f32 to vector<16xf32>
      %mul3A_723 = arith.mulf %get3A_720, %mul3A_722 : vector<16xf32>
      %swap3A_724 = arith.constant 1 : i32
      %swap3A_725 = arith.index_cast %swap3A_724 : i32 to index
      %swap3A_726 = arith.index_cast %scan3A_702 : i32 to index
      %swap3A_727 = arith.constant 16 : index
      %swap3A_728 = tpu.vector_load %arg6[%swap3A_725, %swap3A_726, %swap3A_727] {strides = array<i32>} : memref<4x256x32xf32, #tpu.memory_space<vmem>>, vector<16xf32>,
      tpu.vector_store %arg6[%swap3A_725, %swap3A_726, %swap3A_727], %mul3A_723 {strides = array<i32>} : memref<4x256x32xf32, #tpu.memory_space<vmem>>, vector<16xf32>,
      %scan3A_729 = arith.constant 0 : i32
      %scan3A_730 = arith.constant 7 : i32
      %scan3A_731 = arith.addi %scan3A_529, %scan3A_730 : i32
      %get3A_732 = arith.constant 1 : i32
      %get3A_733 = arith.index_cast %get3A_732 : i32 to index
      %get3A_734 = arith.index_cast %scan3A_731 : i32 to index
      %get3A_735 = arith.constant 0 : index
      %get3A_736 = tpu.vector_load %arg6[%get3A_733, %get3A_734, %get3A_735] {strides = array<i32>} : memref<4x256x32xf32, #tpu.memory_space<vmem>>, vector<16xf32>,
      %mul3A_737 = arith.constant 5.65685415 : f32
      %mul3A_738 = vector.broadcast %mul3A_737 : f32 to vector<16xf32>
      %mul3A_739 = arith.mulf %get3A_736, %mul3A_738 : vector<16xf32>
      %swap3A_740 = arith.constant 1 : i32
      %swap3A_741 = arith.index_cast %swap3A_740 : i32 to index
      %swap3A_742 = arith.index_cast %scan3A_731 : i32 to index
      %swap3A_743 = arith.constant 0 : index
      %swap3A_744 = tpu.vector_load %arg6[%swap3A_741, %swap3A_742, %swap3A_743] {strides = array<i32>} : memref<4x256x32xf32, #tpu.memory_space<vmem>>, vector<16xf32>,
      tpu.vector_store %arg6[%swap3A_741, %swap3A_742, %swap3A_743], %mul3A_739 {strides = array<i32>} : memref<4x256x32xf32, #tpu.memory_space<vmem>>, vector<16xf32>,
      %get3A_745 = arith.constant 1 : i32
      %get3A_746 = arith.index_cast %get3A_745 : i32 to index
      %get3A_747 = arith.index_cast %scan3A_731 : i32 to index
      %get3A_748 = arith.constant 16 : index
      %get3A_749 = tpu.vector_load %arg6[%get3A_746, %get3A_747, %get3A_748] {strides = array<i32>} : memref<4x256x32xf32, #tpu.memory_space<vmem>>, vector<16xf32>,
      %mul3A_750 = arith.constant 5.65685415 : f32
      %mul3A_751 = vector.broadcast %mul3A_750 : f32 to vector<16xf32>
      %mul3A_752 = arith.mulf %get3A_749, %mul3A_751 : vector<16xf32>
      %swap3A_753 = arith.constant 1 : i32
      %swap3A_754 = arith.index_cast %swap3A_753 : i32 to index
      %swap3A_755 = arith.index_cast %scan3A_731 : i32 to index
      %swap3A_756 = arith.constant 16 : index
      %swap3A_757 = tpu.vector_load %arg6[%swap3A_754, %swap3A_755, %swap3A_756] {strides = array<i32>} : memref<4x256x32xf32, #tpu.memory_space<vmem>>, vector<16xf32>,
      tpu.vector_store %arg6[%swap3A_754, %swap3A_755, %swap3A_756], %mul3A_752 {strides = array<i32>} : memref<4x256x32xf32, #tpu.memory_space<vmem>>, vector<16xf32>,
      %scan3A_758 = arith.constant 0 : i32
      scf.yield %scan3A_758 : i32
    }
    %scan3A_371 = arith.constant 256 : i32
    %add3A_372 = arith.constant 97 : i32
    %add3A_373 = arith.addi %mul3A_2, %add3A_372 : i32
    %mul3A_374 = arith.constant 256 : i32
    %mul3A_375 = arith.muli %add3A_373, %mul3A_374 : i32
    %dma_start3A_376 = arith.constant 1 : i32
    %dma_start3A_377 = arith.constant 0 : i32
    %dma_start3A_378 = arith.constant 0 : i32
    %dma_start3A_379 = tpu.memref_slice %arg6[%dma_start3A_376, %dma_start3A_377, %dma_start3A_378] : memref<4x256x32xf32, #tpu.memory_space<vmem>> -> memref<1x256x32xf32, #tpu.memory_space<vmem>>
    %dma_start3A_380 = tpu.memref_squeeze %dma_start3A_379 : memref<1x256x32xf32, #tpu.memory_space<vmem>> -> memref<256x32xf32, #tpu.memory_space<vmem>>
    %dma_start3A_381 = arith.constant 0 : i32
    %dma_start3A_382 = tpu.memref_slice %arg4[%mul3A_375, %dma_start3A_381] : memref<819200x32xf32, #tpu.memory_space<hbm>> -> memref<256x32xf32, #tpu.memory_space<hbm>>
    %dma_start3A_383 = arith.constant 0 : i32
    %dma_start3A_384 = tpu.memref_slice %arg4[%mul3A_375, %dma_start3A_383] : memref<819200x32xf32, #tpu.memory_space<hbm>> -> memref<256x32xf32, #tpu.memory_space<hbm>>
    %dma_start3A_385 = arith.constant 0 : i32
    %dma_start3A_386 = arith.constant 0 : i32
    %dma_start3A_387 = tpu.memref_slice %arg6[%dma_start3A_376, %dma_start3A_385, %dma_start3A_386] : memref<4x256x32xf32, #tpu.memory_space<vmem>> -> memref<1x256x32xf32, #tpu.memory_space<vmem>>
    %dma_start3A_388 = tpu.memref_squeeze %dma_start3A_387 : memref<1x256x32xf32, #tpu.memory_space<vmem>> -> memref<256x32xf32, #tpu.memory_space<vmem>>
    tpu.enqueue_dma source(%dma_start3A_388 : memref<256x32xf32, #tpu.memory_space<vmem>>) target(%dma_start3A_384 : memref<256x32xf32, #tpu.memory_space<hbm>>) target_semaphore(%arg12 : memref<!tpu.dma_semaphore, #tpu.memory_space<semaphore_mem>>)
    %add3A_389 = arith.constant 96 : i32
    %add3A_390 = arith.addi %mul3A_2, %add3A_389 : i32
    %mul3A_391 = arith.constant 256 : i32
    %mul3A_392 = arith.muli %add3A_390, %mul3A_391 : i32
    %dma_wait3A_393 = arith.constant 0 : i32
    %dma_wait3A_394 = arith.constant 0 : i32
    %dma_wait3A_395 = arith.constant 0 : i32
    %dma_wait3A_396 = tpu.memref_slice %arg6[%dma_wait3A_393, %dma_wait3A_394, %dma_wait3A_395] : memref<4x256x32xf32, #tpu.memory_space<vmem>> -> memref<1x256x32xf32, #tpu.memory_space<vmem>>
    %dma_wait3A_397 = tpu.memref_squeeze %dma_wait3A_396 : memref<1x256x32xf32, #tpu.memory_space<vmem>> -> memref<256x32xf32, #tpu.memory_space<vmem>>
    %dma_wait3A_398 = arith.constant 0 : i32
    %dma_wait3A_399 = tpu.memref_slice %arg4[%mul3A_392, %dma_wait3A_398] : memref<819200x32xf32, #tpu.memory_space<hbm>> -> memref<256x32xf32, #tpu.memory_space<hbm>>
    %dma_wait3A_400 = arith.constant 0 : i32
    %dma_wait3A_401 = tpu.memref_slice %arg4[%mul3A_392, %dma_wait3A_400] : memref<819200x32xf32, #tpu.memory_space<hbm>> -> memref<256x32xf32, #tpu.memory_space<hbm>>
    %dma_wait3A_402 = arith.constant 0 : i32
    %dma_wait3A_403 = arith.constant 0 : i32
    %dma_wait3A_404 = tpu.memref_slice %arg6[%dma_wait3A_393, %dma_wait3A_402, %dma_wait3A_403] : memref<4x256x32xf32, #tpu.memory_space<vmem>> -> memref<1x256x32xf32, #tpu.memory_space<vmem>>
    %dma_wait3A_405 = tpu.memref_squeeze %dma_wait3A_404 : memref<1x256x32xf32, #tpu.memory_space<vmem>> -> memref<256x32xf32, #tpu.memory_space<vmem>>
    tpu.wait_dma2 semaphore(%arg11 : memref<!tpu.dma_semaphore, #tpu.memory_space<semaphore_mem>>) src(%dma_wait3A_405 : memref<256x32xf32, #tpu.memory_space<vmem>>) dst(%dma_wait3A_401 : memref<256x32xf32, #tpu.memory_space<hbm>>)
    %mul3A_406 = arith.constant 98 : i32
    %mul3A_407 = arith.constant 256 : i32
    %mul3A_408 = arith.muli %mul3A_406, %mul3A_407 : i32
    %dma_wait3A_409 = arith.constant 2 : i32
    %dma_wait3A_410 = arith.constant 0 : i32
    %dma_wait3A_411 = arith.constant 0 : i32
    %dma_wait3A_412 = tpu.memref_slice %arg6[%dma_wait3A_409, %dma_wait3A_410, %dma_wait3A_411] : memref<4x256x32xf32, #tpu.memory_space<vmem>> -> memref<1x256x32xf32, #tpu.memory_space<vmem>>
    %dma_wait3A_413 = tpu.memref_squeeze %dma_wait3A_412 : memref<1x256x32xf32, #tpu.memory_space<vmem>> -> memref<256x32xf32, #tpu.memory_space<vmem>>
    %dma_wait3A_414 = tpu.memref_slice %arg5[%mul3A_408] : memref<25600xi32, #tpu.memory_space<vmem>> -> memref<256xi32, #tpu.memory_space<vmem>>
    %dma_wait3A_415 = arith.constant 0 : i32
    %dma_wait3A_416 = arith.constant 0 : i32
    %dma_wait3A_417 = tpu.memref_slice %arg3[%dma_wait3A_415, %dma_wait3A_416] : memref<1000000x32xf32, #tpu.memory_space<hbm>> -> memref<1000000x32xf32, #tpu.memory_space<hbm>>
    tpu.wait_indirect_dma semaphore(%arg9 : memref<!tpu.dma_semaphore, #tpu.memory_space<semaphore_mem>>) src(%dma_wait3A_417 : memref<1000000x32xf32, #tpu.memory_space<hbm>>) dst(%dma_wait3A_413 : memref<256x32xf32, #tpu.memory_space<vmem>>)
    %scan3A_418 = arith.constant 0 : i32
    %scan3A_419 = arith.constant 0 : i32
    %scan3A_420 = arith.constant 256 : i32
    %scan3A_421 = arith.addi %scan3A_419, %scan3A_420 : i32
    %scan3A_422 = arith.constant 8 : i32
    %scan3A_423 = scf.for %scan3A_529 = %scan3A_419 to %scan3A_421 step %scan3A_422 iter_args(%scan3A_530 = %scan3A_418) -> (i32)  : i32 {
      %get3A = arith.constant 2 : i32
      %get3A_531 = arith.index_cast %get3A : i32 to index
      %get3A_532 = arith.index_cast %scan3A_529 : i32 to index
      %get3A_533 = arith.constant 0 : index
      %get3A_534 = tpu.vector_load %arg6[%get3A_531, %get3A_532, %get3A_533] {strides = array<i32>} : memref<4x256x32xf32, #tpu.memory_space<vmem>>, vector<16xf32>,
      %mul3A_535 = arith.constant 5.65685415 : f32
      %mul3A_536 = vector.broadcast %mul3A_535 : f32 to vector<16xf32>
      %mul3A_537 = arith.mulf %get3A_534, %mul3A_536 : vector<16xf32>
      %swap3A = arith.constant 2 : i32
      %swap3A_538 = arith.index_cast %swap3A : i32 to index
      %swap3A_539 = arith.index_cast %scan3A_529 : i32 to index
      %swap3A_540 = arith.constant 0 : index
      %swap3A_541 = tpu.vector_load %arg6[%swap3A_538, %swap3A_539, %swap3A_540] {strides = array<i32>} : memref<4x256x32xf32, #tpu.memory_space<vmem>>, vector<16xf32>,
      tpu.vector_store %arg6[%swap3A_538, %swap3A_539, %swap3A_540], %mul3A_537 {strides = array<i32>} : memref<4x256x32xf32, #tpu.memory_space<vmem>>, vector<16xf32>,
      %get3A_542 = arith.constant 2 : i32
      %get3A_543 = arith.index_cast %get3A_542 : i32 to index
      %get3A_544 = arith.index_cast %scan3A_529 : i32 to index
      %get3A_545 = arith.constant 16 : index
      %get3A_546 = tpu.vector_load %arg6[%get3A_543, %get3A_544, %get3A_545] {strides = array<i32>} : memref<4x256x32xf32, #tpu.memory_space<vmem>>, vector<16xf32>,
      %mul3A_547 = arith.constant 5.65685415 : f32
      %mul3A_548 = vector.broadcast %mul3A_547 : f32 to vector<16xf32>
      %mul3A_549 = arith.mulf %get3A_546, %mul3A_548 : vector<16xf32>
      %swap3A_550 = arith.constant 2 : i32
      %swap3A_551 = arith.index_cast %swap3A_550 : i32 to index
      %swap3A_552 = arith.index_cast %scan3A_529 : i32 to index
      %swap3A_553 = arith.constant 16 : index
      %swap3A_554 = tpu.vector_load %arg6[%swap3A_551, %swap3A_552, %swap3A_553] {strides = array<i32>} : memref<4x256x32xf32, #tpu.memory_space<vmem>>, vector<16xf32>,
      tpu.vector_store %arg6[%swap3A_551, %swap3A_552, %swap3A_553], %mul3A_549 {strides = array<i32>} : memref<4x256x32xf32, #tpu.memory_space<vmem>>, vector<16xf32>,
      %scan3A_555 = arith.constant 0 : i32
      %scan3A_556 = arith.constant 1 : i32
      %scan3A_557 = arith.addi %scan3A_529, %scan3A_556 : i32
      %get3A_558 = arith.constant 2 : i32
      %get3A_559 = arith.index_cast %get3A_558 : i32 to index
      %get3A_560 = arith.index_cast %scan3A_557 : i32 to index
      %get3A_561 = arith.constant 0 : index
      %get3A_562 = tpu.vector_load %arg6[%get3A_559, %get3A_560, %get3A_561] {strides = array<i32>} : memref<4x256x32xf32, #tpu.memory_space<vmem>>, vector<16xf32>,
      %mul3A_563 = arith.constant 5.65685415 : f32
      %mul3A_564 = vector.broadcast %mul3A_563 : f32 to vector<16xf32>
      %mul3A_565 = arith.mulf %get3A_562, %mul3A_564 : vector<16xf32>
      %swap3A_566 = arith.constant 2 : i32
      %swap3A_567 = arith.index_cast %swap3A_566 : i32 to index
      %swap3A_568 = arith.index_cast %scan3A_557 : i32 to index
      %swap3A_569 = arith.constant 0 : index
      %swap3A_570 = tpu.vector_load %arg6[%swap3A_567, %swap3A_568, %swap3A_569] {strides = array<i32>} : memref<4x256x32xf32, #tpu.memory_space<vmem>>, vector<16xf32>,
      tpu.vector_store %arg6[%swap3A_567, %swap3A_568, %swap3A_569], %mul3A_565 {strides = array<i32>} : memref<4x256x32xf32, #tpu.memory_space<vmem>>, vector<16xf32>,
      %get3A_571 = arith.constant 2 : i32
      %get3A_572 = arith.index_cast %get3A_571 : i32 to index
      %get3A_573 = arith.index_cast %scan3A_557 : i32 to index
      %get3A_574 = arith.constant 16 : index
      %get3A_575 = tpu.vector_load %arg6[%get3A_572, %get3A_573, %get3A_574] {strides = array<i32>} : memref<4x256x32xf32, #tpu.memory_space<vmem>>, vector<16xf32>,
      %mul3A_576 = arith.constant 5.65685415 : f32
      %mul3A_577 = vector.broadcast %mul3A_576 : f32 to vector<16xf32>
      %mul3A_578 = arith.mulf %get3A_575, %mul3A_577 : vector<16xf32>
      %swap3A_579 = arith.constant 2 : i32
      %swap3A_580 = arith.index_cast %swap3A_579 : i32 to index
      %swap3A_581 = arith.index_cast %scan3A_557 : i32 to index
      %swap3A_582 = arith.constant 16 : index
      %swap3A_583 = tpu.vector_load %arg6[%swap3A_580, %swap3A_581, %swap3A_582] {strides = array<i32>} : memref<4x256x32xf32, #tpu.memory_space<vmem>>, vector<16xf32>,
      tpu.vector_store %arg6[%swap3A_580, %swap3A_581, %swap3A_582], %mul3A_578 {strides = array<i32>} : memref<4x256x32xf32, #tpu.memory_space<vmem>>, vector<16xf32>,
      %scan3A_584 = arith.constant 0 : i32
      %scan3A_585 = arith.constant 2 : i32
      %scan3A_586 = arith.addi %scan3A_529, %scan3A_585 : i32
      %get3A_587 = arith.constant 2 : i32
      %get3A_588 = arith.index_cast %get3A_587 : i32 to index
      %get3A_589 = arith.index_cast %scan3A_586 : i32 to index
      %get3A_590 = arith.constant 0 : index
      %get3A_591 = tpu.vector_load %arg6[%get3A_588, %get3A_589, %get3A_590] {strides = array<i32>} : memref<4x256x32xf32, #tpu.memory_space<vmem>>, vector<16xf32>,
      %mul3A_592 = arith.constant 5.65685415 : f32
      %mul3A_593 = vector.broadcast %mul3A_592 : f32 to vector<16xf32>
      %mul3A_594 = arith.mulf %get3A_591, %mul3A_593 : vector<16xf32>
      %swap3A_595 = arith.constant 2 : i32
      %swap3A_596 = arith.index_cast %swap3A_595 : i32 to index
      %swap3A_597 = arith.index_cast %scan3A_586 : i32 to index
      %swap3A_598 = arith.constant 0 : index
      %swap3A_599 = tpu.vector_load %arg6[%swap3A_596, %swap3A_597, %swap3A_598] {strides = array<i32>} : memref<4x256x32xf32, #tpu.memory_space<vmem>>, vector<16xf32>,
      tpu.vector_store %arg6[%swap3A_596, %swap3A_597, %swap3A_598], %mul3A_594 {strides = array<i32>} : memref<4x256x32xf32, #tpu.memory_space<vmem>>, vector<16xf32>,
      %get3A_600 = arith.constant 2 : i32
      %get3A_601 = arith.index_cast %get3A_600 : i32 to index
      %get3A_602 = arith.index_cast %scan3A_586 : i32 to index
      %get3A_603 = arith.constant 16 : index
      %get3A_604 = tpu.vector_load %arg6[%get3A_601, %get3A_602, %get3A_603] {strides = array<i32>} : memref<4x256x32xf32, #tpu.memory_space<vmem>>, vector<16xf32>,
      %mul3A_605 = arith.constant 5.65685415 : f32
      %mul3A_606 = vector.broadcast %mul3A_605 : f32 to vector<16xf32>
      %mul3A_607 = arith.mulf %get3A_604, %mul3A_606 : vector<16xf32>
      %swap3A_608 = arith.constant 2 : i32
      %swap3A_609 = arith.index_cast %swap3A_608 : i32 to index
      %swap3A_610 = arith.index_cast %scan3A_586 : i32 to index
      %swap3A_611 = arith.constant 16 : index
      %swap3A_612 = tpu.vector_load %arg6[%swap3A_609, %swap3A_610, %swap3A_611] {strides = array<i32>} : memref<4x256x32xf32, #tpu.memory_space<vmem>>, vector<16xf32>,
      tpu.vector_store %arg6[%swap3A_609, %swap3A_610, %swap3A_611], %mul3A_607 {strides = array<i32>} : memref<4x256x32xf32, #tpu.memory_space<vmem>>, vector<16xf32>,
      %scan3A_613 = arith.constant 0 : i32
      %scan3A_614 = arith.constant 3 : i32
      %scan3A_615 = arith.addi %scan3A_529, %scan3A_614 : i32
      %get3A_616 = arith.constant 2 : i32
      %get3A_617 = arith.index_cast %get3A_616 : i32 to index
      %get3A_618 = arith.index_cast %scan3A_615 : i32 to index
      %get3A_619 = arith.constant 0 : index
      %get3A_620 = tpu.vector_load %arg6[%get3A_617, %get3A_618, %get3A_619] {strides = array<i32>} : memref<4x256x32xf32, #tpu.memory_space<vmem>>, vector<16xf32>,
      %mul3A_621 = arith.constant 5.65685415 : f32
      %mul3A_622 = vector.broadcast %mul3A_621 : f32 to vector<16xf32>
      %mul3A_623 = arith.mulf %get3A_620, %mul3A_622 : vector<16xf32>
      %swap3A_624 = arith.constant 2 : i32
      %swap3A_625 = arith.index_cast %swap3A_624 : i32 to index
      %swap3A_626 = arith.index_cast %scan3A_615 : i32 to index
      %swap3A_627 = arith.constant 0 : index
      %swap3A_628 = tpu.vector_load %arg6[%swap3A_625, %swap3A_626, %swap3A_627] {strides = array<i32>} : memref<4x256x32xf32, #tpu.memory_space<vmem>>, vector<16xf32>,
      tpu.vector_store %arg6[%swap3A_625, %swap3A_626, %swap3A_627], %mul3A_623 {strides = array<i32>} : memref<4x256x32xf32, #tpu.memory_space<vmem>>, vector<16xf32>,
      %get3A_629 = arith.constant 2 : i32
      %get3A_630 = arith.index_cast %get3A_629 : i32 to index
      %get3A_631 = arith.index_cast %scan3A_615 : i32 to index
      %get3A_632 = arith.constant 16 : index
      %get3A_633 = tpu.vector_load %arg6[%get3A_630, %get3A_631, %get3A_632] {strides = array<i32>} : memref<4x256x32xf32, #tpu.memory_space<vmem>>, vector<16xf32>,
      %mul3A_634 = arith.constant 5.65685415 : f32
      %mul3A_635 = vector.broadcast %mul3A_634 : f32 to vector<16xf32>
      %mul3A_636 = arith.mulf %get3A_633, %mul3A_635 : vector<16xf32>
      %swap3A_637 = arith.constant 2 : i32
      %swap3A_638 = arith.index_cast %swap3A_637 : i32 to index
      %swap3A_639 = arith.index_cast %scan3A_615 : i32 to index
      %swap3A_640 = arith.constant 16 : index
      %swap3A_641 = tpu.vector_load %arg6[%swap3A_638, %swap3A_639, %swap3A_640] {strides = array<i32>} : memref<4x256x32xf32, #tpu.memory_space<vmem>>, vector<16xf32>,
      tpu.vector_store %arg6[%swap3A_638, %swap3A_639, %swap3A_640], %mul3A_636 {strides = array<i32>} : memref<4x256x32xf32, #tpu.memory_space<vmem>>, vector<16xf32>,
      %scan3A_642 = arith.constant 0 : i32
      %scan3A_643 = arith.constant 4 : i32
      %scan3A_644 = arith.addi %scan3A_529, %scan3A_643 : i32
      %get3A_645 = arith.constant 2 : i32
      %get3A_646 = arith.index_cast %get3A_645 : i32 to index
      %get3A_647 = arith.index_cast %scan3A_644 : i32 to index
      %get3A_648 = arith.constant 0 : index
      %get3A_649 = tpu.vector_load %arg6[%get3A_646, %get3A_647, %get3A_648] {strides = array<i32>} : memref<4x256x32xf32, #tpu.memory_space<vmem>>, vector<16xf32>,
      %mul3A_650 = arith.constant 5.65685415 : f32
      %mul3A_651 = vector.broadcast %mul3A_650 : f32 to vector<16xf32>
      %mul3A_652 = arith.mulf %get3A_649, %mul3A_651 : vector<16xf32>
      %swap3A_653 = arith.constant 2 : i32
      %swap3A_654 = arith.index_cast %swap3A_653 : i32 to index
      %swap3A_655 = arith.index_cast %scan3A_644 : i32 to index
      %swap3A_656 = arith.constant 0 : index
      %swap3A_657 = tpu.vector_load %arg6[%swap3A_654, %swap3A_655, %swap3A_656] {strides = array<i32>} : memref<4x256x32xf32, #tpu.memory_space<vmem>>, vector<16xf32>,
      tpu.vector_store %arg6[%swap3A_654, %swap3A_655, %swap3A_656], %mul3A_652 {strides = array<i32>} : memref<4x256x32xf32, #tpu.memory_space<vmem>>, vector<16xf32>,
      %get3A_658 = arith.constant 2 : i32
      %get3A_659 = arith.index_cast %get3A_658 : i32 to index
      %get3A_660 = arith.index_cast %scan3A_644 : i32 to index
      %get3A_661 = arith.constant 16 : index
      %get3A_662 = tpu.vector_load %arg6[%get3A_659, %get3A_660, %get3A_661] {strides = array<i32>} : memref<4x256x32xf32, #tpu.memory_space<vmem>>, vector<16xf32>,
      %mul3A_663 = arith.constant 5.65685415 : f32
      %mul3A_664 = vector.broadcast %mul3A_663 : f32 to vector<16xf32>
      %mul3A_665 = arith.mulf %get3A_662, %mul3A_664 : vector<16xf32>
      %swap3A_666 = arith.constant 2 : i32
      %swap3A_667 = arith.index_cast %swap3A_666 : i32 to index
      %swap3A_668 = arith.index_cast %scan3A_644 : i32 to index
      %swap3A_669 = arith.constant 16 : index
      %swap3A_670 = tpu.vector_load %arg6[%swap3A_667, %swap3A_668, %swap3A_669] {strides = array<i32>} : memref<4x256x32xf32, #tpu.memory_space<vmem>>, vector<16xf32>,
      tpu.vector_store %arg6[%swap3A_667, %swap3A_668, %swap3A_669], %mul3A_665 {strides = array<i32>} : memref<4x256x32xf32, #tpu.memory_space<vmem>>, vector<16xf32>,
      %scan3A_671 = arith.constant 0 : i32
      %scan3A_672 = arith.constant 5 : i32
      %scan3A_673 = arith.addi %scan3A_529, %scan3A_672 : i32
      %get3A_674 = arith.constant 2 : i32
      %get3A_675 = arith.index_cast %get3A_674 : i32 to index
      %get3A_676 = arith.index_cast %scan3A_673 : i32 to index
      %get3A_677 = arith.constant 0 : index
      %get3A_678 = tpu.vector_load %arg6[%get3A_675, %get3A_676, %get3A_677] {strides = array<i32>} : memref<4x256x32xf32, #tpu.memory_space<vmem>>, vector<16xf32>,
      %mul3A_679 = arith.constant 5.65685415 : f32
      %mul3A_680 = vector.broadcast %mul3A_679 : f32 to vector<16xf32>
      %mul3A_681 = arith.mulf %get3A_678, %mul3A_680 : vector<16xf32>
      %swap3A_682 = arith.constant 2 : i32
      %swap3A_683 = arith.index_cast %swap3A_682 : i32 to index
      %swap3A_684 = arith.index_cast %scan3A_673 : i32 to index
      %swap3A_685 = arith.constant 0 : index
      %swap3A_686 = tpu.vector_load %arg6[%swap3A_683, %swap3A_684, %swap3A_685] {strides = array<i32>} : memref<4x256x32xf32, #tpu.memory_space<vmem>>, vector<16xf32>,
      tpu.vector_store %arg6[%swap3A_683, %swap3A_684, %swap3A_685], %mul3A_681 {strides = array<i32>} : memref<4x256x32xf32, #tpu.memory_space<vmem>>, vector<16xf32>,
      %get3A_687 = arith.constant 2 : i32
      %get3A_688 = arith.index_cast %get3A_687 : i32 to index
      %get3A_689 = arith.index_cast %scan3A_673 : i32 to index
      %get3A_690 = arith.constant 16 : index
      %get3A_691 = tpu.vector_load %arg6[%get3A_688, %get3A_689, %get3A_690] {strides = array<i32>} : memref<4x256x32xf32, #tpu.memory_space<vmem>>, vector<16xf32>,
      %mul3A_692 = arith.constant 5.65685415 : f32
      %mul3A_693 = vector.broadcast %mul3A_692 : f32 to vector<16xf32>
      %mul3A_694 = arith.mulf %get3A_691, %mul3A_693 : vector<16xf32>
      %swap3A_695 = arith.constant 2 : i32
      %swap3A_696 = arith.index_cast %swap3A_695 : i32 to index
      %swap3A_697 = arith.index_cast %scan3A_673 : i32 to index
      %swap3A_698 = arith.constant 16 : index
      %swap3A_699 = tpu.vector_load %arg6[%swap3A_696, %swap3A_697, %swap3A_698] {strides = array<i32>} : memref<4x256x32xf32, #tpu.memory_space<vmem>>, vector<16xf32>,
      tpu.vector_store %arg6[%swap3A_696, %swap3A_697, %swap3A_698], %mul3A_694 {strides = array<i32>} : memref<4x256x32xf32, #tpu.memory_space<vmem>>, vector<16xf32>,
      %scan3A_700 = arith.constant 0 : i32
      %scan3A_701 = arith.constant 6 : i32
      %scan3A_702 = arith.addi %scan3A_529, %scan3A_701 : i32
      %get3A_703 = arith.constant 2 : i32
      %get3A_704 = arith.index_cast %get3A_703 : i32 to index
      %get3A_705 = arith.index_cast %scan3A_702 : i32 to index
      %get3A_706 = arith.constant 0 : index
      %get3A_707 = tpu.vector_load %arg6[%get3A_704, %get3A_705, %get3A_706] {strides = array<i32>} : memref<4x256x32xf32, #tpu.memory_space<vmem>>, vector<16xf32>,
      %mul3A_708 = arith.constant 5.65685415 : f32
      %mul3A_709 = vector.broadcast %mul3A_708 : f32 to vector<16xf32>
      %mul3A_710 = arith.mulf %get3A_707, %mul3A_709 : vector<16xf32>
      %swap3A_711 = arith.constant 2 : i32
      %swap3A_712 = arith.index_cast %swap3A_711 : i32 to index
      %swap3A_713 = arith.index_cast %scan3A_702 : i32 to index
      %swap3A_714 = arith.constant 0 : index
      %swap3A_715 = tpu.vector_load %arg6[%swap3A_712, %swap3A_713, %swap3A_714] {strides = array<i32>} : memref<4x256x32xf32, #tpu.memory_space<vmem>>, vector<16xf32>,
      tpu.vector_store %arg6[%swap3A_712, %swap3A_713, %swap3A_714], %mul3A_710 {strides = array<i32>} : memref<4x256x32xf32, #tpu.memory_space<vmem>>, vector<16xf32>,
      %get3A_716 = arith.constant 2 : i32
      %get3A_717 = arith.index_cast %get3A_716 : i32 to index
      %get3A_718 = arith.index_cast %scan3A_702 : i32 to index
      %get3A_719 = arith.constant 16 : index
      %get3A_720 = tpu.vector_load %arg6[%get3A_717, %get3A_718, %get3A_719] {strides = array<i32>} : memref<4x256x32xf32, #tpu.memory_space<vmem>>, vector<16xf32>,
      %mul3A_721 = arith.constant 5.65685415 : f32
      %mul3A_722 = vector.broadcast %mul3A_721 : f32 to vector<16xf32>
      %mul3A_723 = arith.mulf %get3A_720, %mul3A_722 : vector<16xf32>
      %swap3A_724 = arith.constant 2 : i32
      %swap3A_725 = arith.index_cast %swap3A_724 : i32 to index
      %swap3A_726 = arith.index_cast %scan3A_702 : i32 to index
      %swap3A_727 = arith.constant 16 : index
      %swap3A_728 = tpu.vector_load %arg6[%swap3A_725, %swap3A_726, %swap3A_727] {strides = array<i32>} : memref<4x256x32xf32, #tpu.memory_space<vmem>>, vector<16xf32>,
      tpu.vector_store %arg6[%swap3A_725, %swap3A_726, %swap3A_727], %mul3A_723 {strides = array<i32>} : memref<4x256x32xf32, #tpu.memory_space<vmem>>, vector<16xf32>,
      %scan3A_729 = arith.constant 0 : i32
      %scan3A_730 = arith.constant 7 : i32
      %scan3A_731 = arith.addi %scan3A_529, %scan3A_730 : i32
      %get3A_732 = arith.constant 2 : i32
      %get3A_733 = arith.index_cast %get3A_732 : i32 to index
      %get3A_734 = arith.index_cast %scan3A_731 : i32 to index
      %get3A_735 = arith.constant 0 : index
      %get3A_736 = tpu.vector_load %arg6[%get3A_733, %get3A_734, %get3A_735] {strides = array<i32>} : memref<4x256x32xf32, #tpu.memory_space<vmem>>, vector<16xf32>,
      %mul3A_737 = arith.constant 5.65685415 : f32
      %mul3A_738 = vector.broadcast %mul3A_737 : f32 to vector<16xf32>
      %mul3A_739 = arith.mulf %get3A_736, %mul3A_738 : vector<16xf32>
      %swap3A_740 = arith.constant 2 : i32
      %swap3A_741 = arith.index_cast %swap3A_740 : i32 to index
      %swap3A_742 = arith.index_cast %scan3A_731 : i32 to index
      %swap3A_743 = arith.constant 0 : index
      %swap3A_744 = tpu.vector_load %arg6[%swap3A_741, %swap3A_742, %swap3A_743] {strides = array<i32>} : memref<4x256x32xf32, #tpu.memory_space<vmem>>, vector<16xf32>,
      tpu.vector_store %arg6[%swap3A_741, %swap3A_742, %swap3A_743], %mul3A_739 {strides = array<i32>} : memref<4x256x32xf32, #tpu.memory_space<vmem>>, vector<16xf32>,
      %get3A_745 = arith.constant 2 : i32
      %get3A_746 = arith.index_cast %get3A_745 : i32 to index
      %get3A_747 = arith.index_cast %scan3A_731 : i32 to index
      %get3A_748 = arith.constant 16 : index
      %get3A_749 = tpu.vector_load %arg6[%get3A_746, %get3A_747, %get3A_748] {strides = array<i32>} : memref<4x256x32xf32, #tpu.memory_space<vmem>>, vector<16xf32>,
      %mul3A_750 = arith.constant 5.65685415 : f32
      %mul3A_751 = vector.broadcast %mul3A_750 : f32 to vector<16xf32>
      %mul3A_752 = arith.mulf %get3A_749, %mul3A_751 : vector<16xf32>
      %swap3A_753 = arith.constant 2 : i32
      %swap3A_754 = arith.index_cast %swap3A_753 : i32 to index
      %swap3A_755 = arith.index_cast %scan3A_731 : i32 to index
      %swap3A_756 = arith.constant 16 : index
      %swap3A_757 = tpu.vector_load %arg6[%swap3A_754, %swap3A_755, %swap3A_756] {strides = array<i32>} : memref<4x256x32xf32, #tpu.memory_space<vmem>>, vector<16xf32>,
      tpu.vector_store %arg6[%swap3A_754, %swap3A_755, %swap3A_756], %mul3A_752 {strides = array<i32>} : memref<4x256x32xf32, #tpu.memory_space<vmem>>, vector<16xf32>,
      %scan3A_758 = arith.constant 0 : i32
      scf.yield %scan3A_758 : i32
    }
    %scan3A_424 = arith.constant 256 : i32
    %add3A_425 = arith.constant 98 : i32
    %add3A_426 = arith.addi %mul3A_2, %add3A_425 : i32
    %mul3A_427 = arith.constant 256 : i32
    %mul3A_428 = arith.muli %add3A_426, %mul3A_427 : i32
    %dma_start3A_429 = arith.constant 2 : i32
    %dma_start3A_430 = arith.constant 0 : i32
    %dma_start3A_431 = arith.constant 0 : i32
    %dma_start3A_432 = tpu.memref_slice %arg6[%dma_start3A_429, %dma_start3A_430, %dma_start3A_431] : memref<4x256x32xf32, #tpu.memory_space<vmem>> -> memref<1x256x32xf32, #tpu.memory_space<vmem>>
    %dma_start3A_433 = tpu.memref_squeeze %dma_start3A_432 : memref<1x256x32xf32, #tpu.memory_space<vmem>> -> memref<256x32xf32, #tpu.memory_space<vmem>>
    %dma_start3A_434 = arith.constant 0 : i32
    %dma_start3A_435 = tpu.memref_slice %arg4[%mul3A_428, %dma_start3A_434] : memref<819200x32xf32, #tpu.memory_space<hbm>> -> memref<256x32xf32, #tpu.memory_space<hbm>>
    %dma_start3A_436 = arith.constant 0 : i32
    %dma_start3A_437 = tpu.memref_slice %arg4[%mul3A_428, %dma_start3A_436] : memref<819200x32xf32, #tpu.memory_space<hbm>> -> memref<256x32xf32, #tpu.memory_space<hbm>>
    %dma_start3A_438 = arith.constant 0 : i32
    %dma_start3A_439 = arith.constant 0 : i32
    %dma_start3A_440 = tpu.memref_slice %arg6[%dma_start3A_429, %dma_start3A_438, %dma_start3A_439] : memref<4x256x32xf32, #tpu.memory_space<vmem>> -> memref<1x256x32xf32, #tpu.memory_space<vmem>>
    %dma_start3A_441 = tpu.memref_squeeze %dma_start3A_440 : memref<1x256x32xf32, #tpu.memory_space<vmem>> -> memref<256x32xf32, #tpu.memory_space<vmem>>
    tpu.enqueue_dma source(%dma_start3A_441 : memref<256x32xf32, #tpu.memory_space<vmem>>) target(%dma_start3A_437 : memref<256x32xf32, #tpu.memory_space<hbm>>) target_semaphore(%arg13 : memref<!tpu.dma_semaphore, #tpu.memory_space<semaphore_mem>>)
    %add3A_442 = arith.constant 97 : i32
    %add3A_443 = arith.addi %mul3A_2, %add3A_442 : i32
    %mul3A_444 = arith.constant 256 : i32
    %mul3A_445 = arith.muli %add3A_443, %mul3A_444 : i32
    %dma_wait3A_446 = arith.constant 1 : i32
    %dma_wait3A_447 = arith.constant 0 : i32
    %dma_wait3A_448 = arith.constant 0 : i32
    %dma_wait3A_449 = tpu.memref_slice %arg6[%dma_wait3A_446, %dma_wait3A_447, %dma_wait3A_448] : memref<4x256x32xf32, #tpu.memory_space<vmem>> -> memref<1x256x32xf32, #tpu.memory_space<vmem>>
    %dma_wait3A_450 = tpu.memref_squeeze %dma_wait3A_449 : memref<1x256x32xf32, #tpu.memory_space<vmem>> -> memref<256x32xf32, #tpu.memory_space<vmem>>
    %dma_wait3A_451 = arith.constant 0 : i32
    %dma_wait3A_452 = tpu.memref_slice %arg4[%mul3A_445, %dma_wait3A_451] : memref<819200x32xf32, #tpu.memory_space<hbm>> -> memref<256x32xf32, #tpu.memory_space<hbm>>
    %dma_wait3A_453 = arith.constant 0 : i32
    %dma_wait3A_454 = tpu.memref_slice %arg4[%mul3A_445, %dma_wait3A_453] : memref<819200x32xf32, #tpu.memory_space<hbm>> -> memref<256x32xf32, #tpu.memory_space<hbm>>
    %dma_wait3A_455 = arith.constant 0 : i32
    %dma_wait3A_456 = arith.constant 0 : i32
    %dma_wait3A_457 = tpu.memref_slice %arg6[%dma_wait3A_446, %dma_wait3A_455, %dma_wait3A_456] : memref<4x256x32xf32, #tpu.memory_space<vmem>> -> memref<1x256x32xf32, #tpu.memory_space<vmem>>
    %dma_wait3A_458 = tpu.memref_squeeze %dma_wait3A_457 : memref<1x256x32xf32, #tpu.memory_space<vmem>> -> memref<256x32xf32, #tpu.memory_space<vmem>>
    tpu.wait_dma2 semaphore(%arg12 : memref<!tpu.dma_semaphore, #tpu.memory_space<semaphore_mem>>) src(%dma_wait3A_458 : memref<256x32xf32, #tpu.memory_space<vmem>>) dst(%dma_wait3A_454 : memref<256x32xf32, #tpu.memory_space<hbm>>)
    %mul3A_459 = arith.constant 99 : i32
    %mul3A_460 = arith.constant 256 : i32
    %mul3A_461 = arith.muli %mul3A_459, %mul3A_460 : i32
    %dma_wait3A_462 = arith.constant 3 : i32
    %dma_wait3A_463 = arith.constant 0 : i32
    %dma_wait3A_464 = arith.constant 0 : i32
    %dma_wait3A_465 = tpu.memref_slice %arg6[%dma_wait3A_462, %dma_wait3A_463, %dma_wait3A_464] : memref<4x256x32xf32, #tpu.memory_space<vmem>> -> memref<1x256x32xf32, #tpu.memory_space<vmem>>
    %dma_wait3A_466 = tpu.memref_squeeze %dma_wait3A_465 : memref<1x256x32xf32, #tpu.memory_space<vmem>> -> memref<256x32xf32, #tpu.memory_space<vmem>>
    %dma_wait3A_467 = tpu.memref_slice %arg5[%mul3A_461] : memref<25600xi32, #tpu.memory_space<vmem>> -> memref<256xi32, #tpu.memory_space<vmem>>
    %dma_wait3A_468 = arith.constant 0 : i32
    %dma_wait3A_469 = arith.constant 0 : i32
    %dma_wait3A_470 = tpu.memref_slice %arg3[%dma_wait3A_468, %dma_wait3A_469] : memref<1000000x32xf32, #tpu.memory_space<hbm>> -> memref<1000000x32xf32, #tpu.memory_space<hbm>>
    tpu.wait_indirect_dma semaphore(%arg10 : memref<!tpu.dma_semaphore, #tpu.memory_space<semaphore_mem>>) src(%dma_wait3A_470 : memref<1000000x32xf32, #tpu.memory_space<hbm>>) dst(%dma_wait3A_466 : memref<256x32xf32, #tpu.memory_space<vmem>>)
    %scan3A_471 = arith.constant 0 : i32
    %scan3A_472 = arith.constant 0 : i32
    %scan3A_473 = arith.constant 256 : i32
    %scan3A_474 = arith.addi %scan3A_472, %scan3A_473 : i32
    %scan3A_475 = arith.constant 8 : i32
    %scan3A_476 = scf.for %scan3A_529 = %scan3A_472 to %scan3A_474 step %scan3A_475 iter_args(%scan3A_530 = %scan3A_471) -> (i32)  : i32 {
      %get3A = arith.constant 3 : i32
      %get3A_531 = arith.index_cast %get3A : i32 to index
      %get3A_532 = arith.index_cast %scan3A_529 : i32 to index
      %get3A_533 = arith.constant 0 : index
      %get3A_534 = tpu.vector_load %arg6[%get3A_531, %get3A_532, %get3A_533] {strides = array<i32>} : memref<4x256x32xf32, #tpu.memory_space<vmem>>, vector<16xf32>,
      %mul3A_535 = arith.constant 5.65685415 : f32
      %mul3A_536 = vector.broadcast %mul3A_535 : f32 to vector<16xf32>
      %mul3A_537 = arith.mulf %get3A_534, %mul3A_536 : vector<16xf32>
      %swap3A = arith.constant 3 : i32
      %swap3A_538 = arith.index_cast %swap3A : i32 to index
      %swap3A_539 = arith.index_cast %scan3A_529 : i32 to index
      %swap3A_540 = arith.constant 0 : index
      %swap3A_541 = tpu.vector_load %arg6[%swap3A_538, %swap3A_539, %swap3A_540] {strides = array<i32>} : memref<4x256x32xf32, #tpu.memory_space<vmem>>, vector<16xf32>,
      tpu.vector_store %arg6[%swap3A_538, %swap3A_539, %swap3A_540], %mul3A_537 {strides = array<i32>} : memref<4x256x32xf32, #tpu.memory_space<vmem>>, vector<16xf32>,
      %get3A_542 = arith.constant 3 : i32
      %get3A_543 = arith.index_cast %get3A_542 : i32 to index
      %get3A_544 = arith.index_cast %scan3A_529 : i32 to index
      %get3A_545 = arith.constant 16 : index
      %get3A_546 = tpu.vector_load %arg6[%get3A_543, %get3A_544, %get3A_545] {strides = array<i32>} : memref<4x256x32xf32, #tpu.memory_space<vmem>>, vector<16xf32>,
      %mul3A_547 = arith.constant 5.65685415 : f32
      %mul3A_548 = vector.broadcast %mul3A_547 : f32 to vector<16xf32>
      %mul3A_549 = arith.mulf %get3A_546, %mul3A_548 : vector<16xf32>
      %swap3A_550 = arith.constant 3 : i32
      %swap3A_551 = arith.index_cast %swap3A_550 : i32 to index
      %swap3A_552 = arith.index_cast %scan3A_529 : i32 to index
      %swap3A_553 = arith.constant 16 : index
      %swap3A_554 = tpu.vector_load %arg6[%swap3A_551, %swap3A_552, %swap3A_553] {strides = array<i32>} : memref<4x256x32xf32, #tpu.memory_space<vmem>>, vector<16xf32>,
      tpu.vector_store %arg6[%swap3A_551, %swap3A_552, %swap3A_553], %mul3A_549 {strides = array<i32>} : memref<4x256x32xf32, #tpu.memory_space<vmem>>, vector<16xf32>,
      %scan3A_555 = arith.constant 0 : i32
      %scan3A_556 = arith.constant 1 : i32
      %scan3A_557 = arith.addi %scan3A_529, %scan3A_556 : i32
      %get3A_558 = arith.constant 3 : i32
      %get3A_559 = arith.index_cast %get3A_558 : i32 to index
      %get3A_560 = arith.index_cast %scan3A_557 : i32 to index
      %get3A_561 = arith.constant 0 : index
      %get3A_562 = tpu.vector_load %arg6[%get3A_559, %get3A_560, %get3A_561] {strides = array<i32>} : memref<4x256x32xf32, #tpu.memory_space<vmem>>, vector<16xf32>,
      %mul3A_563 = arith.constant 5.65685415 : f32
      %mul3A_564 = vector.broadcast %mul3A_563 : f32 to vector<16xf32>
      %mul3A_565 = arith.mulf %get3A_562, %mul3A_564 : vector<16xf32>
      %swap3A_566 = arith.constant 3 : i32
      %swap3A_567 = arith.index_cast %swap3A_566 : i32 to index
      %swap3A_568 = arith.index_cast %scan3A_557 : i32 to index
      %swap3A_569 = arith.constant 0 : index
      %swap3A_570 = tpu.vector_load %arg6[%swap3A_567, %swap3A_568, %swap3A_569] {strides = array<i32>} : memref<4x256x32xf32, #tpu.memory_space<vmem>>, vector<16xf32>,
      tpu.vector_store %arg6[%swap3A_567, %swap3A_568, %swap3A_569], %mul3A_565 {strides = array<i32>} : memref<4x256x32xf32, #tpu.memory_space<vmem>>, vector<16xf32>,
      %get3A_571 = arith.constant 3 : i32
      %get3A_572 = arith.index_cast %get3A_571 : i32 to index
      %get3A_573 = arith.index_cast %scan3A_557 : i32 to index
      %get3A_574 = arith.constant 16 : index
      %get3A_575 = tpu.vector_load %arg6[%get3A_572, %get3A_573, %get3A_574] {strides = array<i32>} : memref<4x256x32xf32, #tpu.memory_space<vmem>>, vector<16xf32>,
      %mul3A_576 = arith.constant 5.65685415 : f32
      %mul3A_577 = vector.broadcast %mul3A_576 : f32 to vector<16xf32>
      %mul3A_578 = arith.mulf %get3A_575, %mul3A_577 : vector<16xf32>
      %swap3A_579 = arith.constant 3 : i32
      %swap3A_580 = arith.index_cast %swap3A_579 : i32 to index
      %swap3A_581 = arith.index_cast %scan3A_557 : i32 to index
      %swap3A_582 = arith.constant 16 : index
      %swap3A_583 = tpu.vector_load %arg6[%swap3A_580, %swap3A_581, %swap3A_582] {strides = array<i32>} : memref<4x256x32xf32, #tpu.memory_space<vmem>>, vector<16xf32>,
      tpu.vector_store %arg6[%swap3A_580, %swap3A_581, %swap3A_582], %mul3A_578 {strides = array<i32>} : memref<4x256x32xf32, #tpu.memory_space<vmem>>, vector<16xf32>,
      %scan3A_584 = arith.constant 0 : i32
      %scan3A_585 = arith.constant 2 : i32
      %scan3A_586 = arith.addi %scan3A_529, %scan3A_585 : i32
      %get3A_587 = arith.constant 3 : i32
      %get3A_588 = arith.index_cast %get3A_587 : i32 to index
      %get3A_589 = arith.index_cast %scan3A_586 : i32 to index
      %get3A_590 = arith.constant 0 : index
      %get3A_591 = tpu.vector_load %arg6[%get3A_588, %get3A_589, %get3A_590] {strides = array<i32>} : memref<4x256x32xf32, #tpu.memory_space<vmem>>, vector<16xf32>,
      %mul3A_592 = arith.constant 5.65685415 : f32
      %mul3A_593 = vector.broadcast %mul3A_592 : f32 to vector<16xf32>
      %mul3A_594 = arith.mulf %get3A_591, %mul3A_593 : vector<16xf32>
      %swap3A_595 = arith.constant 3 : i32
      %swap3A_596 = arith.index_cast %swap3A_595 : i32 to index
      %swap3A_597 = arith.index_cast %scan3A_586 : i32 to index
      %swap3A_598 = arith.constant 0 : index
      %swap3A_599 = tpu.vector_load %arg6[%swap3A_596, %swap3A_597, %swap3A_598] {strides = array<i32>} : memref<4x256x32xf32, #tpu.memory_space<vmem>>, vector<16xf32>,
      tpu.vector_store %arg6[%swap3A_596, %swap3A_597, %swap3A_598], %mul3A_594 {strides = array<i32>} : memref<4x256x32xf32, #tpu.memory_space<vmem>>, vector<16xf32>,
      %get3A_600 = arith.constant 3 : i32
      %get3A_601 = arith.index_cast %get3A_600 : i32 to index
      %get3A_602 = arith.index_cast %scan3A_586 : i32 to index
      %get3A_603 = arith.constant 16 : index
      %get3A_604 = tpu.vector_load %arg6[%get3A_601, %get3A_602, %get3A_603] {strides = array<i32>} : memref<4x256x32xf32, #tpu.memory_space<vmem>>, vector<16xf32>,
      %mul3A_605 = arith.constant 5.65685415 : f32
      %mul3A_606 = vector.broadcast %mul3A_605 : f32 to vector<16xf32>
      %mul3A_607 = arith.mulf %get3A_604, %mul3A_606 : vector<16xf32>
      %swap3A_608 = arith.constant 3 : i32
      %swap3A_609 = arith.index_cast %swap3A_608 : i32 to index
      %swap3A_610 = arith.index_cast %scan3A_586 : i32 to index
      %swap3A_611 = arith.constant 16 : index
      %swap3A_612 = tpu.vector_load %arg6[%swap3A_609, %swap3A_610, %swap3A_611] {strides = array<i32>} : memref<4x256x32xf32, #tpu.memory_space<vmem>>, vector<16xf32>,
      tpu.vector_store %arg6[%swap3A_609, %swap3A_610, %swap3A_611], %mul3A_607 {strides = array<i32>} : memref<4x256x32xf32, #tpu.memory_space<vmem>>, vector<16xf32>,
      %scan3A_613 = arith.constant 0 : i32
      %scan3A_614 = arith.constant 3 : i32
      %scan3A_615 = arith.addi %scan3A_529, %scan3A_614 : i32
      %get3A_616 = arith.constant 3 : i32
      %get3A_617 = arith.index_cast %get3A_616 : i32 to index
      %get3A_618 = arith.index_cast %scan3A_615 : i32 to index
      %get3A_619 = arith.constant 0 : index
      %get3A_620 = tpu.vector_load %arg6[%get3A_617, %get3A_618, %get3A_619] {strides = array<i32>} : memref<4x256x32xf32, #tpu.memory_space<vmem>>, vector<16xf32>,
      %mul3A_621 = arith.constant 5.65685415 : f32
      %mul3A_622 = vector.broadcast %mul3A_621 : f32 to vector<16xf32>
      %mul3A_623 = arith.mulf %get3A_620, %mul3A_622 : vector<16xf32>
      %swap3A_624 = arith.constant 3 : i32
      %swap3A_625 = arith.index_cast %swap3A_624 : i32 to index
      %swap3A_626 = arith.index_cast %scan3A_615 : i32 to index
      %swap3A_627 = arith.constant 0 : index
      %swap3A_628 = tpu.vector_load %arg6[%swap3A_625, %swap3A_626, %swap3A_627] {strides = array<i32>} : memref<4x256x32xf32, #tpu.memory_space<vmem>>, vector<16xf32>,
      tpu.vector_store %arg6[%swap3A_625, %swap3A_626, %swap3A_627], %mul3A_623 {strides = array<i32>} : memref<4x256x32xf32, #tpu.memory_space<vmem>>, vector<16xf32>,
      %get3A_629 = arith.constant 3 : i32
      %get3A_630 = arith.index_cast %get3A_629 : i32 to index
      %get3A_631 = arith.index_cast %scan3A_615 : i32 to index
      %get3A_632 = arith.constant 16 : index
      %get3A_633 = tpu.vector_load %arg6[%get3A_630, %get3A_631, %get3A_632] {strides = array<i32>} : memref<4x256x32xf32, #tpu.memory_space<vmem>>, vector<16xf32>,
      %mul3A_634 = arith.constant 5.65685415 : f32
      %mul3A_635 = vector.broadcast %mul3A_634 : f32 to vector<16xf32>
      %mul3A_636 = arith.mulf %get3A_633, %mul3A_635 : vector<16xf32>
      %swap3A_637 = arith.constant 3 : i32
      %swap3A_638 = arith.index_cast %swap3A_637 : i32 to index
      %swap3A_639 = arith.index_cast %scan3A_615 : i32 to index
      %swap3A_640 = arith.constant 16 : index
      %swap3A_641 = tpu.vector_load %arg6[%swap3A_638, %swap3A_639, %swap3A_640] {strides = array<i32>} : memref<4x256x32xf32, #tpu.memory_space<vmem>>, vector<16xf32>,
      tpu.vector_store %arg6[%swap3A_638, %swap3A_639, %swap3A_640], %mul3A_636 {strides = array<i32>} : memref<4x256x32xf32, #tpu.memory_space<vmem>>, vector<16xf32>,
      %scan3A_642 = arith.constant 0 : i32
      %scan3A_643 = arith.constant 4 : i32
      %scan3A_644 = arith.addi %scan3A_529, %scan3A_643 : i32
      %get3A_645 = arith.constant 3 : i32
      %get3A_646 = arith.index_cast %get3A_645 : i32 to index
      %get3A_647 = arith.index_cast %scan3A_644 : i32 to index
      %get3A_648 = arith.constant 0 : index
      %get3A_649 = tpu.vector_load %arg6[%get3A_646, %get3A_647, %get3A_648] {strides = array<i32>} : memref<4x256x32xf32, #tpu.memory_space<vmem>>, vector<16xf32>,
      %mul3A_650 = arith.constant 5.65685415 : f32
      %mul3A_651 = vector.broadcast %mul3A_650 : f32 to vector<16xf32>
      %mul3A_652 = arith.mulf %get3A_649, %mul3A_651 : vector<16xf32>
      %swap3A_653 = arith.constant 3 : i32
      %swap3A_654 = arith.index_cast %swap3A_653 : i32 to index
      %swap3A_655 = arith.index_cast %scan3A_644 : i32 to index
      %swap3A_656 = arith.constant 0 : index
      %swap3A_657 = tpu.vector_load %arg6[%swap3A_654, %swap3A_655, %swap3A_656] {strides = array<i32>} : memref<4x256x32xf32, #tpu.memory_space<vmem>>, vector<16xf32>,
      tpu.vector_store %arg6[%swap3A_654, %swap3A_655, %swap3A_656], %mul3A_652 {strides = array<i32>} : memref<4x256x32xf32, #tpu.memory_space<vmem>>, vector<16xf32>,
      %get3A_658 = arith.constant 3 : i32
      %get3A_659 = arith.index_cast %get3A_658 : i32 to index
      %get3A_660 = arith.index_cast %scan3A_644 : i32 to index
      %get3A_661 = arith.constant 16 : index
      %get3A_662 = tpu.vector_load %arg6[%get3A_659, %get3A_660, %get3A_661] {strides = array<i32>} : memref<4x256x32xf32, #tpu.memory_space<vmem>>, vector<16xf32>,
      %mul3A_663 = arith.constant 5.65685415 : f32
      %mul3A_664 = vector.broadcast %mul3A_663 : f32 to vector<16xf32>
      %mul3A_665 = arith.mulf %get3A_662, %mul3A_664 : vector<16xf32>
      %swap3A_666 = arith.constant 3 : i32
      %swap3A_667 = arith.index_cast %swap3A_666 : i32 to index
      %swap3A_668 = arith.index_cast %scan3A_644 : i32 to index
      %swap3A_669 = arith.constant 16 : index
      %swap3A_670 = tpu.vector_load %arg6[%swap3A_667, %swap3A_668, %swap3A_669] {strides = array<i32>} : memref<4x256x32xf32, #tpu.memory_space<vmem>>, vector<16xf32>,
      tpu.vector_store %arg6[%swap3A_667, %swap3A_668, %swap3A_669], %mul3A_665 {strides = array<i32>} : memref<4x256x32xf32, #tpu.memory_space<vmem>>, vector<16xf32>,
      %scan3A_671 = arith.constant 0 : i32
      %scan3A_672 = arith.constant 5 : i32
      %scan3A_673 = arith.addi %scan3A_529, %scan3A_672 : i32
      %get3A_674 = arith.constant 3 : i32
      %get3A_675 = arith.index_cast %get3A_674 : i32 to index
      %get3A_676 = arith.index_cast %scan3A_673 : i32 to index
      %get3A_677 = arith.constant 0 : index
      %get3A_678 = tpu.vector_load %arg6[%get3A_675, %get3A_676, %get3A_677] {strides = array<i32>} : memref<4x256x32xf32, #tpu.memory_space<vmem>>, vector<16xf32>,
      %mul3A_679 = arith.constant 5.65685415 : f32
      %mul3A_680 = vector.broadcast %mul3A_679 : f32 to vector<16xf32>
      %mul3A_681 = arith.mulf %get3A_678, %mul3A_680 : vector<16xf32>
      %swap3A_682 = arith.constant 3 : i32
      %swap3A_683 = arith.index_cast %swap3A_682 : i32 to index
      %swap3A_684 = arith.index_cast %scan3A_673 : i32 to index
      %swap3A_685 = arith.constant 0 : index
      %swap3A_686 = tpu.vector_load %arg6[%swap3A_683, %swap3A_684, %swap3A_685] {strides = array<i32>} : memref<4x256x32xf32, #tpu.memory_space<vmem>>, vector<16xf32>,
      tpu.vector_store %arg6[%swap3A_683, %swap3A_684, %swap3A_685], %mul3A_681 {strides = array<i32>} : memref<4x256x32xf32, #tpu.memory_space<vmem>>, vector<16xf32>,
      %get3A_687 = arith.constant 3 : i32
      %get3A_688 = arith.index_cast %get3A_687 : i32 to index
      %get3A_689 = arith.index_cast %scan3A_673 : i32 to index
      %get3A_690 = arith.constant 16 : index
      %get3A_691 = tpu.vector_load %arg6[%get3A_688, %get3A_689, %get3A_690] {strides = array<i32>} : memref<4x256x32xf32, #tpu.memory_space<vmem>>, vector<16xf32>,
      %mul3A_692 = arith.constant 5.65685415 : f32
      %mul3A_693 = vector.broadcast %mul3A_692 : f32 to vector<16xf32>
      %mul3A_694 = arith.mulf %get3A_691, %mul3A_693 : vector<16xf32>
      %swap3A_695 = arith.constant 3 : i32
      %swap3A_696 = arith.index_cast %swap3A_695 : i32 to index
      %swap3A_697 = arith.index_cast %scan3A_673 : i32 to index
      %swap3A_698 = arith.constant 16 : index
      %swap3A_699 = tpu.vector_load %arg6[%swap3A_696, %swap3A_697, %swap3A_698] {strides = array<i32>} : memref<4x256x32xf32, #tpu.memory_space<vmem>>, vector<16xf32>,
      tpu.vector_store %arg6[%swap3A_696, %swap3A_697, %swap3A_698], %mul3A_694 {strides = array<i32>} : memref<4x256x32xf32, #tpu.memory_space<vmem>>, vector<16xf32>,
      %scan3A_700 = arith.constant 0 : i32
      %scan3A_701 = arith.constant 6 : i32
      %scan3A_702 = arith.addi %scan3A_529, %scan3A_701 : i32
      %get3A_703 = arith.constant 3 : i32
      %get3A_704 = arith.index_cast %get3A_703 : i32 to index
      %get3A_705 = arith.index_cast %scan3A_702 : i32 to index
      %get3A_706 = arith.constant 0 : index
      %get3A_707 = tpu.vector_load %arg6[%get3A_704, %get3A_705, %get3A_706] {strides = array<i32>} : memref<4x256x32xf32, #tpu.memory_space<vmem>>, vector<16xf32>,
      %mul3A_708 = arith.constant 5.65685415 : f32
      %mul3A_709 = vector.broadcast %mul3A_708 : f32 to vector<16xf32>
      %mul3A_710 = arith.mulf %get3A_707, %mul3A_709 : vector<16xf32>
      %swap3A_711 = arith.constant 3 : i32
      %swap3A_712 = arith.index_cast %swap3A_711 : i32 to index
      %swap3A_713 = arith.index_cast %scan3A_702 : i32 to index
      %swap3A_714 = arith.constant 0 : index
      %swap3A_715 = tpu.vector_load %arg6[%swap3A_712, %swap3A_713, %swap3A_714] {strides = array<i32>} : memref<4x256x32xf32, #tpu.memory_space<vmem>>, vector<16xf32>,
      tpu.vector_store %arg6[%swap3A_712, %swap3A_713, %swap3A_714], %mul3A_710 {strides = array<i32>} : memref<4x256x32xf32, #tpu.memory_space<vmem>>, vector<16xf32>,
      %get3A_716 = arith.constant 3 : i32
      %get3A_717 = arith.index_cast %get3A_716 : i32 to index
      %get3A_718 = arith.index_cast %scan3A_702 : i32 to index
      %get3A_719 = arith.constant 16 : index
      %get3A_720 = tpu.vector_load %arg6[%get3A_717, %get3A_718, %get3A_719] {strides = array<i32>} : memref<4x256x32xf32, #tpu.memory_space<vmem>>, vector<16xf32>,
      %mul3A_721 = arith.constant 5.65685415 : f32
      %mul3A_722 = vector.broadcast %mul3A_721 : f32 to vector<16xf32>
      %mul3A_723 = arith.mulf %get3A_720, %mul3A_722 : vector<16xf32>
      %swap3A_724 = arith.constant 3 : i32
      %swap3A_725 = arith.index_cast %swap3A_724 : i32 to index
      %swap3A_726 = arith.index_cast %scan3A_702 : i32 to index
      %swap3A_727 = arith.constant 16 : index
      %swap3A_728 = tpu.vector_load %arg6[%swap3A_725, %swap3A_726, %swap3A_727] {strides = array<i32>} : memref<4x256x32xf32, #tpu.memory_space<vmem>>, vector<16xf32>,
      tpu.vector_store %arg6[%swap3A_725, %swap3A_726, %swap3A_727], %mul3A_723 {strides = array<i32>} : memref<4x256x32xf32, #tpu.memory_space<vmem>>, vector<16xf32>,
      %scan3A_729 = arith.constant 0 : i32
      %scan3A_730 = arith.constant 7 : i32
      %scan3A_731 = arith.addi %scan3A_529, %scan3A_730 : i32
      %get3A_732 = arith.constant 3 : i32
      %get3A_733 = arith.index_cast %get3A_732 : i32 to index
      %get3A_734 = arith.index_cast %scan3A_731 : i32 to index
      %get3A_735 = arith.constant 0 : index
      %get3A_736 = tpu.vector_load %arg6[%get3A_733, %get3A_734, %get3A_735] {strides = array<i32>} : memref<4x256x32xf32, #tpu.memory_space<vmem>>, vector<16xf32>,
      %mul3A_737 = arith.constant 5.65685415 : f32
      %mul3A_738 = vector.broadcast %mul3A_737 : f32 to vector<16xf32>
      %mul3A_739 = arith.mulf %get3A_736, %mul3A_738 : vector<16xf32>
      %swap3A_740 = arith.constant 3 : i32
      %swap3A_741 = arith.index_cast %swap3A_740 : i32 to index
      %swap3A_742 = arith.index_cast %scan3A_731 : i32 to index
      %swap3A_743 = arith.constant 0 : index
      %swap3A_744 = tpu.vector_load %arg6[%swap3A_741, %swap3A_742, %swap3A_743] {strides = array<i32>} : memref<4x256x32xf32, #tpu.memory_space<vmem>>, vector<16xf32>,
      tpu.vector_store %arg6[%swap3A_741, %swap3A_742, %swap3A_743], %mul3A_739 {strides = array<i32>} : memref<4x256x32xf32, #tpu.memory_space<vmem>>, vector<16xf32>,
      %get3A_745 = arith.constant 3 : i32
      %get3A_746 = arith.index_cast %get3A_745 : i32 to index
      %get3A_747 = arith.index_cast %scan3A_731 : i32 to index
      %get3A_748 = arith.constant 16 : index
      %get3A_749 = tpu.vector_load %arg6[%get3A_746, %get3A_747, %get3A_748] {strides = array<i32>} : memref<4x256x32xf32, #tpu.memory_space<vmem>>, vector<16xf32>,
      %mul3A_750 = arith.constant 5.65685415 : f32
      %mul3A_751 = vector.broadcast %mul3A_750 : f32 to vector<16xf32>
      %mul3A_752 = arith.mulf %get3A_749, %mul3A_751 : vector<16xf32>
      %swap3A_753 = arith.constant 3 : i32
      %swap3A_754 = arith.index_cast %swap3A_753 : i32 to index
      %swap3A_755 = arith.index_cast %scan3A_731 : i32 to index
      %swap3A_756 = arith.constant 16 : index
      %swap3A_757 = tpu.vector_load %arg6[%swap3A_754, %swap3A_755, %swap3A_756] {strides = array<i32>} : memref<4x256x32xf32, #tpu.memory_space<vmem>>, vector<16xf32>,
      tpu.vector_store %arg6[%swap3A_754, %swap3A_755, %swap3A_756], %mul3A_752 {strides = array<i32>} : memref<4x256x32xf32, #tpu.memory_space<vmem>>, vector<16xf32>,
      %scan3A_758 = arith.constant 0 : i32
      scf.yield %scan3A_758 : i32
    }
    %scan3A_477 = arith.constant 256 : i32
    %add3A_478 = arith.constant 99 : i32
    %add3A_479 = arith.addi %mul3A_2, %add3A_478 : i32
    %mul3A_480 = arith.constant 256 : i32
    %mul3A_481 = arith.muli %add3A_479, %mul3A_480 : i32
    %dma_start3A_482 = arith.constant 3 : i32
    %dma_start3A_483 = arith.constant 0 : i32
    %dma_start3A_484 = arith.constant 0 : i32
    %dma_start3A_485 = tpu.memref_slice %arg6[%dma_start3A_482, %dma_start3A_483, %dma_start3A_484] : memref<4x256x32xf32, #tpu.memory_space<vmem>> -> memref<1x256x32xf32, #tpu.memory_space<vmem>>
    %dma_start3A_486 = tpu.memref_squeeze %dma_start3A_485 : memref<1x256x32xf32, #tpu.memory_space<vmem>> -> memref<256x32xf32, #tpu.memory_space<vmem>>
    %dma_start3A_487 = arith.constant 0 : i32
    %dma_start3A_488 = tpu.memref_slice %arg4[%mul3A_481, %dma_start3A_487] : memref<819200x32xf32, #tpu.memory_space<hbm>> -> memref<256x32xf32, #tpu.memory_space<hbm>>
    %dma_start3A_489 = arith.constant 0 : i32
    %dma_start3A_490 = tpu.memref_slice %arg4[%mul3A_481, %dma_start3A_489] : memref<819200x32xf32, #tpu.memory_space<hbm>> -> memref<256x32xf32, #tpu.memory_space<hbm>>
    %dma_start3A_491 = arith.constant 0 : i32
    %dma_start3A_492 = arith.constant 0 : i32
    %dma_start3A_493 = tpu.memref_slice %arg6[%dma_start3A_482, %dma_start3A_491, %dma_start3A_492] : memref<4x256x32xf32, #tpu.memory_space<vmem>> -> memref<1x256x32xf32, #tpu.memory_space<vmem>>
    %dma_start3A_494 = tpu.memref_squeeze %dma_start3A_493 : memref<1x256x32xf32, #tpu.memory_space<vmem>> -> memref<256x32xf32, #tpu.memory_space<vmem>>
    tpu.enqueue_dma source(%dma_start3A_494 : memref<256x32xf32, #tpu.memory_space<vmem>>) target(%dma_start3A_490 : memref<256x32xf32, #tpu.memory_space<hbm>>) target_semaphore(%arg14 : memref<!tpu.dma_semaphore, #tpu.memory_space<semaphore_mem>>)
    %add3A_495 = arith.constant 98 : i32
    %add3A_496 = arith.addi %mul3A_2, %add3A_495 : i32
    %mul3A_497 = arith.constant 256 : i32
    %mul3A_498 = arith.muli %add3A_496, %mul3A_497 : i32
    %dma_wait3A_499 = arith.constant 2 : i32
    %dma_wait3A_500 = arith.constant 0 : i32
    %dma_wait3A_501 = arith.constant 0 : i32
    %dma_wait3A_502 = tpu.memref_slice %arg6[%dma_wait3A_499, %dma_wait3A_500, %dma_wait3A_501] : memref<4x256x32xf32, #tpu.memory_space<vmem>> -> memref<1x256x32xf32, #tpu.memory_space<vmem>>
    %dma_wait3A_503 = tpu.memref_squeeze %dma_wait3A_502 : memref<1x256x32xf32, #tpu.memory_space<vmem>> -> memref<256x32xf32, #tpu.memory_space<vmem>>
    %dma_wait3A_504 = arith.constant 0 : i32
    %dma_wait3A_505 = tpu.memref_slice %arg4[%mul3A_498, %dma_wait3A_504] : memref<819200x32xf32, #tpu.memory_space<hbm>> -> memref<256x32xf32, #tpu.memory_space<hbm>>
    %dma_wait3A_506 = arith.constant 0 : i32
    %dma_wait3A_507 = tpu.memref_slice %arg4[%mul3A_498, %dma_wait3A_506] : memref<819200x32xf32, #tpu.memory_space<hbm>> -> memref<256x32xf32, #tpu.memory_space<hbm>>
    %dma_wait3A_508 = arith.constant 0 : i32
    %dma_wait3A_509 = arith.constant 0 : i32
    %dma_wait3A_510 = tpu.memref_slice %arg6[%dma_wait3A_499, %dma_wait3A_508, %dma_wait3A_509] : memref<4x256x32xf32, #tpu.memory_space<vmem>> -> memref<1x256x32xf32, #tpu.memory_space<vmem>>
    %dma_wait3A_511 = tpu.memref_squeeze %dma_wait3A_510 : memref<1x256x32xf32, #tpu.memory_space<vmem>> -> memref<256x32xf32, #tpu.memory_space<vmem>>
    tpu.wait_dma2 semaphore(%arg13 : memref<!tpu.dma_semaphore, #tpu.memory_space<semaphore_mem>>) src(%dma_wait3A_511 : memref<256x32xf32, #tpu.memory_space<vmem>>) dst(%dma_wait3A_507 : memref<256x32xf32, #tpu.memory_space<hbm>>)
    %add3A_512 = arith.constant 99 : i32
    %add3A_513 = arith.addi %mul3A_2, %add3A_512 : i32
    %mul3A_514 = arith.constant 256 : i32
    %mul3A_515 = arith.muli %add3A_513, %mul3A_514 : i32
    %dma_wait3A_516 = arith.constant 3 : i32
    %dma_wait3A_517 = arith.constant 0 : i32
    %dma_wait3A_518 = arith.constant 0 : i32
    %dma_wait3A_519 = tpu.memref_slice %arg6[%dma_wait3A_516, %dma_wait3A_517, %dma_wait3A_518] : memref<4x256x32xf32, #tpu.memory_space<vmem>> -> memref<1x256x32xf32, #tpu.memory_space<vmem>>
    %dma_wait3A_520 = tpu.memref_squeeze %dma_wait3A_519 : memref<1x256x32xf32, #tpu.memory_space<vmem>> -> memref<256x32xf32, #tpu.memory_space<vmem>>
    %dma_wait3A_521 = arith.constant 0 : i32
    %dma_wait3A_522 = tpu.memref_slice %arg4[%mul3A_515, %dma_wait3A_521] : memref<819200x32xf32, #tpu.memory_space<hbm>> -> memref<256x32xf32, #tpu.memory_space<hbm>>
    %dma_wait3A_523 = arith.constant 0 : i32
    %dma_wait3A_524 = tpu.memref_slice %arg4[%mul3A_515, %dma_wait3A_523] : memref<819200x32xf32, #tpu.memory_space<hbm>> -> memref<256x32xf32, #tpu.memory_space<hbm>>
    %dma_wait3A_525 = arith.constant 0 : i32
    %dma_wait3A_526 = arith.constant 0 : i32
    %dma_wait3A_527 = tpu.memref_slice %arg6[%dma_wait3A_516, %dma_wait3A_525, %dma_wait3A_526] : memref<4x256x32xf32, #tpu.memory_space<vmem>> -> memref<1x256x32xf32, #tpu.memory_space<vmem>>
    %dma_wait3A_528 = tpu.memref_squeeze %dma_wait3A_527 : memref<1x256x32xf32, #tpu.memory_space<vmem>> -> memref<256x32xf32, #tpu.memory_space<vmem>>
    tpu.wait_dma2 semaphore(%arg14 : memref<!tpu.dma_semaphore, #tpu.memory_space<semaphore_mem>>) src(%dma_wait3A_528 : memref<256x32xf32, #tpu.memory_space<vmem>>) dst(%dma_wait3A_524 : memref<256x32xf32, #tpu.memory_space<hbm>>)
    return
  }
}

</mosaic_0001>

<sc_bundles>
// kernel: kernel.3.cloned.1.call-start
scs
__scs_entry_jumppad:
0x0: {  	(pc) =	sbr.rel $0x88, $3  }
0x1: {  	(tag) =	ssettag $0x0;
	lr =	simm.s32 $0x1  }
0x2: {  	[smem:$0x3F9F] =	sst lr;
	_ =	strace $0xD0000000  }
0x3: {  	_ = 	snop  }
0x4: {  	_ = 	snop  }
0x5: {  	_ = 	snop  }
0x6: {  	_ = 	snop  }
0x7: {  	_ = 	snop  }
__scs_overlays_trampoline_lowered:
0x8: {  	[smem:$0x3FAE] =	sst s0  }
0x9: {  	[smem:$0x3FAF] =	sst s1  }
0xa: {  	[smem:$0x3FB0] =	sst s2  }
0xb: {  	[smem:$0x3FB1] =	sst s3  }
0xc: {  	[smem:$0x3FB2] =	sst s4  }
0xd: {  	[smem:$0x3FB3] =	sst s5  }
0xe: {  	[smem:$0x3FB4] =	sst s6  }
0xf: {  	[smem:$0x3FB5] =	sst s7  }
0x10: {  	[smem:$0x3FB6] =	sst s8  }
0x11: {  	[smem:$0x3FB7] =	sst s9;
	s0 =	simm.s32 @!p0 $0x0  }
0x12: {  	s1 =	sld [smem:$0x3F9D];
	s0 =	simm.s32 @p0 $0x1  }
0x13: {  	[smem:$0x3FB8] =	sst s0;
	s0 =	simm.s32 @!p1 $0x0  }
0x14: {  	s2 =	sld [smem:$0x3F9C];
	s0 =	simm.s32 @p1 $0x1  }
0x15: {  	[smem:$0x3FB9] =	sst s0;
	s0 =	simm.s32 @!p2 $0x0  }
0x16: {  	s3 =	sld [smem:$0x3FDB];
	s0 =	simm.s32 @p2 $0x1  }
0x17: {  	s4 =	simm.s32 $0x1BF5;
	[smem:$0x3FBB] =	sst s0  }
0x18: {  	s0 =	sld [smem:$0x3F9E];
	_ =	swait.ge [sflag:s4], $0x0  }
0x19: {  	s7 =	sld [smem:$0x3F9F]  }
0x1a: {  	s8 =	sadd.s32 $0xFFFFE003, lr  }
0x1b: {  	s9 =	sadd.s32 $0xFFFFFEF7, lr;
	s5 =	simm.s32 $0xFFFFFFFF;
	p2 =	slt.u32 s8, $0xFFFFF086  }
0x1c: {  	p1 =	slt.u32 s9, $0xF7A;
	s5 =	simm.s32 @!p2 $0x0  }
0x1d: {  	s5 =	simm.s32 @p1 $0x1;
	p0 =	seq.s32 s7, s2  }
0x1e: {  	s7 =	smul.u32 @!p0 $0xF7A, s2;
	p2 =	seq.s32 @!p0 s5, $0x0  }
0x1f: {  	s9 =	smul.u32 $0xF7A, s1;
	s8 =	simm.s32 @!p0 $0x1BF5;
	p2 =	por !p2, p0  }
0x20: {  	[sflag:s8] =	ssyncset.s32 @!p0 $0xFFFFF086;
	s6 =	sadd.s32 @!p0 s3, s7;
	s7 =	simm.s32 @!p0 $0x108  }
0x21: {  	s3 =	sadd.s32 s3, s9;
	s6 =	sadd.s32 @!p0 $0x88, s6;
	s7 =	simm.s32 @p2 $0x1082  }
0x22: {  	[simem:s7], [sflag:s8] =	dma.local @!p0 [hbm:s6], $0xF7A  }
0x23: {  	s9 =	sor.u32 $0xD0000000, s2;
	s6 =	simm.s32 $0x108;
	_ =	swait.ge @!p0 [sflag:s8], $0x0  }
0x24: {  	s3 =	sadd.s32 $0x88, s3;
	s6 =	simm.s32 @!p1 $0x1082;
	[sflag:s4] =	ssyncset.s32 $0xFFFFF086  }
0x25: {  	[simem:s6], [sflag:s4] =	dma.local [hbm:s3], $0xF7A  }
0x26: {  	[smem:$0x3F9F] =	sst s1;
	(tag) =	ssettag s2;
	_ =	strace s9  }
0x27: {  	s1 =	sld [smem:$0x3FAF]  }
0x28: {  	s2 =	sld [smem:$0x3FB0]  }
0x29: {  	s4 =	sld [smem:$0x3FB2]  }
0x2a: {  	p0 =	seq.s32 s5, $0x0;
	s5 =	sld [smem:$0x3FB3]  }
0x2b: {  	s6 =	sld [smem:$0x3FB4]  }
0x2c: {  	s7 =	sld [smem:$0x3FB5]  }
0x2d: {  	s3 =	simm.s32 $0x108;
	s8 =	sld [smem:$0x3FB6]  }
0x2e: {  	s3 =	simm.s32 @!p0 $0x1082;
	s9 =	sld [smem:$0x3FB7]  }
0x2f: {  	lr =	sadd.s32 s0, s3;
	s0 =	sld [smem:$0x3FAE]  }
0x30: {  	s3 =	sld [smem:$0x3FB1]  }
0x31: {  	[smem:$0x3FBA] =	sst s10  }
0x32: {  	s10 =	sld [smem:$0x3FB8];
	_ =	sdelay $0x3  }
0x33: {  	p0 =	seq.s32 s10, $0x1;
	s10 =	sld [smem:$0x3FBA];
	_ =	sdelay $0x3  }
0x34: {  	[smem:$0x3FBA] =	sst s10  }
0x35: {  	s10 =	sld [smem:$0x3FB9];
	_ =	sdelay $0x3  }
0x36: {  	p1 =	seq.s32 s10, $0x1;
	s10 =	sld [smem:$0x3FBA];
	_ =	sdelay $0x3  }
0x37: {  	[smem:$0x3FBA] =	sst s10  }
0x38: {  	s10 =	sld [smem:$0x3FBB]  }
0x39: {  	_ = 	snop;
	(pc) =	sbr.ind lr, $3  }
0x3a: {  	_ = 	snop  }
0x3b: {  	_ = 	snop  }
0x3c: {  	p2 =	seq.s32 s10, $0x1;
	s10 =	sld [smem:$0x3FBA]  }
0x3d: {  	_ =	shalt  }
0x3e: {  	_ =	shalt  }
0x3f: {  	_ =	shalt  }
0x40: {  	_ =	shalt  }
0x41: {  	_ =	shalt  }
0x42: {  	_ =	shalt  }
0x43: {  	_ =	shalt  }
0x44: {  	_ =	shalt  }
0x45: {  	_ =	shalt  }
0x46: {  	_ =	shalt  }
0x47: {  	_ =	shalt  }
0x48: {  	_ =	shalt  }
0x49: {  	_ =	shalt  }
0x4a: {  	_ =	shalt  }
0x4b: {  	_ =	shalt  }
0x4c: {  	_ =	shalt  }
0x4d: {  	_ =	shalt  }
0x4e: {  	_ =	shalt  }
0x4f: {  	_ =	shalt  }
0x50: {  	_ =	shalt  }
0x51: {  	_ =	shalt  }
0x52: {  	_ =	shalt  }
0x53: {  	_ =	shalt  }
0x54: {  	_ =	shalt  }
0x55: {  	_ =	shalt  }
0x56: {  	_ =	shalt  }
0x57: {  	_ =	shalt  }
0x58: {  	_ =	shalt  }
0x59: {  	_ =	shalt  }
0x5a: {  	_ =	shalt  }
0x5b: {  	_ =	shalt  }
0x5c: {  	_ =	shalt  }
0x5d: {  	_ =	shalt  }
0x5e: {  	_ =	shalt  }
0x5f: {  	_ =	shalt  }
0x60: {  	_ =	shalt  }
0x61: {  	_ =	shalt  }
0x62: {  	_ =	shalt  }
0x63: {  	_ =	shalt  }
0x64: {  	_ =	shalt  }
0x65: {  	_ =	shalt  }
0x66: {  	_ =	shalt  }
0x67: {  	_ =	shalt  }
0x68: {  	_ =	shalt  }
0x69: {  	_ =	shalt  }
0x6a: {  	_ =	shalt  }
0x6b: {  	_ =	shalt  }
0x6c: {  	_ =	shalt  }
0x6d: {  	_ =	shalt  }
0x6e: {  	_ =	shalt  }
0x6f: {  	_ =	shalt  }
0x70: {  	_ =	shalt  }
0x71: {  	_ =	shalt  }
0x72: {  	_ =	shalt  }
0x73: {  	_ =	shalt  }
0x74: {  	_ =	shalt  }
0x75: {  	_ =	shalt  }
0x76: {  	_ =	shalt  }
0x77: {  	_ =	shalt  }
0x78: {  	_ =	shalt  }
0x79: {  	_ =	shalt  }
0x7a: {  	_ =	shalt  }
0x7b: {  	_ =	shalt  }
0x7c: {  	_ =	shalt  }
0x7d: {  	_ =	shalt  }
0x7e: {  	_ =	shalt  }
0x7f: {  	_ =	shalt  }
0x80: {  	_ =	shalt  }
0x81: {  	_ =	shalt  }
0x82: {  	_ =	shalt  }
0x83: {  	_ =	shalt  }
0x84: {  	_ =	shalt  }
0x85: {  	_ =	shalt  }
0x86: {  	_ =	shalt  }
0x87: {  	_ =	shalt  }
.Lfunc_end0:
.L_simem_size_0:
called_computation.1_lowered:
.L_overlay_start_0:
0x88: {  	s2 =	sld [smem:$0x3FD9]  }
0x89: {  	s3 =	sld [smem:$0x3FFE];
	_ =	sdelay $0x1  }
0x8a: {  	s1 =	srdreg.scid  }
0x8b: {  	s0 =	sand.u32 $0x1, s1  }
0x8c: {  	s17 =	sshll.u32 s0, $0xA;
	s2 =	sadd.s32 s3, s2  }
0x8d: {  	s2 =	sadd.s32 s2, s17  }
0x8e: {  	[smem:$0x3FC6] =	sst s2  }
0x8f: {  	_ = 	snop  }
0x90: {  	s2 =	sld [smem:$0x3FD0];
	(tm) =	ssettm $0x1  }
0x91: {  	s18 =	sld [smem:$0x3FFB];
	_ =	sdelay $0x3  }
0x92: {  	_ =	strace s18  }
0x93: {  	s3 =	sld [smem:$0x3FFC];
	_ =	sdelay $0x3  }
0x94: {  	_ =	strace s3  }
0x95: {  	s3 =	sld [smem:$0x3FFD];
	_ =	sdelay $0x3  }
0x96: {  	_ =	strace s3  }
0x97: {  	_ =	strace $0x8FFFFFFF  }
0x98: {  	s19 =	sld [smem:$0x3FDB];
	_ =	sdelay $0x1  }
0x99: {  	s4 =	simm.s32 $_scs_section_size  }
0x9a: {  	s5 =	simm.s32 $_size__tile_overlayer_lowered;
	s6 =	simm.s32 $_tile_overlayer_lowered  }
0x9b: {  	s22 =	simm.s32 $0x1BFF;
	s21 =	sshll.u32 s6, $0x1;
	s3 =	sadd.s32 s4, s19  }
0x9c: {  	s7 =	simm.s32 $0x0;
	s20 =	sshll.u32 s5, $0x1;
	s5 =	sadd.s32 s21, s3  }
0x9d: {  	[timem:s7], [sflag:s22] =	dma.local [hbm:s5], s20  }
0x9e: {  	_ =	swait.ge [sflag:s22], s20  }
0x9f: {  	s4 =	ssub.s32 $0x0, s20;
	[sflag:s22] =	ssyncset.done $0x0  }
0xa0: {  	[sflag:s22] =	ssyncadd.s32 s4;
	_ =	sdelay $0x1  }
0xa1: {  	s23 =	simm.s32 $0x1B8B  }
0xa2: {  	_ =	swait.ge [sflag:s23], $0x1  }
0xa3: {  	[sflag:s23] =	ssyncset.done $0x0  }
0xa4: {  	s25 =	simm.s32 $0x1B8E;
	s24 =	sld [smem:$0x3FFE];
	[sflag:s23] =	ssyncadd.s32 $0xFFFFFFFF  }
0xa5: {  	s26 =	simm.s32 $execute0_lowered;
	[smem:$0x3FD2] =	sst s25  }
0xa6: {  	s5 =	sshll.u32 s26, $0x1;
	_ =	strace $0x80000046;
	[dreg:$0x1] =	wrdreg $0xFFFFFFFF  }
0xa7: {  	s28 =	simm.s32 $_size_execute0_lowered;
	s3 =	sadd.s32 s3, s5;
	[dreg:$0x0] =	wrdreg $0x0  }
0xa8: {  	s5 =	sshll.u32 s28, $0x1;
	[dreg:$0x2] =	wrdreg s3  }
0xa9: {  	[dreg:$0x3] =	wrdreg s5  }
0xaa: {  	[dreg:$0x4] =	wrdreg $0xC0  }
0xab: {  	_ =	task [dreg:s7], $0x5FFFF  }
0xac: {  	[dreg:$0x1] =	wrdreg $0xFFFFFFFF  }
0xad: {  	[dreg:$0x0] =	wrdreg $0x60  }
0xae: {  	[dreg:$0x2] =	wrdreg s24  }
0xaf: {  	[dreg:$0x3] =	wrdreg s2  }
0xb0: {  	[dreg:$0x4] =	wrdreg $0x9  }
0xb1: {  	_ =	task.clear_ibuf [dreg:s7], $0x5FFFF;
	_ =	strace $0x90000046  }
0xb2: {  	s29 =	simm.s32 $0x9;
	_ =	strace $0x80000048  }
0xb3: {  	_ =	swait.ge [sflag:s29], $0x1  }
0xb4: {  	[sflag:s29] =	ssyncadd.s32 $0xFFFFFFFF  }
0xb5: {  	_ =	strace $0x90000048  }
0xb6: {  	_ =	sfence  }
0xb7: {  	s30 =	sld [smem:$0x0];
	_ =	sdelay $0x2  }
0xb8: {  	s31 =	sshll.u32 s1, $0xD;
	s1 =	sshrl.u32 s1, $0x2  }
0xb9: {  	s3 =	sand.u32 $0x4000, s31;
	s1 =	sadd.s32 s1, s30  }
0xba: {  	s0 =	sor.u32 s3, s0;
	s1 =	sshll.u32 s1, $0x11  }
0xbb: {  	s0 =	sor.u32 s1, s0  }
0xbc: {  	s0 =	sadd.s32 $0x8F2B, s0  }
0xbd: {  	[sflag:s0] =	ssyncadd.remote.s32 $0x1  }
0xbe: {  	_ =	sfence.sel $0xFFFF  }
0xbf: {  	[dreg:$0x0] =	wrdreg $0xFFFFFFFF;
	(pc) =	sbr.abs _section_cstart, $3  }
0xc0: {  	[dreg:$0x1] =	wrdreg $0xFFFFFFFF  }
0xc1: {  	_ =	task.clear_ibuf [dreg:s7], $0x2FFFF;
	_ =	strace $0x9FFFFFFF  }
0xc2: {  	(tm) =	ssettm $0x7FFFFFFF  }
0xc3: {  	_ =	shalt  }
tec
execute0_lowered:
.L_overlay_start_1:
0x0: {  	(tag) =	ssettag $0x1  }
0x1: {  	s0 =	rddreg [dreg:$0x0];
	s1 =	srdreg.scid  }
0x2: {  	s3 =	stileid.u32;
	s2 =	rddreg [dreg:$0x1]  }
0x3: {  	s18 =	simm.s32 $0x9;
	s1 =	sand.u32 $0x1, s1;
	s4 =	sshll.u32 s3, $0x1  }
0x4: {  	s28 =	simm.s32 $0x2;
	s29 =	simm.s32 $0x5;
	s5 =	sor.u32 s1, s4  }
0x5: {  	s31 =	simm.s32 $0x3;
	s30 =	simm.s32 $0x0;
	s4 =	smul.u32 $0xC80, s5  }
0x6: {  	s3 =	simm.s32 $0x0;
	s1 =	ssub.s32 $0x2, s1;
	s8 =	smul.u32 $0x19000, s5  }
0x7: {  	[smem:$0x7FF] =	sst s3;
	s7 =	sshrl.u32 s1, $0x1;
	s20 =	smul.u32 $0xC8000, s5  }
0x8: {  	_ =	strace $0x80000047;
	s5 =	smul.u32 $0x64, s5;
	s19 =	ssub.s32 s1, s7  }
0x9: {  	s6 =	sadd.s32 s4, s0;
	s4 =	sadd.s32 $0xF42E00, s0;
	s7 =	sadd.s32 s2, s8  }
0xa: {  	s1 =	sshrl.u32 s20, $0x3;
	s11 =	sor.u32 $0x1, s5;
	s12 =	sor.u32 $0x2, s5  }
0xb: {  	s17 =	smax.u32 s19, $0x1;
	s19 =	simm.s32 $0x100;
	s6 =	sadd.s32 $0xA00, s6  }
0xc: {  	s20 =	simm.s32 $0x6400;
	s21 =	sadd.s32 $0x400, s7;
	[dreg:$0x3] =	wrdreg s6  }
0xd: {  	s0 =	simm.s32 $0x8;
	s22 =	sadd.s32 $0x800, s7;
	[dreg:$0x4] =	wrdreg s21  }
0xe: {  	s23 =	sadd.s32 $0xC00, s7;
	s1 =	sadd.s32 s2, s1;
	[dreg:$0x5] =	wrdreg s22  }
0xf: {  	[dreg:$0x6] =	wrdreg s23;
	s24 =	sadd.s32 $0x18000, s1;
	s25 =	sadd.s32 $0x18400, s1  }
0x10: {  	s26 =	sadd.s32 $0x18800, s1;
	s16 =	sadd.s32 $0x18C00, s1;
	[dreg:$0x7] =	wrdreg s24  }
0x11: {  	s21 =	simm.s32 $0x8400;
	s23 =	simm.s32 $0xA400;
	[dreg:$0x8] =	wrdreg s25  }
0x12: {  	s1 =	simm.s32 $0x6;
	s22 =	simm.s32 $0x4;
	[dreg:$0x9] =	wrdreg s26  }
0x13: {  	s24 =	simm.s32 $0x1;
	s26 =	simm.s32 $0xC400;
	s25 =	simm.s32 $0x7  }
.LBB2_1:
0x14: {  	s6 =	rddreg [dreg:$0x3]  }
0x15: {  	[tilespmem:s3], [sflag:$0x9] =	stream.linear.gather [hbm4b:s6+s3], $0x6400, $0x38;
	[tilespmem:$0xE400] =	vst v63  }
0x16: {  	_ =	swait.ge [sflag:s18], $0x6400  }
0x17: {  	[sflag:s18] =	ssyncset.done $0x0  }
0x18: {  	[sflag:s18] =	ssyncadd.s32 $0xFFFF9C00  }
0x19: {  	[tilespmem:s20], [sflag:$0x1] =	stream.indirect.gather [hbm4b:s4+s19], $0x20, s3, s19, $0xb8;
	[tilespmem:$0xE400] =	vst v63  }
0x1a: {  	_ = 	snop  }
0x1b: {  	[tilespmem:s21], [sflag:$0x2] =	stream.indirect.gather [hbm4b:s4+s19], $0x20, s19, s19, $0xb8;
	[tilespmem:$0xE400] =	vst v63  }
0x1c: {  	s15 =	simm.s32 $0x200  }
0x1d: {  	[tilespmem:s23], [sflag:$0x3] =	stream.indirect.gather [hbm4b:s4+s19], $0x20, s15, s19, $0xb8;
	[tilespmem:$0xE400] =	vst v63  }
0x1e: {  	_ =	swait.ge [sflag:s24], $0x2000  }
0x1f: {  	[sflag:s24] =	ssyncset.done $0x0  }
0x20: {  	s6 =	simm.s32 $0x6480;
	[sflag:s24] =	ssyncadd.s32 $0xFFFFE000  }
0x21: {  	v0 =	vld [tilespmem:s6+$0xFFFFFF80]  }
0x22: {  	v1 =	vld [tilespmem:s6+$0xFFFFFF90]  }
0x23: {  	v2 =	vld [tilespmem:s6+$0xFFFFFFA0]  }
0x24: {  	v3 =	vld [tilespmem:s6+$0xFFFFFFB0]  }
0x25: {  	v4 =	vld [tilespmem:s6+$0xFFFFFFC0]  }
0x26: {  	v5 =	vld [tilespmem:s6+$0xFFFFFFD0];
	v0 =	vmul.f32 $5.656854150e+00, v0  }
0x27: {  	v6 =	vld [tilespmem:s6+$0xFFFFFFE0];
	v1 =	vmul.f32 $5.656854150e+00, v1  }
0x28: {  	[tilespmem:s6+$0xFFFFFF80] =	vst v0;
	v0 =	vmul.f32 $5.656854150e+00, v2;
	v2 =	vld [tilespmem:s6+$0x0]  }
0x29: {  	[tilespmem:s6+$0xFFFFFF90] =	vst v1;
	v1 =	vmul.f32 $5.656854150e+00, v3;
	v3 =	vld [tilespmem:s6+$0x10]  }
0x2a: {  	[tilespmem:s6+$0xFFFFFFA0] =	vst v0;
	v0 =	vmul.f32 $5.656854150e+00, v4;
	v4 =	vld [tilespmem:s6+$0x20]  }
0x2b: {  	v7 =	vld [tilespmem:s6+$0x30];
	[tilespmem:s6+$0xFFFFFFB0] =	vst v1;
	v1 =	vmul.f32 $5.656854150e+00, v5  }
0x2c: {  	v5 =	vmul.f32 $5.656854150e+00, v6;
	[tilespmem:s6+$0xFFFFFFC0] =	vst v0;
	v0 =	vld [tilespmem:s6+$0x40]  }
0x2d: {  	[tilespmem:s6+$0xFFFFFFD0] =	vst v1;
	v1 =	vld [tilespmem:s6+$0x50];
	v2 =	vmul.f32 $5.656854150e+00, v2  }
0x2e: {  	[tilespmem:s6+$0xFFFFFFE0] =	vst v5;
	v6 =	vmul.f32 $5.656854150e+00, v3;
	v3 =	vld [tilespmem:s6+$0x60]  }
0x2f: {  	[tilespmem:s6+$0x0] =	vst v2;
	v5 =	vmul.f32 $5.656854150e+00, v4;
	v4 =	vld [tilespmem:s6+$0x70]  }
0x30: {  	s8 =	simm.s32 $0x0;
	s9 =	simm.s32 $0x6580;
	v2 =	vld [tilespmem:s6+$0xFFFFFFF0];
	[tilespmem:s6+$0x10] =	vst v6;
	v6 =	vmul.f32 $5.656854150e+00, v7  }
.LBB2_2:
0x31: {  	v7 =	vld [tilespmem:s9+$0xFFFFFF80];
	[tilespmem:s6+$0x20] =	vst v5;
	v0 =	vmul.f32 $5.656854150e+00, v0  }
0x32: {  	v5 =	vld [tilespmem:s9+$0xFFFFFF90];
	[tilespmem:s6+$0x30] =	vst v6;
	v1 =	vmul.f32 $5.656854150e+00, v1  }
0x33: {  	v6 =	vld [tilespmem:s9+$0xFFFFFFA0];
	[tilespmem:s6+$0x40] =	vst v0;
	v0 =	vmul.f32 $5.656854150e+00, v3  }
0x34: {  	v3 =	vld [tilespmem:s9+$0xFFFFFFB0];
	[tilespmem:s6+$0x50] =	vst v1;
	v1 =	vmul.f32 $5.656854150e+00, v4  }
0x35: {  	v4 =	vld [tilespmem:s9+$0xFFFFFFC0];
	v2 =	vmul.f32 $5.656854150e+00, v2;
	[tilespmem:s6+$0x60] =	vst v0  }
0x36: {  	v0 =	vmul.f32 $5.656854150e+00, v7;
	v7 =	vld [tilespmem:s9+$0xFFFFFFD0];
	[tilespmem:s6+$0x70] =	vst v1  }
0x37: {  	v1 =	vmul.f32 $5.656854150e+00, v5;
	v5 =	vld [tilespmem:s9+$0xFFFFFFE0];
	[tilespmem:s6+$0xFFFFFFF0] =	vst v2;
	s6 =	smov.u32 s9  }
0x38: {  	[tilespmem:s9+$0xFFFFFF80] =	vst v0;
	v0 =	vmul.f32 $5.656854150e+00, v6;
	v2 =	vld [tilespmem:s9+$0x0]  }
0x39: {  	[tilespmem:s9+$0xFFFFFF90] =	vst v1;
	v1 =	vmul.f32 $5.656854150e+00, v3;
	v3 =	vld [tilespmem:s9+$0x10]  }
0x3a: {  	s8 =	sadd.s32 $0x8, s8;
	[tilespmem:s9+$0xFFFFFFA0] =	vst v0;
	v0 =	vmul.f32 $5.656854150e+00, v4;
	v4 =	vld [tilespmem:s9+$0x20]  }
0x3b: {  	p0 =	slt.u32 s8, $0xF8;
	[tilespmem:s9+$0xFFFFFFB0] =	vst v1;
	v1 =	vmul.f32 $5.656854150e+00, v7;
	v6 =	vld [tilespmem:s9+$0x30]  }
.Ltmp0:
0x3c: {  	[tilespmem:s9+$0xFFFFFFC0] =	vst v0;
	v5 =	vmul.f32 $5.656854150e+00, v5;
	v0 =	vld [tilespmem:s9+$0x40];
	(pc) =	sbr.rel @p0 .LBB2_2-.Ltmp0, $4  }
0x3d: {  	[tilespmem:s9+$0xFFFFFFD0] =	vst v1;
	v2 =	vmul.f32 $5.656854150e+00, v2;
	v1 =	vld [tilespmem:s9+$0x50]  }
0x3e: {  	[tilespmem:s9+$0xFFFFFFE0] =	vst v5;
	v7 =	vmul.f32 $5.656854150e+00, v3;
	v3 =	vld [tilespmem:s9+$0x60]  }
0x3f: {  	[tilespmem:s9+$0x0] =	vst v2;
	v5 =	vmul.f32 $5.656854150e+00, v4;
	v4 =	vld [tilespmem:s9+$0x70]  }
0x40: {  	s9 =	sadd.s32 $0x100, s9;
	v2 =	vld [tilespmem:s6+$0xFFFFFFF0];
	[tilespmem:s6+$0x10] =	vst v7;
	v6 =	vmul.f32 $5.656854150e+00, v6  }
0x41: {  	[tilespmem:s6+$0x20] =	vst v5;
	v0 =	vmul.f32 $5.656854150e+00, v0  }
0x42: {  	[tilespmem:s6+$0x30] =	vst v6;
	v1 =	vmul.f32 $5.656854150e+00, v1  }
0x43: {  	[tilespmem:s6+$0x40] =	vst v0;
	v0 =	vmul.f32 $5.656854150e+00, v3  }
0x44: {  	[tilespmem:s6+$0x50] =	vst v1;
	v1 =	vmul.f32 $5.656854150e+00, v4  }
0x45: {  	v2 =	vmul.f32 $5.656854150e+00, v2;
	[tilespmem:s6+$0x60] =	vst v0  }
0x46: {  	[tilespmem:s6+$0x70] =	vst v1  }
0x47: {  	[tilespmem:s6+$0xFFFFFFF0] =	vst v2  }
0x48: {  	[hbm4b:s7+s3] =	stream.linear.scatter [tilespmem:s20], [sflag:$0x5], $0x2000, $0x38;
	[tilespmem:$0xE400] =	vst v63  }
0x49: {  	s15 =	simm.s32 $0x300  }
0x4a: {  	[tilespmem:s26], [sflag:$0x4] =	stream.indirect.gather [hbm4b:s4+s19], $0x20, s15, s19, $0xb8;
	[tilespmem:$0xE400] =	vst v63  }
0x4b: {  	_ =	swait.ge [sflag:s28], $0x2000  }
0x4c: {  	[sflag:s28] =	ssyncset.done $0x0  }
0x4d: {  	s6 =	simm.s32 $0x84F0;
	[sflag:s28] =	ssyncadd.s32 $0xFFFFE000  }
0x4e: {  	v0 =	vld [tilespmem:s6+$0xFFFFFF10]  }
0x4f: {  	v1 =	vld [tilespmem:s6+$0xFFFFFF20]  }
0x50: {  	v2 =	vld [tilespmem:s6+$0xFFFFFF30]  }
0x51: {  	v3 =	vld [tilespmem:s6+$0xFFFFFF40]  }
0x52: {  	v4 =	vld [tilespmem:s6+$0xFFFFFF50]  }
0x53: {  	v5 =	vld [tilespmem:s6+$0xFFFFFF60];
	v0 =	vmul.f32 $5.656854150e+00, v0  }
0x54: {  	v6 =	vld [tilespmem:s6+$0xFFFFFF70];
	v1 =	vmul.f32 $5.656854150e+00, v1  }
0x55: {  	[tilespmem:s6+$0xFFFFFF10] =	vst v0;
	v0 =	vmul.f32 $5.656854150e+00, v2;
	v2 =	vld [tilespmem:s6+$0xFFFFFF80]  }
0x56: {  	[tilespmem:s6+$0xFFFFFF20] =	vst v1;
	v1 =	vmul.f32 $5.656854150e+00, v3;
	v3 =	vld [tilespmem:s6+$0xFFFFFF90]  }
0x57: {  	[tilespmem:s6+$0xFFFFFF30] =	vst v0;
	v0 =	vmul.f32 $5.656854150e+00, v4;
	v4 =	vld [tilespmem:s6+$0xFFFFFFA0]  }
0x58: {  	v7 =	vld [tilespmem:s6+$0xFFFFFFB0];
	[tilespmem:s6+$0xFFFFFF40] =	vst v1;
	v1 =	vmul.f32 $5.656854150e+00, v5  }
0x59: {  	v5 =	vmul.f32 $5.656854150e+00, v6;
	[tilespmem:s6+$0xFFFFFF50] =	vst v0;
	v0 =	vld [tilespmem:s6+$0xFFFFFFC0]  }
0x5a: {  	[tilespmem:s6+$0xFFFFFF60] =	vst v1;
	v1 =	vld [tilespmem:s6+$0xFFFFFFD0];
	v6 =	vmul.f32 $5.656854150e+00, v2  }
0x5b: {  	[tilespmem:s6+$0xFFFFFF70] =	vst v5;
	v8 =	vmul.f32 $5.656854150e+00, v3;
	v2 =	vld [tilespmem:s6+$0xFFFFFFE0]  }
0x5c: {  	v3 =	vld [tilespmem:s6+$0x0];
	[tilespmem:s6+$0xFFFFFF80] =	vst v6;
	v5 =	vmul.f32 $5.656854150e+00, v4  }
0x5d: {  	s8 =	simm.s32 $0x0;
	s9 =	simm.s32 $0x85F0;
	[tilespmem:s6+$0xFFFFFF90] =	vst v8;
	v6 =	vmul.f32 $5.656854150e+00, v7;
	v4 =	vld [tilespmem:s6+$0xFFFFFFF0]  }
.LBB2_4:
0x5e: {  	v7 =	vld [tilespmem:s9+$0xFFFFFF10];
	[tilespmem:s6+$0xFFFFFFA0] =	vst v5;
	v0 =	vmul.f32 $5.656854150e+00, v0  }
0x5f: {  	v5 =	vld [tilespmem:s9+$0xFFFFFF20];
	[tilespmem:s6+$0xFFFFFFB0] =	vst v6;
	v1 =	vmul.f32 $5.656854150e+00, v1  }
0x60: {  	v6 =	vld [tilespmem:s9+$0xFFFFFF30];
	[tilespmem:s6+$0xFFFFFFC0] =	vst v0;
	v0 =	vmul.f32 $5.656854150e+00, v2  }
0x61: {  	v2 =	vld [tilespmem:s9+$0xFFFFFF40];
	[tilespmem:s6+$0xFFFFFFD0] =	vst v1;
	v1 =	vmul.f32 $5.656854150e+00, v3  }
0x62: {  	v3 =	vld [tilespmem:s9+$0xFFFFFF50];
	[tilespmem:s6+$0xFFFFFFE0] =	vst v0;
	v0 =	vmul.f32 $5.656854150e+00, v4  }
0x63: {  	v4 =	vmul.f32 $5.656854150e+00, v7;
	v7 =	vld [tilespmem:s9+$0xFFFFFF60];
	[tilespmem:s6+$0x0] =	vst v1  }
0x64: {  	v1 =	vmul.f32 $5.656854150e+00, v5;
	v5 =	vld [tilespmem:s9+$0xFFFFFF70];
	[tilespmem:s6+$0xFFFFFFF0] =	vst v0;
	s6 =	smov.u32 s9  }
0x65: {  	[tilespmem:s9+$0xFFFFFF10] =	vst v4;
	v0 =	vmul.f32 $5.656854150e+00, v6;
	v4 =	vld [tilespmem:s9+$0xFFFFFF80]  }
0x66: {  	[tilespmem:s9+$0xFFFFFF20] =	vst v1;
	v1 =	vmul.f32 $5.656854150e+00, v2;
	v2 =	vld [tilespmem:s9+$0xFFFFFF90]  }
0x67: {  	s8 =	sadd.s32 $0x8, s8;
	[tilespmem:s9+$0xFFFFFF30] =	vst v0;
	v0 =	vmul.f32 $5.656854150e+00, v3;
	v3 =	vld [tilespmem:s9+$0xFFFFFFA0]  }
0x68: {  	p0 =	slt.u32 s8, $0xF8;
	[tilespmem:s9+$0xFFFFFF40] =	vst v1;
	v1 =	vmul.f32 $5.656854150e+00, v7;
	v6 =	vld [tilespmem:s9+$0xFFFFFFB0]  }
.Ltmp1:
0x69: {  	[tilespmem:s9+$0xFFFFFF50] =	vst v0;
	v5 =	vmul.f32 $5.656854150e+00, v5;
	v0 =	vld [tilespmem:s9+$0xFFFFFFC0];
	(pc) =	sbr.rel @p0 .LBB2_4-.Ltmp1, $4  }
0x6a: {  	[tilespmem:s9+$0xFFFFFF60] =	vst v1;
	v4 =	vmul.f32 $5.656854150e+00, v4;
	v1 =	vld [tilespmem:s9+$0xFFFFFFD0]  }
0x6b: {  	[tilespmem:s9+$0xFFFFFF70] =	vst v5;
	v7 =	vmul.f32 $5.656854150e+00, v2;
	v2 =	vld [tilespmem:s9+$0xFFFFFFE0]  }
0x6c: {  	[tilespmem:s9+$0xFFFFFF80] =	vst v4;
	v5 =	vmul.f32 $5.656854150e+00, v3;
	v3 =	vld [tilespmem:s9+$0x0]  }
0x6d: {  	s9 =	sadd.s32 $0x100, s9;
	[tilespmem:s6+$0xFFFFFF90] =	vst v7;
	v6 =	vmul.f32 $5.656854150e+00, v6;
	v4 =	vld [tilespmem:s6+$0xFFFFFFF0]  }
0x6e: {  	[tilespmem:s6+$0xFFFFFFA0] =	vst v5;
	v0 =	vmul.f32 $5.656854150e+00, v0  }
0x6f: {  	[tilespmem:s6+$0xFFFFFFB0] =	vst v6;
	v1 =	vmul.f32 $5.656854150e+00, v1  }
0x70: {  	[tilespmem:s6+$0xFFFFFFC0] =	vst v0;
	v0 =	vmul.f32 $5.656854150e+00, v2  }
0x71: {  	[tilespmem:s6+$0xFFFFFFD0] =	vst v1;
	v1 =	vmul.f32 $5.656854150e+00, v3  }
0x72: {  	[tilespmem:s6+$0xFFFFFFE0] =	vst v0;
	v0 =	vmul.f32 $5.656854150e+00, v4  }
0x73: {  	[tilespmem:s6+$0x0] =	vst v1  }
0x74: {  	s14 =	rddreg [dreg:$0x4];
	[tilespmem:s6+$0xFFFFFFF0] =	vst v0  }
0x75: {  	[hbm4b:s14+s3] =	stream.linear.scatter [tilespmem:s21], [sflag:$0x6], $0x2000, $0x38;
	[tilespmem:$0xE400] =	vst v63  }
0x76: {  	_ =	swait.ge [sflag:s29], $0x2000  }
0x77: {  	[sflag:s29] =	ssyncset.done $0x0  }
0x78: {  	s15 =	simm.s32 $0x400;
	[sflag:s29] =	ssyncadd.s32 $0xFFFFE000  }
0x79: {  	[tilespmem:s20], [sflag:$0x1] =	stream.indirect.gather [hbm4b:s4+s19], $0x20, s15, s19, $0xb8;
	[tilespmem:$0xE400] =	vst v63  }
0x7a: {  	_ =	swait.ge [sflag:s31], $0x2000  }
0x7b: {  	[sflag:s31] =	ssyncset.done $0x0  }
0x7c: {  	s6 =	simm.s32 $0xA400;
	[sflag:s31] =	ssyncadd.s32 $0xFFFFE000  }
0x7d: {  	v1 =	vld [tilespmem:s6+$0xA0]  }
0x7e: {  	v2 =	vld [tilespmem:s6+$0x40]  }
0x7f: {  	v3 =	vld [tilespmem:s6+$0xE0]  }
0x80: {  	v4 =	vld [tilespmem:s6+$0xD0]  }
0x81: {  	v5 =	vld [tilespmem:s6+$0x20]  }
0x82: {  	v0 =	vld [tilespmem:s6+$0x90]  }
0x83: {  	v8 =	vld [tilespmem:s6+$0xC0]  }
0x84: {  	v7 =	vld [tilespmem:s6+$0x10]  }
0x85: {  	v9 =	vld [tilespmem:s6+$0x0];
	v1 =	vmul.f32 $5.656854150e+00, v1  }
0x86: {  	v11 =	vld [tilespmem:s6+$0x50];
	v4 =	vmul.f32 $5.656854150e+00, v4  }
0x87: {  	v10 =	vld [tilespmem:s6+$0xB0];
	v12 =	vmul.f32 $5.656854150e+00, v5;
	[tilespmem:s6+$0xA0] =	vst v1  }
0x88: {  	v6 =	vld [tilespmem:s6+$0xF0];
	v13 =	vmul.f32 $5.656854150e+00, v8;
	[tilespmem:s6+$0xD0] =	vst v4  }
0x89: {  	v1 =	vmul.f32 $5.656854150e+00, v2;
	v2 =	vmul.f32 $5.656854150e+00, v3;
	v3 =	vld [tilespmem:s6+$0x80];
	[tilespmem:s6+$0x20] =	vst v12  }
0x8a: {  	v4 =	vld [tilespmem:s6+$0x70];
	[tilespmem:s6+$0xC0] =	vst v13  }
0x8b: {  	v8 =	vmul.f32 $5.656854150e+00, v9;
	v5 =	vld [tilespmem:s6+$0x60];
	v9 =	vmul.f32 $5.656854150e+00, v11;
	[tilespmem:s6+$0x40] =	vst v1  }
0x8c: {  	s8 =	simm.s32 $0x0;
	s9 =	simm.s32 $0xA500;
	[tilespmem:s6+$0xE0] =	vst v2;
	v1 =	vmul.f32 $5.656854150e+00, v7;
	v7 =	vld [tilespmem:s6+$0x30];
	v2 =	vmul.f32 $5.656854150e+00, v10  }
.LBB2_6:
0x8d: {  	v10 =	vld [tilespmem:s9+$0xA0];
	s8 =	sadd.s32 $0x8, s8;
	[tilespmem:s6+$0x0] =	vst v8;
	v0 =	vmul.f32 $5.656854150e+00, v0;
	v6 =	vmul.f32 $5.656854150e+00, v6  }
0x8e: {  	v8 =	vld [tilespmem:s9+$0x40];
	p0 =	slt.u32 s8, $0xF8;
	[tilespmem:s6+$0x50] =	vst v9;
	v3 =	vmul.f32 $5.656854150e+00, v3  }
0x8f: {  	v9 =	vld [tilespmem:s9+$0xE0];
	v4 =	vmul.f32 $5.656854150e+00, v4;
	[tilespmem:s6+$0xF0] =	vst v6  }
0x90: {  	v11 =	vld [tilespmem:s9+$0x20];
	v5 =	vmul.f32 $5.656854150e+00, v5;
	[tilespmem:s6+$0x80] =	vst v3  }
0x91: {  	v3 =	vld [tilespmem:s9+$0xD0];
	v6 =	vmul.f32 $5.656854150e+00, v7;
	[tilespmem:s6+$0x90] =	vst v0  }
0x92: {  	v0 =	vld [tilespmem:s9+$0x90];
	v7 =	vmul.f32 $5.656854150e+00, v10;
	[tilespmem:s6+$0x10] =	vst v1  }
0x93: {  	v1 =	vld [tilespmem:s9+$0x10];
	[tilespmem:s6+$0x30] =	vst v6  }
0x94: {  	v10 =	vld [tilespmem:s9+$0xC0];
	v9 =	vmul.f32 $5.656854150e+00, v9;
	[tilespmem:s6+$0xB0] =	vst v2  }
0x95: {  	v2 =	vld [tilespmem:s9+$0x0];
	[tilespmem:s6+$0x70] =	vst v4  }
0x96: {  	v12 =	vld [tilespmem:s9+$0xB0];
	v3 =	vmul.f32 $5.656854150e+00, v3;
	[tilespmem:s6+$0x60] =	vst v5;
	s6 =	smov.u32 s9  }
0x97: {  	v13 =	vld [tilespmem:s9+$0x50];
	[tilespmem:s9+$0xA0] =	vst v7  }
.Ltmp2:
0x98: {  	v4 =	vmul.f32 $5.656854150e+00, v8;
	[tilespmem:s9+$0xD0] =	vst v3;
	v6 =	vld [tilespmem:s9+$0xF0];
	(pc) =	sbr.rel @p0 .LBB2_6-.Ltmp2, $4  }
0x99: {  	v3 =	vld [tilespmem:s9+$0x80];
	v7 =	vmul.f32 $5.656854150e+00, v10;
	[tilespmem:s9+$0xE0] =	vst v9  }
0x9a: {  	v9 =	vmul.f32 $5.656854150e+00, v11;
	[tilespmem:s9+$0x40] =	vst v4;
	v4 =	vld [tilespmem:s9+$0x70]  }
0x9b: {  	v1 =	vmul.f32 $5.656854150e+00, v1;
	v8 =	vmul.f32 $5.656854150e+00, v2;
	v5 =	vld [tilespmem:s9+$0x60];
	[tilespmem:s9+$0xC0] =	vst v7  }
0x9c: {  	v2 =	vmul.f32 $5.656854150e+00, v12;
	s9 =	sadd.s32 $0x100, s9;
	[tilespmem:s6+$0x20] =	vst v9;
	v7 =	vld [tilespmem:s6+$0x30];
	v9 =	vmul.f32 $5.656854150e+00, v13  }
0x9d: {  	[tilespmem:s6+$0x0] =	vst v8  }
0x9e: {  	[tilespmem:s6+$0x10] =	vst v1  }
0x9f: {  	v6 =	vmul.f32 $5.656854150e+00, v6;
	[tilespmem:s6+$0x50] =	vst v9  }
0xa0: {  	v0 =	vmul.f32 $5.656854150e+00, v0;
	[tilespmem:s6+$0xB0] =	vst v2  }
0xa1: {  	v3 =	vmul.f32 $5.656854150e+00, v3;
	[tilespmem:s6+$0xF0] =	vst v6  }
0xa2: {  	[tilespmem:s6+$0x90] =	vst v0;
	v0 =	vmul.f32 $5.656854150e+00, v4  }
0xa3: {  	[tilespmem:s6+$0x80] =	vst v3;
	v1 =	vmul.f32 $5.656854150e+00, v5  }
0xa4: {  	v3 =	vmul.f32 $5.656854150e+00, v7;
	[tilespmem:s6+$0x70] =	vst v0  }
0xa5: {  	[tilespmem:s6+$0x60] =	vst v1  }
0xa6: {  	s14 =	rddreg [dreg:$0x5];
	[tilespmem:s6+$0x30] =	vst v3  }
0xa7: {  	[hbm4b:s14+s3] =	stream.linear.scatter [tilespmem:s23], [sflag:$0x7], $0x2000, $0x38;
	[tilespmem:$0xE400] =	vst v63  }
0xa8: {  	_ =	swait.ge [sflag:s1], $0x2000  }
0xa9: {  	[sflag:s1] =	ssyncset.done $0x0  }
0xaa: {  	s15 =	simm.s32 $0x500;
	[sflag:s1] =	ssyncadd.s32 $0xFFFFE000  }
0xab: {  	[tilespmem:s21], [sflag:$0x2] =	stream.indirect.gather [hbm4b:s4+s19], $0x20, s15, s19, $0xb8;
	[tilespmem:$0xE400] =	vst v63  }
0xac: {  	_ =	swait.ge [sflag:s22], $0x2000  }
0xad: {  	[sflag:s22] =	ssyncset.done $0x0  }
0xae: {  	s6 =	simm.s32 $0xC400;
	[sflag:s22] =	ssyncadd.s32 $0xFFFFE000  }
0xaf: {  	v1 =	vld [tilespmem:s6+$0xA0]  }
0xb0: {  	v2 =	vld [tilespmem:s6+$0x40]  }
0xb1: {  	v3 =	vld [tilespmem:s6+$0xE0]  }
0xb2: {  	v4 =	vld [tilespmem:s6+$0xD0]  }
0xb3: {  	v5 =	vld [tilespmem:s6+$0x20]  }
0xb4: {  	v0 =	vld [tilespmem:s6+$0x90]  }
0xb5: {  	v8 =	vld [tilespmem:s6+$0xC0]  }
0xb6: {  	v7 =	vld [tilespmem:s6+$0x10]  }
0xb7: {  	v9 =	vld [tilespmem:s6+$0x0];
	v1 =	vmul.f32 $5.656854150e+00, v1  }
0xb8: {  	v11 =	vld [tilespmem:s6+$0x50];
	v4 =	vmul.f32 $5.656854150e+00, v4  }
0xb9: {  	v10 =	vld [tilespmem:s6+$0xB0];
	v12 =	vmul.f32 $5.656854150e+00, v5;
	[tilespmem:s6+$0xA0] =	vst v1  }
0xba: {  	v6 =	vld [tilespmem:s6+$0xF0];
	v13 =	vmul.f32 $5.656854150e+00, v8;
	[tilespmem:s6+$0xD0] =	vst v4  }
0xbb: {  	v1 =	vmul.f32 $5.656854150e+00, v2;
	v2 =	vmul.f32 $5.656854150e+00, v3;
	v3 =	vld [tilespmem:s6+$0x80];
	[tilespmem:s6+$0x20] =	vst v12  }
0xbc: {  	v4 =	vld [tilespmem:s6+$0x70];
	[tilespmem:s6+$0xC0] =	vst v13  }
0xbd: {  	v8 =	vmul.f32 $5.656854150e+00, v9;
	v5 =	vld [tilespmem:s6+$0x60];
	v9 =	vmul.f32 $5.656854150e+00, v11;
	[tilespmem:s6+$0x40] =	vst v1  }
0xbe: {  	s8 =	simm.s32 $0x0;
	s9 =	simm.s32 $0xC500;
	[tilespmem:s6+$0xE0] =	vst v2;
	v1 =	vmul.f32 $5.656854150e+00, v7;
	v7 =	vld [tilespmem:s6+$0x30];
	v2 =	vmul.f32 $5.656854150e+00, v10  }
.LBB2_8:
0xbf: {  	v10 =	vld [tilespmem:s9+$0xA0];
	s8 =	sadd.s32 $0x8, s8;
	[tilespmem:s6+$0x0] =	vst v8;
	v0 =	vmul.f32 $5.656854150e+00, v0;
	v6 =	vmul.f32 $5.656854150e+00, v6  }
0xc0: {  	v8 =	vld [tilespmem:s9+$0x40];
	p0 =	slt.u32 s8, $0xF8;
	[tilespmem:s6+$0x50] =	vst v9;
	v3 =	vmul.f32 $5.656854150e+00, v3  }
0xc1: {  	v9 =	vld [tilespmem:s9+$0xE0];
	v4 =	vmul.f32 $5.656854150e+00, v4;
	[tilespmem:s6+$0xF0] =	vst v6  }
0xc2: {  	v11 =	vld [tilespmem:s9+$0x20];
	v5 =	vmul.f32 $5.656854150e+00, v5;
	[tilespmem:s6+$0x80] =	vst v3  }
0xc3: {  	v3 =	vld [tilespmem:s9+$0xD0];
	v6 =	vmul.f32 $5.656854150e+00, v7;
	[tilespmem:s6+$0x90] =	vst v0  }
0xc4: {  	v0 =	vld [tilespmem:s9+$0x90];
	v7 =	vmul.f32 $5.656854150e+00, v10;
	[tilespmem:s6+$0x10] =	vst v1  }
0xc5: {  	v1 =	vld [tilespmem:s9+$0x10];
	[tilespmem:s6+$0x30] =	vst v6  }
0xc6: {  	v10 =	vld [tilespmem:s9+$0xC0];
	v9 =	vmul.f32 $5.656854150e+00, v9;
	[tilespmem:s6+$0xB0] =	vst v2  }
0xc7: {  	v2 =	vld [tilespmem:s9+$0x0];
	[tilespmem:s6+$0x70] =	vst v4  }
0xc8: {  	v12 =	vld [tilespmem:s9+$0xB0];
	v3 =	vmul.f32 $5.656854150e+00, v3;
	[tilespmem:s6+$0x60] =	vst v5;
	s6 =	smov.u32 s9  }
0xc9: {  	v13 =	vld [tilespmem:s9+$0x50];
	[tilespmem:s9+$0xA0] =	vst v7  }
.Ltmp3:
0xca: {  	v4 =	vmul.f32 $5.656854150e+00, v8;
	[tilespmem:s9+$0xD0] =	vst v3;
	v6 =	vld [tilespmem:s9+$0xF0];
	(pc) =	sbr.rel @p0 .LBB2_8-.Ltmp3, $4  }
0xcb: {  	v3 =	vld [tilespmem:s9+$0x80];
	v7 =	vmul.f32 $5.656854150e+00, v10;
	[tilespmem:s9+$0xE0] =	vst v9  }
0xcc: {  	v9 =	vmul.f32 $5.656854150e+00, v11;
	[tilespmem:s9+$0x40] =	vst v4;
	v4 =	vld [tilespmem:s9+$0x70]  }
0xcd: {  	v1 =	vmul.f32 $5.656854150e+00, v1;
	v8 =	vmul.f32 $5.656854150e+00, v2;
	v5 =	vld [tilespmem:s9+$0x60];
	[tilespmem:s9+$0xC0] =	vst v7  }
0xce: {  	v2 =	vmul.f32 $5.656854150e+00, v12;
	s9 =	sadd.s32 $0x100, s9;
	[tilespmem:s6+$0x20] =	vst v9;
	v7 =	vld [tilespmem:s6+$0x30];
	v9 =	vmul.f32 $5.656854150e+00, v13  }
0xcf: {  	[tilespmem:s6+$0x0] =	vst v8  }
0xd0: {  	[tilespmem:s6+$0x10] =	vst v1  }
0xd1: {  	v6 =	vmul.f32 $5.656854150e+00, v6;
	[tilespmem:s6+$0x50] =	vst v9  }
0xd2: {  	v0 =	vmul.f32 $5.656854150e+00, v0;
	[tilespmem:s6+$0xB0] =	vst v2  }
0xd3: {  	v3 =	vmul.f32 $5.656854150e+00, v3;
	[tilespmem:s6+$0xF0] =	vst v6  }
0xd4: {  	[tilespmem:s6+$0x90] =	vst v0;
	v62 =	vmul.f32 $5.656854150e+00, v4  }
0xd5: {  	[tilespmem:s6+$0x80] =	vst v3;
	v63 =	vmul.f32 $5.656854150e+00, v5  }
0xd6: {  	v61 =	vmul.f32 $5.656854150e+00, v7;
	[tilespmem:s6+$0x70] =	vst v62  }
0xd7: {  	[tilespmem:s6+$0x60] =	vst v63  }
0xd8: {  	s14 =	rddreg [dreg:$0x6];
	[tilespmem:s6+$0x30] =	vst v61  }
0xd9: {  	[hbm4b:s14+s3] =	stream.linear.scatter [tilespmem:s26], [sflag:$0x8], $0x2000, $0x38;
	[tilespmem:$0xE400] =	vst v63  }
0xda: {  	_ =	swait.ge [sflag:s25], $0x2000  }
0xdb: {  	[sflag:s25] =	ssyncset.done $0x0  }
0xdc: {  	s15 =	simm.s32 $0x600;
	s6 =	simm.s32 $0x1;
	[sflag:s25] =	ssyncadd.s32 $0xFFFFE000  }
0xdd: {  	[tilespmem:s23], [sflag:$0x3] =	stream.indirect.gather [hbm4b:s4+s19], $0x20, s15, s19, $0xb8;
	[tilespmem:$0xE400] =	vst v63  }
.LBB2_10:
0xde: {  	_ =	swait.ge [sflag:s24], $0x2000  }
0xdf: {  	[sflag:s24] =	ssyncset.done $0x0  }
0xe0: {  	s8 =	simm.s32 $0x6480;
	[sflag:s24] =	ssyncadd.s32 $0xFFFFE000  }
0xe1: {  	v0 =	vld [tilespmem:s8+$0xFFFFFF80]  }
0xe2: {  	v1 =	vld [tilespmem:s8+$0xFFFFFF90]  }
0xe3: {  	v2 =	vld [tilespmem:s8+$0xFFFFFFA0]  }
0xe4: {  	v3 =	vld [tilespmem:s8+$0xFFFFFFB0]  }
0xe5: {  	v4 =	vld [tilespmem:s8+$0xFFFFFFC0]  }
0xe6: {  	v5 =	vld [tilespmem:s8+$0xFFFFFFD0];
	v0 =	vmul.f32 $5.656854150e+00, v0  }
0xe7: {  	v6 =	vld [tilespmem:s8+$0xFFFFFFE0];
	v1 =	vmul.f32 $5.656854150e+00, v1  }
0xe8: {  	[tilespmem:s8+$0xFFFFFF80] =	vst v0;
	v0 =	vmul.f32 $5.656854150e+00, v2;
	v2 =	vld [tilespmem:s8+$0x0]  }
0xe9: {  	[tilespmem:s8+$0xFFFFFF90] =	vst v1;
	v1 =	vmul.f32 $5.656854150e+00, v3;
	v3 =	vld [tilespmem:s8+$0x10]  }
0xea: {  	[tilespmem:s8+$0xFFFFFFA0] =	vst v0;
	v0 =	vmul.f32 $5.656854150e+00, v4;
	v4 =	vld [tilespmem:s8+$0x20]  }
0xeb: {  	v7 =	vld [tilespmem:s8+$0x30];
	v5 =	vmul.f32 $5.656854150e+00, v5;
	[tilespmem:s8+$0xFFFFFFB0] =	vst v1  }
0xec: {  	v1 =	vld [tilespmem:s8+$0x40];
	[tilespmem:s8+$0xFFFFFFC0] =	vst v0;
	v0 =	vmul.f32 $5.656854150e+00, v6  }
0xed: {  	[tilespmem:s8+$0xFFFFFFD0] =	vst v5;
	v5 =	vmul.f32 $5.656854150e+00, v2;
	v2 =	vld [tilespmem:s8+$0x50]  }
0xee: {  	v6 =	vmul.f32 $5.656854150e+00, v3;
	v3 =	vld [tilespmem:s8+$0x60];
	[tilespmem:s8+$0xFFFFFFE0] =	vst v0  }
0xef: {  	[tilespmem:s8+$0x0] =	vst v5;
	v5 =	vmul.f32 $5.656854150e+00, v4;
	v4 =	vld [tilespmem:s8+$0x70]  }
0xf0: {  	s9 =	simm.s32 $0x0;
	s10 =	simm.s32 $0x6580;
	v0 =	vld [tilespmem:s8+$0xFFFFFFF0];
	[tilespmem:s8+$0x10] =	vst v6;
	v6 =	vmul.f32 $5.656854150e+00, v7  }
.LBB2_11:
0xf1: {  	v7 =	vld [tilespmem:s10+$0xFFFFFF80];
	[tilespmem:s8+$0x20] =	vst v5;
	v1 =	vmul.f32 $5.656854150e+00, v1  }
0xf2: {  	v5 =	vld [tilespmem:s10+$0xFFFFFF90];
	[tilespmem:s8+$0x30] =	vst v6;
	v2 =	vmul.f32 $5.656854150e+00, v2  }
0xf3: {  	v6 =	vld [tilespmem:s10+$0xFFFFFFA0];
	[tilespmem:s8+$0x40] =	vst v1;
	v1 =	vmul.f32 $5.656854150e+00, v3  }
0xf4: {  	v3 =	vld [tilespmem:s10+$0xFFFFFFB0];
	[tilespmem:s8+$0x50] =	vst v2;
	v2 =	vmul.f32 $5.656854150e+00, v4  }
0xf5: {  	v4 =	vld [tilespmem:s10+$0xFFFFFFC0];
	v0 =	vmul.f32 $5.656854150e+00, v0;
	[tilespmem:s8+$0x60] =	vst v1  }
0xf6: {  	v1 =	vmul.f32 $5.656854150e+00, v7;
	v7 =	vld [tilespmem:s10+$0xFFFFFFD0];
	[tilespmem:s8+$0x70] =	vst v2  }
0xf7: {  	v2 =	vmul.f32 $5.656854150e+00, v5;
	v5 =	vld [tilespmem:s10+$0xFFFFFFE0];
	[tilespmem:s8+$0xFFFFFFF0] =	vst v0;
	s8 =	smov.u32 s10  }
0xf8: {  	[tilespmem:s10+$0xFFFFFF80] =	vst v1;
	v0 =	vmul.f32 $5.656854150e+00, v6;
	v6 =	vld [tilespmem:s10+$0x0]  }
0xf9: {  	[tilespmem:s10+$0xFFFFFF90] =	vst v2;
	v1 =	vmul.f32 $5.656854150e+00, v3;
	v3 =	vld [tilespmem:s10+$0x10]  }
0xfa: {  	s9 =	sadd.s32 $0x8, s9;
	[tilespmem:s10+$0xFFFFFFA0] =	vst v0;
	v0 =	vmul.f32 $5.656854150e+00, v4;
	v4 =	vld [tilespmem:s10+$0x20]  }
0xfb: {  	p0 =	slt.u32 s9, $0xF8;
	[tilespmem:s10+$0xFFFFFFB0] =	vst v1;
	v2 =	vmul.f32 $5.656854150e+00, v7;
	v7 =	vld [tilespmem:s10+$0x30]  }
.Ltmp4:
0xfc: {  	[tilespmem:s10+$0xFFFFFFC0] =	vst v0;
	v0 =	vmul.f32 $5.656854150e+00, v5;
	v1 =	vld [tilespmem:s10+$0x40];
	(pc) =	sbr.rel @p0 .LBB2_11-.Ltmp4, $4  }
0xfd: {  	[tilespmem:s10+$0xFFFFFFD0] =	vst v2;
	v5 =	vmul.f32 $5.656854150e+00, v6;
	v2 =	vld [tilespmem:s10+$0x50]  }
0xfe: {  	[tilespmem:s10+$0xFFFFFFE0] =	vst v0;
	v6 =	vmul.f32 $5.656854150e+00, v3;
	v3 =	vld [tilespmem:s10+$0x60]  }
0xff: {  	[tilespmem:s10+$0x0] =	vst v5;
	v5 =	vmul.f32 $5.656854150e+00, v4;
	v4 =	vld [tilespmem:s10+$0x70]  }
0x100: {  	s10 =	sadd.s32 $0x100, s10;
	v0 =	vld [tilespmem:s8+$0xFFFFFFF0];
	[tilespmem:s8+$0x10] =	vst v6;
	v6 =	vmul.f32 $5.656854150e+00, v7  }
0x101: {  	[tilespmem:s8+$0x20] =	vst v5;
	v1 =	vmul.f32 $5.656854150e+00, v1  }
0x102: {  	[tilespmem:s8+$0x30] =	vst v6;
	v2 =	vmul.f32 $5.656854150e+00, v2  }
0x103: {  	s9 =	sshll.u32 s6, $0x2;
	[tilespmem:s8+$0x40] =	vst v1;
	v1 =	vmul.f32 $5.656854150e+00, v3  }
0x104: {  	s10 =	sadd.s32 s5, s9;
	[tilespmem:s8+$0x50] =	vst v2;
	v2 =	vmul.f32 $5.656854150e+00, v4  }
0x105: {  	s10 =	sshll.u32 s10, $0xA;
	v0 =	vmul.f32 $5.656854150e+00, v0;
	[tilespmem:s8+$0x60] =	vst v1  }
0x106: {  	s10 =	sand.u32 $0x1FFFF000, s10;
	[tilespmem:s8+$0x70] =	vst v2  }
0x107: {  	s14 =	sadd.s32 s2, s10;
	[tilespmem:s8+$0xFFFFFFF0] =	vst v0  }
0x108: {  	[hbm4b:s14+s3] =	stream.linear.scatter [tilespmem:s20], [sflag:$0x5], $0x2000, $0x38;
	[tilespmem:$0xE400] =	vst v63  }
0x109: {  	s8 =	sshllo.u32 s6, $0x2;
	_ =	swait.ge [sflag:s0], $0x2000  }
0x10a: {  	s15 =	sshll.u32 s8, $0x8;
	[sflag:s0] =	ssyncset.done $0x0  }
0x10b: {  	s10 =	sand.u32 $0x3FFFFF00, s15;
	[sflag:s0] =	ssyncadd.s32 $0xFFFFE000  }
0x10c: {  	[tilespmem:s26], [sflag:$0x4] =	stream.indirect.gather [hbm4b:s4+s19], $0x20, s10, s19, $0xb8;
	[tilespmem:$0xE400] =	vst v63  }
0x10d: {  	_ =	swait.ge [sflag:s28], $0x2000  }
0x10e: {  	[sflag:s28] =	ssyncset.done $0x0  }
0x10f: {  	s10 =	simm.s32 $0x84F0;
	[sflag:s28] =	ssyncadd.s32 $0xFFFFE000  }
0x110: {  	v0 =	vld [tilespmem:s10+$0xFFFFFF10]  }
0x111: {  	v1 =	vld [tilespmem:s10+$0xFFFFFF20]  }
0x112: {  	v2 =	vld [tilespmem:s10+$0xFFFFFF30]  }
0x113: {  	v3 =	vld [tilespmem:s10+$0xFFFFFF40]  }
0x114: {  	v4 =	vld [tilespmem:s10+$0xFFFFFF50]  }
0x115: {  	v5 =	vld [tilespmem:s10+$0xFFFFFF60];
	v0 =	vmul.f32 $5.656854150e+00, v0  }
0x116: {  	v6 =	vld [tilespmem:s10+$0xFFFFFF70];
	v1 =	vmul.f32 $5.656854150e+00, v1  }
0x117: {  	[tilespmem:s10+$0xFFFFFF10] =	vst v0;
	v0 =	vmul.f32 $5.656854150e+00, v2;
	v2 =	vld [tilespmem:s10+$0xFFFFFF80]  }
0x118: {  	[tilespmem:s10+$0xFFFFFF20] =	vst v1;
	v1 =	vmul.f32 $5.656854150e+00, v3;
	v3 =	vld [tilespmem:s10+$0xFFFFFF90]  }
0x119: {  	[tilespmem:s10+$0xFFFFFF30] =	vst v0;
	v0 =	vmul.f32 $5.656854150e+00, v4;
	v4 =	vld [tilespmem:s10+$0xFFFFFFA0]  }
0x11a: {  	v7 =	vld [tilespmem:s10+$0xFFFFFFB0];
	[tilespmem:s10+$0xFFFFFF40] =	vst v1;
	v1 =	vmul.f32 $5.656854150e+00, v5  }
0x11b: {  	v5 =	vmul.f32 $5.656854150e+00, v6;
	[tilespmem:s10+$0xFFFFFF50] =	vst v0;
	v0 =	vld [tilespmem:s10+$0xFFFFFFC0]  }
0x11c: {  	[tilespmem:s10+$0xFFFFFF60] =	vst v1;
	v1 =	vld [tilespmem:s10+$0xFFFFFFD0];
	v6 =	vmul.f32 $5.656854150e+00, v2  }
0x11d: {  	[tilespmem:s10+$0xFFFFFF70] =	vst v5;
	v8 =	vmul.f32 $5.656854150e+00, v3;
	v2 =	vld [tilespmem:s10+$0xFFFFFFE0]  }
0x11e: {  	v3 =	vld [tilespmem:s10+$0x0];
	[tilespmem:s10+$0xFFFFFF80] =	vst v6;
	v5 =	vmul.f32 $5.656854150e+00, v4  }
0x11f: {  	s13 =	simm.s32 $0x0;
	s14 =	simm.s32 $0x85F0;
	[tilespmem:s10+$0xFFFFFF90] =	vst v8;
	v6 =	vmul.f32 $5.656854150e+00, v7;
	v4 =	vld [tilespmem:s10+$0xFFFFFFF0]  }
.LBB2_13:
0x120: {  	v7 =	vld [tilespmem:s14+$0xFFFFFF10];
	[tilespmem:s10+$0xFFFFFFA0] =	vst v5;
	v0 =	vmul.f32 $5.656854150e+00, v0  }
0x121: {  	v5 =	vld [tilespmem:s14+$0xFFFFFF20];
	[tilespmem:s10+$0xFFFFFFB0] =	vst v6;
	v1 =	vmul.f32 $5.656854150e+00, v1  }
0x122: {  	v6 =	vld [tilespmem:s14+$0xFFFFFF30];
	[tilespmem:s10+$0xFFFFFFC0] =	vst v0;
	v0 =	vmul.f32 $5.656854150e+00, v2  }
0x123: {  	v2 =	vld [tilespmem:s14+$0xFFFFFF40];
	[tilespmem:s10+$0xFFFFFFD0] =	vst v1;
	v1 =	vmul.f32 $5.656854150e+00, v3  }
0x124: {  	v3 =	vld [tilespmem:s14+$0xFFFFFF50];
	[tilespmem:s10+$0xFFFFFFE0] =	vst v0;
	v0 =	vmul.f32 $5.656854150e+00, v4  }
0x125: {  	v4 =	vmul.f32 $5.656854150e+00, v7;
	v7 =	vld [tilespmem:s14+$0xFFFFFF60];
	[tilespmem:s10+$0x0] =	vst v1  }
0x126: {  	v1 =	vmul.f32 $5.656854150e+00, v5;
	v5 =	vld [tilespmem:s14+$0xFFFFFF70];
	[tilespmem:s10+$0xFFFFFFF0] =	vst v0;
	s10 =	smov.u32 s14  }
0x127: {  	[tilespmem:s14+$0xFFFFFF10] =	vst v4;
	v0 =	vmul.f32 $5.656854150e+00, v6;
	v4 =	vld [tilespmem:s14+$0xFFFFFF80]  }
0x128: {  	[tilespmem:s14+$0xFFFFFF20] =	vst v1;
	v1 =	vmul.f32 $5.656854150e+00, v2;
	v2 =	vld [tilespmem:s14+$0xFFFFFF90]  }
0x129: {  	s13 =	sadd.s32 $0x8, s13;
	[tilespmem:s14+$0xFFFFFF30] =	vst v0;
	v0 =	vmul.f32 $5.656854150e+00, v3;
	v3 =	vld [tilespmem:s14+$0xFFFFFFA0]  }
0x12a: {  	p0 =	slt.u32 s13, $0xF8;
	[tilespmem:s14+$0xFFFFFF40] =	vst v1;
	v1 =	vmul.f32 $5.656854150e+00, v7;
	v6 =	vld [tilespmem:s14+$0xFFFFFFB0]  }
.Ltmp5:
0x12b: {  	[tilespmem:s14+$0xFFFFFF50] =	vst v0;
	v5 =	vmul.f32 $5.656854150e+00, v5;
	v0 =	vld [tilespmem:s14+$0xFFFFFFC0];
	(pc) =	sbr.rel @p0 .LBB2_13-.Ltmp5, $4  }
0x12c: {  	[tilespmem:s14+$0xFFFFFF60] =	vst v1;
	v4 =	vmul.f32 $5.656854150e+00, v4;
	v1 =	vld [tilespmem:s14+$0xFFFFFFD0]  }
0x12d: {  	[tilespmem:s14+$0xFFFFFF70] =	vst v5;
	v7 =	vmul.f32 $5.656854150e+00, v2;
	v2 =	vld [tilespmem:s14+$0xFFFFFFE0]  }
0x12e: {  	[tilespmem:s14+$0xFFFFFF80] =	vst v4;
	v5 =	vmul.f32 $5.656854150e+00, v3;
	v3 =	vld [tilespmem:s14+$0x0]  }
0x12f: {  	s14 =	sadd.s32 $0x100, s14;
	[tilespmem:s10+$0xFFFFFF90] =	vst v7;
	v6 =	vmul.f32 $5.656854150e+00, v6;
	v4 =	vld [tilespmem:s10+$0xFFFFFFF0]  }
0x130: {  	[tilespmem:s10+$0xFFFFFFA0] =	vst v5;
	v0 =	vmul.f32 $5.656854150e+00, v0  }
0x131: {  	[tilespmem:s10+$0xFFFFFFB0] =	vst v6;
	v1 =	vmul.f32 $5.656854150e+00, v1  }
0x132: {  	[tilespmem:s10+$0xFFFFFFC0] =	vst v0;
	v0 =	vmul.f32 $5.656854150e+00, v2  }
0x133: {  	s13 =	sadd.s32 s9, s11;
	[tilespmem:s10+$0xFFFFFFD0] =	vst v1;
	v1 =	vmul.f32 $5.656854150e+00, v3  }
0x134: {  	s13 =	sshll.u32 s13, $0xA;
	[tilespmem:s10+$0xFFFFFFE0] =	vst v0;
	v0 =	vmul.f32 $5.656854150e+00, v4  }
0x135: {  	s13 =	sand.u32 $0x1FFFF400, s13;
	[tilespmem:s10+$0x0] =	vst v1  }
0x136: {  	s13 =	sadd.s32 s2, s13;
	[tilespmem:s10+$0xFFFFFFF0] =	vst v0  }
0x137: {  	[hbm4b:s13+s3] =	stream.linear.scatter [tilespmem:s21], [sflag:$0x6], $0x2000, $0x38;
	[tilespmem:$0xE400] =	vst v63  }
0x138: {  	s14 =	sshll.u32 s6, $0xA;
	_ =	swait.ge [sflag:s29], $0x2000  }
0x139: {  	s10 =	sand.u32 $0x3FFFFC00, s14;
	[sflag:s29] =	ssyncset.done $0x0  }
0x13a: {  	s15 =	sadd.s32 $0x400, s10;
	[sflag:s29] =	ssyncadd.s32 $0xFFFFE000  }
0x13b: {  	[tilespmem:s20], [sflag:$0x1] =	stream.indirect.gather [hbm4b:s4+s19], $0x20, s15, s19, $0xb8;
	[tilespmem:$0xE400] =	vst v63  }
0x13c: {  	_ =	swait.ge [sflag:s31], $0x2000  }
0x13d: {  	[sflag:s31] =	ssyncset.done $0x0  }
0x13e: {  	s13 =	simm.s32 $0xA400;
	[sflag:s31] =	ssyncadd.s32 $0xFFFFE000  }
0x13f: {  	v1 =	vld [tilespmem:s13+$0xA0]  }
0x140: {  	v2 =	vld [tilespmem:s13+$0x40]  }
0x141: {  	v3 =	vld [tilespmem:s13+$0xE0]  }
0x142: {  	v4 =	vld [tilespmem:s13+$0xD0]  }
0x143: {  	v5 =	vld [tilespmem:s13+$0x20]  }
0x144: {  	v0 =	vld [tilespmem:s13+$0x90]  }
0x145: {  	v8 =	vld [tilespmem:s13+$0xC0]  }
0x146: {  	v7 =	vld [tilespmem:s13+$0x10]  }
0x147: {  	v9 =	vld [tilespmem:s13+$0x0];
	v1 =	vmul.f32 $5.656854150e+00, v1  }
0x148: {  	v11 =	vld [tilespmem:s13+$0x50];
	v4 =	vmul.f32 $5.656854150e+00, v4  }
0x149: {  	v10 =	vld [tilespmem:s13+$0xB0];
	v12 =	vmul.f32 $5.656854150e+00, v5;
	[tilespmem:s13+$0xA0] =	vst v1  }
0x14a: {  	v6 =	vld [tilespmem:s13+$0xF0];
	v13 =	vmul.f32 $5.656854150e+00, v8;
	[tilespmem:s13+$0xD0] =	vst v4  }
0x14b: {  	v1 =	vmul.f32 $5.656854150e+00, v2;
	v2 =	vmul.f32 $5.656854150e+00, v3;
	v3 =	vld [tilespmem:s13+$0x80];
	[tilespmem:s13+$0x20] =	vst v12  }
0x14c: {  	v4 =	vld [tilespmem:s13+$0x70];
	[tilespmem:s13+$0xC0] =	vst v13  }
0x14d: {  	v8 =	vmul.f32 $5.656854150e+00, v9;
	v5 =	vld [tilespmem:s13+$0x60];
	v9 =	vmul.f32 $5.656854150e+00, v11;
	[tilespmem:s13+$0x40] =	vst v1  }
0x14e: {  	s14 =	simm.s32 $0x0;
	s15 =	simm.s32 $0xA500;
	[tilespmem:s13+$0xE0] =	vst v2;
	v1 =	vmul.f32 $5.656854150e+00, v7;
	v7 =	vld [tilespmem:s13+$0x30];
	v2 =	vmul.f32 $5.656854150e+00, v10  }
.LBB2_15:
0x14f: {  	v10 =	vld [tilespmem:s15+$0xA0];
	s14 =	sadd.s32 $0x8, s14;
	[tilespmem:s13+$0x0] =	vst v8;
	v0 =	vmul.f32 $5.656854150e+00, v0;
	v6 =	vmul.f32 $5.656854150e+00, v6  }
0x150: {  	v8 =	vld [tilespmem:s15+$0x40];
	p0 =	slt.u32 s14, $0xF8;
	[tilespmem:s13+$0x50] =	vst v9;
	v3 =	vmul.f32 $5.656854150e+00, v3  }
0x151: {  	v9 =	vld [tilespmem:s15+$0xE0];
	v4 =	vmul.f32 $5.656854150e+00, v4;
	[tilespmem:s13+$0xF0] =	vst v6  }
0x152: {  	v11 =	vld [tilespmem:s15+$0x20];
	v5 =	vmul.f32 $5.656854150e+00, v5;
	[tilespmem:s13+$0x80] =	vst v3  }
0x153: {  	v3 =	vld [tilespmem:s15+$0xD0];
	v6 =	vmul.f32 $5.656854150e+00, v7;
	[tilespmem:s13+$0x90] =	vst v0  }
0x154: {  	v0 =	vld [tilespmem:s15+$0x90];
	v7 =	vmul.f32 $5.656854150e+00, v10;
	[tilespmem:s13+$0x10] =	vst v1  }
0x155: {  	v1 =	vld [tilespmem:s15+$0x10];
	[tilespmem:s13+$0x30] =	vst v6  }
0x156: {  	v10 =	vld [tilespmem:s15+$0xC0];
	v9 =	vmul.f32 $5.656854150e+00, v9;
	[tilespmem:s13+$0xB0] =	vst v2  }
0x157: {  	v2 =	vld [tilespmem:s15+$0x0];
	[tilespmem:s13+$0x70] =	vst v4  }
0x158: {  	v12 =	vld [tilespmem:s15+$0xB0];
	v3 =	vmul.f32 $5.656854150e+00, v3;
	[tilespmem:s13+$0x60] =	vst v5;
	s13 =	smov.u32 s15  }
0x159: {  	v13 =	vld [tilespmem:s15+$0x50];
	[tilespmem:s15+$0xA0] =	vst v7  }
.Ltmp6:
0x15a: {  	v4 =	vmul.f32 $5.656854150e+00, v8;
	[tilespmem:s15+$0xD0] =	vst v3;
	v6 =	vld [tilespmem:s15+$0xF0];
	(pc) =	sbr.rel @p0 .LBB2_15-.Ltmp6, $4  }
0x15b: {  	v3 =	vld [tilespmem:s15+$0x80];
	v7 =	vmul.f32 $5.656854150e+00, v10;
	[tilespmem:s15+$0xE0] =	vst v9  }
0x15c: {  	v9 =	vmul.f32 $5.656854150e+00, v11;
	[tilespmem:s15+$0x40] =	vst v4;
	v4 =	vld [tilespmem:s15+$0x70]  }
0x15d: {  	v1 =	vmul.f32 $5.656854150e+00, v1;
	v8 =	vmul.f32 $5.656854150e+00, v2;
	v5 =	vld [tilespmem:s15+$0x60];
	[tilespmem:s15+$0xC0] =	vst v7  }
0x15e: {  	v2 =	vmul.f32 $5.656854150e+00, v12;
	s15 =	sadd.s32 $0x100, s15;
	[tilespmem:s13+$0x20] =	vst v9;
	v7 =	vld [tilespmem:s13+$0x30];
	v9 =	vmul.f32 $5.656854150e+00, v13  }
0x15f: {  	[tilespmem:s13+$0x0] =	vst v8  }
0x160: {  	[tilespmem:s13+$0x10] =	vst v1  }
0x161: {  	v6 =	vmul.f32 $5.656854150e+00, v6;
	[tilespmem:s13+$0x50] =	vst v9  }
0x162: {  	v0 =	vmul.f32 $5.656854150e+00, v0;
	[tilespmem:s13+$0xB0] =	vst v2  }
0x163: {  	v3 =	vmul.f32 $5.656854150e+00, v3;
	[tilespmem:s13+$0xF0] =	vst v6  }
0x164: {  	[tilespmem:s13+$0x90] =	vst v0;
	v0 =	vmul.f32 $5.656854150e+00, v4  }
0x165: {  	s9 =	sadd.s32 s9, s12;
	[tilespmem:s13+$0x80] =	vst v3;
	v1 =	vmul.f32 $5.656854150e+00, v5  }
0x166: {  	s9 =	sshll.u32 s9, $0xA;
	v3 =	vmul.f32 $5.656854150e+00, v7;
	[tilespmem:s13+$0x70] =	vst v0  }
0x167: {  	s9 =	sand.u32 $0x1FFFF800, s9;
	[tilespmem:s13+$0x60] =	vst v1  }
0x168: {  	s9 =	sadd.s32 s2, s9;
	[tilespmem:s13+$0x30] =	vst v3  }
0x169: {  	[hbm4b:s9+s3] =	stream.linear.scatter [tilespmem:s23], [sflag:$0x7], $0x2000, $0x38;
	[tilespmem:$0xE400] =	vst v63  }
0x16a: {  	_ =	swait.ge [sflag:s1], $0x2000  }
0x16b: {  	[sflag:s1] =	ssyncset.done $0x0  }
0x16c: {  	s15 =	sadd.s32 $0x500, s10;
	[sflag:s1] =	ssyncadd.s32 $0xFFFFE000  }
0x16d: {  	[tilespmem:s21], [sflag:$0x2] =	stream.indirect.gather [hbm4b:s4+s19], $0x20, s15, s19, $0xb8;
	[tilespmem:$0xE400] =	vst v63  }
0x16e: {  	_ =	swait.ge [sflag:s22], $0x2000  }
0x16f: {  	[sflag:s22] =	ssyncset.done $0x0  }
0x170: {  	s9 =	simm.s32 $0xC400;
	[sflag:s22] =	ssyncadd.s32 $0xFFFFE000  }
0x171: {  	v1 =	vld [tilespmem:s9+$0xA0]  }
0x172: {  	v2 =	vld [tilespmem:s9+$0x40]  }
0x173: {  	v3 =	vld [tilespmem:s9+$0xE0]  }
0x174: {  	v4 =	vld [tilespmem:s9+$0xD0]  }
0x175: {  	v5 =	vld [tilespmem:s9+$0x20]  }
0x176: {  	v0 =	vld [tilespmem:s9+$0x90]  }
0x177: {  	v8 =	vld [tilespmem:s9+$0xC0]  }
0x178: {  	v7 =	vld [tilespmem:s9+$0x10]  }
0x179: {  	v9 =	vld [tilespmem:s9+$0x0];
	v1 =	vmul.f32 $5.656854150e+00, v1  }
0x17a: {  	v11 =	vld [tilespmem:s9+$0x50];
	v4 =	vmul.f32 $5.656854150e+00, v4  }
0x17b: {  	v10 =	vld [tilespmem:s9+$0xB0];
	v12 =	vmul.f32 $5.656854150e+00, v5;
	[tilespmem:s9+$0xA0] =	vst v1  }
0x17c: {  	v6 =	vld [tilespmem:s9+$0xF0];
	v13 =	vmul.f32 $5.656854150e+00, v8;
	[tilespmem:s9+$0xD0] =	vst v4  }
0x17d: {  	v1 =	vmul.f32 $5.656854150e+00, v2;
	v2 =	vmul.f32 $5.656854150e+00, v3;
	v3 =	vld [tilespmem:s9+$0x80];
	[tilespmem:s9+$0x20] =	vst v12  }
0x17e: {  	v4 =	vld [tilespmem:s9+$0x70];
	[tilespmem:s9+$0xC0] =	vst v13  }
0x17f: {  	v8 =	vmul.f32 $5.656854150e+00, v9;
	v5 =	vld [tilespmem:s9+$0x60];
	v9 =	vmul.f32 $5.656854150e+00, v11;
	[tilespmem:s9+$0x40] =	vst v1  }
0x180: {  	s14 =	simm.s32 $0xC500;
	s13 =	simm.s32 $0x0;
	[tilespmem:s9+$0xE0] =	vst v2;
	v1 =	vmul.f32 $5.656854150e+00, v7;
	v7 =	vld [tilespmem:s9+$0x30];
	v2 =	vmul.f32 $5.656854150e+00, v10  }
.LBB2_17:
0x181: {  	v10 =	vld [tilespmem:s14+$0xA0];
	s13 =	sadd.s32 $0x8, s13;
	[tilespmem:s9+$0x0] =	vst v8;
	v0 =	vmul.f32 $5.656854150e+00, v0;
	v6 =	vmul.f32 $5.656854150e+00, v6  }
0x182: {  	v8 =	vld [tilespmem:s14+$0x40];
	p0 =	slt.u32 s13, $0xF8;
	[tilespmem:s9+$0x50] =	vst v9;
	v3 =	vmul.f32 $5.656854150e+00, v3  }
0x183: {  	v9 =	vld [tilespmem:s14+$0xE0];
	v4 =	vmul.f32 $5.656854150e+00, v4;
	[tilespmem:s9+$0xF0] =	vst v6  }
0x184: {  	v11 =	vld [tilespmem:s14+$0x20];
	v5 =	vmul.f32 $5.656854150e+00, v5;
	[tilespmem:s9+$0x80] =	vst v3  }
0x185: {  	v3 =	vld [tilespmem:s14+$0xD0];
	v6 =	vmul.f32 $5.656854150e+00, v7;
	[tilespmem:s9+$0x90] =	vst v0  }
0x186: {  	v0 =	vld [tilespmem:s14+$0x90];
	v7 =	vmul.f32 $5.656854150e+00, v10;
	[tilespmem:s9+$0x10] =	vst v1  }
0x187: {  	v1 =	vld [tilespmem:s14+$0x10];
	[tilespmem:s9+$0x30] =	vst v6  }
0x188: {  	v10 =	vld [tilespmem:s14+$0xC0];
	v9 =	vmul.f32 $5.656854150e+00, v9;
	[tilespmem:s9+$0xB0] =	vst v2  }
0x189: {  	v2 =	vld [tilespmem:s14+$0x0];
	[tilespmem:s9+$0x70] =	vst v4  }
0x18a: {  	v12 =	vld [tilespmem:s14+$0xB0];
	v3 =	vmul.f32 $5.656854150e+00, v3;
	[tilespmem:s9+$0x60] =	vst v5;
	s9 =	smov.u32 s14  }
0x18b: {  	v13 =	vld [tilespmem:s14+$0x50];
	[tilespmem:s14+$0xA0] =	vst v7  }
.Ltmp7:
0x18c: {  	v4 =	vmul.f32 $5.656854150e+00, v8;
	[tilespmem:s14+$0xD0] =	vst v3;
	v6 =	vld [tilespmem:s14+$0xF0];
	(pc) =	sbr.rel @p0 .LBB2_17-.Ltmp7, $4  }
0x18d: {  	v3 =	vld [tilespmem:s14+$0x80];
	v7 =	vmul.f32 $5.656854150e+00, v10;
	[tilespmem:s14+$0xE0] =	vst v9  }
0x18e: {  	v9 =	vmul.f32 $5.656854150e+00, v11;
	[tilespmem:s14+$0x40] =	vst v4;
	v4 =	vld [tilespmem:s14+$0x70]  }
0x18f: {  	v1 =	vmul.f32 $5.656854150e+00, v1;
	v8 =	vmul.f32 $5.656854150e+00, v2;
	v5 =	vld [tilespmem:s14+$0x60];
	[tilespmem:s14+$0xC0] =	vst v7  }
0x190: {  	v2 =	vmul.f32 $5.656854150e+00, v12;
	s14 =	sadd.s32 $0x100, s14;
	[tilespmem:s9+$0x20] =	vst v9;
	v7 =	vld [tilespmem:s9+$0x30];
	v9 =	vmul.f32 $5.656854150e+00, v13  }
0x191: {  	[tilespmem:s9+$0x0] =	vst v8  }
0x192: {  	[tilespmem:s9+$0x10] =	vst v1  }
0x193: {  	v6 =	vmul.f32 $5.656854150e+00, v6;
	[tilespmem:s9+$0x50] =	vst v9  }
0x194: {  	v0 =	vmul.f32 $5.656854150e+00, v0;
	[tilespmem:s9+$0xB0] =	vst v2  }
0x195: {  	v3 =	vmul.f32 $5.656854150e+00, v3;
	[tilespmem:s9+$0xF0] =	vst v6  }
0x196: {  	[tilespmem:s9+$0x90] =	vst v0;
	v62 =	vmul.f32 $5.656854150e+00, v4  }
0x197: {  	s8 =	sadd.s32 s5, s8;
	[tilespmem:s9+$0x80] =	vst v3;
	v63 =	vmul.f32 $5.656854150e+00, v5  }
0x198: {  	s8 =	sshll.u32 s8, $0xA;
	v61 =	vmul.f32 $5.656854150e+00, v7;
	[tilespmem:s9+$0x70] =	vst v62  }
0x199: {  	s6 =	sadd.s32 $0x1, s6;
	s8 =	sand.u32 $0x1FFFFC00, s8;
	[tilespmem:s9+$0x60] =	vst v63  }
0x19a: {  	p0 =	sne.s32 s6, $0x18;
	s8 =	sadd.s32 s2, s8;
	[tilespmem:s9+$0x30] =	vst v61  }
0x19b: {  	[hbm4b:s8+s3] =	stream.linear.scatter [tilespmem:s26], [sflag:$0x8], $0x2000, $0x38;
	[tilespmem:$0xE400] =	vst v63  }
.Ltmp8:
0x19c: {  	_ = 	snop;
	(pc) =	sbr.rel @p0 .LBB2_10-.Ltmp8, $4  }
0x19d: {  	_ =	swait.ge [sflag:s25], $0x2000  }
0x19e: {  	[sflag:s25] =	ssyncset.done $0x0  }
0x19f: {  	s15 =	sadd.s32 $0x600, s10;
	[sflag:s25] =	ssyncadd.s32 $0xFFFFE000  }
0x1a0: {  	[tilespmem:s23], [sflag:$0x3] =	stream.indirect.gather [hbm4b:s4+s19], $0x20, s15, s19, $0xb8;
	[tilespmem:$0xE400] =	vst v63  }
0x1a1: {  	_ =	swait.ge [sflag:s24], $0x2000  }
0x1a2: {  	[sflag:s24] =	ssyncset.done $0x0  }
0x1a3: {  	s6 =	simm.s32 $0x6480;
	[sflag:s24] =	ssyncadd.s32 $0xFFFFE000  }
0x1a4: {  	v0 =	vld [tilespmem:s6+$0xFFFFFF80]  }
0x1a5: {  	v1 =	vld [tilespmem:s6+$0xFFFFFF90]  }
0x1a6: {  	v2 =	vld [tilespmem:s6+$0xFFFFFFA0]  }
0x1a7: {  	v3 =	vld [tilespmem:s6+$0xFFFFFFB0]  }
0x1a8: {  	v4 =	vld [tilespmem:s6+$0xFFFFFFC0]  }
0x1a9: {  	v5 =	vld [tilespmem:s6+$0xFFFFFFD0];
	v0 =	vmul.f32 $5.656854150e+00, v0  }
0x1aa: {  	v6 =	vld [tilespmem:s6+$0xFFFFFFE0];
	v1 =	vmul.f32 $5.656854150e+00, v1  }
0x1ab: {  	[tilespmem:s6+$0xFFFFFF80] =	vst v0;
	v0 =	vmul.f32 $5.656854150e+00, v2;
	v2 =	vld [tilespmem:s6+$0x0]  }
0x1ac: {  	[tilespmem:s6+$0xFFFFFF90] =	vst v1;
	v1 =	vmul.f32 $5.656854150e+00, v3;
	v3 =	vld [tilespmem:s6+$0x10]  }
0x1ad: {  	[tilespmem:s6+$0xFFFFFFA0] =	vst v0;
	v0 =	vmul.f32 $5.656854150e+00, v4;
	v4 =	vld [tilespmem:s6+$0x20]  }
0x1ae: {  	v7 =	vld [tilespmem:s6+$0x30];
	[tilespmem:s6+$0xFFFFFFB0] =	vst v1;
	v1 =	vmul.f32 $5.656854150e+00, v5  }
0x1af: {  	v5 =	vmul.f32 $5.656854150e+00, v6;
	[tilespmem:s6+$0xFFFFFFC0] =	vst v0;
	v0 =	vld [tilespmem:s6+$0x40]  }
0x1b0: {  	[tilespmem:s6+$0xFFFFFFD0] =	vst v1;
	v1 =	vld [tilespmem:s6+$0x50];
	v2 =	vmul.f32 $5.656854150e+00, v2  }
0x1b1: {  	[tilespmem:s6+$0xFFFFFFE0] =	vst v5;
	v6 =	vmul.f32 $5.656854150e+00, v3;
	v3 =	vld [tilespmem:s6+$0x60]  }
0x1b2: {  	[tilespmem:s6+$0x0] =	vst v2;
	v5 =	vmul.f32 $5.656854150e+00, v4;
	v4 =	vld [tilespmem:s6+$0x70]  }
0x1b3: {  	s8 =	simm.s32 $0x0;
	s9 =	simm.s32 $0x6580;
	v2 =	vld [tilespmem:s6+$0xFFFFFFF0];
	[tilespmem:s6+$0x10] =	vst v6;
	v6 =	vmul.f32 $5.656854150e+00, v7  }
.LBB2_20:
0x1b4: {  	v7 =	vld [tilespmem:s9+$0xFFFFFF80];
	[tilespmem:s6+$0x20] =	vst v5;
	v0 =	vmul.f32 $5.656854150e+00, v0  }
0x1b5: {  	v5 =	vld [tilespmem:s9+$0xFFFFFF90];
	[tilespmem:s6+$0x30] =	vst v6;
	v1 =	vmul.f32 $5.656854150e+00, v1  }
0x1b6: {  	v6 =	vld [tilespmem:s9+$0xFFFFFFA0];
	[tilespmem:s6+$0x40] =	vst v0;
	v0 =	vmul.f32 $5.656854150e+00, v3  }
0x1b7: {  	v3 =	vld [tilespmem:s9+$0xFFFFFFB0];
	[tilespmem:s6+$0x50] =	vst v1;
	v1 =	vmul.f32 $5.656854150e+00, v4  }
0x1b8: {  	v4 =	vld [tilespmem:s9+$0xFFFFFFC0];
	v2 =	vmul.f32 $5.656854150e+00, v2;
	[tilespmem:s6+$0x60] =	vst v0  }
0x1b9: {  	v0 =	vmul.f32 $5.656854150e+00, v7;
	v7 =	vld [tilespmem:s9+$0xFFFFFFD0];
	[tilespmem:s6+$0x70] =	vst v1  }
0x1ba: {  	v1 =	vmul.f32 $5.656854150e+00, v5;
	v5 =	vld [tilespmem:s9+$0xFFFFFFE0];
	[tilespmem:s6+$0xFFFFFFF0] =	vst v2;
	s6 =	smov.u32 s9  }
0x1bb: {  	[tilespmem:s9+$0xFFFFFF80] =	vst v0;
	v0 =	vmul.f32 $5.656854150e+00, v6;
	v2 =	vld [tilespmem:s9+$0x0]  }
0x1bc: {  	[tilespmem:s9+$0xFFFFFF90] =	vst v1;
	v1 =	vmul.f32 $5.656854150e+00, v3;
	v3 =	vld [tilespmem:s9+$0x10]  }
0x1bd: {  	s8 =	sadd.s32 $0x8, s8;
	[tilespmem:s9+$0xFFFFFFA0] =	vst v0;
	v0 =	vmul.f32 $5.656854150e+00, v4;
	v4 =	vld [tilespmem:s9+$0x20]  }
0x1be: {  	p0 =	slt.u32 s8, $0xF8;
	[tilespmem:s9+$0xFFFFFFB0] =	vst v1;
	v1 =	vmul.f32 $5.656854150e+00, v7;
	v6 =	vld [tilespmem:s9+$0x30]  }
.Ltmp9:
0x1bf: {  	[tilespmem:s9+$0xFFFFFFC0] =	vst v0;
	v5 =	vmul.f32 $5.656854150e+00, v5;
	v0 =	vld [tilespmem:s9+$0x40];
	(pc) =	sbr.rel @p0 .LBB2_20-.Ltmp9, $4  }
0x1c0: {  	[tilespmem:s9+$0xFFFFFFD0] =	vst v1;
	v2 =	vmul.f32 $5.656854150e+00, v2;
	v1 =	vld [tilespmem:s9+$0x50]  }
0x1c1: {  	[tilespmem:s9+$0xFFFFFFE0] =	vst v5;
	v7 =	vmul.f32 $5.656854150e+00, v3;
	v3 =	vld [tilespmem:s9+$0x60]  }
0x1c2: {  	[tilespmem:s9+$0x0] =	vst v2;
	v5 =	vmul.f32 $5.656854150e+00, v4;
	v4 =	vld [tilespmem:s9+$0x70]  }
0x1c3: {  	s9 =	sadd.s32 $0x100, s9;
	v2 =	vld [tilespmem:s6+$0xFFFFFFF0];
	[tilespmem:s6+$0x10] =	vst v7;
	v6 =	vmul.f32 $5.656854150e+00, v6  }
0x1c4: {  	[tilespmem:s6+$0x20] =	vst v5;
	v0 =	vmul.f32 $5.656854150e+00, v0  }
0x1c5: {  	[tilespmem:s6+$0x30] =	vst v6;
	v1 =	vmul.f32 $5.656854150e+00, v1  }
0x1c6: {  	[tilespmem:s6+$0x40] =	vst v0;
	v0 =	vmul.f32 $5.656854150e+00, v3  }
0x1c7: {  	[tilespmem:s6+$0x50] =	vst v1;
	v1 =	vmul.f32 $5.656854150e+00, v4  }
0x1c8: {  	v2 =	vmul.f32 $5.656854150e+00, v2;
	[tilespmem:s6+$0x60] =	vst v0  }
0x1c9: {  	[tilespmem:s6+$0x70] =	vst v1  }
0x1ca: {  	s14 =	rddreg [dreg:$0x7];
	[tilespmem:s6+$0xFFFFFFF0] =	vst v2  }
0x1cb: {  	[hbm4b:s14+s3] =	stream.linear.scatter [tilespmem:s20], [sflag:$0x5], $0x2000, $0x38;
	[tilespmem:$0xE400] =	vst v63  }
0x1cc: {  	_ =	swait.ge [sflag:s0], $0x2000  }
0x1cd: {  	[sflag:s0] =	ssyncset.done $0x0  }
0x1ce: {  	s15 =	simm.s32 $0x6300;
	[sflag:s0] =	ssyncadd.s32 $0xFFFFE000  }
0x1cf: {  	[tilespmem:s26], [sflag:$0x4] =	stream.indirect.gather [hbm4b:s4+s19], $0x20, s15, s19, $0xb8;
	[tilespmem:$0xE400] =	vst v63  }
0x1d0: {  	_ =	swait.ge [sflag:s28], $0x2000  }
0x1d1: {  	[sflag:s28] =	ssyncset.done $0x0  }
0x1d2: {  	s6 =	simm.s32 $0x84F0;
	[sflag:s28] =	ssyncadd.s32 $0xFFFFE000  }
0x1d3: {  	v0 =	vld [tilespmem:s6+$0xFFFFFF10]  }
0x1d4: {  	v1 =	vld [tilespmem:s6+$0xFFFFFF20]  }
0x1d5: {  	v2 =	vld [tilespmem:s6+$0xFFFFFF30]  }
0x1d6: {  	v3 =	vld [tilespmem:s6+$0xFFFFFF40]  }
0x1d7: {  	v4 =	vld [tilespmem:s6+$0xFFFFFF50]  }
0x1d8: {  	v5 =	vld [tilespmem:s6+$0xFFFFFF60];
	v0 =	vmul.f32 $5.656854150e+00, v0  }
0x1d9: {  	v6 =	vld [tilespmem:s6+$0xFFFFFF70];
	v1 =	vmul.f32 $5.656854150e+00, v1  }
0x1da: {  	[tilespmem:s6+$0xFFFFFF10] =	vst v0;
	v0 =	vmul.f32 $5.656854150e+00, v2;
	v2 =	vld [tilespmem:s6+$0xFFFFFF80]  }
0x1db: {  	[tilespmem:s6+$0xFFFFFF20] =	vst v1;
	v1 =	vmul.f32 $5.656854150e+00, v3;
	v3 =	vld [tilespmem:s6+$0xFFFFFF90]  }
0x1dc: {  	[tilespmem:s6+$0xFFFFFF30] =	vst v0;
	v0 =	vmul.f32 $5.656854150e+00, v4;
	v4 =	vld [tilespmem:s6+$0xFFFFFFA0]  }
0x1dd: {  	v7 =	vld [tilespmem:s6+$0xFFFFFFB0];
	[tilespmem:s6+$0xFFFFFF40] =	vst v1;
	v1 =	vmul.f32 $5.656854150e+00, v5  }
0x1de: {  	v5 =	vmul.f32 $5.656854150e+00, v6;
	[tilespmem:s6+$0xFFFFFF50] =	vst v0;
	v0 =	vld [tilespmem:s6+$0xFFFFFFC0]  }
0x1df: {  	[tilespmem:s6+$0xFFFFFF60] =	vst v1;
	v1 =	vld [tilespmem:s6+$0xFFFFFFD0];
	v6 =	vmul.f32 $5.656854150e+00, v2  }
0x1e0: {  	[tilespmem:s6+$0xFFFFFF70] =	vst v5;
	v8 =	vmul.f32 $5.656854150e+00, v3;
	v2 =	vld [tilespmem:s6+$0xFFFFFFE0]  }
0x1e1: {  	v3 =	vld [tilespmem:s6+$0x0];
	[tilespmem:s6+$0xFFFFFF80] =	vst v6;
	v5 =	vmul.f32 $5.656854150e+00, v4  }
0x1e2: {  	s8 =	simm.s32 $0x0;
	s9 =	simm.s32 $0x85F0;
	[tilespmem:s6+$0xFFFFFF90] =	vst v8;
	v6 =	vmul.f32 $5.656854150e+00, v7;
	v4 =	vld [tilespmem:s6+$0xFFFFFFF0]  }
.LBB2_22:
0x1e3: {  	v7 =	vld [tilespmem:s9+$0xFFFFFF10];
	[tilespmem:s6+$0xFFFFFFA0] =	vst v5;
	v0 =	vmul.f32 $5.656854150e+00, v0  }
0x1e4: {  	v5 =	vld [tilespmem:s9+$0xFFFFFF20];
	[tilespmem:s6+$0xFFFFFFB0] =	vst v6;
	v1 =	vmul.f32 $5.656854150e+00, v1  }
0x1e5: {  	v6 =	vld [tilespmem:s9+$0xFFFFFF30];
	[tilespmem:s6+$0xFFFFFFC0] =	vst v0;
	v0 =	vmul.f32 $5.656854150e+00, v2  }
0x1e6: {  	v2 =	vld [tilespmem:s9+$0xFFFFFF40];
	[tilespmem:s6+$0xFFFFFFD0] =	vst v1;
	v1 =	vmul.f32 $5.656854150e+00, v3  }
0x1e7: {  	v3 =	vld [tilespmem:s9+$0xFFFFFF50];
	[tilespmem:s6+$0xFFFFFFE0] =	vst v0;
	v0 =	vmul.f32 $5.656854150e+00, v4  }
0x1e8: {  	v4 =	vmul.f32 $5.656854150e+00, v7;
	v7 =	vld [tilespmem:s9+$0xFFFFFF60];
	[tilespmem:s6+$0x0] =	vst v1  }
0x1e9: {  	v1 =	vmul.f32 $5.656854150e+00, v5;
	v5 =	vld [tilespmem:s9+$0xFFFFFF70];
	[tilespmem:s6+$0xFFFFFFF0] =	vst v0;
	s6 =	smov.u32 s9  }
0x1ea: {  	[tilespmem:s9+$0xFFFFFF10] =	vst v4;
	v0 =	vmul.f32 $5.656854150e+00, v6;
	v4 =	vld [tilespmem:s9+$0xFFFFFF80]  }
0x1eb: {  	[tilespmem:s9+$0xFFFFFF20] =	vst v1;
	v1 =	vmul.f32 $5.656854150e+00, v2;
	v2 =	vld [tilespmem:s9+$0xFFFFFF90]  }
0x1ec: {  	s8 =	sadd.s32 $0x8, s8;
	[tilespmem:s9+$0xFFFFFF30] =	vst v0;
	v0 =	vmul.f32 $5.656854150e+00, v3;
	v3 =	vld [tilespmem:s9+$0xFFFFFFA0]  }
0x1ed: {  	p0 =	slt.u32 s8, $0xF8;
	[tilespmem:s9+$0xFFFFFF40] =	vst v1;
	v1 =	vmul.f32 $5.656854150e+00, v7;
	v6 =	vld [tilespmem:s9+$0xFFFFFFB0]  }
.Ltmp10:
0x1ee: {  	[tilespmem:s9+$0xFFFFFF50] =	vst v0;
	v5 =	vmul.f32 $5.656854150e+00, v5;
	v0 =	vld [tilespmem:s9+$0xFFFFFFC0];
	(pc) =	sbr.rel @p0 .LBB2_22-.Ltmp10, $4  }
0x1ef: {  	[tilespmem:s9+$0xFFFFFF60] =	vst v1;
	v4 =	vmul.f32 $5.656854150e+00, v4;
	v1 =	vld [tilespmem:s9+$0xFFFFFFD0]  }
0x1f0: {  	[tilespmem:s9+$0xFFFFFF70] =	vst v5;
	v7 =	vmul.f32 $5.656854150e+00, v2;
	v2 =	vld [tilespmem:s9+$0xFFFFFFE0]  }
0x1f1: {  	[tilespmem:s9+$0xFFFFFF80] =	vst v4;
	v5 =	vmul.f32 $5.656854150e+00, v3;
	v3 =	vld [tilespmem:s9+$0x0]  }
0x1f2: {  	s9 =	sadd.s32 $0x100, s9;
	[tilespmem:s6+$0xFFFFFF90] =	vst v7;
	v6 =	vmul.f32 $5.656854150e+00, v6;
	v4 =	vld [tilespmem:s6+$0xFFFFFFF0]  }
0x1f3: {  	[tilespmem:s6+$0xFFFFFFA0] =	vst v5;
	v0 =	vmul.f32 $5.656854150e+00, v0  }
0x1f4: {  	[tilespmem:s6+$0xFFFFFFB0] =	vst v6;
	v1 =	vmul.f32 $5.656854150e+00, v1  }
0x1f5: {  	[tilespmem:s6+$0xFFFFFFC0] =	vst v0;
	v0 =	vmul.f32 $5.656854150e+00, v2  }
0x1f6: {  	[tilespmem:s6+$0xFFFFFFD0] =	vst v1;
	v1 =	vmul.f32 $5.656854150e+00, v3  }
0x1f7: {  	[tilespmem:s6+$0xFFFFFFE0] =	vst v0;
	v0 =	vmul.f32 $5.656854150e+00, v4  }
0x1f8: {  	[tilespmem:s6+$0x0] =	vst v1  }
0x1f9: {  	s15 =	rddreg [dreg:$0x8];
	[tilespmem:s6+$0xFFFFFFF0] =	vst v0  }
0x1fa: {  	[hbm4b:s15+s3] =	stream.linear.scatter [tilespmem:s21], [sflag:$0x6], $0x2000, $0x38;
	[tilespmem:$0xE400] =	vst v63  }
0x1fb: {  	_ =	swait.ge [sflag:s29], $0x2000  }
0x1fc: {  	[sflag:s29] =	ssyncset.done $0x0  }
0x1fd: {  	[sflag:s29] =	ssyncadd.s32 $0xFFFFE000  }
0x1fe: {  	_ =	swait.ge [sflag:s31], $0x2000  }
0x1ff: {  	[sflag:s31] =	ssyncset.done $0x0  }
0x200: {  	s6 =	simm.s32 $0xA400;
	[sflag:s31] =	ssyncadd.s32 $0xFFFFE000  }
0x201: {  	v1 =	vld [tilespmem:s6+$0xA0]  }
0x202: {  	v2 =	vld [tilespmem:s6+$0x40]  }
0x203: {  	v3 =	vld [tilespmem:s6+$0xE0]  }
0x204: {  	v4 =	vld [tilespmem:s6+$0xD0]  }
0x205: {  	v5 =	vld [tilespmem:s6+$0x20]  }
0x206: {  	v0 =	vld [tilespmem:s6+$0x90]  }
0x207: {  	v8 =	vld [tilespmem:s6+$0xC0]  }
0x208: {  	v7 =	vld [tilespmem:s6+$0x10]  }
0x209: {  	v9 =	vld [tilespmem:s6+$0x0];
	v1 =	vmul.f32 $5.656854150e+00, v1  }
0x20a: {  	v11 =	vld [tilespmem:s6+$0x50];
	v4 =	vmul.f32 $5.656854150e+00, v4  }
0x20b: {  	v10 =	vld [tilespmem:s6+$0xB0];
	v12 =	vmul.f32 $5.656854150e+00, v5;
	[tilespmem:s6+$0xA0] =	vst v1  }
0x20c: {  	v6 =	vld [tilespmem:s6+$0xF0];
	v13 =	vmul.f32 $5.656854150e+00, v8;
	[tilespmem:s6+$0xD0] =	vst v4  }
0x20d: {  	v1 =	vmul.f32 $5.656854150e+00, v2;
	v2 =	vmul.f32 $5.656854150e+00, v3;
	v3 =	vld [tilespmem:s6+$0x80];
	[tilespmem:s6+$0x20] =	vst v12  }
0x20e: {  	v4 =	vld [tilespmem:s6+$0x70];
	[tilespmem:s6+$0xC0] =	vst v13  }
0x20f: {  	v8 =	vmul.f32 $5.656854150e+00, v9;
	v5 =	vld [tilespmem:s6+$0x60];
	v9 =	vmul.f32 $5.656854150e+00, v11;
	[tilespmem:s6+$0x40] =	vst v1  }
0x210: {  	s8 =	simm.s32 $0x0;
	s9 =	simm.s32 $0xA500;
	[tilespmem:s6+$0xE0] =	vst v2;
	v1 =	vmul.f32 $5.656854150e+00, v7;
	v7 =	vld [tilespmem:s6+$0x30];
	v2 =	vmul.f32 $5.656854150e+00, v10  }
.LBB2_24:
0x211: {  	v10 =	vld [tilespmem:s9+$0xA0];
	s8 =	sadd.s32 $0x8, s8;
	[tilespmem:s6+$0x0] =	vst v8;
	v0 =	vmul.f32 $5.656854150e+00, v0;
	v6 =	vmul.f32 $5.656854150e+00, v6  }
0x212: {  	v8 =	vld [tilespmem:s9+$0x40];
	p0 =	slt.u32 s8, $0xF8;
	[tilespmem:s6+$0x50] =	vst v9;
	v3 =	vmul.f32 $5.656854150e+00, v3  }
0x213: {  	v9 =	vld [tilespmem:s9+$0xE0];
	v4 =	vmul.f32 $5.656854150e+00, v4;
	[tilespmem:s6+$0xF0] =	vst v6  }
0x214: {  	v11 =	vld [tilespmem:s9+$0x20];
	v5 =	vmul.f32 $5.656854150e+00, v5;
	[tilespmem:s6+$0x80] =	vst v3  }
0x215: {  	v3 =	vld [tilespmem:s9+$0xD0];
	v6 =	vmul.f32 $5.656854150e+00, v7;
	[tilespmem:s6+$0x90] =	vst v0  }
0x216: {  	v0 =	vld [tilespmem:s9+$0x90];
	v7 =	vmul.f32 $5.656854150e+00, v10;
	[tilespmem:s6+$0x10] =	vst v1  }
0x217: {  	v1 =	vld [tilespmem:s9+$0x10];
	[tilespmem:s6+$0x30] =	vst v6  }
0x218: {  	v10 =	vld [tilespmem:s9+$0xC0];
	v9 =	vmul.f32 $5.656854150e+00, v9;
	[tilespmem:s6+$0xB0] =	vst v2  }
0x219: {  	v2 =	vld [tilespmem:s9+$0x0];
	[tilespmem:s6+$0x70] =	vst v4  }
0x21a: {  	v12 =	vld [tilespmem:s9+$0xB0];
	v3 =	vmul.f32 $5.656854150e+00, v3;
	[tilespmem:s6+$0x60] =	vst v5;
	s6 =	smov.u32 s9  }
0x21b: {  	v13 =	vld [tilespmem:s9+$0x50];
	[tilespmem:s9+$0xA0] =	vst v7  }
.Ltmp11:
0x21c: {  	v4 =	vmul.f32 $5.656854150e+00, v8;
	[tilespmem:s9+$0xD0] =	vst v3;
	v6 =	vld [tilespmem:s9+$0xF0];
	(pc) =	sbr.rel @p0 .LBB2_24-.Ltmp11, $4  }
0x21d: {  	v3 =	vld [tilespmem:s9+$0x80];
	v7 =	vmul.f32 $5.656854150e+00, v10;
	[tilespmem:s9+$0xE0] =	vst v9  }
0x21e: {  	v9 =	vmul.f32 $5.656854150e+00, v11;
	[tilespmem:s9+$0x40] =	vst v4;
	v4 =	vld [tilespmem:s9+$0x70]  }
0x21f: {  	v1 =	vmul.f32 $5.656854150e+00, v1;
	v8 =	vmul.f32 $5.656854150e+00, v2;
	v5 =	vld [tilespmem:s9+$0x60];
	[tilespmem:s9+$0xC0] =	vst v7  }
0x220: {  	v2 =	vmul.f32 $5.656854150e+00, v12;
	s9 =	sadd.s32 $0x100, s9;
	[tilespmem:s6+$0x20] =	vst v9;
	v7 =	vld [tilespmem:s6+$0x30];
	v9 =	vmul.f32 $5.656854150e+00, v13  }
0x221: {  	[tilespmem:s6+$0x0] =	vst v8  }
0x222: {  	[tilespmem:s6+$0x10] =	vst v1  }
0x223: {  	v6 =	vmul.f32 $5.656854150e+00, v6;
	[tilespmem:s6+$0x50] =	vst v9  }
0x224: {  	v0 =	vmul.f32 $5.656854150e+00, v0;
	[tilespmem:s6+$0xB0] =	vst v2  }
0x225: {  	v3 =	vmul.f32 $5.656854150e+00, v3;
	[tilespmem:s6+$0xF0] =	vst v6  }
0x226: {  	[tilespmem:s6+$0x90] =	vst v0;
	v0 =	vmul.f32 $5.656854150e+00, v4  }
0x227: {  	[tilespmem:s6+$0x80] =	vst v3;
	v1 =	vmul.f32 $5.656854150e+00, v5  }
0x228: {  	v3 =	vmul.f32 $5.656854150e+00, v7;
	[tilespmem:s6+$0x70] =	vst v0  }
0x229: {  	[tilespmem:s6+$0x60] =	vst v1  }
0x22a: {  	s15 =	rddreg [dreg:$0x9];
	[tilespmem:s6+$0x30] =	vst v3  }
0x22b: {  	[hbm4b:s15+s3] =	stream.linear.scatter [tilespmem:s23], [sflag:$0x7], $0x2000, $0x38;
	[tilespmem:$0xE400] =	vst v63  }
0x22c: {  	_ =	swait.ge [sflag:s1], $0x2000  }
0x22d: {  	[sflag:s1] =	ssyncset.done $0x0  }
0x22e: {  	[sflag:s1] =	ssyncadd.s32 $0xFFFFE000  }
0x22f: {  	_ =	swait.ge [sflag:s22], $0x2000  }
0x230: {  	[sflag:s22] =	ssyncset.done $0x0  }
0x231: {  	s6 =	simm.s32 $0xC400;
	[sflag:s22] =	ssyncadd.s32 $0xFFFFE000  }
0x232: {  	v1 =	vld [tilespmem:s6+$0xA0]  }
0x233: {  	v2 =	vld [tilespmem:s6+$0x40]  }
0x234: {  	v3 =	vld [tilespmem:s6+$0xE0]  }
0x235: {  	v4 =	vld [tilespmem:s6+$0xD0]  }
0x236: {  	v5 =	vld [tilespmem:s6+$0x20]  }
0x237: {  	v0 =	vld [tilespmem:s6+$0x90]  }
0x238: {  	v8 =	vld [tilespmem:s6+$0xC0]  }
0x239: {  	v7 =	vld [tilespmem:s6+$0x10]  }
0x23a: {  	v9 =	vld [tilespmem:s6+$0x0];
	v1 =	vmul.f32 $5.656854150e+00, v1  }
0x23b: {  	v11 =	vld [tilespmem:s6+$0x50];
	v4 =	vmul.f32 $5.656854150e+00, v4  }
0x23c: {  	v10 =	vld [tilespmem:s6+$0xB0];
	v12 =	vmul.f32 $5.656854150e+00, v5;
	[tilespmem:s6+$0xA0] =	vst v1  }
0x23d: {  	v6 =	vld [tilespmem:s6+$0xF0];
	v13 =	vmul.f32 $5.656854150e+00, v8;
	[tilespmem:s6+$0xD0] =	vst v4  }
0x23e: {  	v1 =	vmul.f32 $5.656854150e+00, v2;
	v2 =	vmul.f32 $5.656854150e+00, v3;
	v3 =	vld [tilespmem:s6+$0x80];
	[tilespmem:s6+$0x20] =	vst v12  }
0x23f: {  	v4 =	vld [tilespmem:s6+$0x70];
	[tilespmem:s6+$0xC0] =	vst v13  }
0x240: {  	v8 =	vmul.f32 $5.656854150e+00, v9;
	v5 =	vld [tilespmem:s6+$0x60];
	v9 =	vmul.f32 $5.656854150e+00, v11;
	[tilespmem:s6+$0x40] =	vst v1  }
0x241: {  	s8 =	simm.s32 $0x0;
	s9 =	simm.s32 $0xC500;
	[tilespmem:s6+$0xE0] =	vst v2;
	v1 =	vmul.f32 $5.656854150e+00, v7;
	v7 =	vld [tilespmem:s6+$0x30];
	v2 =	vmul.f32 $5.656854150e+00, v10  }
.LBB2_26:
0x242: {  	v10 =	vld [tilespmem:s9+$0xA0];
	s8 =	sadd.s32 $0x8, s8;
	[tilespmem:s6+$0x0] =	vst v8;
	v0 =	vmul.f32 $5.656854150e+00, v0;
	v6 =	vmul.f32 $5.656854150e+00, v6  }
0x243: {  	v8 =	vld [tilespmem:s9+$0x40];
	p0 =	slt.u32 s8, $0xF8;
	[tilespmem:s6+$0x50] =	vst v9;
	v3 =	vmul.f32 $5.656854150e+00, v3  }
0x244: {  	v9 =	vld [tilespmem:s9+$0xE0];
	v4 =	vmul.f32 $5.656854150e+00, v4;
	[tilespmem:s6+$0xF0] =	vst v6  }
0x245: {  	v11 =	vld [tilespmem:s9+$0x20];
	v5 =	vmul.f32 $5.656854150e+00, v5;
	[tilespmem:s6+$0x80] =	vst v3  }
0x246: {  	v3 =	vld [tilespmem:s9+$0xD0];
	v6 =	vmul.f32 $5.656854150e+00, v7;
	[tilespmem:s6+$0x90] =	vst v0  }
0x247: {  	v0 =	vld [tilespmem:s9+$0x90];
	v7 =	vmul.f32 $5.656854150e+00, v10;
	[tilespmem:s6+$0x10] =	vst v1  }
0x248: {  	v1 =	vld [tilespmem:s9+$0x10];
	[tilespmem:s6+$0x30] =	vst v6  }
0x249: {  	v10 =	vld [tilespmem:s9+$0xC0];
	v9 =	vmul.f32 $5.656854150e+00, v9;
	[tilespmem:s6+$0xB0] =	vst v2  }
0x24a: {  	v2 =	vld [tilespmem:s9+$0x0];
	[tilespmem:s6+$0x70] =	vst v4  }
0x24b: {  	v12 =	vld [tilespmem:s9+$0xB0];
	v3 =	vmul.f32 $5.656854150e+00, v3;
	[tilespmem:s6+$0x60] =	vst v5;
	s6 =	smov.u32 s9  }
0x24c: {  	v13 =	vld [tilespmem:s9+$0x50];
	[tilespmem:s9+$0xA0] =	vst v7  }
.Ltmp12:
0x24d: {  	v4 =	vmul.f32 $5.656854150e+00, v8;
	[tilespmem:s9+$0xD0] =	vst v3;
	v6 =	vld [tilespmem:s9+$0xF0];
	(pc) =	sbr.rel @p0 .LBB2_26-.Ltmp12, $4  }
0x24e: {  	v3 =	vld [tilespmem:s9+$0x80];
	v7 =	vmul.f32 $5.656854150e+00, v10;
	[tilespmem:s9+$0xE0] =	vst v9  }
0x24f: {  	v9 =	vmul.f32 $5.656854150e+00, v11;
	[tilespmem:s9+$0x40] =	vst v4;
	v4 =	vld [tilespmem:s9+$0x70]  }
0x250: {  	v1 =	vmul.f32 $5.656854150e+00, v1;
	v8 =	vmul.f32 $5.656854150e+00, v2;
	v5 =	vld [tilespmem:s9+$0x60];
	[tilespmem:s9+$0xC0] =	vst v7  }
0x251: {  	v2 =	vmul.f32 $5.656854150e+00, v12;
	s9 =	sadd.s32 $0x100, s9;
	[tilespmem:s6+$0x20] =	vst v9;
	v7 =	vld [tilespmem:s6+$0x30];
	v9 =	vmul.f32 $5.656854150e+00, v13  }
0x252: {  	[tilespmem:s6+$0x0] =	vst v8  }
0x253: {  	[tilespmem:s6+$0x10] =	vst v1  }
0x254: {  	v6 =	vmul.f32 $5.656854150e+00, v6;
	[tilespmem:s6+$0x50] =	vst v9  }
0x255: {  	v0 =	vmul.f32 $5.656854150e+00, v0;
	[tilespmem:s6+$0xB0] =	vst v2  }
0x256: {  	v3 =	vmul.f32 $5.656854150e+00, v3;
	[tilespmem:s6+$0xF0] =	vst v6  }
0x257: {  	[tilespmem:s6+$0x90] =	vst v0;
	v62 =	vmul.f32 $5.656854150e+00, v4  }
0x258: {  	[tilespmem:s6+$0x80] =	vst v3;
	v63 =	vmul.f32 $5.656854150e+00, v5  }
0x259: {  	v61 =	vmul.f32 $5.656854150e+00, v7;
	[tilespmem:s6+$0x70] =	vst v62  }
0x25a: {  	[tilespmem:s6+$0x60] =	vst v63  }
0x25b: {  	s30 =	sadd.s32 $0x1, s30;
	[tilespmem:s6+$0x30] =	vst v61  }
0x25c: {  	[hbm4b:s16+s3] =	stream.linear.scatter [tilespmem:s26], [sflag:$0x8], $0x2000, $0x38;
	[tilespmem:$0xE400] =	vst v63  }
0x25d: {  	p0 =	sne.s32 s30, s17;
	_ =	swait.ge [sflag:s25], $0x2000  }
.Ltmp13:
0x25e: {  	[sflag:s25] =	ssyncset.done $0x0;
	(pc) =	sbr.rel @p0 .LBB2_1-.Ltmp13, $4  }
0x25f: {  	[sflag:s25] =	ssyncadd.s32 $0xFFFFE000  }
0x260: {  	_ =	swait.ge [sflag:s0], $0x2000  }
0x261: {  	[sflag:s0] =	ssyncset.done $0x0  }
0x262: {  	[sflag:s0] =	ssyncadd.s32 $0xFFFFE000  }
0x263: {  	_ =	sfence.sel $0x180000  }
0x264: {  	[bflag:$0x0] =	sbarrier.arrive $0xFFFF  }
0x265: {  	_ =	strace $0x90000047  }
0x266: {  	s0 =	stileid.u32;
	[bflag:$0x2] =	sbarrier.arrive $0xFFFF  }
0x267: {  	p0 =	sne.s32 s0, $0x0;
	s0 =	rddreg [dreg:$0x2]  }
0x268: {  	s0 =	sadd.s32 @!p0 $0x100000, s0  }
0x269: {  	[sflag:s0] =	ssyncadd.tile.s32 @!p0 $0x1;
	_ =	shalt  }
.Lfunc_end2:
_tile_overlayer_lowered:
.L_overlay_start_2:
0x26a: {  	(tag) =	ssettag $0x2  }
0x26b: {  	s0 =	rddreg [dreg:$0x0];
	s2 =	stileid.u32  }
0x26c: {  	s1 =	rddreg [dreg:$0x1];
	p0 =	sne.s32 s2, $0x0  }
0x26d: {  	s3 =	rddreg [dreg:$0x2];
	[bflag:$0x3] =	sbarrier.arrive $0xFFFF;
	s2 =	simm.s32 @!p0 $0x1C09  }
0x26e: {  	[timem:s3], [sflag:s2] =	dma.local @!p0 [hbm:s0], s1  }
0x26f: {  	s0 =	simm.s32 @!p0 $0x9  }
0x270: {  	_ =	swait.ge @!p0 [sflag:s0], s1  }
0x271: {  	s1 =	ssub.s32 @!p0 $0x0, s1;
	[sflag:s0] =	ssyncset.done @!p0 $0x0  }
0x272: {  	[sflag:s0] =	ssyncadd.s32 @!p0 s1  }
0x273: {  	[bflag:$0x3] =	sbarrier.arrive $0xFFFF  }
0x274: {  	_ =	shalt  }

// kernel: sparse-core-data-format-call.cloned.1.call-start
scs
called_computation_lowered:
.L_overlay_start_0:
0x0: {  	s2 =	sld [smem:$0x3FD9]  }
0x1: {  	s3 =	sld [smem:$0x3FFE];
	_ =	sdelay $0x1  }
0x2: {  	s1 =	srdreg.scid  }
0x3: {  	s0 =	sand.u32 $0x1, s1  }
0x4: {  	s18 =	sshll.u32 s0, $0xA;
	s2 =	sadd.s32 s3, s2  }
0x5: {  	s2 =	sadd.s32 s2, s18  }
0x6: {  	[smem:$0x3FC6] =	sst s2  }
0x7: {  	_ = 	snop  }
0x8: {  	s2 =	sld [smem:$0x3FD0];
	(tm) =	ssettm $0x1  }
0x9: {  	s19 =	sld [smem:$0x3FFB];
	_ =	sdelay $0x3  }
0xa: {  	_ =	strace s19  }
0xb: {  	s3 =	sld [smem:$0x3FFC];
	_ =	sdelay $0x3  }
0xc: {  	_ =	strace s3  }
0xd: {  	s3 =	sld [smem:$0x3FFD];
	_ =	sdelay $0x3  }
0xe: {  	_ =	strace s3  }
0xf: {  	_ =	strace $0x8FFFFFFF  }
0x10: {  	s20 =	sld [smem:$0x3FDB];
	_ =	sdelay $0x1  }
0x11: {  	s4 =	simm.s32 $_scs_section_size  }
0x12: {  	s5 =	simm.s32 $_size__tile_overlayer_lowered;
	s6 =	simm.s32 $_tile_overlayer_lowered  }
0x13: {  	s23 =	simm.s32 $0x1BFF;
	s22 =	sshll.u32 s6, $0x1;
	s3 =	sadd.s32 s4, s20  }
0x14: {  	s7 =	simm.s32 $0x0;
	s21 =	sshll.u32 s5, $0x1;
	s5 =	sadd.s32 s22, s3  }
0x15: {  	[timem:s7], [sflag:s23] =	dma.local [hbm:s5], s21  }
0x16: {  	_ =	swait.ge [sflag:s23], s21  }
0x17: {  	s4 =	ssub.s32 $0x0, s21;
	[sflag:s23] =	ssyncset.done $0x0  }
0x18: {  	[sflag:s23] =	ssyncadd.s32 s4;
	_ =	sdelay $0x1  }
0x19: {  	s24 =	simm.s32 $0x1B8B  }
0x1a: {  	_ =	swait.ge [sflag:s24], $0x1  }
0x1b: {  	[sflag:s24] =	ssyncset.done $0x0  }
0x1c: {  	s26 =	simm.s32 $0x1B8E;
	s25 =	sld [smem:$0x3FFE];
	[sflag:s24] =	ssyncadd.s32 $0xFFFFFFFF  }
0x1d: {  	s27 =	simm.s32 $execute0_lowered;
	[smem:$0x3FD2] =	sst s26  }
0x1e: {  	s5 =	sshll.u32 s27, $0x1;
	_ =	strace $0x80000049;
	[dreg:$0x1] =	wrdreg $0xFFFFFFFF  }
0x1f: {  	s28 =	simm.s32 $_size_execute0_lowered;
	s3 =	sadd.s32 s3, s5;
	[dreg:$0x0] =	wrdreg $0x0  }
0x20: {  	s5 =	sshll.u32 s28, $0x1;
	[dreg:$0x2] =	wrdreg s3  }
0x21: {  	[dreg:$0x3] =	wrdreg s5  }
0x22: {  	[dreg:$0x4] =	wrdreg $0xC0  }
0x23: {  	_ =	task [dreg:s7], $0x5FFFF  }
0x24: {  	[dreg:$0x1] =	wrdreg $0xFFFFFFFF  }
0x25: {  	[dreg:$0x0] =	wrdreg $0x60  }
0x26: {  	[dreg:$0x2] =	wrdreg s25  }
0x27: {  	[dreg:$0x3] =	wrdreg s2  }
0x28: {  	[dreg:$0x4] =	wrdreg $0x9  }
0x29: {  	_ =	task.clear_ibuf [dreg:s7], $0x5FFFF;
	_ =	strace $0x90000049  }
0x2a: {  	s29 =	simm.s32 $0x9;
	_ =	strace $0x8000004B  }
0x2b: {  	_ =	swait.ge [sflag:s29], $0x1  }
0x2c: {  	[sflag:s29] =	ssyncadd.s32 $0xFFFFFFFF  }
0x2d: {  	_ =	strace $0x9000004B  }
0x2e: {  	_ =	sfence  }
0x2f: {  	s30 =	sld [smem:$0x0];
	_ =	sdelay $0x2  }
0x30: {  	s31 =	sshll.u32 s1, $0xD;
	s1 =	sshrl.u32 s1, $0x2  }
0x31: {  	s3 =	sand.u32 $0x4000, s31;
	s1 =	sadd.s32 s1, s30  }
0x32: {  	s0 =	sor.u32 s3, s0;
	s1 =	sshll.u32 s1, $0x11  }
0x33: {  	s0 =	sor.u32 s1, s0  }
0x34: {  	s0 =	sadd.s32 $0x8F2B, s0  }
0x35: {  	[sflag:s0] =	ssyncadd.remote.s32 $0x1  }
0x36: {  	_ =	sfence.sel $0xFFFF  }
0x37: {  	[dreg:$0x0] =	wrdreg $0xFFFFFFFF;
	(pc) =	sbr.abs _section_cstart, $3  }
0x38: {  	[dreg:$0x1] =	wrdreg $0xFFFFFFFF  }
0x39: {  	_ =	task.clear_ibuf [dreg:s7], $0x2FFFF;
	_ =	strace $0x9FFFFFFF  }
0x3a: {  	(tm) =	ssettm $0x7FFFFFFF  }
0x3b: {  	_ =	shalt  }
tec
execute0_lowered:
.L_overlay_start_1:
0x0: {  	(tag) =	ssettag $0x1  }
0x1: {  	s0 =	srdreg.scid  }
0x2: {  	s1 =	sshll.u32 s0, $0x4  }
0x3: {  	s0 =	stileid.u32;
	s1 =	sand.u32 $0x10, s1  }
0x4: {  	s1 =	sor.u32 s0, s1  }
0x5: {  	s6 =	rddreg [dreg:$0x0];
	s4 =	simm.s32 $0x1;
	s2 =	sshll.u32 s1, $0x7  }
0x6: {  	s7 =	simm.s32 $0x2;
	s12 =	simm.s32 $0x0;
	s1 =	ssub.s32 $0x1000, s2  }
0x7: {  	s8 =	simm.s32 $0x8000;
	s13 =	simm.s32 $0x0;
	s3 =	sand.u32 $0xF80, s1  }
0x8: {  	s9 =	simm.s32 $0x0;
	s5 =	sshrl.u32 s1, $0xC;
	p0 =	sne.s32 s3, $0x0  }
.Ltmp0:
0x9: {  	s1 =	rddreg [dreg:$0x2];
	s4 =	simm.s32 @!p0 $0x0;
	(pc) =	sbr.rel .LBB1_1-.Ltmp0, $4  }
0xa: {  	s11 =	simm.s32 $0x0;
	s3 =	rddreg [dreg:$0x1];
	s5 =	sadd.s32 s4, s5  }
0xb: {  	_ =	strace $0x8000004A;
	s4 =	simm.s32 $0x1;
	s5 =	smul.u32 $0xC8, s5  }
0xc: {  	s6 =	sadd.s32 $0xA00, s6;
	s10 =	smov.u32 s2;
	[sflag:s4] =	ssyncpa.u1 $0x0  }
0xd: {  	p0 =	por $0x0, $0x0;
	[sflag:s7] =	ssyncpa.u1 $0x0;
	s7 =	sor.u32 $0x1, s5  }
.LBB1_4:
0xe: {  	s16 =	sshll.u32 s13, $0x3;
	s17 =	sand.u32 $0x78, s13  }
0xf: {  	s30 =	sand.u32 $0x3E00, s13;
	s12 =	sshll.u32 s12, $0xE;
	s16 =	sand.u32 $0xC00, s16  }
0x10: {  	s31 =	sand.u32 $0x7, s13;
	s16 =	sor.u32 s17, s16;
	s17 =	sadd.s32 s3, s30  }
0x11: {  	s13 =	sshll.u32 s31, $0x12;
	s16 =	sshrl.u32 s16, $0x3;
	s12 =	sadd.s32 s12, s17  }
0x12: {  	[tilespmem:s15+$0x0 ss:$0x81] =	vst.msk $0xffff, v0;
	s13 =	sor.u32 $0x400, s13;
	s12 =	sadd.s32 s16, s12  }
0x13: {  	[hbm4b:s12+s13] =	stream.strided.scatter [tilespmem:s14], [sflag:$0x2], $0x1000, s8, s13, $0x20;
	[tilespmem:$0x4040] =	vst v63  }
.LBB1_5:
0x14: {  	s14 =	sadd.s32 $0x1, s9  }
0x15: {  	s12 =	sadd.s32 $0x1000, s10;
	s16 =	smov.u32 s10;
	p2 =	sgt.s32 s14, $0xC7  }
0x16: {  	s16 =	smov.u32 @p2 s12  }
0x17: {  	s14 =	simm.s32 @p2 $0x0;
	p2 =	sgt.s32 s16, $0xFFF  }
0x18: {  	s16 =	smov.u32 @p2 s2;
	p2 =	sne.s32 s11, s7  }
.Ltmp1:
0x19: {  	p1 =	slt.u32 s11, $0x2;
	(pc) =	sbr.rel @!p2 .LBB1_6-.Ltmp1, $4  }
0x1a: {  	s15 =	simm.s32 @!p1 $0x2  }
0x1b: {  	s13 =	smov.u32 s10;
	p0 =	por !p0, !p0;
	_ =	swait.ge @!p1 [sflag:s15], $0x1000  }
0x1c: {  	s12 =	smov.u32 s9;
	[sflag:s15] =	ssyncset.done @!p1 $0x0;
	s9 =	smov.u32 s14  }
0x1d: {  	s11 =	sadd.s32 $0x1, s11;
	[sflag:s15] =	ssyncadd.s32 @!p1 $0xFFFFF000;
	s10 =	smov.u32 s16  }
.LBB1_1:
0x1e: {  	p1 =	sge.u32 s11, s5  }
0x1f: {  	s14 =	sand.u32 @!p1 $0x1FFFFFF, s9  }
0x20: {  	s15 =	smulhi.u32 @!p1 $0x147AE15, s14;
	_ =	sdelay $0x1  }
0x21: {  	s15 =	smul.u32 @!p1 $0xC8, s15  }
0x22: {  	s16 =	sxor.u32 @!p1 $0xFFFFFFFF, s11;
	s17 =	smul.u32 @!p1 $0xC80, s10  }
0x23: {  	s31 =	sadd.s32 $0xFFFFFFFF, s11;
	s16 =	sshll.u32 @!p1 s16, $0xC;
	s14 =	ssub.s32 @!p1 s14, s15  }
0x24: {  	s15 =	sand.u32 @!p1 $0x1000, s16;
	s16 =	sadd.s32 @!p1 s6, s17;
	s14 =	sshll.u32 @!p1 s14, $0x4  }
0x25: {  	s17 =	simm.s32 @!p1 $0x6400;
	s14 =	sadd.s32 @!p1 s14, s16;
	s16 =	simm.s32 @!p1 $0x20  }
0x26: {  	[tilespmem:s15], [sflag:$0x1] =	stream.strided.gather @!p1 [hbm4b:s14+s16], $0x1000, s17, s16, $0x38;
	[tilespmem:$0x4040] =	vst v63  }
0x27: {  	p1 =	sge.u32 s31, s5  }
.Ltmp2:
0x28: {  	_ = 	snop;
	(pc) =	sbr.rel @p1 .LBB1_5-.Ltmp2, $1  }
0x29: {  	_ =	sdelay $0x3  }
0x2a: {  	s14 =	simm.s32 $0x1  }
0x2b: {  	_ =	swait.ge [sflag:s4], $0x1000;
	s14 =	simm.s32 @!p0 $0x0  }
0x2c: {  	[sflag:s4] =	ssyncset.done $0x0;
	s15 =	sshll.u32 s14, $0xC  }
0x2d: {  	[sflag:s4] =	ssyncadd.s32 $0xFFFFF000;
	s18 =	sor.u32 $0x10, s15  }
0x2e: {  	s14 =	smul.u32 $0x4080, s14;
	v1 =	vld [tilespmem:s18+$0x0]  }
0x2f: {  	s30 =	sand.u32 $0x1, s11;
	v0 =	vld [tilespmem:s18+$0xFFFFFFF0]  }
0x30: {  	s15 =	smul.u32 $0x4080, s30;
	s14 =	sshrl.u32 s14, $0x2  }
0x31: {  	s16 =	sor.u32 $0x2000, s14  }
0x32: {  	s31 =	sshrl.u32 s15, $0x2;
	s15 =	sadd.s32 $0x0, s16  }
0x33: {  	s17 =	simm.s32 $0x4;
	s18 =	sadd.s32 $0x20, s18;
	s14 =	sor.u32 $0x2000, s31;
	[tilespmem:s15+$0x810 ss:$0x81] =	vst.msk $0xffff, v1  }
.LBB1_3:
0x34: {  	v1 =	vld [tilespmem:s18+$0x0];
	p1 =	sne.s32 s17, $0x1FC;
	[tilespmem:s15+$0x0 ss:$0x81] =	vst.msk $0xffff, v0;
	s15 =	smov.u32 s17;
	s17 =	sadd.s32 $0x4, s17  }
.Ltmp3:
0x35: {  	v0 =	vld [tilespmem:s18+$0xFFFFFFF0];
	(pc) =	sbr.rel @p1 .LBB1_3-.Ltmp3, $4  }
0x36: {  	_ = 	snop  }
0x37: {  	s15 =	sshra.s32 s15, $0x2  }
0x38: {  	s15 =	sadd.s32 s15, s16  }
0x39: {  	s18 =	sadd.s32 $0x20, s18;
	[tilespmem:s15+$0x810 ss:$0x81] =	vst.msk $0xffff, v1  }
.Ltmp4:
0x3a: {  	_ = 	snop;
	(pc) =	sbr.rel .LBB1_4-.Ltmp4, $1  }
0x3b: {  	_ =	sdelay $0x3  }
.LBB1_6:
0x3c: {  	_ =	sfence.sel $0x180000  }
0x3d: {  	s2 =	simm.s32 $0x1;
	[bflag:$0x0] =	sbarrier.arrive $0xFFFF  }
0x3e: {  	s31 =	simm.s32 $0x2;
	[sflag:s2] =	ssyncpa.u1 $0x1  }
0x3f: {  	[sflag:s31] =	ssyncpa.u1 $0x1  }
0x40: {  	p0 =	sne.s32 s0, $0x0;
	_ =	strace $0x9000004A  }
0x41: {  	s0 =	sadd.s32 @!p0 $0x100000, s1;
	[bflag:$0x2] =	sbarrier.arrive $0xFFFF  }
0x42: {  	[sflag:s0] =	ssyncadd.tile.s32 @!p0 $0x1;
	_ =	shalt  }
.Lfunc_end1:
_tile_overlayer_lowered:
.L_overlay_start_2:
0x43: {  	(tag) =	ssettag $0x2  }
0x44: {  	s0 =	rddreg [dreg:$0x0];
	s2 =	stileid.u32  }
0x45: {  	s1 =	rddreg [dreg:$0x1];
	p0 =	sne.s32 s2, $0x0  }
0x46: {  	s3 =	rddreg [dreg:$0x2];
	[bflag:$0x3] =	sbarrier.arrive $0xFFFF;
	s2 =	simm.s32 @!p0 $0x1C01  }
0x47: {  	[timem:s3], [sflag:s2] =	dma.local @!p0 [hbm:s0], s1  }
0x48: {  	s0 =	simm.s32 @!p0 $0x1  }
0x49: {  	_ =	swait.ge @!p0 [sflag:s0], s1  }
0x4a: {  	s1 =	ssub.s32 @!p0 $0x0, s1;
	[sflag:s0] =	ssyncset.done @!p0 $0x0  }
0x4b: {  	[sflag:s0] =	ssyncadd.s32 @!p0 s1  }
0x4c: {  	[bflag:$0x3] =	sbarrier.arrive $0xFFFF  }
0x4d: {  	_ =	shalt  }

</sc_bundles>
